<compile_context>
chip_gen: v7x
topology: tpu7x:2x2x1
jax: 0.10.2.dev20260603
libtpu: 0.0.44.dev20260713+nightly
codegen_flags: <defaults>
</compile_context>

<pallas_src>
import functools

import jax
import jax.numpy as jnp
from jax import lax
from jax.experimental import pallas as pl
from jax.experimental.pallas import tpu as pltpu
from jax.experimental.pallas import tpu_sc as plsc

_RADIUS2 = 0.25 * 0.25
_EPS = 3e-4
_BIG = 1e30
_K = 10
_N = 10000
_NPAD = 10240
_Q = 4096
_QT = 256
_NCHUNK = 640
_CL = 16

_NC = 2
_NS = 16
_NW = _NC * _NS
_QH = _Q // 2
_QPW = _QH // _NW
_QB = 16
_NB = _QPW // _QB


def _hi_lo(x):
    xu = lax.bitcast_convert_type(x, jnp.uint32) & jnp.uint32(0xFFFF0000)
    hi_f = lax.bitcast_convert_type(xu, jnp.float32)
    return hi_f.astype(jnp.bfloat16), (x - hi_f).astype(jnp.bfloat16)


def _tc_stage_body(q_ref, p_ref, b_ref, bm_ref, t_ref):
    qv = q_ref[...]
    pv = p_ref[...]
    bv = b_ref[...]
    q_hi, q_lo = _hi_lo(qv)
    av = jnp.concatenate([q_hi, q_hi, q_lo, jnp.zeros_like(q_hi)], axis=1)
    qp = jnp.dot(av, bv, preferred_element_type=jnp.float32)
    qq = jnp.sum(qv * qv, axis=1, keepdims=True)
    pph = 0.5 * jnp.sum(pv * pv, axis=0, keepdims=True)
    s = pph - qp
    sm = s[:, :_NCHUNK]
    for i in range(1, _CL):
        sm = jnp.minimum(sm, s[:, i * _NCHUNK:(i + 1) * _NCHUNK])
    bm = qq + 2.0 * sm
    b = jnp.minimum(bm[:, :_NCHUNK // 2], bm[:, _NCHUNK // 2:])
    v = None
    for _ in range(_K):
        v = jnp.min(b, axis=1, keepdims=True)
        b = jnp.where(b == v, _BIG, b)
    t_cand = jnp.minimum(v + _EPS, _RADIUS2)
    t_chunk = t_cand + _EPS
    t_ref[...] = jnp.concatenate(
        [t_chunk, t_cand] + [jnp.zeros((_QT, 1), jnp.float32)] * 14, axis=1)
    bm_ref[...] = bm


def _tc_stage(q, p, pb):
    nq = q.shape[0]
    return pl.pallas_call(
        _tc_stage_body,
        grid=(nq // _QT,),
        in_specs=[
            pl.BlockSpec((_QT, 8), lambda i: (i, 0)),
            pl.BlockSpec((8, _NPAD), lambda i: (0, 0)),
            pl.BlockSpec((32, _NPAD), lambda i: (0, 0)),
        ],
        out_specs=[
            pl.BlockSpec((_QT, _NCHUNK), lambda i: (i, 0)),
            pl.BlockSpec((_QT, 16), lambda i: (i, 0)),
        ],
        out_shape=[
            jax.ShapeDtypeStruct((nq, _NCHUNK), jnp.float32),
            jax.ShapeDtypeStruct((nq, 16), jnp.float32),
        ],
    )(q, p, pb)


def _lane():
    return lax.broadcasted_iota(jnp.int32, (_CL,), 0)


def _splat_f32(x):
    return jnp.full((_CL,), x, jnp.float32)


def _splat_i32(x):
    return jnp.full((_CL,), x, jnp.int32)


def _tie_fix(k, v, perm, is_low, kscr, vscr):
    kscr[...] = k
    vscr[...] = v
    pk = plsc.load_gather(kscr, [perm])
    pv = plsc.load_gather(vscr, [perm])
    lexlt = (k < pk) | ((k == pk) & (v < pv))
    sel = lexlt == is_low
    return jnp.where(sel, k, pk), jnp.where(sel, v, pv)


def _sorted16(k, v, kscr, vscr):
    lane = _lane()
    pair_even = lane ^ 1
    pair_odd = jnp.clip(((lane - 1) ^ 1) + 1, 0, _CL - 1)
    even_low = (lane & 1) == 0
    odd_low = (lane & 1) == 1
    sk, sv = plsc.sort_key_val(k, v)
    sk, sv = _tie_fix(sk, sv, pair_even, even_low, kscr, vscr)
    sk, sv = _tie_fix(sk, sv, pair_odd, odd_low, kscr, vscr)
    return sk, sv


@functools.cache
def _sc_select(half):
    @functools.partial(
        pl.kernel,
        mesh=plsc.VectorSubcoreMesh(core_axis_name="c", subcore_axis_name="s"),
        compiler_params=pltpu.CompilerParams(
            needs_layout_passes=False, use_tc_tiling_on_sc=False
        ),
        out_type=[
            jax.ShapeDtypeStruct((_QH * 16,), jnp.int32),
            jax.ShapeDtypeStruct((_QH * 16,), jnp.float32),
            jax.ShapeDtypeStruct((_QH * 16,), jnp.float32),
            jax.ShapeDtypeStruct((_QH * 16,), jnp.float32),
        ],
        scratch_types=[
            pltpu.VMEM((_NPAD,), jnp.float32),
            pltpu.VMEM((_NPAD,), jnp.float32),
            pltpu.VMEM((_NPAD,), jnp.float32),
            pltpu.VMEM((_QPW + _CL,), jnp.float32),
            pltpu.VMEM((_QPW + _CL,), jnp.float32),
            pltpu.VMEM((_QPW + _CL,), jnp.float32),
            pltpu.VMEM((_QPW, 16), jnp.float32),
            pltpu.VMEM((_QB, _NCHUNK), jnp.float32),
            pltpu.VMEM((_NCHUNK + _CL,), jnp.int32),
            pltpu.VMEM((_NPAD + _CL,), jnp.float32),
            pltpu.VMEM((_NPAD + _CL,), jnp.int32),
            pltpu.VMEM((_CL,), jnp.float32),
            pltpu.VMEM((_CL,), jnp.int32),
            pltpu.VMEM((_QPW * 16,), jnp.int32),
            pltpu.VMEM((_QPW * 16,), jnp.float32),
            pltpu.VMEM((_QPW * 16,), jnp.float32),
            pltpu.VMEM((_QPW * 16,), jnp.float32),
        ],
    )
    def select(tab_hbm, q_hbm, t_hbm, bm_hbm, map_hbm, ox_hbm, oy_hbm, oz_hbm,
               tx, ty, tz, qx, qy, qz, tv, bmb, clist, cvals, cidx,
               kscr, vscr, mo, xo, yo, zo):
        wid = lax.axis_index("s") * _NC + lax.axis_index("c")
        qbase = wid * _QPW
        gbase = half * _QH + qbase
        lane = _lane()
        stride = lane * _NCHUNK
        pltpu.sync_copy(tab_hbm.at[pl.ds(0, _NPAD)], tx)
        pltpu.sync_copy(tab_hbm.at[pl.ds(_NPAD, _NPAD)], ty)
        pltpu.sync_copy(tab_hbm.at[pl.ds(2 * _NPAD, _NPAD)], tz)
        pltpu.sync_copy(q_hbm.at[pl.ds(gbase, _QPW)], qx.at[pl.ds(0, _QPW)])
        pltpu.sync_copy(q_hbm.at[pl.ds(_Q + gbase, _QPW)],
                        qy.at[pl.ds(0, _QPW)])
        pltpu.sync_copy(q_hbm.at[pl.ds(2 * _Q + gbase, _QPW)],
                        qz.at[pl.ds(0, _QPW)])
        pltpu.sync_copy(t_hbm.at[pl.ds(qbase, _QPW)], tv)

        def per_batch(b, _):
            pltpu.sync_copy(
                bm_hbm.at[pl.ds(qbase + b * _QB, _QB)], bmb)

            def per_query(t, _):
                ql = b * _QB + t
                tvec = tv[ql, pl.ds(0, _CL)]
                t_chunk = _splat_f32(tvec[0])
                t_cand = _splat_f32(tvec[1])

                ms = []
                for j in range(_NCHUNK // _CL):
                    bmv = bmb[t, pl.ds(j * _CL, _CL)]
                    ms.append(bmv <= t_chunk)
                pcs = [plsc.all_reduce_population_count(m) for m in ms]
                off = _splat_i32(0)
                for j in range(_NCHUNK // _CL):
                    plsc.store_compressed(
                        clist.at[pl.ds(off[0], _CL)],
                        lane + j * _CL, mask=ms[j])
                    off = off + pcs[j]
                nchunks = off[0]

                qxs = _splat_f32(qx[pl.ds(ql, _CL)][0])
                qys = _splat_f32(qy[pl.ds(ql, _CL)][0])
                qzs = _splat_f32(qz[pl.ds(ql, _CL)][0])

                def per_chunk(i, off):
                    cpair = clist[pl.ds(2 * i, _CL)]
                    c0 = jnp.clip(cpair[0], 0, _NCHUNK - 1)
                    c1 = jnp.clip(cpair[1], 0, _NCHUNK - 1)
                    iv0 = stride + c0
                    iv1 = stride + c1
                    gx0 = plsc.load_gather(tx, [iv0])
                    gx1 = plsc.load_gather(tx, [iv1])
                    gy0 = plsc.load_gather(ty, [iv0])
                    gy1 = plsc.load_gather(ty, [iv1])
                    gz0 = plsc.load_gather(tz, [iv0])
                    gz1 = plsc.load_gather(tz, [iv1])
                    dx0 = qxs - gx0
                    dy0 = qys - gy0
                    dz0 = qzs - gz0
                    dx1 = qxs - gx1
                    dy1 = qys - gy1
                    dz1 = qzs - gz1
                    d20 = dx0 * dx0 + dy0 * dy0 + dz0 * dz0
                    d21 = dx1 * dx1 + dy1 * dy1 + dz1 * dz1
                    m0 = d20 <= t_cand
                    m1 = (d21 <= t_cand) & (2 * i + 1 < _splat_i32(nchunks))
                    p0 = plsc.all_reduce_population_count(m0)
                    p1 = plsc.all_reduce_population_count(m1)
                    b0 = off[0]
                    plsc.store_compressed(cvals.at[pl.ds(b0, _CL)], d20,
                                          mask=m0)
                    plsc.store_compressed(cidx.at[pl.ds(b0, _CL)], iv0,
                                          mask=m0)
                    off = off + p0
                    b1 = off[0]
                    plsc.store_compressed(cvals.at[pl.ds(b1, _CL)], d21,
                                          mask=m1)
                    plsc.store_compressed(cidx.at[pl.ds(b1, _CL)], iv1,
                                          mask=m1)
                    return off + p1

                coff = lax.fori_loop(0, (nchunks + 1) // 2, per_chunk,
                                     _splat_i32(0))
                ncand = coff[0]

                def per_block(c2, run):
                    rk, rv = run
                    base = c2 * _CL
                    kv = cvals[pl.ds(base, _CL)]
                    vv = cidx[pl.ds(base, _CL)]
                    lane_ok = (lane + base) < _splat_i32(ncand)
                    kv = jnp.where(lane_ok, kv, _BIG)
                    sk, sv = _sorted16(kv, vv, kscr, vscr)

                    def merged(_):
                        mk = lax.rev(sk, (0,))
                        mv = lax.rev(sv, (0,))
                        lexlt = (mk < rk) | ((mk == rk) & (mv < rv))
                        nk = jnp.where(lexlt, mk, rk)
                        nv = jnp.where(lexlt, mv, rv)
                        return _sorted16(nk, nv, kscr, vscr)

                    return lax.cond(c2 == 0, lambda _: (sk, sv), merged, 0)

                nblocks = (ncand + _CL - 1) // _CL
                run_k, run_v = lax.fori_loop(
                    0, nblocks, per_block,
                    (_splat_f32(_BIG), _splat_i32(0)))

                valid = (run_k <= t_cand) & (lane < 10)
                midx = jnp.where(valid, run_v, 0)
                gx = plsc.load_gather(tx, [midx])
                gy = plsc.load_gather(ty, [midx])
                gz = plsc.load_gather(tz, [midx])
                zf = _splat_f32(0.0)
                osl = pl.ds(ql * 16, _CL)
                mo[osl] = midx
                xo[osl] = jnp.where(valid, gx, zf)
                yo[osl] = jnp.where(valid, gy, zf)
                zo[osl] = jnp.where(valid, gz, zf)
                return 0

            return lax.fori_loop(0, _QB, per_query, 0)

        lax.fori_loop(0, _NB, per_batch, 0)
        osl = pl.ds(qbase * 16, _QPW * 16)
        pltpu.sync_copy(mo, map_hbm.at[osl])
        pltpu.sync_copy(xo, ox_hbm.at[osl])
        pltpu.sync_copy(yo, oy_hbm.at[osl])
        pltpu.sync_copy(zo, oz_hbm.at[osl])

    return select


def kernel(x, p_grid):
    x0 = x[0]
    q = jnp.reshape(p_grid, (_Q, 3))
    qpad = jnp.concatenate([q, jnp.zeros((_Q, 5), jnp.float32)], axis=1)
    coords = jnp.pad(x0.T, ((0, 0), (0, _NPAD - _N)), constant_values=10.0)
    p8 = jnp.pad(coords, ((0, 5), (0, 0)))
    p_hi, p_lo = _hi_lo(p8)
    pb = jnp.concatenate([p_hi, p_lo, p_hi, jnp.zeros_like(p_hi)], axis=0)
    tab = p8[:3, :].reshape(-1)
    qflat = q.T.reshape(-1)
    halves = []
    tc = [_tc_stage(qpad[h * _QH:(h + 1) * _QH], p8, pb) for h in range(2)]
    for h in range(2):
        bm, t16 = tc[h]
        halves.append(_sc_select(h)(tab, qflat, t16, bm))
    mp, ox, oy, oz = (jnp.concatenate(parts) for parts in zip(*halves))
    mapping = jnp.reshape(mp, (_Q, 16))[:, :_K][None].astype(jnp.int32)
    coords = jnp.stack(
        [jnp.reshape(o, (_Q, 16))[:, :_K] for o in (ox, oy, oz)], axis=-1)
    return (mapping, coords[None])

# --- scband reference (transcript-rebuilt; emitter-appended) ---
"""Pipeline reference for scband-geometry-rep-11450382811529 (READ-ONLY COPY).

The authoritative reference and input builder live on the scoring server;
editing this copy changes nothing except your own understanding.
"""

import jax, jax.numpy as jnp
import numpy as np

RADIUS = 0.25
K = 10
GRID = (32, 16, 8)


def setup_inputs(seed: int = 0) -> dict:
    key = jax.random.key(seed)
    k1, k2 = jax.random.split(key)
    x = jax.random.uniform(k1, (1, 10000, 3), dtype=jnp.float32)
    p_grid = jax.random.uniform(k2, (1, GRID[0], GRID[1], GRID[2], 3), dtype=jnp.float32)
    return {"x": x, "p_grid": p_grid}


def _radius_search(points, queries, radius, k):
    # For each query, return up to k indices of `points` within `radius`,
    # nearest-first, padded with index 0 / zero coords (warp ball-query semantics).
    d2 = jnp.sum((queries[:, None, :] - points[None, :, :]) ** 2, axis=-1)  # (Q, N)
    within = d2 <= radius * radius
    neg = jnp.where(within, -d2, -jnp.inf)
    vals, idx = jax.lax.top_k(neg, k)  # (Q, k)
    valid = jnp.isfinite(vals)
    mapping = jnp.where(valid, idx, 0)
    pts = jnp.take(points, idx, axis=0)  # (Q, k, 3)
    outputs = jnp.where(valid[..., None], pts, 0.0)
    return mapping, outputs


def reference(x, p_grid):
    # BQWarp.forward with reverse_mapping=True:
    #   mapping, outputs = radius_search(x[0], p_grid[0], radius, k, return_points=True)
    nx, ny, nz = GRID
    batch_size = x.shape[0]
    pg = jnp.reshape(p_grid, (batch_size, nx * ny * nz, 3))
    mapping, outputs = _radius_search(x[0], pg[0], RADIUS, K)
    mapping = mapping[None]   # (1, Q, k) int32 indices into x
    outputs = outputs[None]   # (1, Q, k, 3) neighbor coordinates
    return (mapping, outputs)

if __name__ == "__main__":
    import jax
    _d = setup_inputs()
    print(jax.jit(kernel)(*tuple(_d.values())))

</pallas_src>

<mosaic_0001>
#map = affine_map<(d0, d1) -> (0)>
#map1 = affine_map<(d0, d1) -> (0, 0)>
module attributes {stable_mosaic.version = 14 : i64} {
  func.func @select(%arg0: i32, %arg1: i32, %arg2: memref<30720xf32, #tpu.memory_space<hbm>>, %arg3: memref<12288xf32, #tpu.memory_space<hbm>>, %arg4: memref<2048x16xf32, #tpu.memory_space<hbm>>, %arg5: memref<2048x640xf32, #tpu.memory_space<hbm>>, %arg6: memref<32768xi32, #tpu.memory_space<hbm>>, %arg7: memref<32768xf32, #tpu.memory_space<hbm>>, %arg8: memref<32768xf32, #tpu.memory_space<hbm>>, %arg9: memref<32768xf32, #tpu.memory_space<hbm>>, %arg10: memref<10240xf32, #tpu.memory_space<vmem>>, %arg11: memref<10240xf32, #tpu.memory_space<vmem>>, %arg12: memref<10240xf32, #tpu.memory_space<vmem>>, %arg13: memref<80xf32, #tpu.memory_space<vmem>>, %arg14: memref<80xf32, #tpu.memory_space<vmem>>, %arg15: memref<80xf32, #tpu.memory_space<vmem>>, %arg16: memref<64x16xf32, #tpu.memory_space<vmem>>, %arg17: memref<16x640xf32, #tpu.memory_space<vmem>>, %arg18: memref<656xi32, #tpu.memory_space<vmem>>, %arg19: memref<10256xf32, #tpu.memory_space<vmem>>, %arg20: memref<10256xi32, #tpu.memory_space<vmem>>, %arg21: memref<16xf32, #tpu.memory_space<vmem>>, %arg22: memref<16xi32, #tpu.memory_space<vmem>>, %arg23: memref<1024xi32, #tpu.memory_space<vmem>>, %arg24: memref<1024xf32, #tpu.memory_space<vmem>>, %arg25: memref<1024xf32, #tpu.memory_space<vmem>>, %arg26: memref<1024xf32, #tpu.memory_space<vmem>>) attributes {dimension_semantics = [#tpu.dimension_semantics<core_parallel>, #tpu.dimension_semantics<subcore_parallel>], iteration_bounds = array<i64: 2, 16>, scalar_prefetch = 0 : i64, scratch_operands = 17 : i64, tpu.core_type = #tpu.core_type<sc_vector_subcore>, window_params = [{transform_indices = #map}, {transform_indices = #map}, {transform_indices = #map1}, {transform_indices = #map1}, {transform_indices = #map}, {transform_indices = #map}, {transform_indices = #map}, {transform_indices = #map}]} {
    %mul3A = arith.constant 2 : i32
    %mul3A_0 = arith.muli %arg1, %mul3A : i32
    %add3A = arith.addi %mul3A_0, %arg0 : i32
    %mul3A_1 = arith.constant 64 : i32
    %mul3A_2 = arith.muli %add3A, %mul3A_1 : i32
    %add3A_3 = arith.constant 0 : i32
    %add3A_4 = arith.addi %add3A_3, %mul3A_2 : i32
    %iota3A = tpu.iota {dimensions = array<i32: 0>} : vector<16xi32>
    %mul3A_5 = arith.constant 640 : i32
    %mul3A_6 = vector.broadcast %mul3A_5 : i32 to vector<16xi32>
    %mul3A_7 = arith.muli %iota3A, %mul3A_6 : vector<16xi32>
    "tpu.region"() ({
      %run_scoped3A = tpu.sem_alloc : memref<!tpu.dma_semaphore, #tpu.memory_space<semaphore_mem>>
      %dma_start3A = arith.constant 0 : i32
      %dma_start3A_20 = tpu.memref_slice %arg2[%dma_start3A] : memref<30720xf32, #tpu.memory_space<hbm>> -> memref<10240xf32, #tpu.memory_space<hbm>>
      %dma_start3A_21 = arith.constant 0 : i32
      %dma_start3A_22 = tpu.memref_slice %arg2[%dma_start3A_21] : memref<30720xf32, #tpu.memory_space<hbm>> -> memref<10240xf32, #tpu.memory_space<hbm>>
      tpu.enqueue_dma source(%dma_start3A_22 : memref<10240xf32, #tpu.memory_space<hbm>>) target(%arg10 : memref<10240xf32, #tpu.memory_space<vmem>>) target_semaphore(%run_scoped3A : memref<!tpu.dma_semaphore, #tpu.memory_space<semaphore_mem>>)
      %dma_wait3A = arith.constant 0 : i32
      %dma_wait3A_23 = tpu.memref_slice %arg2[%dma_wait3A] : memref<30720xf32, #tpu.memory_space<hbm>> -> memref<10240xf32, #tpu.memory_space<hbm>>
      %dma_wait3A_24 = arith.constant 0 : i32
      %dma_wait3A_25 = tpu.memref_slice %arg2[%dma_wait3A_24] : memref<30720xf32, #tpu.memory_space<hbm>> -> memref<10240xf32, #tpu.memory_space<hbm>>
      tpu.wait_dma2 semaphore(%run_scoped3A : memref<!tpu.dma_semaphore, #tpu.memory_space<semaphore_mem>>) src(%dma_wait3A_25 : memref<10240xf32, #tpu.memory_space<hbm>>) dst(%arg10 : memref<10240xf32, #tpu.memory_space<vmem>>)
      tpu.yield
    }) : () -> ()
    "tpu.region"() ({
      %run_scoped3A = tpu.sem_alloc : memref<!tpu.dma_semaphore, #tpu.memory_space<semaphore_mem>>
      %dma_start3A = arith.constant 10240 : i32
      %dma_start3A_20 = tpu.memref_slice %arg2[%dma_start3A] : memref<30720xf32, #tpu.memory_space<hbm>> -> memref<10240xf32, #tpu.memory_space<hbm>>
      %dma_start3A_21 = arith.constant 10240 : i32
      %dma_start3A_22 = tpu.memref_slice %arg2[%dma_start3A_21] : memref<30720xf32, #tpu.memory_space<hbm>> -> memref<10240xf32, #tpu.memory_space<hbm>>
      tpu.enqueue_dma source(%dma_start3A_22 : memref<10240xf32, #tpu.memory_space<hbm>>) target(%arg11 : memref<10240xf32, #tpu.memory_space<vmem>>) target_semaphore(%run_scoped3A : memref<!tpu.dma_semaphore, #tpu.memory_space<semaphore_mem>>)
      %dma_wait3A = arith.constant 10240 : i32
      %dma_wait3A_23 = tpu.memref_slice %arg2[%dma_wait3A] : memref<30720xf32, #tpu.memory_space<hbm>> -> memref<10240xf32, #tpu.memory_space<hbm>>
      %dma_wait3A_24 = arith.constant 10240 : i32
      %dma_wait3A_25 = tpu.memref_slice %arg2[%dma_wait3A_24] : memref<30720xf32, #tpu.memory_space<hbm>> -> memref<10240xf32, #tpu.memory_space<hbm>>
      tpu.wait_dma2 semaphore(%run_scoped3A : memref<!tpu.dma_semaphore, #tpu.memory_space<semaphore_mem>>) src(%dma_wait3A_25 : memref<10240xf32, #tpu.memory_space<hbm>>) dst(%arg11 : memref<10240xf32, #tpu.memory_space<vmem>>)
      tpu.yield
    }) : () -> ()
    "tpu.region"() ({
      %run_scoped3A = tpu.sem_alloc : memref<!tpu.dma_semaphore, #tpu.memory_space<semaphore_mem>>
      %dma_start3A = arith.constant 20480 : i32
      %dma_start3A_20 = tpu.memref_slice %arg2[%dma_start3A] : memref<30720xf32, #tpu.memory_space<hbm>> -> memref<10240xf32, #tpu.memory_space<hbm>>
      %dma_start3A_21 = arith.constant 20480 : i32
      %dma_start3A_22 = tpu.memref_slice %arg2[%dma_start3A_21] : memref<30720xf32, #tpu.memory_space<hbm>> -> memref<10240xf32, #tpu.memory_space<hbm>>
      tpu.enqueue_dma source(%dma_start3A_22 : memref<10240xf32, #tpu.memory_space<hbm>>) target(%arg12 : memref<10240xf32, #tpu.memory_space<vmem>>) target_semaphore(%run_scoped3A : memref<!tpu.dma_semaphore, #tpu.memory_space<semaphore_mem>>)
      %dma_wait3A = arith.constant 20480 : i32
      %dma_wait3A_23 = tpu.memref_slice %arg2[%dma_wait3A] : memref<30720xf32, #tpu.memory_space<hbm>> -> memref<10240xf32, #tpu.memory_space<hbm>>
      %dma_wait3A_24 = arith.constant 20480 : i32
      %dma_wait3A_25 = tpu.memref_slice %arg2[%dma_wait3A_24] : memref<30720xf32, #tpu.memory_space<hbm>> -> memref<10240xf32, #tpu.memory_space<hbm>>
      tpu.wait_dma2 semaphore(%run_scoped3A : memref<!tpu.dma_semaphore, #tpu.memory_space<semaphore_mem>>) src(%dma_wait3A_25 : memref<10240xf32, #tpu.memory_space<hbm>>) dst(%arg12 : memref<10240xf32, #tpu.memory_space<vmem>>)
      tpu.yield
    }) : () -> ()
    "tpu.region"() ({
      %run_scoped3A = tpu.sem_alloc : memref<!tpu.dma_semaphore, #tpu.memory_space<semaphore_mem>>
      %dma_start3A = arith.constant 0 : i32
      %dma_start3A_20 = tpu.memref_slice %arg13[%dma_start3A] : memref<80xf32, #tpu.memory_space<vmem>> -> memref<64xf32, #tpu.memory_space<vmem>>
      %dma_start3A_21 = tpu.memref_slice %arg3[%add3A_4] : memref<12288xf32, #tpu.memory_space<hbm>> -> memref<64xf32, #tpu.memory_space<hbm>>
      %dma_start3A_22 = arith.constant 0 : i32
      %dma_start3A_23 = tpu.memref_slice %arg13[%dma_start3A_22] : memref<80xf32, #tpu.memory_space<vmem>> -> memref<64xf32, #tpu.memory_space<vmem>>
      %dma_start3A_24 = tpu.memref_slice %arg3[%add3A_4] : memref<12288xf32, #tpu.memory_space<hbm>> -> memref<64xf32, #tpu.memory_space<hbm>>
      tpu.enqueue_dma source(%dma_start3A_24 : memref<64xf32, #tpu.memory_space<hbm>>) target(%dma_start3A_23 : memref<64xf32, #tpu.memory_space<vmem>>) target_semaphore(%run_scoped3A : memref<!tpu.dma_semaphore, #tpu.memory_space<semaphore_mem>>)
      %dma_wait3A = arith.constant 0 : i32
      %dma_wait3A_25 = tpu.memref_slice %arg13[%dma_wait3A] : memref<80xf32, #tpu.memory_space<vmem>> -> memref<64xf32, #tpu.memory_space<vmem>>
      %dma_wait3A_26 = tpu.memref_slice %arg3[%add3A_4] : memref<12288xf32, #tpu.memory_space<hbm>> -> memref<64xf32, #tpu.memory_space<hbm>>
      %dma_wait3A_27 = arith.constant 0 : i32
      %dma_wait3A_28 = tpu.memref_slice %arg13[%dma_wait3A_27] : memref<80xf32, #tpu.memory_space<vmem>> -> memref<64xf32, #tpu.memory_space<vmem>>
      %dma_wait3A_29 = tpu.memref_slice %arg3[%add3A_4] : memref<12288xf32, #tpu.memory_space<hbm>> -> memref<64xf32, #tpu.memory_space<hbm>>
      tpu.wait_dma2 semaphore(%run_scoped3A : memref<!tpu.dma_semaphore, #tpu.memory_space<semaphore_mem>>) src(%dma_wait3A_29 : memref<64xf32, #tpu.memory_space<hbm>>) dst(%dma_wait3A_28 : memref<64xf32, #tpu.memory_space<vmem>>)
      tpu.yield
    }) : () -> ()
    %add3A_8 = arith.constant 4096 : i32
    %add3A_9 = arith.addi %add3A_8, %add3A_4 : i32
    "tpu.region"() ({
      %run_scoped3A = tpu.sem_alloc : memref<!tpu.dma_semaphore, #tpu.memory_space<semaphore_mem>>
      %dma_start3A = arith.constant 0 : i32
      %dma_start3A_20 = tpu.memref_slice %arg14[%dma_start3A] : memref<80xf32, #tpu.memory_space<vmem>> -> memref<64xf32, #tpu.memory_space<vmem>>
      %dma_start3A_21 = tpu.memref_slice %arg3[%add3A_9] : memref<12288xf32, #tpu.memory_space<hbm>> -> memref<64xf32, #tpu.memory_space<hbm>>
      %dma_start3A_22 = arith.constant 0 : i32
      %dma_start3A_23 = tpu.memref_slice %arg14[%dma_start3A_22] : memref<80xf32, #tpu.memory_space<vmem>> -> memref<64xf32, #tpu.memory_space<vmem>>
      %dma_start3A_24 = tpu.memref_slice %arg3[%add3A_9] : memref<12288xf32, #tpu.memory_space<hbm>> -> memref<64xf32, #tpu.memory_space<hbm>>
      tpu.enqueue_dma source(%dma_start3A_24 : memref<64xf32, #tpu.memory_space<hbm>>) target(%dma_start3A_23 : memref<64xf32, #tpu.memory_space<vmem>>) target_semaphore(%run_scoped3A : memref<!tpu.dma_semaphore, #tpu.memory_space<semaphore_mem>>)
      %dma_wait3A = arith.constant 0 : i32
      %dma_wait3A_25 = tpu.memref_slice %arg14[%dma_wait3A] : memref<80xf32, #tpu.memory_space<vmem>> -> memref<64xf32, #tpu.memory_space<vmem>>
      %dma_wait3A_26 = tpu.memref_slice %arg3[%add3A_9] : memref<12288xf32, #tpu.memory_space<hbm>> -> memref<64xf32, #tpu.memory_space<hbm>>
      %dma_wait3A_27 = arith.constant 0 : i32
      %dma_wait3A_28 = tpu.memref_slice %arg14[%dma_wait3A_27] : memref<80xf32, #tpu.memory_space<vmem>> -> memref<64xf32, #tpu.memory_space<vmem>>
      %dma_wait3A_29 = tpu.memref_slice %arg3[%add3A_9] : memref<12288xf32, #tpu.memory_space<hbm>> -> memref<64xf32, #tpu.memory_space<hbm>>
      tpu.wait_dma2 semaphore(%run_scoped3A : memref<!tpu.dma_semaphore, #tpu.memory_space<semaphore_mem>>) src(%dma_wait3A_29 : memref<64xf32, #tpu.memory_space<hbm>>) dst(%dma_wait3A_28 : memref<64xf32, #tpu.memory_space<vmem>>)
      tpu.yield
    }) : () -> ()
    %add3A_10 = arith.constant 8192 : i32
    %add3A_11 = arith.addi %add3A_10, %add3A_4 : i32
    "tpu.region"() ({
      %run_scoped3A = tpu.sem_alloc : memref<!tpu.dma_semaphore, #tpu.memory_space<semaphore_mem>>
      %dma_start3A = arith.constant 0 : i32
      %dma_start3A_20 = tpu.memref_slice %arg15[%dma_start3A] : memref<80xf32, #tpu.memory_space<vmem>> -> memref<64xf32, #tpu.memory_space<vmem>>
      %dma_start3A_21 = tpu.memref_slice %arg3[%add3A_11] : memref<12288xf32, #tpu.memory_space<hbm>> -> memref<64xf32, #tpu.memory_space<hbm>>
      %dma_start3A_22 = arith.constant 0 : i32
      %dma_start3A_23 = tpu.memref_slice %arg15[%dma_start3A_22] : memref<80xf32, #tpu.memory_space<vmem>> -> memref<64xf32, #tpu.memory_space<vmem>>
      %dma_start3A_24 = tpu.memref_slice %arg3[%add3A_11] : memref<12288xf32, #tpu.memory_space<hbm>> -> memref<64xf32, #tpu.memory_space<hbm>>
      tpu.enqueue_dma source(%dma_start3A_24 : memref<64xf32, #tpu.memory_space<hbm>>) target(%dma_start3A_23 : memref<64xf32, #tpu.memory_space<vmem>>) target_semaphore(%run_scoped3A : memref<!tpu.dma_semaphore, #tpu.memory_space<semaphore_mem>>)
      %dma_wait3A = arith.constant 0 : i32
      %dma_wait3A_25 = tpu.memref_slice %arg15[%dma_wait3A] : memref<80xf32, #tpu.memory_space<vmem>> -> memref<64xf32, #tpu.memory_space<vmem>>
      %dma_wait3A_26 = tpu.memref_slice %arg3[%add3A_11] : memref<12288xf32, #tpu.memory_space<hbm>> -> memref<64xf32, #tpu.memory_space<hbm>>
      %dma_wait3A_27 = arith.constant 0 : i32
      %dma_wait3A_28 = tpu.memref_slice %arg15[%dma_wait3A_27] : memref<80xf32, #tpu.memory_space<vmem>> -> memref<64xf32, #tpu.memory_space<vmem>>
      %dma_wait3A_29 = tpu.memref_slice %arg3[%add3A_11] : memref<12288xf32, #tpu.memory_space<hbm>> -> memref<64xf32, #tpu.memory_space<hbm>>
      tpu.wait_dma2 semaphore(%run_scoped3A : memref<!tpu.dma_semaphore, #tpu.memory_space<semaphore_mem>>) src(%dma_wait3A_29 : memref<64xf32, #tpu.memory_space<hbm>>) dst(%dma_wait3A_28 : memref<64xf32, #tpu.memory_space<vmem>>)
      tpu.yield
    }) : () -> ()
    "tpu.region"() ({
      %run_scoped3A = tpu.sem_alloc : memref<!tpu.dma_semaphore, #tpu.memory_space<semaphore_mem>>
      %dma_start3A = arith.constant 0 : i32
      %dma_start3A_20 = tpu.memref_slice %arg4[%mul3A_2, %dma_start3A] : memref<2048x16xf32, #tpu.memory_space<hbm>> -> memref<64x16xf32, #tpu.memory_space<hbm>>
      %dma_start3A_21 = arith.constant 0 : i32
      %dma_start3A_22 = tpu.memref_slice %arg4[%mul3A_2, %dma_start3A_21] : memref<2048x16xf32, #tpu.memory_space<hbm>> -> memref<64x16xf32, #tpu.memory_space<hbm>>
      tpu.enqueue_dma source(%dma_start3A_22 : memref<64x16xf32, #tpu.memory_space<hbm>>) target(%arg16 : memref<64x16xf32, #tpu.memory_space<vmem>>) target_semaphore(%run_scoped3A : memref<!tpu.dma_semaphore, #tpu.memory_space<semaphore_mem>>)
      %dma_wait3A = arith.constant 0 : i32
      %dma_wait3A_23 = tpu.memref_slice %arg4[%mul3A_2, %dma_wait3A] : memref<2048x16xf32, #tpu.memory_space<hbm>> -> memref<64x16xf32, #tpu.memory_space<hbm>>
      %dma_wait3A_24 = arith.constant 0 : i32
      %dma_wait3A_25 = tpu.memref_slice %arg4[%mul3A_2, %dma_wait3A_24] : memref<2048x16xf32, #tpu.memory_space<hbm>> -> memref<64x16xf32, #tpu.memory_space<hbm>>
      tpu.wait_dma2 semaphore(%run_scoped3A : memref<!tpu.dma_semaphore, #tpu.memory_space<semaphore_mem>>) src(%dma_wait3A_25 : memref<64x16xf32, #tpu.memory_space<hbm>>) dst(%arg16 : memref<64x16xf32, #tpu.memory_space<vmem>>)
      tpu.yield
    }) : () -> ()
    %scan3A = arith.constant 0 : i32
    %scan3A_12 = arith.constant 0 : i32
    %scan3A_13 = arith.constant 4 : i32
    %scan3A_14 = arith.addi %scan3A_12, %scan3A_13 : i32
    %scan3A_15 = arith.constant 1 : i32
    %scan3A_16 = scf.for %scan3A_20 = %scan3A_12 to %scan3A_14 step %scan3A_15 iter_args(%scan3A_21 = %scan3A) -> (i32)  : i32 {
      %mul3A_22 = arith.constant 16 : i32
      %mul3A_23 = arith.muli %scan3A_20, %mul3A_22 : i32
      %add3A_24 = arith.addi %mul3A_2, %mul3A_23 : i32
      "tpu.region"() ({
        %run_scoped3A = tpu.sem_alloc : memref<!tpu.dma_semaphore, #tpu.memory_space<semaphore_mem>>
        %dma_start3A = arith.constant 0 : i32
        %dma_start3A_32 = tpu.memref_slice %arg5[%add3A_24, %dma_start3A] : memref<2048x640xf32, #tpu.memory_space<hbm>> -> memref<16x640xf32, #tpu.memory_space<hbm>>
        %dma_start3A_33 = arith.constant 0 : i32
        %dma_start3A_34 = tpu.memref_slice %arg5[%add3A_24, %dma_start3A_33] : memref<2048x640xf32, #tpu.memory_space<hbm>> -> memref<16x640xf32, #tpu.memory_space<hbm>>
        tpu.enqueue_dma source(%dma_start3A_34 : memref<16x640xf32, #tpu.memory_space<hbm>>) target(%arg17 : memref<16x640xf32, #tpu.memory_space<vmem>>) target_semaphore(%run_scoped3A : memref<!tpu.dma_semaphore, #tpu.memory_space<semaphore_mem>>)
        %dma_wait3A = arith.constant 0 : i32
        %dma_wait3A_35 = tpu.memref_slice %arg5[%add3A_24, %dma_wait3A] : memref<2048x640xf32, #tpu.memory_space<hbm>> -> memref<16x640xf32, #tpu.memory_space<hbm>>
        %dma_wait3A_36 = arith.constant 0 : i32
        %dma_wait3A_37 = tpu.memref_slice %arg5[%add3A_24, %dma_wait3A_36] : memref<2048x640xf32, #tpu.memory_space<hbm>> -> memref<16x640xf32, #tpu.memory_space<hbm>>
        tpu.wait_dma2 semaphore(%run_scoped3A : memref<!tpu.dma_semaphore, #tpu.memory_space<semaphore_mem>>) src(%dma_wait3A_37 : memref<16x640xf32, #tpu.memory_space<hbm>>) dst(%arg17 : memref<16x640xf32, #tpu.memory_space<vmem>>)
        tpu.yield
      }) : () -> ()
      %scan3A_25 = arith.constant 0 : i32
      %scan3A_26 = arith.constant 0 : i32
      %scan3A_27 = arith.constant 16 : i32
      %scan3A_28 = arith.addi %scan3A_26, %scan3A_27 : i32
      %scan3A_29 = arith.constant 1 : i32
      %scan3A_30 = scf.for %scan3A_32 = %scan3A_26 to %scan3A_28 step %scan3A_29 iter_args(%scan3A_33 = %scan3A_25) -> (i32)  : i32 {
        %mul3A_34 = arith.constant 16 : i32
        %mul3A_35 = arith.muli %scan3A_20, %mul3A_34 : i32
        %add3A_36 = arith.addi %mul3A_35, %scan3A_32 : i32
        %get3A = arith.index_cast %add3A_36 : i32 to index
        %get3A_37 = arith.constant 0 : index
        %get3A_38 = tpu.vector_load %arg16[%get3A, %get3A_37] {strides = array<i32>} : memref<64x16xf32, #tpu.memory_space<vmem>>, vector<16xf32>,
        %slice3A = vector.extract_strided_slice %get3A_38 {offsets = [0], sizes = [1], strides = [1]} : vector<16xf32> to vector<1xf32>
        %squeeze3A = vector.extract %slice3A[0] : f32 from vector<1xf32>
        %broadcast_in_dim3A = vector.broadcast %squeeze3A : f32 to vector<16xf32>
        %slice3A_39 = vector.extract_strided_slice %get3A_38 {offsets = [1], sizes = [1], strides = [1]} : vector<16xf32> to vector<1xf32>
        %squeeze3A_40 = vector.extract %slice3A_39[0] : f32 from vector<1xf32>
        %broadcast_in_dim3A_41 = vector.broadcast %squeeze3A_40 : f32 to vector<16xf32>
        %get3A_42 = arith.index_cast %scan3A_32 : i32 to index
        %get3A_43 = arith.constant 0 : index
        %get3A_44 = tpu.vector_load %arg17[%get3A_42, %get3A_43] {strides = array<i32>} : memref<16x640xf32, #tpu.memory_space<vmem>>, vector<16xf32>,
        %le3A = arith.cmpf ole, %get3A_44, %broadcast_in_dim3A : vector<16xf32>
        %get3A_45 = arith.index_cast %scan3A_32 : i32 to index
        %get3A_46 = arith.constant 16 : index
        %get3A_47 = tpu.vector_load %arg17[%get3A_45, %get3A_46] {strides = array<i32>} : memref<16x640xf32, #tpu.memory_space<vmem>>, vector<16xf32>,
        %le3A_48 = arith.cmpf ole, %get3A_47, %broadcast_in_dim3A : vector<16xf32>
        %get3A_49 = arith.index_cast %scan3A_32 : i32 to index
        %get3A_50 = arith.constant 32 : index
        %get3A_51 = tpu.vector_load %arg17[%get3A_49, %get3A_50] {strides = array<i32>} : memref<16x640xf32, #tpu.memory_space<vmem>>, vector<16xf32>,
        %le3A_52 = arith.cmpf ole, %get3A_51, %broadcast_in_dim3A : vector<16xf32>
        %get3A_53 = arith.index_cast %scan3A_32 : i32 to index
        %get3A_54 = arith.constant 48 : index
        %get3A_55 = tpu.vector_load %arg17[%get3A_53, %get3A_54] {strides = array<i32>} : memref<16x640xf32, #tpu.memory_space<vmem>>, vector<16xf32>,
        %le3A_56 = arith.cmpf ole, %get3A_55, %broadcast_in_dim3A : vector<16xf32>
        %get3A_57 = arith.index_cast %scan3A_32 : i32 to index
        %get3A_58 = arith.constant 64 : index
        %get3A_59 = tpu.vector_load %arg17[%get3A_57, %get3A_58] {strides = array<i32>} : memref<16x640xf32, #tpu.memory_space<vmem>>, vector<16xf32>,
        %le3A_60 = arith.cmpf ole, %get3A_59, %broadcast_in_dim3A : vector<16xf32>
        %get3A_61 = arith.index_cast %scan3A_32 : i32 to index
        %get3A_62 = arith.constant 80 : index
        %get3A_63 = tpu.vector_load %arg17[%get3A_61, %get3A_62] {strides = array<i32>} : memref<16x640xf32, #tpu.memory_space<vmem>>, vector<16xf32>,
        %le3A_64 = arith.cmpf ole, %get3A_63, %broadcast_in_dim3A : vector<16xf32>
        %get3A_65 = arith.index_cast %scan3A_32 : i32 to index
        %get3A_66 = arith.constant 96 : index
        %get3A_67 = tpu.vector_load %arg17[%get3A_65, %get3A_66] {strides = array<i32>} : memref<16x640xf32, #tpu.memory_space<vmem>>, vector<16xf32>,
        %le3A_68 = arith.cmpf ole, %get3A_67, %broadcast_in_dim3A : vector<16xf32>
        %get3A_69 = arith.index_cast %scan3A_32 : i32 to index
        %get3A_70 = arith.constant 112 : index
        %get3A_71 = tpu.vector_load %arg17[%get3A_69, %get3A_70] {strides = array<i32>} : memref<16x640xf32, #tpu.memory_space<vmem>>, vector<16xf32>,
        %le3A_72 = arith.cmpf ole, %get3A_71, %broadcast_in_dim3A : vector<16xf32>
        %get3A_73 = arith.index_cast %scan3A_32 : i32 to index
        %get3A_74 = arith.constant 128 : index
        %get3A_75 = tpu.vector_load %arg17[%get3A_73, %get3A_74] {strides = array<i32>} : memref<16x640xf32, #tpu.memory_space<vmem>>, vector<16xf32>,
        %le3A_76 = arith.cmpf ole, %get3A_75, %broadcast_in_dim3A : vector<16xf32>
        %get3A_77 = arith.index_cast %scan3A_32 : i32 to index
        %get3A_78 = arith.constant 144 : index
        %get3A_79 = tpu.vector_load %arg17[%get3A_77, %get3A_78] {strides = array<i32>} : memref<16x640xf32, #tpu.memory_space<vmem>>, vector<16xf32>,
        %le3A_80 = arith.cmpf ole, %get3A_79, %broadcast_in_dim3A : vector<16xf32>
        %get3A_81 = arith.index_cast %scan3A_32 : i32 to index
        %get3A_82 = arith.constant 160 : index
        %get3A_83 = tpu.vector_load %arg17[%get3A_81, %get3A_82] {strides = array<i32>} : memref<16x640xf32, #tpu.memory_space<vmem>>, vector<16xf32>,
        %le3A_84 = arith.cmpf ole, %get3A_83, %broadcast_in_dim3A : vector<16xf32>
        %get3A_85 = arith.index_cast %scan3A_32 : i32 to index
        %get3A_86 = arith.constant 176 : index
        %get3A_87 = tpu.vector_load %arg17[%get3A_85, %get3A_86] {strides = array<i32>} : memref<16x640xf32, #tpu.memory_space<vmem>>, vector<16xf32>,
        %le3A_88 = arith.cmpf ole, %get3A_87, %broadcast_in_dim3A : vector<16xf32>
        %get3A_89 = arith.index_cast %scan3A_32 : i32 to index
        %get3A_90 = arith.constant 192 : index
        %get3A_91 = tpu.vector_load %arg17[%get3A_89, %get3A_90] {strides = array<i32>} : memref<16x640xf32, #tpu.memory_space<vmem>>, vector<16xf32>,
        %le3A_92 = arith.cmpf ole, %get3A_91, %broadcast_in_dim3A : vector<16xf32>
        %get3A_93 = arith.index_cast %scan3A_32 : i32 to index
        %get3A_94 = arith.constant 208 : index
        %get3A_95 = tpu.vector_load %arg17[%get3A_93, %get3A_94] {strides = array<i32>} : memref<16x640xf32, #tpu.memory_space<vmem>>, vector<16xf32>,
        %le3A_96 = arith.cmpf ole, %get3A_95, %broadcast_in_dim3A : vector<16xf32>
        %get3A_97 = arith.index_cast %scan3A_32 : i32 to index
        %get3A_98 = arith.constant 224 : index
        %get3A_99 = tpu.vector_load %arg17[%get3A_97, %get3A_98] {strides = array<i32>} : memref<16x640xf32, #tpu.memory_space<vmem>>, vector<16xf32>,
        %le3A_100 = arith.cmpf ole, %get3A_99, %broadcast_in_dim3A : vector<16xf32>
        %get3A_101 = arith.index_cast %scan3A_32 : i32 to index
        %get3A_102 = arith.constant 240 : index
        %get3A_103 = tpu.vector_load %arg17[%get3A_101, %get3A_102] {strides = array<i32>} : memref<16x640xf32, #tpu.memory_space<vmem>>, vector<16xf32>,
        %le3A_104 = arith.cmpf ole, %get3A_103, %broadcast_in_dim3A : vector<16xf32>
        %get3A_105 = arith.index_cast %scan3A_32 : i32 to index
        %get3A_106 = arith.constant 256 : index
        %get3A_107 = tpu.vector_load %arg17[%get3A_105, %get3A_106] {strides = array<i32>} : memref<16x640xf32, #tpu.memory_space<vmem>>, vector<16xf32>,
        %le3A_108 = arith.cmpf ole, %get3A_107, %broadcast_in_dim3A : vector<16xf32>
        %get3A_109 = arith.index_cast %scan3A_32 : i32 to index
        %get3A_110 = arith.constant 272 : index
        %get3A_111 = tpu.vector_load %arg17[%get3A_109, %get3A_110] {strides = array<i32>} : memref<16x640xf32, #tpu.memory_space<vmem>>, vector<16xf32>,
        %le3A_112 = arith.cmpf ole, %get3A_111, %broadcast_in_dim3A : vector<16xf32>
        %get3A_113 = arith.index_cast %scan3A_32 : i32 to index
        %get3A_114 = arith.constant 288 : index
        %get3A_115 = tpu.vector_load %arg17[%get3A_113, %get3A_114] {strides = array<i32>} : memref<16x640xf32, #tpu.memory_space<vmem>>, vector<16xf32>,
        %le3A_116 = arith.cmpf ole, %get3A_115, %broadcast_in_dim3A : vector<16xf32>
        %get3A_117 = arith.index_cast %scan3A_32 : i32 to index
        %get3A_118 = arith.constant 304 : index
        %get3A_119 = tpu.vector_load %arg17[%get3A_117, %get3A_118] {strides = array<i32>} : memref<16x640xf32, #tpu.memory_space<vmem>>, vector<16xf32>,
        %le3A_120 = arith.cmpf ole, %get3A_119, %broadcast_in_dim3A : vector<16xf32>
        %get3A_121 = arith.index_cast %scan3A_32 : i32 to index
        %get3A_122 = arith.constant 320 : index
        %get3A_123 = tpu.vector_load %arg17[%get3A_121, %get3A_122] {strides = array<i32>} : memref<16x640xf32, #tpu.memory_space<vmem>>, vector<16xf32>,
        %le3A_124 = arith.cmpf ole, %get3A_123, %broadcast_in_dim3A : vector<16xf32>
        %get3A_125 = arith.index_cast %scan3A_32 : i32 to index
        %get3A_126 = arith.constant 336 : index
        %get3A_127 = tpu.vector_load %arg17[%get3A_125, %get3A_126] {strides = array<i32>} : memref<16x640xf32, #tpu.memory_space<vmem>>, vector<16xf32>,
        %le3A_128 = arith.cmpf ole, %get3A_127, %broadcast_in_dim3A : vector<16xf32>
        %get3A_129 = arith.index_cast %scan3A_32 : i32 to index
        %get3A_130 = arith.constant 352 : index
        %get3A_131 = tpu.vector_load %arg17[%get3A_129, %get3A_130] {strides = array<i32>} : memref<16x640xf32, #tpu.memory_space<vmem>>, vector<16xf32>,
        %le3A_132 = arith.cmpf ole, %get3A_131, %broadcast_in_dim3A : vector<16xf32>
        %get3A_133 = arith.index_cast %scan3A_32 : i32 to index
        %get3A_134 = arith.constant 368 : index
        %get3A_135 = tpu.vector_load %arg17[%get3A_133, %get3A_134] {strides = array<i32>} : memref<16x640xf32, #tpu.memory_space<vmem>>, vector<16xf32>,
        %le3A_136 = arith.cmpf ole, %get3A_135, %broadcast_in_dim3A : vector<16xf32>
        %get3A_137 = arith.index_cast %scan3A_32 : i32 to index
        %get3A_138 = arith.constant 384 : index
        %get3A_139 = tpu.vector_load %arg17[%get3A_137, %get3A_138] {strides = array<i32>} : memref<16x640xf32, #tpu.memory_space<vmem>>, vector<16xf32>,
        %le3A_140 = arith.cmpf ole, %get3A_139, %broadcast_in_dim3A : vector<16xf32>
        %get3A_141 = arith.index_cast %scan3A_32 : i32 to index
        %get3A_142 = arith.constant 400 : index
        %get3A_143 = tpu.vector_load %arg17[%get3A_141, %get3A_142] {strides = array<i32>} : memref<16x640xf32, #tpu.memory_space<vmem>>, vector<16xf32>,
        %le3A_144 = arith.cmpf ole, %get3A_143, %broadcast_in_dim3A : vector<16xf32>
        %get3A_145 = arith.index_cast %scan3A_32 : i32 to index
        %get3A_146 = arith.constant 416 : index
        %get3A_147 = tpu.vector_load %arg17[%get3A_145, %get3A_146] {strides = array<i32>} : memref<16x640xf32, #tpu.memory_space<vmem>>, vector<16xf32>,
        %le3A_148 = arith.cmpf ole, %get3A_147, %broadcast_in_dim3A : vector<16xf32>
        %get3A_149 = arith.index_cast %scan3A_32 : i32 to index
        %get3A_150 = arith.constant 432 : index
        %get3A_151 = tpu.vector_load %arg17[%get3A_149, %get3A_150] {strides = array<i32>} : memref<16x640xf32, #tpu.memory_space<vmem>>, vector<16xf32>,
        %le3A_152 = arith.cmpf ole, %get3A_151, %broadcast_in_dim3A : vector<16xf32>
        %get3A_153 = arith.index_cast %scan3A_32 : i32 to index
        %get3A_154 = arith.constant 448 : index
        %get3A_155 = tpu.vector_load %arg17[%get3A_153, %get3A_154] {strides = array<i32>} : memref<16x640xf32, #tpu.memory_space<vmem>>, vector<16xf32>,
        %le3A_156 = arith.cmpf ole, %get3A_155, %broadcast_in_dim3A : vector<16xf32>
        %get3A_157 = arith.index_cast %scan3A_32 : i32 to index
        %get3A_158 = arith.constant 464 : index
        %get3A_159 = tpu.vector_load %arg17[%get3A_157, %get3A_158] {strides = array<i32>} : memref<16x640xf32, #tpu.memory_space<vmem>>, vector<16xf32>,
        %le3A_160 = arith.cmpf ole, %get3A_159, %broadcast_in_dim3A : vector<16xf32>
        %get3A_161 = arith.index_cast %scan3A_32 : i32 to index
        %get3A_162 = arith.constant 480 : index
        %get3A_163 = tpu.vector_load %arg17[%get3A_161, %get3A_162] {strides = array<i32>} : memref<16x640xf32, #tpu.memory_space<vmem>>, vector<16xf32>,
        %le3A_164 = arith.cmpf ole, %get3A_163, %broadcast_in_dim3A : vector<16xf32>
        %get3A_165 = arith.index_cast %scan3A_32 : i32 to index
        %get3A_166 = arith.constant 496 : index
        %get3A_167 = tpu.vector_load %arg17[%get3A_165, %get3A_166] {strides = array<i32>} : memref<16x640xf32, #tpu.memory_space<vmem>>, vector<16xf32>,
        %le3A_168 = arith.cmpf ole, %get3A_167, %broadcast_in_dim3A : vector<16xf32>
        %get3A_169 = arith.index_cast %scan3A_32 : i32 to index
        %get3A_170 = arith.constant 512 : index
        %get3A_171 = tpu.vector_load %arg17[%get3A_169, %get3A_170] {strides = array<i32>} : memref<16x640xf32, #tpu.memory_space<vmem>>, vector<16xf32>,
        %le3A_172 = arith.cmpf ole, %get3A_171, %broadcast_in_dim3A : vector<16xf32>
        %get3A_173 = arith.index_cast %scan3A_32 : i32 to index
        %get3A_174 = arith.constant 528 : index
        %get3A_175 = tpu.vector_load %arg17[%get3A_173, %get3A_174] {strides = array<i32>} : memref<16x640xf32, #tpu.memory_space<vmem>>, vector<16xf32>,
        %le3A_176 = arith.cmpf ole, %get3A_175, %broadcast_in_dim3A : vector<16xf32>
        %get3A_177 = arith.index_cast %scan3A_32 : i32 to index
        %get3A_178 = arith.constant 544 : index
        %get3A_179 = tpu.vector_load %arg17[%get3A_177, %get3A_178] {strides = array<i32>} : memref<16x640xf32, #tpu.memory_space<vmem>>, vector<16xf32>,
        %le3A_180 = arith.cmpf ole, %get3A_179, %broadcast_in_dim3A : vector<16xf32>
        %get3A_181 = arith.index_cast %scan3A_32 : i32 to index
        %get3A_182 = arith.constant 560 : index
        %get3A_183 = tpu.vector_load %arg17[%get3A_181, %get3A_182] {strides = array<i32>} : memref<16x640xf32, #tpu.memory_space<vmem>>, vector<16xf32>,
        %le3A_184 = arith.cmpf ole, %get3A_183, %broadcast_in_dim3A : vector<16xf32>
        %get3A_185 = arith.index_cast %scan3A_32 : i32 to index
        %get3A_186 = arith.constant 576 : index
        %get3A_187 = tpu.vector_load %arg17[%get3A_185, %get3A_186] {strides = array<i32>} : memref<16x640xf32, #tpu.memory_space<vmem>>, vector<16xf32>,
        %le3A_188 = arith.cmpf ole, %get3A_187, %broadcast_in_dim3A : vector<16xf32>
        %get3A_189 = arith.index_cast %scan3A_32 : i32 to index
        %get3A_190 = arith.constant 592 : index
        %get3A_191 = tpu.vector_load %arg17[%get3A_189, %get3A_190] {strides = array<i32>} : memref<16x640xf32, #tpu.memory_space<vmem>>, vector<16xf32>,
        %le3A_192 = arith.cmpf ole, %get3A_191, %broadcast_in_dim3A : vector<16xf32>
        %get3A_193 = arith.index_cast %scan3A_32 : i32 to index
        %get3A_194 = arith.constant 608 : index
        %get3A_195 = tpu.vector_load %arg17[%get3A_193, %get3A_194] {strides = array<i32>} : memref<16x640xf32, #tpu.memory_space<vmem>>, vector<16xf32>,
        %le3A_196 = arith.cmpf ole, %get3A_195, %broadcast_in_dim3A : vector<16xf32>
        %get3A_197 = arith.index_cast %scan3A_32 : i32 to index
        %get3A_198 = arith.constant 624 : index
        %get3A_199 = tpu.vector_load %arg17[%get3A_197, %get3A_198] {strides = array<i32>} : memref<16x640xf32, #tpu.memory_space<vmem>>, vector<16xf32>,
        %le3A_200 = arith.cmpf ole, %get3A_199, %broadcast_in_dim3A : vector<16xf32>
        %all_reduce_population_count3A = tpu.all_reduce %le3A {dim = 0 : i64, kind = #tpu.reduction_kind<sum>} : vector<16xi1> -> vector<16xi32>
        %all_reduce_population_count3A_201 = tpu.all_reduce %le3A_48 {dim = 0 : i64, kind = #tpu.reduction_kind<sum>} : vector<16xi1> -> vector<16xi32>
        %all_reduce_population_count3A_202 = tpu.all_reduce %le3A_52 {dim = 0 : i64, kind = #tpu.reduction_kind<sum>} : vector<16xi1> -> vector<16xi32>
        %all_reduce_population_count3A_203 = tpu.all_reduce %le3A_56 {dim = 0 : i64, kind = #tpu.reduction_kind<sum>} : vector<16xi1> -> vector<16xi32>
        %all_reduce_population_count3A_204 = tpu.all_reduce %le3A_60 {dim = 0 : i64, kind = #tpu.reduction_kind<sum>} : vector<16xi1> -> vector<16xi32>
        %all_reduce_population_count3A_205 = tpu.all_reduce %le3A_64 {dim = 0 : i64, kind = #tpu.reduction_kind<sum>} : vector<16xi1> -> vector<16xi32>
        %all_reduce_population_count3A_206 = tpu.all_reduce %le3A_68 {dim = 0 : i64, kind = #tpu.reduction_kind<sum>} : vector<16xi1> -> vector<16xi32>
        %all_reduce_population_count3A_207 = tpu.all_reduce %le3A_72 {dim = 0 : i64, kind = #tpu.reduction_kind<sum>} : vector<16xi1> -> vector<16xi32>
        %all_reduce_population_count3A_208 = tpu.all_reduce %le3A_76 {dim = 0 : i64, kind = #tpu.reduction_kind<sum>} : vector<16xi1> -> vector<16xi32>
        %all_reduce_population_count3A_209 = tpu.all_reduce %le3A_80 {dim = 0 : i64, kind = #tpu.reduction_kind<sum>} : vector<16xi1> -> vector<16xi32>
        %all_reduce_population_count3A_210 = tpu.all_reduce %le3A_84 {dim = 0 : i64, kind = #tpu.reduction_kind<sum>} : vector<16xi1> -> vector<16xi32>
        %all_reduce_population_count3A_211 = tpu.all_reduce %le3A_88 {dim = 0 : i64, kind = #tpu.reduction_kind<sum>} : vector<16xi1> -> vector<16xi32>
        %all_reduce_population_count3A_212 = tpu.all_reduce %le3A_92 {dim = 0 : i64, kind = #tpu.reduction_kind<sum>} : vector<16xi1> -> vector<16xi32>
        %all_reduce_population_count3A_213 = tpu.all_reduce %le3A_96 {dim = 0 : i64, kind = #tpu.reduction_kind<sum>} : vector<16xi1> -> vector<16xi32>
        %all_reduce_population_count3A_214 = tpu.all_reduce %le3A_100 {dim = 0 : i64, kind = #tpu.reduction_kind<sum>} : vector<16xi1> -> vector<16xi32>
        %all_reduce_population_count3A_215 = tpu.all_reduce %le3A_104 {dim = 0 : i64, kind = #tpu.reduction_kind<sum>} : vector<16xi1> -> vector<16xi32>
        %all_reduce_population_count3A_216 = tpu.all_reduce %le3A_108 {dim = 0 : i64, kind = #tpu.reduction_kind<sum>} : vector<16xi1> -> vector<16xi32>
        %all_reduce_population_count3A_217 = tpu.all_reduce %le3A_112 {dim = 0 : i64, kind = #tpu.reduction_kind<sum>} : vector<16xi1> -> vector<16xi32>
        %all_reduce_population_count3A_218 = tpu.all_reduce %le3A_116 {dim = 0 : i64, kind = #tpu.reduction_kind<sum>} : vector<16xi1> -> vector<16xi32>
        %all_reduce_population_count3A_219 = tpu.all_reduce %le3A_120 {dim = 0 : i64, kind = #tpu.reduction_kind<sum>} : vector<16xi1> -> vector<16xi32>
        %all_reduce_population_count3A_220 = tpu.all_reduce %le3A_124 {dim = 0 : i64, kind = #tpu.reduction_kind<sum>} : vector<16xi1> -> vector<16xi32>
        %all_reduce_population_count3A_221 = tpu.all_reduce %le3A_128 {dim = 0 : i64, kind = #tpu.reduction_kind<sum>} : vector<16xi1> -> vector<16xi32>
        %all_reduce_population_count3A_222 = tpu.all_reduce %le3A_132 {dim = 0 : i64, kind = #tpu.reduction_kind<sum>} : vector<16xi1> -> vector<16xi32>
        %all_reduce_population_count3A_223 = tpu.all_reduce %le3A_136 {dim = 0 : i64, kind = #tpu.reduction_kind<sum>} : vector<16xi1> -> vector<16xi32>
        %all_reduce_population_count3A_224 = tpu.all_reduce %le3A_140 {dim = 0 : i64, kind = #tpu.reduction_kind<sum>} : vector<16xi1> -> vector<16xi32>
        %all_reduce_population_count3A_225 = tpu.all_reduce %le3A_144 {dim = 0 : i64, kind = #tpu.reduction_kind<sum>} : vector<16xi1> -> vector<16xi32>
        %all_reduce_population_count3A_226 = tpu.all_reduce %le3A_148 {dim = 0 : i64, kind = #tpu.reduction_kind<sum>} : vector<16xi1> -> vector<16xi32>
        %all_reduce_population_count3A_227 = tpu.all_reduce %le3A_152 {dim = 0 : i64, kind = #tpu.reduction_kind<sum>} : vector<16xi1> -> vector<16xi32>
        %all_reduce_population_count3A_228 = tpu.all_reduce %le3A_156 {dim = 0 : i64, kind = #tpu.reduction_kind<sum>} : vector<16xi1> -> vector<16xi32>
        %all_reduce_population_count3A_229 = tpu.all_reduce %le3A_160 {dim = 0 : i64, kind = #tpu.reduction_kind<sum>} : vector<16xi1> -> vector<16xi32>
        %all_reduce_population_count3A_230 = tpu.all_reduce %le3A_164 {dim = 0 : i64, kind = #tpu.reduction_kind<sum>} : vector<16xi1> -> vector<16xi32>
        %all_reduce_population_count3A_231 = tpu.all_reduce %le3A_168 {dim = 0 : i64, kind = #tpu.reduction_kind<sum>} : vector<16xi1> -> vector<16xi32>
        %all_reduce_population_count3A_232 = tpu.all_reduce %le3A_172 {dim = 0 : i64, kind = #tpu.reduction_kind<sum>} : vector<16xi1> -> vector<16xi32>
        %all_reduce_population_count3A_233 = tpu.all_reduce %le3A_176 {dim = 0 : i64, kind = #tpu.reduction_kind<sum>} : vector<16xi1> -> vector<16xi32>
        %all_reduce_population_count3A_234 = tpu.all_reduce %le3A_180 {dim = 0 : i64, kind = #tpu.reduction_kind<sum>} : vector<16xi1> -> vector<16xi32>
        %all_reduce_population_count3A_235 = tpu.all_reduce %le3A_184 {dim = 0 : i64, kind = #tpu.reduction_kind<sum>} : vector<16xi1> -> vector<16xi32>
        %all_reduce_population_count3A_236 = tpu.all_reduce %le3A_188 {dim = 0 : i64, kind = #tpu.reduction_kind<sum>} : vector<16xi1> -> vector<16xi32>
        %all_reduce_population_count3A_237 = tpu.all_reduce %le3A_192 {dim = 0 : i64, kind = #tpu.reduction_kind<sum>} : vector<16xi1> -> vector<16xi32>
        %all_reduce_population_count3A_238 = tpu.all_reduce %le3A_196 {dim = 0 : i64, kind = #tpu.reduction_kind<sum>} : vector<16xi1> -> vector<16xi32>
        %all_reduce_population_count3A_239 = tpu.all_reduce %le3A_200 {dim = 0 : i64, kind = #tpu.reduction_kind<sum>} : vector<16xi1> -> vector<16xi32>
        %broadcast_in_dim3A_240 = arith.constant 0 : i32
        %broadcast_in_dim3A_241 = vector.broadcast %broadcast_in_dim3A_240 : i32 to vector<16xi32>
        %slice3A_242 = vector.extract_strided_slice %broadcast_in_dim3A_241 {offsets = [0], sizes = [1], strides = [1]} : vector<16xi32> to vector<1xi32>
        %squeeze3A_243 = vector.extract %slice3A_242[0] : i32 from vector<1xi32>
        %add3A_244 = arith.constant 0 : i32
        %add3A_245 = vector.broadcast %add3A_244 : i32 to vector<16xi32>
        %add3A_246 = arith.addi %iota3A, %add3A_245 : vector<16xi32>
        %swap3A = arith.index_cast %squeeze3A_243 : i32 to index
        %swap3A_247 = tpu.vector_load %arg18[%swap3A] masked %le3A {strides = array<i32>} : memref<656xi32, #tpu.memory_space<vmem>>, vector<16xi32>, vector<16xi1>
        tpu.vector_store %arg18[%swap3A], %add3A_246 masked %le3A {strides = array<i32>} : memref<656xi32, #tpu.memory_space<vmem>>, vector<16xi32>, vector<16xi1>
        %add3A_248 = arith.addi %broadcast_in_dim3A_241, %all_reduce_population_count3A : vector<16xi32>
        %slice3A_249 = vector.extract_strided_slice %add3A_248 {offsets = [0], sizes = [1], strides = [1]} : vector<16xi32> to vector<1xi32>
        %squeeze3A_250 = vector.extract %slice3A_249[0] : i32 from vector<1xi32>
        %add3A_251 = arith.constant 16 : i32
        %add3A_252 = vector.broadcast %add3A_251 : i32 to vector<16xi32>
        %add3A_253 = arith.addi %iota3A, %add3A_252 : vector<16xi32>
        %swap3A_254 = arith.index_cast %squeeze3A_250 : i32 to index
        %swap3A_255 = tpu.vector_load %arg18[%swap3A_254] masked %le3A_48 {strides = array<i32>} : memref<656xi32, #tpu.memory_space<vmem>>, vector<16xi32>, vector<16xi1>
        tpu.vector_store %arg18[%swap3A_254], %add3A_253 masked %le3A_48 {strides = array<i32>} : memref<656xi32, #tpu.memory_space<vmem>>, vector<16xi32>, vector<16xi1>
        %add3A_256 = arith.addi %add3A_248, %all_reduce_population_count3A_201 : vector<16xi32>
        %slice3A_257 = vector.extract_strided_slice %add3A_256 {offsets = [0], sizes = [1], strides = [1]} : vector<16xi32> to vector<1xi32>
        %squeeze3A_258 = vector.extract %slice3A_257[0] : i32 from vector<1xi32>
        %add3A_259 = arith.constant 32 : i32
        %add3A_260 = vector.broadcast %add3A_259 : i32 to vector<16xi32>
        %add3A_261 = arith.addi %iota3A, %add3A_260 : vector<16xi32>
        %swap3A_262 = arith.index_cast %squeeze3A_258 : i32 to index
        %swap3A_263 = tpu.vector_load %arg18[%swap3A_262] masked %le3A_52 {strides = array<i32>} : memref<656xi32, #tpu.memory_space<vmem>>, vector<16xi32>, vector<16xi1>
        tpu.vector_store %arg18[%swap3A_262], %add3A_261 masked %le3A_52 {strides = array<i32>} : memref<656xi32, #tpu.memory_space<vmem>>, vector<16xi32>, vector<16xi1>
        %add3A_264 = arith.addi %add3A_256, %all_reduce_population_count3A_202 : vector<16xi32>
        %slice3A_265 = vector.extract_strided_slice %add3A_264 {offsets = [0], sizes = [1], strides = [1]} : vector<16xi32> to vector<1xi32>
        %squeeze3A_266 = vector.extract %slice3A_265[0] : i32 from vector<1xi32>
        %add3A_267 = arith.constant 48 : i32
        %add3A_268 = vector.broadcast %add3A_267 : i32 to vector<16xi32>
        %add3A_269 = arith.addi %iota3A, %add3A_268 : vector<16xi32>
        %swap3A_270 = arith.index_cast %squeeze3A_266 : i32 to index
        %swap3A_271 = tpu.vector_load %arg18[%swap3A_270] masked %le3A_56 {strides = array<i32>} : memref<656xi32, #tpu.memory_space<vmem>>, vector<16xi32>, vector<16xi1>
        tpu.vector_store %arg18[%swap3A_270], %add3A_269 masked %le3A_56 {strides = array<i32>} : memref<656xi32, #tpu.memory_space<vmem>>, vector<16xi32>, vector<16xi1>
        %add3A_272 = arith.addi %add3A_264, %all_reduce_population_count3A_203 : vector<16xi32>
        %slice3A_273 = vector.extract_strided_slice %add3A_272 {offsets = [0], sizes = [1], strides = [1]} : vector<16xi32> to vector<1xi32>
        %squeeze3A_274 = vector.extract %slice3A_273[0] : i32 from vector<1xi32>
        %add3A_275 = arith.constant 64 : i32
        %add3A_276 = vector.broadcast %add3A_275 : i32 to vector<16xi32>
        %add3A_277 = arith.addi %iota3A, %add3A_276 : vector<16xi32>
        %swap3A_278 = arith.index_cast %squeeze3A_274 : i32 to index
        %swap3A_279 = tpu.vector_load %arg18[%swap3A_278] masked %le3A_60 {strides = array<i32>} : memref<656xi32, #tpu.memory_space<vmem>>, vector<16xi32>, vector<16xi1>
        tpu.vector_store %arg18[%swap3A_278], %add3A_277 masked %le3A_60 {strides = array<i32>} : memref<656xi32, #tpu.memory_space<vmem>>, vector<16xi32>, vector<16xi1>
        %add3A_280 = arith.addi %add3A_272, %all_reduce_population_count3A_204 : vector<16xi32>
        %slice3A_281 = vector.extract_strided_slice %add3A_280 {offsets = [0], sizes = [1], strides = [1]} : vector<16xi32> to vector<1xi32>
        %squeeze3A_282 = vector.extract %slice3A_281[0] : i32 from vector<1xi32>
        %add3A_283 = arith.constant 80 : i32
        %add3A_284 = vector.broadcast %add3A_283 : i32 to vector<16xi32>
        %add3A_285 = arith.addi %iota3A, %add3A_284 : vector<16xi32>
        %swap3A_286 = arith.index_cast %squeeze3A_282 : i32 to index
        %swap3A_287 = tpu.vector_load %arg18[%swap3A_286] masked %le3A_64 {strides = array<i32>} : memref<656xi32, #tpu.memory_space<vmem>>, vector<16xi32>, vector<16xi1>
        tpu.vector_store %arg18[%swap3A_286], %add3A_285 masked %le3A_64 {strides = array<i32>} : memref<656xi32, #tpu.memory_space<vmem>>, vector<16xi32>, vector<16xi1>
        %add3A_288 = arith.addi %add3A_280, %all_reduce_population_count3A_205 : vector<16xi32>
        %slice3A_289 = vector.extract_strided_slice %add3A_288 {offsets = [0], sizes = [1], strides = [1]} : vector<16xi32> to vector<1xi32>
        %squeeze3A_290 = vector.extract %slice3A_289[0] : i32 from vector<1xi32>
        %add3A_291 = arith.constant 96 : i32
        %add3A_292 = vector.broadcast %add3A_291 : i32 to vector<16xi32>
        %add3A_293 = arith.addi %iota3A, %add3A_292 : vector<16xi32>
        %swap3A_294 = arith.index_cast %squeeze3A_290 : i32 to index
        %swap3A_295 = tpu.vector_load %arg18[%swap3A_294] masked %le3A_68 {strides = array<i32>} : memref<656xi32, #tpu.memory_space<vmem>>, vector<16xi32>, vector<16xi1>
        tpu.vector_store %arg18[%swap3A_294], %add3A_293 masked %le3A_68 {strides = array<i32>} : memref<656xi32, #tpu.memory_space<vmem>>, vector<16xi32>, vector<16xi1>
        %add3A_296 = arith.addi %add3A_288, %all_reduce_population_count3A_206 : vector<16xi32>
        %slice3A_297 = vector.extract_strided_slice %add3A_296 {offsets = [0], sizes = [1], strides = [1]} : vector<16xi32> to vector<1xi32>
        %squeeze3A_298 = vector.extract %slice3A_297[0] : i32 from vector<1xi32>
        %add3A_299 = arith.constant 112 : i32
        %add3A_300 = vector.broadcast %add3A_299 : i32 to vector<16xi32>
        %add3A_301 = arith.addi %iota3A, %add3A_300 : vector<16xi32>
        %swap3A_302 = arith.index_cast %squeeze3A_298 : i32 to index
        %swap3A_303 = tpu.vector_load %arg18[%swap3A_302] masked %le3A_72 {strides = array<i32>} : memref<656xi32, #tpu.memory_space<vmem>>, vector<16xi32>, vector<16xi1>
        tpu.vector_store %arg18[%swap3A_302], %add3A_301 masked %le3A_72 {strides = array<i32>} : memref<656xi32, #tpu.memory_space<vmem>>, vector<16xi32>, vector<16xi1>
        %add3A_304 = arith.addi %add3A_296, %all_reduce_population_count3A_207 : vector<16xi32>
        %slice3A_305 = vector.extract_strided_slice %add3A_304 {offsets = [0], sizes = [1], strides = [1]} : vector<16xi32> to vector<1xi32>
        %squeeze3A_306 = vector.extract %slice3A_305[0] : i32 from vector<1xi32>
        %add3A_307 = arith.constant 128 : i32
        %add3A_308 = vector.broadcast %add3A_307 : i32 to vector<16xi32>
        %add3A_309 = arith.addi %iota3A, %add3A_308 : vector<16xi32>
        %swap3A_310 = arith.index_cast %squeeze3A_306 : i32 to index
        %swap3A_311 = tpu.vector_load %arg18[%swap3A_310] masked %le3A_76 {strides = array<i32>} : memref<656xi32, #tpu.memory_space<vmem>>, vector<16xi32>, vector<16xi1>
        tpu.vector_store %arg18[%swap3A_310], %add3A_309 masked %le3A_76 {strides = array<i32>} : memref<656xi32, #tpu.memory_space<vmem>>, vector<16xi32>, vector<16xi1>
        %add3A_312 = arith.addi %add3A_304, %all_reduce_population_count3A_208 : vector<16xi32>
        %slice3A_313 = vector.extract_strided_slice %add3A_312 {offsets = [0], sizes = [1], strides = [1]} : vector<16xi32> to vector<1xi32>
        %squeeze3A_314 = vector.extract %slice3A_313[0] : i32 from vector<1xi32>
        %add3A_315 = arith.constant 144 : i32
        %add3A_316 = vector.broadcast %add3A_315 : i32 to vector<16xi32>
        %add3A_317 = arith.addi %iota3A, %add3A_316 : vector<16xi32>
        %swap3A_318 = arith.index_cast %squeeze3A_314 : i32 to index
        %swap3A_319 = tpu.vector_load %arg18[%swap3A_318] masked %le3A_80 {strides = array<i32>} : memref<656xi32, #tpu.memory_space<vmem>>, vector<16xi32>, vector<16xi1>
        tpu.vector_store %arg18[%swap3A_318], %add3A_317 masked %le3A_80 {strides = array<i32>} : memref<656xi32, #tpu.memory_space<vmem>>, vector<16xi32>, vector<16xi1>
        %add3A_320 = arith.addi %add3A_312, %all_reduce_population_count3A_209 : vector<16xi32>
        %slice3A_321 = vector.extract_strided_slice %add3A_320 {offsets = [0], sizes = [1], strides = [1]} : vector<16xi32> to vector<1xi32>
        %squeeze3A_322 = vector.extract %slice3A_321[0] : i32 from vector<1xi32>
        %add3A_323 = arith.constant 160 : i32
        %add3A_324 = vector.broadcast %add3A_323 : i32 to vector<16xi32>
        %add3A_325 = arith.addi %iota3A, %add3A_324 : vector<16xi32>
        %swap3A_326 = arith.index_cast %squeeze3A_322 : i32 to index
        %swap3A_327 = tpu.vector_load %arg18[%swap3A_326] masked %le3A_84 {strides = array<i32>} : memref<656xi32, #tpu.memory_space<vmem>>, vector<16xi32>, vector<16xi1>
        tpu.vector_store %arg18[%swap3A_326], %add3A_325 masked %le3A_84 {strides = array<i32>} : memref<656xi32, #tpu.memory_space<vmem>>, vector<16xi32>, vector<16xi1>
        %add3A_328 = arith.addi %add3A_320, %all_reduce_population_count3A_210 : vector<16xi32>
        %slice3A_329 = vector.extract_strided_slice %add3A_328 {offsets = [0], sizes = [1], strides = [1]} : vector<16xi32> to vector<1xi32>
        %squeeze3A_330 = vector.extract %slice3A_329[0] : i32 from vector<1xi32>
        %add3A_331 = arith.constant 176 : i32
        %add3A_332 = vector.broadcast %add3A_331 : i32 to vector<16xi32>
        %add3A_333 = arith.addi %iota3A, %add3A_332 : vector<16xi32>
        %swap3A_334 = arith.index_cast %squeeze3A_330 : i32 to index
        %swap3A_335 = tpu.vector_load %arg18[%swap3A_334] masked %le3A_88 {strides = array<i32>} : memref<656xi32, #tpu.memory_space<vmem>>, vector<16xi32>, vector<16xi1>
        tpu.vector_store %arg18[%swap3A_334], %add3A_333 masked %le3A_88 {strides = array<i32>} : memref<656xi32, #tpu.memory_space<vmem>>, vector<16xi32>, vector<16xi1>
        %add3A_336 = arith.addi %add3A_328, %all_reduce_population_count3A_211 : vector<16xi32>
        %slice3A_337 = vector.extract_strided_slice %add3A_336 {offsets = [0], sizes = [1], strides = [1]} : vector<16xi32> to vector<1xi32>
        %squeeze3A_338 = vector.extract %slice3A_337[0] : i32 from vector<1xi32>
        %add3A_339 = arith.constant 192 : i32
        %add3A_340 = vector.broadcast %add3A_339 : i32 to vector<16xi32>
        %add3A_341 = arith.addi %iota3A, %add3A_340 : vector<16xi32>
        %swap3A_342 = arith.index_cast %squeeze3A_338 : i32 to index
        %swap3A_343 = tpu.vector_load %arg18[%swap3A_342] masked %le3A_92 {strides = array<i32>} : memref<656xi32, #tpu.memory_space<vmem>>, vector<16xi32>, vector<16xi1>
        tpu.vector_store %arg18[%swap3A_342], %add3A_341 masked %le3A_92 {strides = array<i32>} : memref<656xi32, #tpu.memory_space<vmem>>, vector<16xi32>, vector<16xi1>
        %add3A_344 = arith.addi %add3A_336, %all_reduce_population_count3A_212 : vector<16xi32>
        %slice3A_345 = vector.extract_strided_slice %add3A_344 {offsets = [0], sizes = [1], strides = [1]} : vector<16xi32> to vector<1xi32>
        %squeeze3A_346 = vector.extract %slice3A_345[0] : i32 from vector<1xi32>
        %add3A_347 = arith.constant 208 : i32
        %add3A_348 = vector.broadcast %add3A_347 : i32 to vector<16xi32>
        %add3A_349 = arith.addi %iota3A, %add3A_348 : vector<16xi32>
        %swap3A_350 = arith.index_cast %squeeze3A_346 : i32 to index
        %swap3A_351 = tpu.vector_load %arg18[%swap3A_350] masked %le3A_96 {strides = array<i32>} : memref<656xi32, #tpu.memory_space<vmem>>, vector<16xi32>, vector<16xi1>
        tpu.vector_store %arg18[%swap3A_350], %add3A_349 masked %le3A_96 {strides = array<i32>} : memref<656xi32, #tpu.memory_space<vmem>>, vector<16xi32>, vector<16xi1>
        %add3A_352 = arith.addi %add3A_344, %all_reduce_population_count3A_213 : vector<16xi32>
        %slice3A_353 = vector.extract_strided_slice %add3A_352 {offsets = [0], sizes = [1], strides = [1]} : vector<16xi32> to vector<1xi32>
        %squeeze3A_354 = vector.extract %slice3A_353[0] : i32 from vector<1xi32>
        %add3A_355 = arith.constant 224 : i32
        %add3A_356 = vector.broadcast %add3A_355 : i32 to vector<16xi32>
        %add3A_357 = arith.addi %iota3A, %add3A_356 : vector<16xi32>
        %swap3A_358 = arith.index_cast %squeeze3A_354 : i32 to index
        %swap3A_359 = tpu.vector_load %arg18[%swap3A_358] masked %le3A_100 {strides = array<i32>} : memref<656xi32, #tpu.memory_space<vmem>>, vector<16xi32>, vector<16xi1>
        tpu.vector_store %arg18[%swap3A_358], %add3A_357 masked %le3A_100 {strides = array<i32>} : memref<656xi32, #tpu.memory_space<vmem>>, vector<16xi32>, vector<16xi1>
        %add3A_360 = arith.addi %add3A_352, %all_reduce_population_count3A_214 : vector<16xi32>
        %slice3A_361 = vector.extract_strided_slice %add3A_360 {offsets = [0], sizes = [1], strides = [1]} : vector<16xi32> to vector<1xi32>
        %squeeze3A_362 = vector.extract %slice3A_361[0] : i32 from vector<1xi32>
        %add3A_363 = arith.constant 240 : i32
        %add3A_364 = vector.broadcast %add3A_363 : i32 to vector<16xi32>
        %add3A_365 = arith.addi %iota3A, %add3A_364 : vector<16xi32>
        %swap3A_366 = arith.index_cast %squeeze3A_362 : i32 to index
        %swap3A_367 = tpu.vector_load %arg18[%swap3A_366] masked %le3A_104 {strides = array<i32>} : memref<656xi32, #tpu.memory_space<vmem>>, vector<16xi32>, vector<16xi1>
        tpu.vector_store %arg18[%swap3A_366], %add3A_365 masked %le3A_104 {strides = array<i32>} : memref<656xi32, #tpu.memory_space<vmem>>, vector<16xi32>, vector<16xi1>
        %add3A_368 = arith.addi %add3A_360, %all_reduce_population_count3A_215 : vector<16xi32>
        %slice3A_369 = vector.extract_strided_slice %add3A_368 {offsets = [0], sizes = [1], strides = [1]} : vector<16xi32> to vector<1xi32>
        %squeeze3A_370 = vector.extract %slice3A_369[0] : i32 from vector<1xi32>
        %add3A_371 = arith.constant 256 : i32
        %add3A_372 = vector.broadcast %add3A_371 : i32 to vector<16xi32>
        %add3A_373 = arith.addi %iota3A, %add3A_372 : vector<16xi32>
        %swap3A_374 = arith.index_cast %squeeze3A_370 : i32 to index
        %swap3A_375 = tpu.vector_load %arg18[%swap3A_374] masked %le3A_108 {strides = array<i32>} : memref<656xi32, #tpu.memory_space<vmem>>, vector<16xi32>, vector<16xi1>
        tpu.vector_store %arg18[%swap3A_374], %add3A_373 masked %le3A_108 {strides = array<i32>} : memref<656xi32, #tpu.memory_space<vmem>>, vector<16xi32>, vector<16xi1>
        %add3A_376 = arith.addi %add3A_368, %all_reduce_population_count3A_216 : vector<16xi32>
        %slice3A_377 = vector.extract_strided_slice %add3A_376 {offsets = [0], sizes = [1], strides = [1]} : vector<16xi32> to vector<1xi32>
        %squeeze3A_378 = vector.extract %slice3A_377[0] : i32 from vector<1xi32>
        %add3A_379 = arith.constant 272 : i32
        %add3A_380 = vector.broadcast %add3A_379 : i32 to vector<16xi32>
        %add3A_381 = arith.addi %iota3A, %add3A_380 : vector<16xi32>
        %swap3A_382 = arith.index_cast %squeeze3A_378 : i32 to index
        %swap3A_383 = tpu.vector_load %arg18[%swap3A_382] masked %le3A_112 {strides = array<i32>} : memref<656xi32, #tpu.memory_space<vmem>>, vector<16xi32>, vector<16xi1>
        tpu.vector_store %arg18[%swap3A_382], %add3A_381 masked %le3A_112 {strides = array<i32>} : memref<656xi32, #tpu.memory_space<vmem>>, vector<16xi32>, vector<16xi1>
        %add3A_384 = arith.addi %add3A_376, %all_reduce_population_count3A_217 : vector<16xi32>
        %slice3A_385 = vector.extract_strided_slice %add3A_384 {offsets = [0], sizes = [1], strides = [1]} : vector<16xi32> to vector<1xi32>
        %squeeze3A_386 = vector.extract %slice3A_385[0] : i32 from vector<1xi32>
        %add3A_387 = arith.constant 288 : i32
        %add3A_388 = vector.broadcast %add3A_387 : i32 to vector<16xi32>
        %add3A_389 = arith.addi %iota3A, %add3A_388 : vector<16xi32>
        %swap3A_390 = arith.index_cast %squeeze3A_386 : i32 to index
        %swap3A_391 = tpu.vector_load %arg18[%swap3A_390] masked %le3A_116 {strides = array<i32>} : memref<656xi32, #tpu.memory_space<vmem>>, vector<16xi32>, vector<16xi1>
        tpu.vector_store %arg18[%swap3A_390], %add3A_389 masked %le3A_116 {strides = array<i32>} : memref<656xi32, #tpu.memory_space<vmem>>, vector<16xi32>, vector<16xi1>
        %add3A_392 = arith.addi %add3A_384, %all_reduce_population_count3A_218 : vector<16xi32>
        %slice3A_393 = vector.extract_strided_slice %add3A_392 {offsets = [0], sizes = [1], strides = [1]} : vector<16xi32> to vector<1xi32>
        %squeeze3A_394 = vector.extract %slice3A_393[0] : i32 from vector<1xi32>
        %add3A_395 = arith.constant 304 : i32
        %add3A_396 = vector.broadcast %add3A_395 : i32 to vector<16xi32>
        %add3A_397 = arith.addi %iota3A, %add3A_396 : vector<16xi32>
        %swap3A_398 = arith.index_cast %squeeze3A_394 : i32 to index
        %swap3A_399 = tpu.vector_load %arg18[%swap3A_398] masked %le3A_120 {strides = array<i32>} : memref<656xi32, #tpu.memory_space<vmem>>, vector<16xi32>, vector<16xi1>
        tpu.vector_store %arg18[%swap3A_398], %add3A_397 masked %le3A_120 {strides = array<i32>} : memref<656xi32, #tpu.memory_space<vmem>>, vector<16xi32>, vector<16xi1>
        %add3A_400 = arith.addi %add3A_392, %all_reduce_population_count3A_219 : vector<16xi32>
        %slice3A_401 = vector.extract_strided_slice %add3A_400 {offsets = [0], sizes = [1], strides = [1]} : vector<16xi32> to vector<1xi32>
        %squeeze3A_402 = vector.extract %slice3A_401[0] : i32 from vector<1xi32>
        %add3A_403 = arith.constant 320 : i32
        %add3A_404 = vector.broadcast %add3A_403 : i32 to vector<16xi32>
        %add3A_405 = arith.addi %iota3A, %add3A_404 : vector<16xi32>
        %swap3A_406 = arith.index_cast %squeeze3A_402 : i32 to index
        %swap3A_407 = tpu.vector_load %arg18[%swap3A_406] masked %le3A_124 {strides = array<i32>} : memref<656xi32, #tpu.memory_space<vmem>>, vector<16xi32>, vector<16xi1>
        tpu.vector_store %arg18[%swap3A_406], %add3A_405 masked %le3A_124 {strides = array<i32>} : memref<656xi32, #tpu.memory_space<vmem>>, vector<16xi32>, vector<16xi1>
        %add3A_408 = arith.addi %add3A_400, %all_reduce_population_count3A_220 : vector<16xi32>
        %slice3A_409 = vector.extract_strided_slice %add3A_408 {offsets = [0], sizes = [1], strides = [1]} : vector<16xi32> to vector<1xi32>
        %squeeze3A_410 = vector.extract %slice3A_409[0] : i32 from vector<1xi32>
        %add3A_411 = arith.constant 336 : i32
        %add3A_412 = vector.broadcast %add3A_411 : i32 to vector<16xi32>
        %add3A_413 = arith.addi %iota3A, %add3A_412 : vector<16xi32>
        %swap3A_414 = arith.index_cast %squeeze3A_410 : i32 to index
        %swap3A_415 = tpu.vector_load %arg18[%swap3A_414] masked %le3A_128 {strides = array<i32>} : memref<656xi32, #tpu.memory_space<vmem>>, vector<16xi32>, vector<16xi1>
        tpu.vector_store %arg18[%swap3A_414], %add3A_413 masked %le3A_128 {strides = array<i32>} : memref<656xi32, #tpu.memory_space<vmem>>, vector<16xi32>, vector<16xi1>
        %add3A_416 = arith.addi %add3A_408, %all_reduce_population_count3A_221 : vector<16xi32>
        %slice3A_417 = vector.extract_strided_slice %add3A_416 {offsets = [0], sizes = [1], strides = [1]} : vector<16xi32> to vector<1xi32>
        %squeeze3A_418 = vector.extract %slice3A_417[0] : i32 from vector<1xi32>
        %add3A_419 = arith.constant 352 : i32
        %add3A_420 = vector.broadcast %add3A_419 : i32 to vector<16xi32>
        %add3A_421 = arith.addi %iota3A, %add3A_420 : vector<16xi32>
        %swap3A_422 = arith.index_cast %squeeze3A_418 : i32 to index
        %swap3A_423 = tpu.vector_load %arg18[%swap3A_422] masked %le3A_132 {strides = array<i32>} : memref<656xi32, #tpu.memory_space<vmem>>, vector<16xi32>, vector<16xi1>
        tpu.vector_store %arg18[%swap3A_422], %add3A_421 masked %le3A_132 {strides = array<i32>} : memref<656xi32, #tpu.memory_space<vmem>>, vector<16xi32>, vector<16xi1>
        %add3A_424 = arith.addi %add3A_416, %all_reduce_population_count3A_222 : vector<16xi32>
        %slice3A_425 = vector.extract_strided_slice %add3A_424 {offsets = [0], sizes = [1], strides = [1]} : vector<16xi32> to vector<1xi32>
        %squeeze3A_426 = vector.extract %slice3A_425[0] : i32 from vector<1xi32>
        %add3A_427 = arith.constant 368 : i32
        %add3A_428 = vector.broadcast %add3A_427 : i32 to vector<16xi32>
        %add3A_429 = arith.addi %iota3A, %add3A_428 : vector<16xi32>
        %swap3A_430 = arith.index_cast %squeeze3A_426 : i32 to index
        %swap3A_431 = tpu.vector_load %arg18[%swap3A_430] masked %le3A_136 {strides = array<i32>} : memref<656xi32, #tpu.memory_space<vmem>>, vector<16xi32>, vector<16xi1>
        tpu.vector_store %arg18[%swap3A_430], %add3A_429 masked %le3A_136 {strides = array<i32>} : memref<656xi32, #tpu.memory_space<vmem>>, vector<16xi32>, vector<16xi1>
        %add3A_432 = arith.addi %add3A_424, %all_reduce_population_count3A_223 : vector<16xi32>
        %slice3A_433 = vector.extract_strided_slice %add3A_432 {offsets = [0], sizes = [1], strides = [1]} : vector<16xi32> to vector<1xi32>
        %squeeze3A_434 = vector.extract %slice3A_433[0] : i32 from vector<1xi32>
        %add3A_435 = arith.constant 384 : i32
        %add3A_436 = vector.broadcast %add3A_435 : i32 to vector<16xi32>
        %add3A_437 = arith.addi %iota3A, %add3A_436 : vector<16xi32>
        %swap3A_438 = arith.index_cast %squeeze3A_434 : i32 to index
        %swap3A_439 = tpu.vector_load %arg18[%swap3A_438] masked %le3A_140 {strides = array<i32>} : memref<656xi32, #tpu.memory_space<vmem>>, vector<16xi32>, vector<16xi1>
        tpu.vector_store %arg18[%swap3A_438], %add3A_437 masked %le3A_140 {strides = array<i32>} : memref<656xi32, #tpu.memory_space<vmem>>, vector<16xi32>, vector<16xi1>
        %add3A_440 = arith.addi %add3A_432, %all_reduce_population_count3A_224 : vector<16xi32>
        %slice3A_441 = vector.extract_strided_slice %add3A_440 {offsets = [0], sizes = [1], strides = [1]} : vector<16xi32> to vector<1xi32>
        %squeeze3A_442 = vector.extract %slice3A_441[0] : i32 from vector<1xi32>
        %add3A_443 = arith.constant 400 : i32
        %add3A_444 = vector.broadcast %add3A_443 : i32 to vector<16xi32>
        %add3A_445 = arith.addi %iota3A, %add3A_444 : vector<16xi32>
        %swap3A_446 = arith.index_cast %squeeze3A_442 : i32 to index
        %swap3A_447 = tpu.vector_load %arg18[%swap3A_446] masked %le3A_144 {strides = array<i32>} : memref<656xi32, #tpu.memory_space<vmem>>, vector<16xi32>, vector<16xi1>
        tpu.vector_store %arg18[%swap3A_446], %add3A_445 masked %le3A_144 {strides = array<i32>} : memref<656xi32, #tpu.memory_space<vmem>>, vector<16xi32>, vector<16xi1>
        %add3A_448 = arith.addi %add3A_440, %all_reduce_population_count3A_225 : vector<16xi32>
        %slice3A_449 = vector.extract_strided_slice %add3A_448 {offsets = [0], sizes = [1], strides = [1]} : vector<16xi32> to vector<1xi32>
        %squeeze3A_450 = vector.extract %slice3A_449[0] : i32 from vector<1xi32>
        %add3A_451 = arith.constant 416 : i32
        %add3A_452 = vector.broadcast %add3A_451 : i32 to vector<16xi32>
        %add3A_453 = arith.addi %iota3A, %add3A_452 : vector<16xi32>
        %swap3A_454 = arith.index_cast %squeeze3A_450 : i32 to index
        %swap3A_455 = tpu.vector_load %arg18[%swap3A_454] masked %le3A_148 {strides = array<i32>} : memref<656xi32, #tpu.memory_space<vmem>>, vector<16xi32>, vector<16xi1>
        tpu.vector_store %arg18[%swap3A_454], %add3A_453 masked %le3A_148 {strides = array<i32>} : memref<656xi32, #tpu.memory_space<vmem>>, vector<16xi32>, vector<16xi1>
        %add3A_456 = arith.addi %add3A_448, %all_reduce_population_count3A_226 : vector<16xi32>
        %slice3A_457 = vector.extract_strided_slice %add3A_456 {offsets = [0], sizes = [1], strides = [1]} : vector<16xi32> to vector<1xi32>
        %squeeze3A_458 = vector.extract %slice3A_457[0] : i32 from vector<1xi32>
        %add3A_459 = arith.constant 432 : i32
        %add3A_460 = vector.broadcast %add3A_459 : i32 to vector<16xi32>
        %add3A_461 = arith.addi %iota3A, %add3A_460 : vector<16xi32>
        %swap3A_462 = arith.index_cast %squeeze3A_458 : i32 to index
        %swap3A_463 = tpu.vector_load %arg18[%swap3A_462] masked %le3A_152 {strides = array<i32>} : memref<656xi32, #tpu.memory_space<vmem>>, vector<16xi32>, vector<16xi1>
        tpu.vector_store %arg18[%swap3A_462], %add3A_461 masked %le3A_152 {strides = array<i32>} : memref<656xi32, #tpu.memory_space<vmem>>, vector<16xi32>, vector<16xi1>
        %add3A_464 = arith.addi %add3A_456, %all_reduce_population_count3A_227 : vector<16xi32>
        %slice3A_465 = vector.extract_strided_slice %add3A_464 {offsets = [0], sizes = [1], strides = [1]} : vector<16xi32> to vector<1xi32>
        %squeeze3A_466 = vector.extract %slice3A_465[0] : i32 from vector<1xi32>
        %add3A_467 = arith.constant 448 : i32
        %add3A_468 = vector.broadcast %add3A_467 : i32 to vector<16xi32>
        %add3A_469 = arith.addi %iota3A, %add3A_468 : vector<16xi32>
        %swap3A_470 = arith.index_cast %squeeze3A_466 : i32 to index
        %swap3A_471 = tpu.vector_load %arg18[%swap3A_470] masked %le3A_156 {strides = array<i32>} : memref<656xi32, #tpu.memory_space<vmem>>, vector<16xi32>, vector<16xi1>
        tpu.vector_store %arg18[%swap3A_470], %add3A_469 masked %le3A_156 {strides = array<i32>} : memref<656xi32, #tpu.memory_space<vmem>>, vector<16xi32>, vector<16xi1>
        %add3A_472 = arith.addi %add3A_464, %all_reduce_population_count3A_228 : vector<16xi32>
        %slice3A_473 = vector.extract_strided_slice %add3A_472 {offsets = [0], sizes = [1], strides = [1]} : vector<16xi32> to vector<1xi32>
        %squeeze3A_474 = vector.extract %slice3A_473[0] : i32 from vector<1xi32>
        %add3A_475 = arith.constant 464 : i32
        %add3A_476 = vector.broadcast %add3A_475 : i32 to vector<16xi32>
        %add3A_477 = arith.addi %iota3A, %add3A_476 : vector<16xi32>
        %swap3A_478 = arith.index_cast %squeeze3A_474 : i32 to index
        %swap3A_479 = tpu.vector_load %arg18[%swap3A_478] masked %le3A_160 {strides = array<i32>} : memref<656xi32, #tpu.memory_space<vmem>>, vector<16xi32>, vector<16xi1>
        tpu.vector_store %arg18[%swap3A_478], %add3A_477 masked %le3A_160 {strides = array<i32>} : memref<656xi32, #tpu.memory_space<vmem>>, vector<16xi32>, vector<16xi1>
        %add3A_480 = arith.addi %add3A_472, %all_reduce_population_count3A_229 : vector<16xi32>
        %slice3A_481 = vector.extract_strided_slice %add3A_480 {offsets = [0], sizes = [1], strides = [1]} : vector<16xi32> to vector<1xi32>
        %squeeze3A_482 = vector.extract %slice3A_481[0] : i32 from vector<1xi32>
        %add3A_483 = arith.constant 480 : i32
        %add3A_484 = vector.broadcast %add3A_483 : i32 to vector<16xi32>
        %add3A_485 = arith.addi %iota3A, %add3A_484 : vector<16xi32>
        %swap3A_486 = arith.index_cast %squeeze3A_482 : i32 to index
        %swap3A_487 = tpu.vector_load %arg18[%swap3A_486] masked %le3A_164 {strides = array<i32>} : memref<656xi32, #tpu.memory_space<vmem>>, vector<16xi32>, vector<16xi1>
        tpu.vector_store %arg18[%swap3A_486], %add3A_485 masked %le3A_164 {strides = array<i32>} : memref<656xi32, #tpu.memory_space<vmem>>, vector<16xi32>, vector<16xi1>
        %add3A_488 = arith.addi %add3A_480, %all_reduce_population_count3A_230 : vector<16xi32>
        %slice3A_489 = vector.extract_strided_slice %add3A_488 {offsets = [0], sizes = [1], strides = [1]} : vector<16xi32> to vector<1xi32>
        %squeeze3A_490 = vector.extract %slice3A_489[0] : i32 from vector<1xi32>
        %add3A_491 = arith.constant 496 : i32
        %add3A_492 = vector.broadcast %add3A_491 : i32 to vector<16xi32>
        %add3A_493 = arith.addi %iota3A, %add3A_492 : vector<16xi32>
        %swap3A_494 = arith.index_cast %squeeze3A_490 : i32 to index
        %swap3A_495 = tpu.vector_load %arg18[%swap3A_494] masked %le3A_168 {strides = array<i32>} : memref<656xi32, #tpu.memory_space<vmem>>, vector<16xi32>, vector<16xi1>
        tpu.vector_store %arg18[%swap3A_494], %add3A_493 masked %le3A_168 {strides = array<i32>} : memref<656xi32, #tpu.memory_space<vmem>>, vector<16xi32>, vector<16xi1>
        %add3A_496 = arith.addi %add3A_488, %all_reduce_population_count3A_231 : vector<16xi32>
        %slice3A_497 = vector.extract_strided_slice %add3A_496 {offsets = [0], sizes = [1], strides = [1]} : vector<16xi32> to vector<1xi32>
        %squeeze3A_498 = vector.extract %slice3A_497[0] : i32 from vector<1xi32>
        %add3A_499 = arith.constant 512 : i32
        %add3A_500 = vector.broadcast %add3A_499 : i32 to vector<16xi32>
        %add3A_501 = arith.addi %iota3A, %add3A_500 : vector<16xi32>
        %swap3A_502 = arith.index_cast %squeeze3A_498 : i32 to index
        %swap3A_503 = tpu.vector_load %arg18[%swap3A_502] masked %le3A_172 {strides = array<i32>} : memref<656xi32, #tpu.memory_space<vmem>>, vector<16xi32>, vector<16xi1>
        tpu.vector_store %arg18[%swap3A_502], %add3A_501 masked %le3A_172 {strides = array<i32>} : memref<656xi32, #tpu.memory_space<vmem>>, vector<16xi32>, vector<16xi1>
        %add3A_504 = arith.addi %add3A_496, %all_reduce_population_count3A_232 : vector<16xi32>
        %slice3A_505 = vector.extract_strided_slice %add3A_504 {offsets = [0], sizes = [1], strides = [1]} : vector<16xi32> to vector<1xi32>
        %squeeze3A_506 = vector.extract %slice3A_505[0] : i32 from vector<1xi32>
        %add3A_507 = arith.constant 528 : i32
        %add3A_508 = vector.broadcast %add3A_507 : i32 to vector<16xi32>
        %add3A_509 = arith.addi %iota3A, %add3A_508 : vector<16xi32>
        %swap3A_510 = arith.index_cast %squeeze3A_506 : i32 to index
        %swap3A_511 = tpu.vector_load %arg18[%swap3A_510] masked %le3A_176 {strides = array<i32>} : memref<656xi32, #tpu.memory_space<vmem>>, vector<16xi32>, vector<16xi1>
        tpu.vector_store %arg18[%swap3A_510], %add3A_509 masked %le3A_176 {strides = array<i32>} : memref<656xi32, #tpu.memory_space<vmem>>, vector<16xi32>, vector<16xi1>
        %add3A_512 = arith.addi %add3A_504, %all_reduce_population_count3A_233 : vector<16xi32>
        %slice3A_513 = vector.extract_strided_slice %add3A_512 {offsets = [0], sizes = [1], strides = [1]} : vector<16xi32> to vector<1xi32>
        %squeeze3A_514 = vector.extract %slice3A_513[0] : i32 from vector<1xi32>
        %add3A_515 = arith.constant 544 : i32
        %add3A_516 = vector.broadcast %add3A_515 : i32 to vector<16xi32>
        %add3A_517 = arith.addi %iota3A, %add3A_516 : vector<16xi32>
        %swap3A_518 = arith.index_cast %squeeze3A_514 : i32 to index
        %swap3A_519 = tpu.vector_load %arg18[%swap3A_518] masked %le3A_180 {strides = array<i32>} : memref<656xi32, #tpu.memory_space<vmem>>, vector<16xi32>, vector<16xi1>
        tpu.vector_store %arg18[%swap3A_518], %add3A_517 masked %le3A_180 {strides = array<i32>} : memref<656xi32, #tpu.memory_space<vmem>>, vector<16xi32>, vector<16xi1>
        %add3A_520 = arith.addi %add3A_512, %all_reduce_population_count3A_234 : vector<16xi32>
        %slice3A_521 = vector.extract_strided_slice %add3A_520 {offsets = [0], sizes = [1], strides = [1]} : vector<16xi32> to vector<1xi32>
        %squeeze3A_522 = vector.extract %slice3A_521[0] : i32 from vector<1xi32>
        %add3A_523 = arith.constant 560 : i32
        %add3A_524 = vector.broadcast %add3A_523 : i32 to vector<16xi32>
        %add3A_525 = arith.addi %iota3A, %add3A_524 : vector<16xi32>
        %swap3A_526 = arith.index_cast %squeeze3A_522 : i32 to index
        %swap3A_527 = tpu.vector_load %arg18[%swap3A_526] masked %le3A_184 {strides = array<i32>} : memref<656xi32, #tpu.memory_space<vmem>>, vector<16xi32>, vector<16xi1>
        tpu.vector_store %arg18[%swap3A_526], %add3A_525 masked %le3A_184 {strides = array<i32>} : memref<656xi32, #tpu.memory_space<vmem>>, vector<16xi32>, vector<16xi1>
        %add3A_528 = arith.addi %add3A_520, %all_reduce_population_count3A_235 : vector<16xi32>
        %slice3A_529 = vector.extract_strided_slice %add3A_528 {offsets = [0], sizes = [1], strides = [1]} : vector<16xi32> to vector<1xi32>
        %squeeze3A_530 = vector.extract %slice3A_529[0] : i32 from vector<1xi32>
        %add3A_531 = arith.constant 576 : i32
        %add3A_532 = vector.broadcast %add3A_531 : i32 to vector<16xi32>
        %add3A_533 = arith.addi %iota3A, %add3A_532 : vector<16xi32>
        %swap3A_534 = arith.index_cast %squeeze3A_530 : i32 to index
        %swap3A_535 = tpu.vector_load %arg18[%swap3A_534] masked %le3A_188 {strides = array<i32>} : memref<656xi32, #tpu.memory_space<vmem>>, vector<16xi32>, vector<16xi1>
        tpu.vector_store %arg18[%swap3A_534], %add3A_533 masked %le3A_188 {strides = array<i32>} : memref<656xi32, #tpu.memory_space<vmem>>, vector<16xi32>, vector<16xi1>
        %add3A_536 = arith.addi %add3A_528, %all_reduce_population_count3A_236 : vector<16xi32>
        %slice3A_537 = vector.extract_strided_slice %add3A_536 {offsets = [0], sizes = [1], strides = [1]} : vector<16xi32> to vector<1xi32>
        %squeeze3A_538 = vector.extract %slice3A_537[0] : i32 from vector<1xi32>
        %add3A_539 = arith.constant 592 : i32
        %add3A_540 = vector.broadcast %add3A_539 : i32 to vector<16xi32>
        %add3A_541 = arith.addi %iota3A, %add3A_540 : vector<16xi32>
        %swap3A_542 = arith.index_cast %squeeze3A_538 : i32 to index
        %swap3A_543 = tpu.vector_load %arg18[%swap3A_542] masked %le3A_192 {strides = array<i32>} : memref<656xi32, #tpu.memory_space<vmem>>, vector<16xi32>, vector<16xi1>
        tpu.vector_store %arg18[%swap3A_542], %add3A_541 masked %le3A_192 {strides = array<i32>} : memref<656xi32, #tpu.memory_space<vmem>>, vector<16xi32>, vector<16xi1>
        %add3A_544 = arith.addi %add3A_536, %all_reduce_population_count3A_237 : vector<16xi32>
        %slice3A_545 = vector.extract_strided_slice %add3A_544 {offsets = [0], sizes = [1], strides = [1]} : vector<16xi32> to vector<1xi32>
        %squeeze3A_546 = vector.extract %slice3A_545[0] : i32 from vector<1xi32>
        %add3A_547 = arith.constant 608 : i32
        %add3A_548 = vector.broadcast %add3A_547 : i32 to vector<16xi32>
        %add3A_549 = arith.addi %iota3A, %add3A_548 : vector<16xi32>
        %swap3A_550 = arith.index_cast %squeeze3A_546 : i32 to index
        %swap3A_551 = tpu.vector_load %arg18[%swap3A_550] masked %le3A_196 {strides = array<i32>} : memref<656xi32, #tpu.memory_space<vmem>>, vector<16xi32>, vector<16xi1>
        tpu.vector_store %arg18[%swap3A_550], %add3A_549 masked %le3A_196 {strides = array<i32>} : memref<656xi32, #tpu.memory_space<vmem>>, vector<16xi32>, vector<16xi1>
        %add3A_552 = arith.addi %add3A_544, %all_reduce_population_count3A_238 : vector<16xi32>
        %slice3A_553 = vector.extract_strided_slice %add3A_552 {offsets = [0], sizes = [1], strides = [1]} : vector<16xi32> to vector<1xi32>
        %squeeze3A_554 = vector.extract %slice3A_553[0] : i32 from vector<1xi32>
        %add3A_555 = arith.constant 624 : i32
        %add3A_556 = vector.broadcast %add3A_555 : i32 to vector<16xi32>
        %add3A_557 = arith.addi %iota3A, %add3A_556 : vector<16xi32>
        %swap3A_558 = arith.index_cast %squeeze3A_554 : i32 to index
        %swap3A_559 = tpu.vector_load %arg18[%swap3A_558] masked %le3A_200 {strides = array<i32>} : memref<656xi32, #tpu.memory_space<vmem>>, vector<16xi32>, vector<16xi1>
        tpu.vector_store %arg18[%swap3A_558], %add3A_557 masked %le3A_200 {strides = array<i32>} : memref<656xi32, #tpu.memory_space<vmem>>, vector<16xi32>, vector<16xi1>
        %add3A_560 = arith.addi %add3A_552, %all_reduce_population_count3A_239 : vector<16xi32>
        %slice3A_561 = vector.extract_strided_slice %add3A_560 {offsets = [0], sizes = [1], strides = [1]} : vector<16xi32> to vector<1xi32>
        %squeeze3A_562 = vector.extract %slice3A_561[0] : i32 from vector<1xi32>
        %get3A_563 = arith.index_cast %add3A_36 : i32 to index
        %get3A_564 = tpu.vector_load %arg13[%get3A_563] {strides = array<i32>} : memref<80xf32, #tpu.memory_space<vmem>>, vector<16xf32>,
        %slice3A_565 = vector.extract_strided_slice %get3A_564 {offsets = [0], sizes = [1], strides = [1]} : vector<16xf32> to vector<1xf32>
        %squeeze3A_566 = vector.extract %slice3A_565[0] : f32 from vector<1xf32>
        %broadcast_in_dim3A_567 = vector.broadcast %squeeze3A_566 : f32 to vector<16xf32>
        %get3A_568 = arith.index_cast %add3A_36 : i32 to index
        %get3A_569 = tpu.vector_load %arg14[%get3A_568] {strides = array<i32>} : memref<80xf32, #tpu.memory_space<vmem>>, vector<16xf32>,
        %slice3A_570 = vector.extract_strided_slice %get3A_569 {offsets = [0], sizes = [1], strides = [1]} : vector<16xf32> to vector<1xf32>
        %squeeze3A_571 = vector.extract %slice3A_570[0] : f32 from vector<1xf32>
        %broadcast_in_dim3A_572 = vector.broadcast %squeeze3A_571 : f32 to vector<16xf32>
        %get3A_573 = arith.index_cast %add3A_36 : i32 to index
        %get3A_574 = tpu.vector_load %arg15[%get3A_573] {strides = array<i32>} : memref<80xf32, #tpu.memory_space<vmem>>, vector<16xf32>,
        %slice3A_575 = vector.extract_strided_slice %get3A_574 {offsets = [0], sizes = [1], strides = [1]} : vector<16xf32> to vector<1xf32>
        %squeeze3A_576 = vector.extract %slice3A_575[0] : f32 from vector<1xf32>
        %broadcast_in_dim3A_577 = vector.broadcast %squeeze3A_576 : f32 to vector<16xf32>
        %add3A_578 = arith.constant 1 : i32
        %add3A_579 = arith.addi %squeeze3A_562, %add3A_578 : i32
        %jit3A = arith.constant 2 : i32
        %div3A = arith.divsi %add3A_579, %jit3A : i32
        %sign3A = arith.constant 0 : i32
        %sign3A_580 = arith.cmpi sgt, %add3A_579, %sign3A : i32
        %sign3A_581 = arith.extui %sign3A_580 : i1 to i32
        %sign3A_582 = arith.constant 0 : i32
        %sign3A_583 = arith.cmpi slt, %add3A_579, %sign3A_582 : i32
        %sign3A_584 = arith.extui %sign3A_583 : i1 to i32
        %sign3A_585 = arith.subi %sign3A_581, %sign3A_584 : i32
        %sign3A_586 = arith.constant 0 : i32
        %sign3A_587 = arith.cmpi sgt, %jit3A, %sign3A_586 : i32
        %sign3A_588 = arith.extui %sign3A_587 : i1 to i32
        %sign3A_589 = arith.constant 0 : i32
        %sign3A_590 = arith.cmpi slt, %jit3A, %sign3A_589 : i32
        %sign3A_591 = arith.extui %sign3A_590 : i1 to i32
        %sign3A_592 = arith.subi %sign3A_588, %sign3A_591 : i32
        %ne3A = arith.cmpi ne, %sign3A_585, %sign3A_592 : i32
        %rem3A = arith.remsi %add3A_579, %jit3A : i32
        %ne3A_593 = arith.constant 0 : i32
        %ne3A_594 = arith.cmpi ne, %rem3A, %ne3A_593 : i32
        %and3A = arith.andi %ne3A, %ne3A_594 : i1
        %sub3A = arith.constant 1 : i32
        %sub3A_595 = arith.subi %div3A, %sub3A : i32
        %select_n3A = arith.select %and3A, %sub3A_595, %div3A : i32
        %broadcast_in_dim3A_596 = arith.constant 0 : i32
        %broadcast_in_dim3A_597 = vector.broadcast %broadcast_in_dim3A_596 : i32 to vector<16xi32>
        %while3A = arith.constant 0 : i32
        %while3A_598 = arith.subi %select_n3A, %while3A : i32
        %while3A_599 = arith.addi %while3A, %while3A_598 : i32
        %while3A_600 = arith.constant 1 : i32
        %while3A_601 = arith.divsi %while3A_598, %while3A_600 : i32
        %while3A_602 = arith.muli %while3A_601, %while3A_600 : i32
        %while3A_603 = arith.addi %while3A, %while3A_602 : i32
        %while3A_604 = arith.constant 1 : i32
        %while3A_605 = scf.for %while3A_678 = %while3A to %while3A_603 step %while3A_604 iter_args(%while3A_679 = %broadcast_in_dim3A_597) -> (vector<16xi32>)  : i32 {
          %mul3A_680 = arith.constant 2 : i32
          %mul3A_681 = arith.muli %mul3A_680, %while3A_678 : i32
          %get3A_682 = arith.index_cast %mul3A_681 : i32 to index
          %get3A_683 = tpu.vector_load %arg18[%get3A_682] {strides = array<i32>} : memref<656xi32, #tpu.memory_space<vmem>>, vector<16xi32>,
          %slice3A_684 = vector.extract_strided_slice %get3A_683 {offsets = [0], sizes = [1], strides = [1]} : vector<16xi32> to vector<1xi32>
          %squeeze3A_685 = vector.extract %slice3A_684[0] : i32 from vector<1xi32>
          %jit3A_686 = arith.constant 0 : i32
          %jit3A_687 = arith.constant 639 : i32
          %max3A = arith.maxsi %jit3A_686, %squeeze3A_685 : i32
          %min3A = arith.minsi %jit3A_687, %max3A : i32
          %slice3A_688 = vector.extract_strided_slice %get3A_683 {offsets = [1], sizes = [1], strides = [1]} : vector<16xi32> to vector<1xi32>
          %squeeze3A_689 = vector.extract %slice3A_688[0] : i32 from vector<1xi32>
          %jit3A_690 = arith.constant 0 : i32
          %jit3A_691 = arith.constant 639 : i32
          %max3A_692 = arith.maxsi %jit3A_690, %squeeze3A_689 : i32
          %min3A_693 = arith.minsi %jit3A_691, %max3A_692 : i32
          %add3A_694 = vector.broadcast %min3A : i32 to vector<16xi32>
          %add3A_695 = arith.addi %mul3A_7, %add3A_694 : vector<16xi32>
          %add3A_696 = vector.broadcast %min3A_693 : i32 to vector<16xi32>
          %add3A_697 = arith.addi %mul3A_7, %add3A_696 : vector<16xi32>
          %gather3A_698 = tpu.vector_load_idx %arg10[%add3A_695] : memref<10240xf32, #tpu.memory_space<vmem>>[vector<16xi32>], vector<16xf32>,
          %gather3A_699 = tpu.vector_load_idx %arg10[%add3A_697] : memref<10240xf32, #tpu.memory_space<vmem>>[vector<16xi32>], vector<16xf32>,
          %gather3A_700 = tpu.vector_load_idx %arg11[%add3A_695] : memref<10240xf32, #tpu.memory_space<vmem>>[vector<16xi32>], vector<16xf32>,
          %gather3A_701 = tpu.vector_load_idx %arg11[%add3A_697] : memref<10240xf32, #tpu.memory_space<vmem>>[vector<16xi32>], vector<16xf32>,
          %gather3A_702 = tpu.vector_load_idx %arg12[%add3A_695] : memref<10240xf32, #tpu.memory_space<vmem>>[vector<16xi32>], vector<16xf32>,
          %gather3A_703 = tpu.vector_load_idx %arg12[%add3A_697] : memref<10240xf32, #tpu.memory_space<vmem>>[vector<16xi32>], vector<16xf32>,
          %sub3A_704 = arith.subf %broadcast_in_dim3A_567, %gather3A_698 : vector<16xf32>
          %sub3A_705 = arith.subf %broadcast_in_dim3A_572, %gather3A_700 : vector<16xf32>
          %sub3A_706 = arith.subf %broadcast_in_dim3A_577, %gather3A_702 : vector<16xf32>
          %sub3A_707 = arith.subf %broadcast_in_dim3A_567, %gather3A_699 : vector<16xf32>
          %sub3A_708 = arith.subf %broadcast_in_dim3A_572, %gather3A_701 : vector<16xf32>
          %sub3A_709 = arith.subf %broadcast_in_dim3A_577, %gather3A_703 : vector<16xf32>
          %mul3A_710 = arith.mulf %sub3A_704, %sub3A_704 : vector<16xf32>
          %mul3A_711 = arith.mulf %sub3A_705, %sub3A_705 : vector<16xf32>
          %add3A_712 = arith.addf %mul3A_710, %mul3A_711 : vector<16xf32>
          %mul3A_713 = arith.mulf %sub3A_706, %sub3A_706 : vector<16xf32>
          %add3A_714 = arith.addf %add3A_712, %mul3A_713 : vector<16xf32>
          %mul3A_715 = arith.mulf %sub3A_707, %sub3A_707 : vector<16xf32>
          %mul3A_716 = arith.mulf %sub3A_708, %sub3A_708 : vector<16xf32>
          %add3A_717 = arith.addf %mul3A_715, %mul3A_716 : vector<16xf32>
          %mul3A_718 = arith.mulf %sub3A_709, %sub3A_709 : vector<16xf32>
          %add3A_719 = arith.addf %add3A_717, %mul3A_718 : vector<16xf32>
          %le3A_720 = arith.cmpf ole, %add3A_714, %broadcast_in_dim3A_41 : vector<16xf32>
          %le3A_721 = arith.cmpf ole, %add3A_719, %broadcast_in_dim3A_41 : vector<16xf32>
          %mul3A_722 = arith.constant 2 : i32
          %mul3A_723 = arith.muli %mul3A_722, %while3A_678 : i32
          %add3A_724 = arith.constant 1 : i32
          %add3A_725 = arith.addi %mul3A_723, %add3A_724 : i32
          %broadcast_in_dim3A_726 = vector.broadcast %squeeze3A_562 : i32 to vector<16xi32>
          %lt3A_727 = vector.broadcast %add3A_725 : i32 to vector<16xi32>
          %lt3A_728 = arith.cmpi slt, %lt3A_727, %broadcast_in_dim3A_726 : vector<16xi32>
          %and3A_729 = arith.andi %le3A_721, %lt3A_728 : vector<16xi1>
          %all_reduce_population_count3A_730 = tpu.all_reduce %le3A_720 {dim = 0 : i64, kind = #tpu.reduction_kind<sum>} : vector<16xi1> -> vector<16xi32>
          %all_reduce_population_count3A_731 = tpu.all_reduce %and3A_729 {dim = 0 : i64, kind = #tpu.reduction_kind<sum>} : vector<16xi1> -> vector<16xi32>
          %slice3A_732 = vector.extract_strided_slice %while3A_679 {offsets = [0], sizes = [1], strides = [1]} : vector<16xi32> to vector<1xi32>
          %squeeze3A_733 = vector.extract %slice3A_732[0] : i32 from vector<1xi32>
          %swap3A_734 = arith.index_cast %squeeze3A_733 : i32 to index
          %swap3A_735 = tpu.vector_load %arg19[%swap3A_734] masked %le3A_720 {strides = array<i32>} : memref<10256xf32, #tpu.memory_space<vmem>>, vector<16xf32>, vector<16xi1>
          tpu.vector_store %arg19[%swap3A_734], %add3A_714 masked %le3A_720 {strides = array<i32>} : memref<10256xf32, #tpu.memory_space<vmem>>, vector<16xf32>, vector<16xi1>
          %swap3A_736 = arith.index_cast %squeeze3A_733 : i32 to index
          %swap3A_737 = tpu.vector_load %arg20[%swap3A_736] masked %le3A_720 {strides = array<i32>} : memref<10256xi32, #tpu.memory_space<vmem>>, vector<16xi32>, vector<16xi1>
          tpu.vector_store %arg20[%swap3A_736], %add3A_695 masked %le3A_720 {strides = array<i32>} : memref<10256xi32, #tpu.memory_space<vmem>>, vector<16xi32>, vector<16xi1>
          %add3A_738 = arith.addi %while3A_679, %all_reduce_population_count3A_730 : vector<16xi32>
          %slice3A_739 = vector.extract_strided_slice %add3A_738 {offsets = [0], sizes = [1], strides = [1]} : vector<16xi32> to vector<1xi32>
          %squeeze3A_740 = vector.extract %slice3A_739[0] : i32 from vector<1xi32>
          %swap3A_741 = arith.index_cast %squeeze3A_740 : i32 to index
          %swap3A_742 = tpu.vector_load %arg19[%swap3A_741] masked %and3A_729 {strides = array<i32>} : memref<10256xf32, #tpu.memory_space<vmem>>, vector<16xf32>, vector<16xi1>
          tpu.vector_store %arg19[%swap3A_741], %add3A_719 masked %and3A_729 {strides = array<i32>} : memref<10256xf32, #tpu.memory_space<vmem>>, vector<16xf32>, vector<16xi1>
          %swap3A_743 = arith.index_cast %squeeze3A_740 : i32 to index
          %swap3A_744 = tpu.vector_load %arg20[%swap3A_743] masked %and3A_729 {strides = array<i32>} : memref<10256xi32, #tpu.memory_space<vmem>>, vector<16xi32>, vector<16xi1>
          tpu.vector_store %arg20[%swap3A_743], %add3A_697 masked %and3A_729 {strides = array<i32>} : memref<10256xi32, #tpu.memory_space<vmem>>, vector<16xi32>, vector<16xi1>
          %add3A_745 = arith.addi %add3A_738, %all_reduce_population_count3A_731 : vector<16xi32>
          scf.yield %add3A_745 : vector<16xi32>
        }
        %while3A_606 = arith.constant 1 : i32
        %while3A_607 = scf.for %while3A_678 = %while3A_603 to %while3A_599 step %while3A_606 iter_args(%while3A_679 = %while3A_605) -> (vector<16xi32>)  : i32 {
          %mul3A_680 = arith.constant 2 : i32
          %mul3A_681 = arith.muli %mul3A_680, %while3A_678 : i32
          %get3A_682 = arith.index_cast %mul3A_681 : i32 to index
          %get3A_683 = tpu.vector_load %arg18[%get3A_682] {strides = array<i32>} : memref<656xi32, #tpu.memory_space<vmem>>, vector<16xi32>,
          %slice3A_684 = vector.extract_strided_slice %get3A_683 {offsets = [0], sizes = [1], strides = [1]} : vector<16xi32> to vector<1xi32>
          %squeeze3A_685 = vector.extract %slice3A_684[0] : i32 from vector<1xi32>
          %jit3A_686 = arith.constant 0 : i32
          %jit3A_687 = arith.constant 639 : i32
          %max3A = arith.maxsi %jit3A_686, %squeeze3A_685 : i32
          %min3A = arith.minsi %jit3A_687, %max3A : i32
          %slice3A_688 = vector.extract_strided_slice %get3A_683 {offsets = [1], sizes = [1], strides = [1]} : vector<16xi32> to vector<1xi32>
          %squeeze3A_689 = vector.extract %slice3A_688[0] : i32 from vector<1xi32>
          %jit3A_690 = arith.constant 0 : i32
          %jit3A_691 = arith.constant 639 : i32
          %max3A_692 = arith.maxsi %jit3A_690, %squeeze3A_689 : i32
          %min3A_693 = arith.minsi %jit3A_691, %max3A_692 : i32
          %add3A_694 = vector.broadcast %min3A : i32 to vector<16xi32>
          %add3A_695 = arith.addi %mul3A_7, %add3A_694 : vector<16xi32>
          %add3A_696 = vector.broadcast %min3A_693 : i32 to vector<16xi32>
          %add3A_697 = arith.addi %mul3A_7, %add3A_696 : vector<16xi32>
          %gather3A_698 = tpu.vector_load_idx %arg10[%add3A_695] : memref<10240xf32, #tpu.memory_space<vmem>>[vector<16xi32>], vector<16xf32>,
          %gather3A_699 = tpu.vector_load_idx %arg10[%add3A_697] : memref<10240xf32, #tpu.memory_space<vmem>>[vector<16xi32>], vector<16xf32>,
          %gather3A_700 = tpu.vector_load_idx %arg11[%add3A_695] : memref<10240xf32, #tpu.memory_space<vmem>>[vector<16xi32>], vector<16xf32>,
          %gather3A_701 = tpu.vector_load_idx %arg11[%add3A_697] : memref<10240xf32, #tpu.memory_space<vmem>>[vector<16xi32>], vector<16xf32>,
          %gather3A_702 = tpu.vector_load_idx %arg12[%add3A_695] : memref<10240xf32, #tpu.memory_space<vmem>>[vector<16xi32>], vector<16xf32>,
          %gather3A_703 = tpu.vector_load_idx %arg12[%add3A_697] : memref<10240xf32, #tpu.memory_space<vmem>>[vector<16xi32>], vector<16xf32>,
          %sub3A_704 = arith.subf %broadcast_in_dim3A_567, %gather3A_698 : vector<16xf32>
          %sub3A_705 = arith.subf %broadcast_in_dim3A_572, %gather3A_700 : vector<16xf32>
          %sub3A_706 = arith.subf %broadcast_in_dim3A_577, %gather3A_702 : vector<16xf32>
          %sub3A_707 = arith.subf %broadcast_in_dim3A_567, %gather3A_699 : vector<16xf32>
          %sub3A_708 = arith.subf %broadcast_in_dim3A_572, %gather3A_701 : vector<16xf32>
          %sub3A_709 = arith.subf %broadcast_in_dim3A_577, %gather3A_703 : vector<16xf32>
          %mul3A_710 = arith.mulf %sub3A_704, %sub3A_704 : vector<16xf32>
          %mul3A_711 = arith.mulf %sub3A_705, %sub3A_705 : vector<16xf32>
          %add3A_712 = arith.addf %mul3A_710, %mul3A_711 : vector<16xf32>
          %mul3A_713 = arith.mulf %sub3A_706, %sub3A_706 : vector<16xf32>
          %add3A_714 = arith.addf %add3A_712, %mul3A_713 : vector<16xf32>
          %mul3A_715 = arith.mulf %sub3A_707, %sub3A_707 : vector<16xf32>
          %mul3A_716 = arith.mulf %sub3A_708, %sub3A_708 : vector<16xf32>
          %add3A_717 = arith.addf %mul3A_715, %mul3A_716 : vector<16xf32>
          %mul3A_718 = arith.mulf %sub3A_709, %sub3A_709 : vector<16xf32>
          %add3A_719 = arith.addf %add3A_717, %mul3A_718 : vector<16xf32>
          %le3A_720 = arith.cmpf ole, %add3A_714, %broadcast_in_dim3A_41 : vector<16xf32>
          %le3A_721 = arith.cmpf ole, %add3A_719, %broadcast_in_dim3A_41 : vector<16xf32>
          %mul3A_722 = arith.constant 2 : i32
          %mul3A_723 = arith.muli %mul3A_722, %while3A_678 : i32
          %add3A_724 = arith.constant 1 : i32
          %add3A_725 = arith.addi %mul3A_723, %add3A_724 : i32
          %broadcast_in_dim3A_726 = vector.broadcast %squeeze3A_562 : i32 to vector<16xi32>
          %lt3A_727 = vector.broadcast %add3A_725 : i32 to vector<16xi32>
          %lt3A_728 = arith.cmpi slt, %lt3A_727, %broadcast_in_dim3A_726 : vector<16xi32>
          %and3A_729 = arith.andi %le3A_721, %lt3A_728 : vector<16xi1>
          %all_reduce_population_count3A_730 = tpu.all_reduce %le3A_720 {dim = 0 : i64, kind = #tpu.reduction_kind<sum>} : vector<16xi1> -> vector<16xi32>
          %all_reduce_population_count3A_731 = tpu.all_reduce %and3A_729 {dim = 0 : i64, kind = #tpu.reduction_kind<sum>} : vector<16xi1> -> vector<16xi32>
          %slice3A_732 = vector.extract_strided_slice %while3A_679 {offsets = [0], sizes = [1], strides = [1]} : vector<16xi32> to vector<1xi32>
          %squeeze3A_733 = vector.extract %slice3A_732[0] : i32 from vector<1xi32>
          %swap3A_734 = arith.index_cast %squeeze3A_733 : i32 to index
          %swap3A_735 = tpu.vector_load %arg19[%swap3A_734] masked %le3A_720 {strides = array<i32>} : memref<10256xf32, #tpu.memory_space<vmem>>, vector<16xf32>, vector<16xi1>
          tpu.vector_store %arg19[%swap3A_734], %add3A_714 masked %le3A_720 {strides = array<i32>} : memref<10256xf32, #tpu.memory_space<vmem>>, vector<16xf32>, vector<16xi1>
          %swap3A_736 = arith.index_cast %squeeze3A_733 : i32 to index
          %swap3A_737 = tpu.vector_load %arg20[%swap3A_736] masked %le3A_720 {strides = array<i32>} : memref<10256xi32, #tpu.memory_space<vmem>>, vector<16xi32>, vector<16xi1>
          tpu.vector_store %arg20[%swap3A_736], %add3A_695 masked %le3A_720 {strides = array<i32>} : memref<10256xi32, #tpu.memory_space<vmem>>, vector<16xi32>, vector<16xi1>
          %add3A_738 = arith.addi %while3A_679, %all_reduce_population_count3A_730 : vector<16xi32>
          %slice3A_739 = vector.extract_strided_slice %add3A_738 {offsets = [0], sizes = [1], strides = [1]} : vector<16xi32> to vector<1xi32>
          %squeeze3A_740 = vector.extract %slice3A_739[0] : i32 from vector<1xi32>
          %swap3A_741 = arith.index_cast %squeeze3A_740 : i32 to index
          %swap3A_742 = tpu.vector_load %arg19[%swap3A_741] masked %and3A_729 {strides = array<i32>} : memref<10256xf32, #tpu.memory_space<vmem>>, vector<16xf32>, vector<16xi1>
          tpu.vector_store %arg19[%swap3A_741], %add3A_719 masked %and3A_729 {strides = array<i32>} : memref<10256xf32, #tpu.memory_space<vmem>>, vector<16xf32>, vector<16xi1>
          %swap3A_743 = arith.index_cast %squeeze3A_740 : i32 to index
          %swap3A_744 = tpu.vector_load %arg20[%swap3A_743] masked %and3A_729 {strides = array<i32>} : memref<10256xi32, #tpu.memory_space<vmem>>, vector<16xi32>, vector<16xi1>
          tpu.vector_store %arg20[%swap3A_743], %add3A_697 masked %and3A_729 {strides = array<i32>} : memref<10256xi32, #tpu.memory_space<vmem>>, vector<16xi32>, vector<16xi1>
          %add3A_745 = arith.addi %add3A_738, %all_reduce_population_count3A_731 : vector<16xi32>
          scf.yield %add3A_745 : vector<16xi32>
        }
        %slice3A_608 = vector.extract_strided_slice %while3A_607 {offsets = [0], sizes = [1], strides = [1]} : vector<16xi32> to vector<1xi32>
        %squeeze3A_609 = vector.extract %slice3A_608[0] : i32 from vector<1xi32>
        %add3A_610 = arith.constant 16 : i32
        %add3A_611 = arith.addi %squeeze3A_609, %add3A_610 : i32
        %sub3A_612 = arith.constant 1 : i32
        %sub3A_613 = arith.subi %add3A_611, %sub3A_612 : i32
        %jit3A_614 = arith.constant 16 : i32
        %div3A_615 = arith.divsi %sub3A_613, %jit3A_614 : i32
        %sign3A_616 = arith.constant 0 : i32
        %sign3A_617 = arith.cmpi sgt, %sub3A_613, %sign3A_616 : i32
        %sign3A_618 = arith.extui %sign3A_617 : i1 to i32
        %sign3A_619 = arith.constant 0 : i32
        %sign3A_620 = arith.cmpi slt, %sub3A_613, %sign3A_619 : i32
        %sign3A_621 = arith.extui %sign3A_620 : i1 to i32
        %sign3A_622 = arith.subi %sign3A_618, %sign3A_621 : i32
        %sign3A_623 = arith.constant 0 : i32
        %sign3A_624 = arith.cmpi sgt, %jit3A_614, %sign3A_623 : i32
        %sign3A_625 = arith.extui %sign3A_624 : i1 to i32
        %sign3A_626 = arith.constant 0 : i32
        %sign3A_627 = arith.cmpi slt, %jit3A_614, %sign3A_626 : i32
        %sign3A_628 = arith.extui %sign3A_627 : i1 to i32
        %sign3A_629 = arith.subi %sign3A_625, %sign3A_628 : i32
        %ne3A_630 = arith.cmpi ne, %sign3A_622, %sign3A_629 : i32
        %rem3A_631 = arith.remsi %sub3A_613, %jit3A_614 : i32
        %ne3A_632 = arith.constant 0 : i32
        %ne3A_633 = arith.cmpi ne, %rem3A_631, %ne3A_632 : i32
        %and3A_634 = arith.andi %ne3A_630, %ne3A_633 : i1
        %sub3A_635 = arith.constant 1 : i32
        %sub3A_636 = arith.subi %div3A_615, %sub3A_635 : i32
        %select_n3A_637 = arith.select %and3A_634, %sub3A_636, %div3A_615 : i32
        %broadcast_in_dim3A_638 = arith.constant 1.000000e+30 : f32
        %broadcast_in_dim3A_639 = vector.broadcast %broadcast_in_dim3A_638 : f32 to vector<16xf32>
        %broadcast_in_dim3A_640 = arith.constant 0 : i32
        %broadcast_in_dim3A_641 = vector.broadcast %broadcast_in_dim3A_640 : i32 to vector<16xi32>
        %while3A_642 = arith.constant 0 : i32
        %while3A_643 = arith.subi %select_n3A_637, %while3A_642 : i32
        %while3A_644 = arith.addi %while3A_642, %while3A_643 : i32
        %while3A_645 = arith.constant 1 : i32
        %while3A_646 = arith.divsi %while3A_643, %while3A_645 : i32
        %while3A_647 = arith.muli %while3A_646, %while3A_645 : i32
        %while3A_648 = arith.addi %while3A_642, %while3A_647 : i32
        %while3A_649 = arith.constant 1 : i32
        %while3A_650:2 = scf.for %while3A_678 = %while3A_642 to %while3A_648 step %while3A_649 iter_args(%while3A_679 = %broadcast_in_dim3A_639, %while3A_680 = %broadcast_in_dim3A_641) -> (vector<16xf32>, vector<16xi32>)  : i32 {
          %mul3A_681 = arith.constant 16 : i32
          %mul3A_682 = arith.muli %while3A_678, %mul3A_681 : i32
          %get3A_683 = arith.index_cast %mul3A_682 : i32 to index
          %get3A_684 = tpu.vector_load %arg19[%get3A_683] {strides = array<i32>} : memref<10256xf32, #tpu.memory_space<vmem>>, vector<16xf32>,
          %get3A_685 = arith.index_cast %mul3A_682 : i32 to index
          %get3A_686 = tpu.vector_load %arg20[%get3A_685] {strides = array<i32>} : memref<10256xi32, #tpu.memory_space<vmem>>, vector<16xi32>,
          %add3A_687 = vector.broadcast %mul3A_682 : i32 to vector<16xi32>
          %add3A_688 = arith.addi %iota3A, %add3A_687 : vector<16xi32>
          %broadcast_in_dim3A_689 = vector.broadcast %squeeze3A_609 : i32 to vector<16xi32>
          %lt3A_690 = arith.cmpi slt, %add3A_688, %broadcast_in_dim3A_689 : vector<16xi32>
          %jit3A_691 = arith.constant 1.000000e+30 : f32
          %broadcast_in_dim3A_692 = vector.broadcast %jit3A_691 : f32 to vector<16xf32>
          %select_n3A_693 = arith.select %lt3A_690, %get3A_684, %broadcast_in_dim3A_692 : vector<16xi1>, vector<16xf32>
          %iota3A_694 = tpu.iota {dimensions = array<i32: 0>} : vector<16xi32>
          %xor3A = arith.constant 1 : i32
          %xor3A_695 = vector.broadcast %xor3A : i32 to vector<16xi32>
          %xor3A_696 = arith.xori %iota3A_694, %xor3A_695 : vector<16xi32>
          %sub3A_697 = arith.constant 1 : i32
          %sub3A_698 = vector.broadcast %sub3A_697 : i32 to vector<16xi32>
          %sub3A_699 = arith.subi %iota3A_694, %sub3A_698 : vector<16xi32>
          %xor3A_700 = arith.constant 1 : i32
          %xor3A_701 = vector.broadcast %xor3A_700 : i32 to vector<16xi32>
          %xor3A_702 = arith.xori %sub3A_699, %xor3A_701 : vector<16xi32>
          %add3A_703 = arith.constant 1 : i32
          %add3A_704 = vector.broadcast %add3A_703 : i32 to vector<16xi32>
          %add3A_705 = arith.addi %xor3A_702, %add3A_704 : vector<16xi32>
          %jit3A_706 = arith.constant 0 : i32
          %jit3A_707 = arith.constant 15 : i32
          %max3A = vector.broadcast %jit3A_706 : i32 to vector<16xi32>
          %max3A_708 = arith.maxsi %max3A, %add3A_705 : vector<16xi32>
          %min3A = vector.broadcast %jit3A_707 : i32 to vector<16xi32>
          %min3A_709 = arith.minsi %min3A, %max3A_708 : vector<16xi32>
          %and3A_710 = arith.constant 1 : i32
          %and3A_711 = vector.broadcast %and3A_710 : i32 to vector<16xi32>
          %and3A_712 = arith.andi %iota3A_694, %and3A_711 : vector<16xi32>
          %eq3A = arith.constant 0 : i32
          %eq3A_713 = vector.broadcast %eq3A : i32 to vector<16xi32>
          %eq3A_714 = arith.cmpi eq, %and3A_712, %eq3A_713 : vector<16xi32>
          %and3A_715 = arith.constant 1 : i32
          %and3A_716 = vector.broadcast %and3A_715 : i32 to vector<16xi32>
          %and3A_717 = arith.andi %iota3A_694, %and3A_716 : vector<16xi32>
          %eq3A_718 = arith.constant 1 : i32
          %eq3A_719 = vector.broadcast %eq3A_718 : i32 to vector<16xi32>
          %eq3A_720 = arith.cmpi eq, %and3A_717, %eq3A_719 : vector<16xi32>
          %masked_sort3A = arith.constant dense<true> : vector<16xi1>
          %masked_sort3A_721, %masked_sort3A_722, %masked_sort3A_723 = tpu.sort %select_n3A_693, %get3A_686 masked %masked_sort3A : (vector<16xf32>, vector<16xi32>, vector<16xi1>) -> (vector<16xi1>, vector<16xf32>, vector<16xi32>)
          %swap3A_724 = arith.constant 0 : index
          %swap3A_725 = tpu.vector_load %arg21[%swap3A_724] {strides = array<i32>} : memref<16xf32, #tpu.memory_space<vmem>>, vector<16xf32>,
          tpu.vector_store %arg21[%swap3A_724], %masked_sort3A_722 {strides = array<i32>} : memref<16xf32, #tpu.memory_space<vmem>>, vector<16xf32>,
          %swap3A_726 = arith.constant 0 : index
          %swap3A_727 = tpu.vector_load %arg22[%swap3A_726] {strides = array<i32>} : memref<16xi32, #tpu.memory_space<vmem>>, vector<16xi32>,
          tpu.vector_store %arg22[%swap3A_726], %masked_sort3A_723 {strides = array<i32>} : memref<16xi32, #tpu.memory_space<vmem>>, vector<16xi32>,
          %gather3A_728 = tpu.vector_load_idx %arg21[%xor3A_696] : memref<16xf32, #tpu.memory_space<vmem>>[vector<16xi32>], vector<16xf32>,
          %gather3A_729 = tpu.vector_load_idx %arg22[%xor3A_696] : memref<16xi32, #tpu.memory_space<vmem>>[vector<16xi32>], vector<16xi32>,
          %lt3A_730 = arith.cmpf olt, %masked_sort3A_722, %gather3A_728 : vector<16xf32>
          %eq3A_731 = arith.cmpf oeq, %masked_sort3A_722, %gather3A_728 : vector<16xf32>
          %lt3A_732 = arith.cmpi slt, %masked_sort3A_723, %gather3A_729 : vector<16xi32>
          %and3A_733 = arith.andi %eq3A_731, %lt3A_732 : vector<16xi1>
          %or3A = arith.ori %lt3A_730, %and3A_733 : vector<16xi1>
          %eq3A_734 = arith.xori %or3A, %eq3A_714 : vector<16xi1>
          %eq3A_735 = arith.constant dense<true> : vector<16xi1>
          %eq3A_736 = arith.xori %eq3A_734, %eq3A_735 : vector<16xi1>
          %select_n3A_737 = arith.select %eq3A_736, %masked_sort3A_722, %gather3A_728 : vector<16xi1>, vector<16xf32>
          %select_n3A_738 = arith.select %eq3A_736, %masked_sort3A_723, %gather3A_729 : vector<16xi1>, vector<16xi32>
          %swap3A_739 = arith.constant 0 : index
          %swap3A_740 = tpu.vector_load %arg21[%swap3A_739] {strides = array<i32>} : memref<16xf32, #tpu.memory_space<vmem>>, vector<16xf32>,
          tpu.vector_store %arg21[%swap3A_739], %select_n3A_737 {strides = array<i32>} : memref<16xf32, #tpu.memory_space<vmem>>, vector<16xf32>,
          %swap3A_741 = arith.constant 0 : index
          %swap3A_742 = tpu.vector_load %arg22[%swap3A_741] {strides = array<i32>} : memref<16xi32, #tpu.memory_space<vmem>>, vector<16xi32>,
          tpu.vector_store %arg22[%swap3A_741], %select_n3A_738 {strides = array<i32>} : memref<16xi32, #tpu.memory_space<vmem>>, vector<16xi32>,
          %gather3A_743 = tpu.vector_load_idx %arg21[%min3A_709] : memref<16xf32, #tpu.memory_space<vmem>>[vector<16xi32>], vector<16xf32>,
          %gather3A_744 = tpu.vector_load_idx %arg22[%min3A_709] : memref<16xi32, #tpu.memory_space<vmem>>[vector<16xi32>], vector<16xi32>,
          %lt3A_745 = arith.cmpf olt, %select_n3A_737, %gather3A_743 : vector<16xf32>
          %eq3A_746 = arith.cmpf oeq, %select_n3A_737, %gather3A_743 : vector<16xf32>
          %lt3A_747 = arith.cmpi slt, %select_n3A_738, %gather3A_744 : vector<16xi32>
          %and3A_748 = arith.andi %eq3A_746, %lt3A_747 : vector<16xi1>
          %or3A_749 = arith.ori %lt3A_745, %and3A_748 : vector<16xi1>
          %eq3A_750 = arith.xori %or3A_749, %eq3A_720 : vector<16xi1>
          %eq3A_751 = arith.constant dense<true> : vector<16xi1>
          %eq3A_752 = arith.xori %eq3A_750, %eq3A_751 : vector<16xi1>
          %select_n3A_753 = arith.select %eq3A_752, %select_n3A_737, %gather3A_743 : vector<16xi1>, vector<16xf32>
          %select_n3A_754 = arith.select %eq3A_752, %select_n3A_738, %gather3A_744 : vector<16xi1>, vector<16xi32>
          %eq3A_755 = arith.constant 0 : i32
          %eq3A_756 = arith.cmpi eq, %while3A_678, %eq3A_755 : i32
          %convert_element_type3A = arith.extui %eq3A_756 : i1 to i32
          %cond3A = arith.constant 0 : i32
          %cond3A_757 = arith.constant 0 : i32
          %cond3A_758 = arith.cmpi ne, %convert_element_type3A, %cond3A_757 : i32
          %cond3A_759:2 = scf.if %cond3A_758 -> (vector<16xf32>, vector<16xi32>) {
            scf.yield %select_n3A_753, %select_n3A_754 : vector<16xf32>, vector<16xi32>
          } else {
            %rev3A = arith.constant 15 : i32
            %rev3A_760 = vector.broadcast %rev3A : i32 to vector<16xi32>
            %rev3A_761 = tpu.iota {dimensions = array<i32: 0>} : vector<16xi32>
            %rev3A_762 = arith.subi %rev3A_760, %rev3A_761 : vector<16xi32>
            %rev3A_763 = tpu.dynamic_gather %select_n3A_753[%rev3A_762] in [0] : vector<16xf32>, vector<16xi32> -> vector<16xf32>
            %rev3A_764 = arith.constant 15 : i32
            %rev3A_765 = vector.broadcast %rev3A_764 : i32 to vector<16xi32>
            %rev3A_766 = tpu.iota {dimensions = array<i32: 0>} : vector<16xi32>
            %rev3A_767 = arith.subi %rev3A_765, %rev3A_766 : vector<16xi32>
            %rev3A_768 = tpu.dynamic_gather %select_n3A_754[%rev3A_767] in [0] : vector<16xi32>, vector<16xi32> -> vector<16xi32>
            %lt3A_769 = arith.cmpf olt, %rev3A_763, %while3A_679 : vector<16xf32>
            %eq3A_770 = arith.cmpf oeq, %rev3A_763, %while3A_679 : vector<16xf32>
            %lt3A_771 = arith.cmpi slt, %rev3A_768, %while3A_680 : vector<16xi32>
            %and3A_772 = arith.andi %eq3A_770, %lt3A_771 : vector<16xi1>
            %or3A_773 = arith.ori %lt3A_769, %and3A_772 : vector<16xi1>
            %select_n3A_774 = arith.select %or3A_773, %rev3A_763, %while3A_679 : vector<16xi1>, vector<16xf32>
            %select_n3A_775 = arith.select %or3A_773, %rev3A_768, %while3A_680 : vector<16xi1>, vector<16xi32>
            %iota3A_776 = tpu.iota {dimensions = array<i32: 0>} : vector<16xi32>
            %xor3A_777 = arith.constant 1 : i32
            %xor3A_778 = vector.broadcast %xor3A_777 : i32 to vector<16xi32>
            %xor3A_779 = arith.xori %iota3A_776, %xor3A_778 : vector<16xi32>
            %sub3A_780 = arith.constant 1 : i32
            %sub3A_781 = vector.broadcast %sub3A_780 : i32 to vector<16xi32>
            %sub3A_782 = arith.subi %iota3A_776, %sub3A_781 : vector<16xi32>
            %xor3A_783 = arith.constant 1 : i32
            %xor3A_784 = vector.broadcast %xor3A_783 : i32 to vector<16xi32>
            %xor3A_785 = arith.xori %sub3A_782, %xor3A_784 : vector<16xi32>
            %add3A_786 = arith.constant 1 : i32
            %add3A_787 = vector.broadcast %add3A_786 : i32 to vector<16xi32>
            %add3A_788 = arith.addi %xor3A_785, %add3A_787 : vector<16xi32>
            %jit3A_789 = arith.constant 0 : i32
            %jit3A_790 = arith.constant 15 : i32
            %max3A_791 = vector.broadcast %jit3A_789 : i32 to vector<16xi32>
            %max3A_792 = arith.maxsi %max3A_791, %add3A_788 : vector<16xi32>
            %min3A_793 = vector.broadcast %jit3A_790 : i32 to vector<16xi32>
            %min3A_794 = arith.minsi %min3A_793, %max3A_792 : vector<16xi32>
            %and3A_795 = arith.constant 1 : i32
            %and3A_796 = vector.broadcast %and3A_795 : i32 to vector<16xi32>
            %and3A_797 = arith.andi %iota3A_776, %and3A_796 : vector<16xi32>
            %eq3A_798 = arith.constant 0 : i32
            %eq3A_799 = vector.broadcast %eq3A_798 : i32 to vector<16xi32>
            %eq3A_800 = arith.cmpi eq, %and3A_797, %eq3A_799 : vector<16xi32>
            %and3A_801 = arith.constant 1 : i32
            %and3A_802 = vector.broadcast %and3A_801 : i32 to vector<16xi32>
            %and3A_803 = arith.andi %iota3A_776, %and3A_802 : vector<16xi32>
            %eq3A_804 = arith.constant 1 : i32
            %eq3A_805 = vector.broadcast %eq3A_804 : i32 to vector<16xi32>
            %eq3A_806 = arith.cmpi eq, %and3A_803, %eq3A_805 : vector<16xi32>
            %masked_sort3A_807 = arith.constant dense<true> : vector<16xi1>
            %masked_sort3A_808, %masked_sort3A_809, %masked_sort3A_810 = tpu.sort %select_n3A_774, %select_n3A_775 masked %masked_sort3A_807 : (vector<16xf32>, vector<16xi32>, vector<16xi1>) -> (vector<16xi1>, vector<16xf32>, vector<16xi32>)
            %swap3A_811 = arith.constant 0 : index
            %swap3A_812 = tpu.vector_load %arg21[%swap3A_811] {strides = array<i32>} : memref<16xf32, #tpu.memory_space<vmem>>, vector<16xf32>,
            tpu.vector_store %arg21[%swap3A_811], %masked_sort3A_809 {strides = array<i32>} : memref<16xf32, #tpu.memory_space<vmem>>, vector<16xf32>,
            %swap3A_813 = arith.constant 0 : index
            %swap3A_814 = tpu.vector_load %arg22[%swap3A_813] {strides = array<i32>} : memref<16xi32, #tpu.memory_space<vmem>>, vector<16xi32>,
            tpu.vector_store %arg22[%swap3A_813], %masked_sort3A_810 {strides = array<i32>} : memref<16xi32, #tpu.memory_space<vmem>>, vector<16xi32>,
            %gather3A_815 = tpu.vector_load_idx %arg21[%xor3A_779] : memref<16xf32, #tpu.memory_space<vmem>>[vector<16xi32>], vector<16xf32>,
            %gather3A_816 = tpu.vector_load_idx %arg22[%xor3A_779] : memref<16xi32, #tpu.memory_space<vmem>>[vector<16xi32>], vector<16xi32>,
            %lt3A_817 = arith.cmpf olt, %masked_sort3A_809, %gather3A_815 : vector<16xf32>
            %eq3A_818 = arith.cmpf oeq, %masked_sort3A_809, %gather3A_815 : vector<16xf32>
            %lt3A_819 = arith.cmpi slt, %masked_sort3A_810, %gather3A_816 : vector<16xi32>
            %and3A_820 = arith.andi %eq3A_818, %lt3A_819 : vector<16xi1>
            %or3A_821 = arith.ori %lt3A_817, %and3A_820 : vector<16xi1>
            %eq3A_822 = arith.xori %or3A_821, %eq3A_800 : vector<16xi1>
            %eq3A_823 = arith.constant dense<true> : vector<16xi1>
            %eq3A_824 = arith.xori %eq3A_822, %eq3A_823 : vector<16xi1>
            %select_n3A_825 = arith.select %eq3A_824, %masked_sort3A_809, %gather3A_815 : vector<16xi1>, vector<16xf32>
            %select_n3A_826 = arith.select %eq3A_824, %masked_sort3A_810, %gather3A_816 : vector<16xi1>, vector<16xi32>
            %swap3A_827 = arith.constant 0 : index
            %swap3A_828 = tpu.vector_load %arg21[%swap3A_827] {strides = array<i32>} : memref<16xf32, #tpu.memory_space<vmem>>, vector<16xf32>,
            tpu.vector_store %arg21[%swap3A_827], %select_n3A_825 {strides = array<i32>} : memref<16xf32, #tpu.memory_space<vmem>>, vector<16xf32>,
            %swap3A_829 = arith.constant 0 : index
            %swap3A_830 = tpu.vector_load %arg22[%swap3A_829] {strides = array<i32>} : memref<16xi32, #tpu.memory_space<vmem>>, vector<16xi32>,
            tpu.vector_store %arg22[%swap3A_829], %select_n3A_826 {strides = array<i32>} : memref<16xi32, #tpu.memory_space<vmem>>, vector<16xi32>,
            %gather3A_831 = tpu.vector_load_idx %arg21[%min3A_794] : memref<16xf32, #tpu.memory_space<vmem>>[vector<16xi32>], vector<16xf32>,
            %gather3A_832 = tpu.vector_load_idx %arg22[%min3A_794] : memref<16xi32, #tpu.memory_space<vmem>>[vector<16xi32>], vector<16xi32>,
            %lt3A_833 = arith.cmpf olt, %select_n3A_825, %gather3A_831 : vector<16xf32>
            %eq3A_834 = arith.cmpf oeq, %select_n3A_825, %gather3A_831 : vector<16xf32>
            %lt3A_835 = arith.cmpi slt, %select_n3A_826, %gather3A_832 : vector<16xi32>
            %and3A_836 = arith.andi %eq3A_834, %lt3A_835 : vector<16xi1>
            %or3A_837 = arith.ori %lt3A_833, %and3A_836 : vector<16xi1>
            %eq3A_838 = arith.xori %or3A_837, %eq3A_806 : vector<16xi1>
            %eq3A_839 = arith.constant dense<true> : vector<16xi1>
            %eq3A_840 = arith.xori %eq3A_838, %eq3A_839 : vector<16xi1>
            %select_n3A_841 = arith.select %eq3A_840, %select_n3A_825, %gather3A_831 : vector<16xi1>, vector<16xf32>
            %select_n3A_842 = arith.select %eq3A_840, %select_n3A_826, %gather3A_832 : vector<16xi1>, vector<16xi32>
            scf.yield %select_n3A_841, %select_n3A_842 : vector<16xf32>, vector<16xi32>
          }
          scf.yield %cond3A_759#0, %cond3A_759#1 : vector<16xf32>, vector<16xi32>
        }
        %while3A_651 = arith.constant 1 : i32
        %while3A_652:2 = scf.for %while3A_678 = %while3A_648 to %while3A_644 step %while3A_651 iter_args(%while3A_679 = %while3A_650#0, %while3A_680 = %while3A_650#1) -> (vector<16xf32>, vector<16xi32>)  : i32 {
          %mul3A_681 = arith.constant 16 : i32
          %mul3A_682 = arith.muli %while3A_678, %mul3A_681 : i32
          %get3A_683 = arith.index_cast %mul3A_682 : i32 to index
          %get3A_684 = tpu.vector_load %arg19[%get3A_683] {strides = array<i32>} : memref<10256xf32, #tpu.memory_space<vmem>>, vector<16xf32>,
          %get3A_685 = arith.index_cast %mul3A_682 : i32 to index
          %get3A_686 = tpu.vector_load %arg20[%get3A_685] {strides = array<i32>} : memref<10256xi32, #tpu.memory_space<vmem>>, vector<16xi32>,
          %add3A_687 = vector.broadcast %mul3A_682 : i32 to vector<16xi32>
          %add3A_688 = arith.addi %iota3A, %add3A_687 : vector<16xi32>
          %broadcast_in_dim3A_689 = vector.broadcast %squeeze3A_609 : i32 to vector<16xi32>
          %lt3A_690 = arith.cmpi slt, %add3A_688, %broadcast_in_dim3A_689 : vector<16xi32>
          %jit3A_691 = arith.constant 1.000000e+30 : f32
          %broadcast_in_dim3A_692 = vector.broadcast %jit3A_691 : f32 to vector<16xf32>
          %select_n3A_693 = arith.select %lt3A_690, %get3A_684, %broadcast_in_dim3A_692 : vector<16xi1>, vector<16xf32>
          %iota3A_694 = tpu.iota {dimensions = array<i32: 0>} : vector<16xi32>
          %xor3A = arith.constant 1 : i32
          %xor3A_695 = vector.broadcast %xor3A : i32 to vector<16xi32>
          %xor3A_696 = arith.xori %iota3A_694, %xor3A_695 : vector<16xi32>
          %sub3A_697 = arith.constant 1 : i32
          %sub3A_698 = vector.broadcast %sub3A_697 : i32 to vector<16xi32>
          %sub3A_699 = arith.subi %iota3A_694, %sub3A_698 : vector<16xi32>
          %xor3A_700 = arith.constant 1 : i32
          %xor3A_701 = vector.broadcast %xor3A_700 : i32 to vector<16xi32>
          %xor3A_702 = arith.xori %sub3A_699, %xor3A_701 : vector<16xi32>
          %add3A_703 = arith.constant 1 : i32
          %add3A_704 = vector.broadcast %add3A_703 : i32 to vector<16xi32>
          %add3A_705 = arith.addi %xor3A_702, %add3A_704 : vector<16xi32>
          %jit3A_706 = arith.constant 0 : i32
          %jit3A_707 = arith.constant 15 : i32
          %max3A = vector.broadcast %jit3A_706 : i32 to vector<16xi32>
          %max3A_708 = arith.maxsi %max3A, %add3A_705 : vector<16xi32>
          %min3A = vector.broadcast %jit3A_707 : i32 to vector<16xi32>
          %min3A_709 = arith.minsi %min3A, %max3A_708 : vector<16xi32>
          %and3A_710 = arith.constant 1 : i32
          %and3A_711 = vector.broadcast %and3A_710 : i32 to vector<16xi32>
          %and3A_712 = arith.andi %iota3A_694, %and3A_711 : vector<16xi32>
          %eq3A = arith.constant 0 : i32
          %eq3A_713 = vector.broadcast %eq3A : i32 to vector<16xi32>
          %eq3A_714 = arith.cmpi eq, %and3A_712, %eq3A_713 : vector<16xi32>
          %and3A_715 = arith.constant 1 : i32
          %and3A_716 = vector.broadcast %and3A_715 : i32 to vector<16xi32>
          %and3A_717 = arith.andi %iota3A_694, %and3A_716 : vector<16xi32>
          %eq3A_718 = arith.constant 1 : i32
          %eq3A_719 = vector.broadcast %eq3A_718 : i32 to vector<16xi32>
          %eq3A_720 = arith.cmpi eq, %and3A_717, %eq3A_719 : vector<16xi32>
          %masked_sort3A = arith.constant dense<true> : vector<16xi1>
          %masked_sort3A_721, %masked_sort3A_722, %masked_sort3A_723 = tpu.sort %select_n3A_693, %get3A_686 masked %masked_sort3A : (vector<16xf32>, vector<16xi32>, vector<16xi1>) -> (vector<16xi1>, vector<16xf32>, vector<16xi32>)
          %swap3A_724 = arith.constant 0 : index
          %swap3A_725 = tpu.vector_load %arg21[%swap3A_724] {strides = array<i32>} : memref<16xf32, #tpu.memory_space<vmem>>, vector<16xf32>,
          tpu.vector_store %arg21[%swap3A_724], %masked_sort3A_722 {strides = array<i32>} : memref<16xf32, #tpu.memory_space<vmem>>, vector<16xf32>,
          %swap3A_726 = arith.constant 0 : index
          %swap3A_727 = tpu.vector_load %arg22[%swap3A_726] {strides = array<i32>} : memref<16xi32, #tpu.memory_space<vmem>>, vector<16xi32>,
          tpu.vector_store %arg22[%swap3A_726], %masked_sort3A_723 {strides = array<i32>} : memref<16xi32, #tpu.memory_space<vmem>>, vector<16xi32>,
          %gather3A_728 = tpu.vector_load_idx %arg21[%xor3A_696] : memref<16xf32, #tpu.memory_space<vmem>>[vector<16xi32>], vector<16xf32>,
          %gather3A_729 = tpu.vector_load_idx %arg22[%xor3A_696] : memref<16xi32, #tpu.memory_space<vmem>>[vector<16xi32>], vector<16xi32>,
          %lt3A_730 = arith.cmpf olt, %masked_sort3A_722, %gather3A_728 : vector<16xf32>
          %eq3A_731 = arith.cmpf oeq, %masked_sort3A_722, %gather3A_728 : vector<16xf32>
          %lt3A_732 = arith.cmpi slt, %masked_sort3A_723, %gather3A_729 : vector<16xi32>
          %and3A_733 = arith.andi %eq3A_731, %lt3A_732 : vector<16xi1>
          %or3A = arith.ori %lt3A_730, %and3A_733 : vector<16xi1>
          %eq3A_734 = arith.xori %or3A, %eq3A_714 : vector<16xi1>
          %eq3A_735 = arith.constant dense<true> : vector<16xi1>
          %eq3A_736 = arith.xori %eq3A_734, %eq3A_735 : vector<16xi1>
          %select_n3A_737 = arith.select %eq3A_736, %masked_sort3A_722, %gather3A_728 : vector<16xi1>, vector<16xf32>
          %select_n3A_738 = arith.select %eq3A_736, %masked_sort3A_723, %gather3A_729 : vector<16xi1>, vector<16xi32>
          %swap3A_739 = arith.constant 0 : index
          %swap3A_740 = tpu.vector_load %arg21[%swap3A_739] {strides = array<i32>} : memref<16xf32, #tpu.memory_space<vmem>>, vector<16xf32>,
          tpu.vector_store %arg21[%swap3A_739], %select_n3A_737 {strides = array<i32>} : memref<16xf32, #tpu.memory_space<vmem>>, vector<16xf32>,
          %swap3A_741 = arith.constant 0 : index
          %swap3A_742 = tpu.vector_load %arg22[%swap3A_741] {strides = array<i32>} : memref<16xi32, #tpu.memory_space<vmem>>, vector<16xi32>,
          tpu.vector_store %arg22[%swap3A_741], %select_n3A_738 {strides = array<i32>} : memref<16xi32, #tpu.memory_space<vmem>>, vector<16xi32>,
          %gather3A_743 = tpu.vector_load_idx %arg21[%min3A_709] : memref<16xf32, #tpu.memory_space<vmem>>[vector<16xi32>], vector<16xf32>,
          %gather3A_744 = tpu.vector_load_idx %arg22[%min3A_709] : memref<16xi32, #tpu.memory_space<vmem>>[vector<16xi32>], vector<16xi32>,
          %lt3A_745 = arith.cmpf olt, %select_n3A_737, %gather3A_743 : vector<16xf32>
          %eq3A_746 = arith.cmpf oeq, %select_n3A_737, %gather3A_743 : vector<16xf32>
          %lt3A_747 = arith.cmpi slt, %select_n3A_738, %gather3A_744 : vector<16xi32>
          %and3A_748 = arith.andi %eq3A_746, %lt3A_747 : vector<16xi1>
          %or3A_749 = arith.ori %lt3A_745, %and3A_748 : vector<16xi1>
          %eq3A_750 = arith.xori %or3A_749, %eq3A_720 : vector<16xi1>
          %eq3A_751 = arith.constant dense<true> : vector<16xi1>
          %eq3A_752 = arith.xori %eq3A_750, %eq3A_751 : vector<16xi1>
          %select_n3A_753 = arith.select %eq3A_752, %select_n3A_737, %gather3A_743 : vector<16xi1>, vector<16xf32>
          %select_n3A_754 = arith.select %eq3A_752, %select_n3A_738, %gather3A_744 : vector<16xi1>, vector<16xi32>
          %eq3A_755 = arith.constant 0 : i32
          %eq3A_756 = arith.cmpi eq, %while3A_678, %eq3A_755 : i32
          %convert_element_type3A = arith.extui %eq3A_756 : i1 to i32
          %cond3A = arith.constant 0 : i32
          %cond3A_757 = arith.constant 0 : i32
          %cond3A_758 = arith.cmpi ne, %convert_element_type3A, %cond3A_757 : i32
          %cond3A_759:2 = scf.if %cond3A_758 -> (vector<16xf32>, vector<16xi32>) {
            scf.yield %select_n3A_753, %select_n3A_754 : vector<16xf32>, vector<16xi32>
          } else {
            %rev3A = arith.constant 15 : i32
            %rev3A_760 = vector.broadcast %rev3A : i32 to vector<16xi32>
            %rev3A_761 = tpu.iota {dimensions = array<i32: 0>} : vector<16xi32>
            %rev3A_762 = arith.subi %rev3A_760, %rev3A_761 : vector<16xi32>
            %rev3A_763 = tpu.dynamic_gather %select_n3A_753[%rev3A_762] in [0] : vector<16xf32>, vector<16xi32> -> vector<16xf32>
            %rev3A_764 = arith.constant 15 : i32
            %rev3A_765 = vector.broadcast %rev3A_764 : i32 to vector<16xi32>
            %rev3A_766 = tpu.iota {dimensions = array<i32: 0>} : vector<16xi32>
            %rev3A_767 = arith.subi %rev3A_765, %rev3A_766 : vector<16xi32>
            %rev3A_768 = tpu.dynamic_gather %select_n3A_754[%rev3A_767] in [0] : vector<16xi32>, vector<16xi32> -> vector<16xi32>
            %lt3A_769 = arith.cmpf olt, %rev3A_763, %while3A_679 : vector<16xf32>
            %eq3A_770 = arith.cmpf oeq, %rev3A_763, %while3A_679 : vector<16xf32>
            %lt3A_771 = arith.cmpi slt, %rev3A_768, %while3A_680 : vector<16xi32>
            %and3A_772 = arith.andi %eq3A_770, %lt3A_771 : vector<16xi1>
            %or3A_773 = arith.ori %lt3A_769, %and3A_772 : vector<16xi1>
            %select_n3A_774 = arith.select %or3A_773, %rev3A_763, %while3A_679 : vector<16xi1>, vector<16xf32>
            %select_n3A_775 = arith.select %or3A_773, %rev3A_768, %while3A_680 : vector<16xi1>, vector<16xi32>
            %iota3A_776 = tpu.iota {dimensions = array<i32: 0>} : vector<16xi32>
            %xor3A_777 = arith.constant 1 : i32
            %xor3A_778 = vector.broadcast %xor3A_777 : i32 to vector<16xi32>
            %xor3A_779 = arith.xori %iota3A_776, %xor3A_778 : vector<16xi32>
            %sub3A_780 = arith.constant 1 : i32
            %sub3A_781 = vector.broadcast %sub3A_780 : i32 to vector<16xi32>
            %sub3A_782 = arith.subi %iota3A_776, %sub3A_781 : vector<16xi32>
            %xor3A_783 = arith.constant 1 : i32
            %xor3A_784 = vector.broadcast %xor3A_783 : i32 to vector<16xi32>
            %xor3A_785 = arith.xori %sub3A_782, %xor3A_784 : vector<16xi32>
            %add3A_786 = arith.constant 1 : i32
            %add3A_787 = vector.broadcast %add3A_786 : i32 to vector<16xi32>
            %add3A_788 = arith.addi %xor3A_785, %add3A_787 : vector<16xi32>
            %jit3A_789 = arith.constant 0 : i32
            %jit3A_790 = arith.constant 15 : i32
            %max3A_791 = vector.broadcast %jit3A_789 : i32 to vector<16xi32>
            %max3A_792 = arith.maxsi %max3A_791, %add3A_788 : vector<16xi32>
            %min3A_793 = vector.broadcast %jit3A_790 : i32 to vector<16xi32>
            %min3A_794 = arith.minsi %min3A_793, %max3A_792 : vector<16xi32>
            %and3A_795 = arith.constant 1 : i32
            %and3A_796 = vector.broadcast %and3A_795 : i32 to vector<16xi32>
            %and3A_797 = arith.andi %iota3A_776, %and3A_796 : vector<16xi32>
            %eq3A_798 = arith.constant 0 : i32
            %eq3A_799 = vector.broadcast %eq3A_798 : i32 to vector<16xi32>
            %eq3A_800 = arith.cmpi eq, %and3A_797, %eq3A_799 : vector<16xi32>
            %and3A_801 = arith.constant 1 : i32
            %and3A_802 = vector.broadcast %and3A_801 : i32 to vector<16xi32>
            %and3A_803 = arith.andi %iota3A_776, %and3A_802 : vector<16xi32>
            %eq3A_804 = arith.constant 1 : i32
            %eq3A_805 = vector.broadcast %eq3A_804 : i32 to vector<16xi32>
            %eq3A_806 = arith.cmpi eq, %and3A_803, %eq3A_805 : vector<16xi32>
            %masked_sort3A_807 = arith.constant dense<true> : vector<16xi1>
            %masked_sort3A_808, %masked_sort3A_809, %masked_sort3A_810 = tpu.sort %select_n3A_774, %select_n3A_775 masked %masked_sort3A_807 : (vector<16xf32>, vector<16xi32>, vector<16xi1>) -> (vector<16xi1>, vector<16xf32>, vector<16xi32>)
            %swap3A_811 = arith.constant 0 : index
            %swap3A_812 = tpu.vector_load %arg21[%swap3A_811] {strides = array<i32>} : memref<16xf32, #tpu.memory_space<vmem>>, vector<16xf32>,
            tpu.vector_store %arg21[%swap3A_811], %masked_sort3A_809 {strides = array<i32>} : memref<16xf32, #tpu.memory_space<vmem>>, vector<16xf32>,
            %swap3A_813 = arith.constant 0 : index
            %swap3A_814 = tpu.vector_load %arg22[%swap3A_813] {strides = array<i32>} : memref<16xi32, #tpu.memory_space<vmem>>, vector<16xi32>,
            tpu.vector_store %arg22[%swap3A_813], %masked_sort3A_810 {strides = array<i32>} : memref<16xi32, #tpu.memory_space<vmem>>, vector<16xi32>,
            %gather3A_815 = tpu.vector_load_idx %arg21[%xor3A_779] : memref<16xf32, #tpu.memory_space<vmem>>[vector<16xi32>], vector<16xf32>,
            %gather3A_816 = tpu.vector_load_idx %arg22[%xor3A_779] : memref<16xi32, #tpu.memory_space<vmem>>[vector<16xi32>], vector<16xi32>,
            %lt3A_817 = arith.cmpf olt, %masked_sort3A_809, %gather3A_815 : vector<16xf32>
            %eq3A_818 = arith.cmpf oeq, %masked_sort3A_809, %gather3A_815 : vector<16xf32>
            %lt3A_819 = arith.cmpi slt, %masked_sort3A_810, %gather3A_816 : vector<16xi32>
            %and3A_820 = arith.andi %eq3A_818, %lt3A_819 : vector<16xi1>
            %or3A_821 = arith.ori %lt3A_817, %and3A_820 : vector<16xi1>
            %eq3A_822 = arith.xori %or3A_821, %eq3A_800 : vector<16xi1>
            %eq3A_823 = arith.constant dense<true> : vector<16xi1>
            %eq3A_824 = arith.xori %eq3A_822, %eq3A_823 : vector<16xi1>
            %select_n3A_825 = arith.select %eq3A_824, %masked_sort3A_809, %gather3A_815 : vector<16xi1>, vector<16xf32>
            %select_n3A_826 = arith.select %eq3A_824, %masked_sort3A_810, %gather3A_816 : vector<16xi1>, vector<16xi32>
            %swap3A_827 = arith.constant 0 : index
            %swap3A_828 = tpu.vector_load %arg21[%swap3A_827] {strides = array<i32>} : memref<16xf32, #tpu.memory_space<vmem>>, vector<16xf32>,
            tpu.vector_store %arg21[%swap3A_827], %select_n3A_825 {strides = array<i32>} : memref<16xf32, #tpu.memory_space<vmem>>, vector<16xf32>,
            %swap3A_829 = arith.constant 0 : index
            %swap3A_830 = tpu.vector_load %arg22[%swap3A_829] {strides = array<i32>} : memref<16xi32, #tpu.memory_space<vmem>>, vector<16xi32>,
            tpu.vector_store %arg22[%swap3A_829], %select_n3A_826 {strides = array<i32>} : memref<16xi32, #tpu.memory_space<vmem>>, vector<16xi32>,
            %gather3A_831 = tpu.vector_load_idx %arg21[%min3A_794] : memref<16xf32, #tpu.memory_space<vmem>>[vector<16xi32>], vector<16xf32>,
            %gather3A_832 = tpu.vector_load_idx %arg22[%min3A_794] : memref<16xi32, #tpu.memory_space<vmem>>[vector<16xi32>], vector<16xi32>,
            %lt3A_833 = arith.cmpf olt, %select_n3A_825, %gather3A_831 : vector<16xf32>
            %eq3A_834 = arith.cmpf oeq, %select_n3A_825, %gather3A_831 : vector<16xf32>
            %lt3A_835 = arith.cmpi slt, %select_n3A_826, %gather3A_832 : vector<16xi32>
            %and3A_836 = arith.andi %eq3A_834, %lt3A_835 : vector<16xi1>
            %or3A_837 = arith.ori %lt3A_833, %and3A_836 : vector<16xi1>
            %eq3A_838 = arith.xori %or3A_837, %eq3A_806 : vector<16xi1>
            %eq3A_839 = arith.constant dense<true> : vector<16xi1>
            %eq3A_840 = arith.xori %eq3A_838, %eq3A_839 : vector<16xi1>
            %select_n3A_841 = arith.select %eq3A_840, %select_n3A_825, %gather3A_831 : vector<16xi1>, vector<16xf32>
            %select_n3A_842 = arith.select %eq3A_840, %select_n3A_826, %gather3A_832 : vector<16xi1>, vector<16xi32>
            scf.yield %select_n3A_841, %select_n3A_842 : vector<16xf32>, vector<16xi32>
          }
          scf.yield %cond3A_759#0, %cond3A_759#1 : vector<16xf32>, vector<16xi32>
        }
        %le3A_653 = arith.cmpf ole, %while3A_652#0, %broadcast_in_dim3A_41 : vector<16xf32>
        %lt3A = arith.constant 10 : i32
        %lt3A_654 = vector.broadcast %lt3A : i32 to vector<16xi32>
        %lt3A_655 = arith.cmpi slt, %iota3A, %lt3A_654 : vector<16xi32>
        %and3A_656 = arith.andi %le3A_653, %lt3A_655 : vector<16xi1>
        %jit3A_657 = arith.constant 0 : i32
        %broadcast_in_dim3A_658 = vector.broadcast %jit3A_657 : i32 to vector<16xi32>
        %select_n3A_659 = arith.select %and3A_656, %while3A_652#1, %broadcast_in_dim3A_658 : vector<16xi1>, vector<16xi32>
        %gather3A = tpu.vector_load_idx %arg10[%select_n3A_659] : memref<10240xf32, #tpu.memory_space<vmem>>[vector<16xi32>], vector<16xf32>,
        %gather3A_660 = tpu.vector_load_idx %arg11[%select_n3A_659] : memref<10240xf32, #tpu.memory_space<vmem>>[vector<16xi32>], vector<16xf32>,
        %gather3A_661 = tpu.vector_load_idx %arg12[%select_n3A_659] : memref<10240xf32, #tpu.memory_space<vmem>>[vector<16xi32>], vector<16xf32>,
        %broadcast_in_dim3A_662 = arith.constant 0.000000e+00 : f32
        %broadcast_in_dim3A_663 = vector.broadcast %broadcast_in_dim3A_662 : f32 to vector<16xf32>
        %mul3A_664 = arith.constant 16 : i32
        %mul3A_665 = arith.muli %add3A_36, %mul3A_664 : i32
        %swap3A_666 = arith.index_cast %mul3A_665 : i32 to index
        %swap3A_667 = tpu.vector_load %arg23[%swap3A_666] {strides = array<i32>} : memref<1024xi32, #tpu.memory_space<vmem>>, vector<16xi32>,
        tpu.vector_store %arg23[%swap3A_666], %select_n3A_659 {strides = array<i32>} : memref<1024xi32, #tpu.memory_space<vmem>>, vector<16xi32>,
        %select_n3A_668 = arith.select %and3A_656, %gather3A, %broadcast_in_dim3A_663 : vector<16xi1>, vector<16xf32>
        %swap3A_669 = arith.index_cast %mul3A_665 : i32 to index
        %swap3A_670 = tpu.vector_load %arg24[%swap3A_669] {strides = array<i32>} : memref<1024xf32, #tpu.memory_space<vmem>>, vector<16xf32>,
        tpu.vector_store %arg24[%swap3A_669], %select_n3A_668 {strides = array<i32>} : memref<1024xf32, #tpu.memory_space<vmem>>, vector<16xf32>,
        %select_n3A_671 = arith.select %and3A_656, %gather3A_660, %broadcast_in_dim3A_663 : vector<16xi1>, vector<16xf32>
        %swap3A_672 = arith.index_cast %mul3A_665 : i32 to index
        %swap3A_673 = tpu.vector_load %arg25[%swap3A_672] {strides = array<i32>} : memref<1024xf32, #tpu.memory_space<vmem>>, vector<16xf32>,
        tpu.vector_store %arg25[%swap3A_672], %select_n3A_671 {strides = array<i32>} : memref<1024xf32, #tpu.memory_space<vmem>>, vector<16xf32>,
        %select_n3A_674 = arith.select %and3A_656, %gather3A_661, %broadcast_in_dim3A_663 : vector<16xi1>, vector<16xf32>
        %swap3A_675 = arith.index_cast %mul3A_665 : i32 to index
        %swap3A_676 = tpu.vector_load %arg26[%swap3A_675] {strides = array<i32>} : memref<1024xf32, #tpu.memory_space<vmem>>, vector<16xf32>,
        tpu.vector_store %arg26[%swap3A_675], %select_n3A_674 {strides = array<i32>} : memref<1024xf32, #tpu.memory_space<vmem>>, vector<16xf32>,
        %scan3A_677 = arith.constant 0 : i32
        scf.yield %scan3A_677 : i32
      }
      %scan3A_31 = arith.constant 16 : i32
      scf.yield %scan3A_30 : i32
    }
    %scan3A_17 = arith.constant 4 : i32
    %mul3A_18 = arith.constant 16 : i32
    %mul3A_19 = arith.muli %mul3A_2, %mul3A_18 : i32
    "tpu.region"() ({
      %run_scoped3A = tpu.sem_alloc : memref<!tpu.dma_semaphore, #tpu.memory_space<semaphore_mem>>
      %dma_start3A = tpu.memref_slice %arg6[%mul3A_19] : memref<32768xi32, #tpu.memory_space<hbm>> -> memref<1024xi32, #tpu.memory_space<hbm>>
      %dma_start3A_20 = tpu.memref_slice %arg6[%mul3A_19] : memref<32768xi32, #tpu.memory_space<hbm>> -> memref<1024xi32, #tpu.memory_space<hbm>>
      tpu.enqueue_dma source(%arg23 : memref<1024xi32, #tpu.memory_space<vmem>>) target(%dma_start3A_20 : memref<1024xi32, #tpu.memory_space<hbm>>) target_semaphore(%run_scoped3A : memref<!tpu.dma_semaphore, #tpu.memory_space<semaphore_mem>>)
      %dma_wait3A = tpu.memref_slice %arg6[%mul3A_19] : memref<32768xi32, #tpu.memory_space<hbm>> -> memref<1024xi32, #tpu.memory_space<hbm>>
      %dma_wait3A_21 = tpu.memref_slice %arg6[%mul3A_19] : memref<32768xi32, #tpu.memory_space<hbm>> -> memref<1024xi32, #tpu.memory_space<hbm>>
      tpu.wait_dma2 semaphore(%run_scoped3A : memref<!tpu.dma_semaphore, #tpu.memory_space<semaphore_mem>>) src(%arg23 : memref<1024xi32, #tpu.memory_space<vmem>>) dst(%dma_wait3A_21 : memref<1024xi32, #tpu.memory_space<hbm>>)
      tpu.yield
    }) : () -> ()
    "tpu.region"() ({
      %run_scoped3A = tpu.sem_alloc : memref<!tpu.dma_semaphore, #tpu.memory_space<semaphore_mem>>
      %dma_start3A = tpu.memref_slice %arg7[%mul3A_19] : memref<32768xf32, #tpu.memory_space<hbm>> -> memref<1024xf32, #tpu.memory_space<hbm>>
      %dma_start3A_20 = tpu.memref_slice %arg7[%mul3A_19] : memref<32768xf32, #tpu.memory_space<hbm>> -> memref<1024xf32, #tpu.memory_space<hbm>>
      tpu.enqueue_dma source(%arg24 : memref<1024xf32, #tpu.memory_space<vmem>>) target(%dma_start3A_20 : memref<1024xf32, #tpu.memory_space<hbm>>) target_semaphore(%run_scoped3A : memref<!tpu.dma_semaphore, #tpu.memory_space<semaphore_mem>>)
      %dma_wait3A = tpu.memref_slice %arg7[%mul3A_19] : memref<32768xf32, #tpu.memory_space<hbm>> -> memref<1024xf32, #tpu.memory_space<hbm>>
      %dma_wait3A_21 = tpu.memref_slice %arg7[%mul3A_19] : memref<32768xf32, #tpu.memory_space<hbm>> -> memref<1024xf32, #tpu.memory_space<hbm>>
      tpu.wait_dma2 semaphore(%run_scoped3A : memref<!tpu.dma_semaphore, #tpu.memory_space<semaphore_mem>>) src(%arg24 : memref<1024xf32, #tpu.memory_space<vmem>>) dst(%dma_wait3A_21 : memref<1024xf32, #tpu.memory_space<hbm>>)
      tpu.yield
    }) : () -> ()
    "tpu.region"() ({
      %run_scoped3A = tpu.sem_alloc : memref<!tpu.dma_semaphore, #tpu.memory_space<semaphore_mem>>
      %dma_start3A = tpu.memref_slice %arg8[%mul3A_19] : memref<32768xf32, #tpu.memory_space<hbm>> -> memref<1024xf32, #tpu.memory_space<hbm>>
      %dma_start3A_20 = tpu.memref_slice %arg8[%mul3A_19] : memref<32768xf32, #tpu.memory_space<hbm>> -> memref<1024xf32, #tpu.memory_space<hbm>>
      tpu.enqueue_dma source(%arg25 : memref<1024xf32, #tpu.memory_space<vmem>>) target(%dma_start3A_20 : memref<1024xf32, #tpu.memory_space<hbm>>) target_semaphore(%run_scoped3A : memref<!tpu.dma_semaphore, #tpu.memory_space<semaphore_mem>>)
      %dma_wait3A = tpu.memref_slice %arg8[%mul3A_19] : memref<32768xf32, #tpu.memory_space<hbm>> -> memref<1024xf32, #tpu.memory_space<hbm>>
      %dma_wait3A_21 = tpu.memref_slice %arg8[%mul3A_19] : memref<32768xf32, #tpu.memory_space<hbm>> -> memref<1024xf32, #tpu.memory_space<hbm>>
      tpu.wait_dma2 semaphore(%run_scoped3A : memref<!tpu.dma_semaphore, #tpu.memory_space<semaphore_mem>>) src(%arg25 : memref<1024xf32, #tpu.memory_space<vmem>>) dst(%dma_wait3A_21 : memref<1024xf32, #tpu.memory_space<hbm>>)
      tpu.yield
    }) : () -> ()
    "tpu.region"() ({
      %run_scoped3A = tpu.sem_alloc : memref<!tpu.dma_semaphore, #tpu.memory_space<semaphore_mem>>
      %dma_start3A = tpu.memref_slice %arg9[%mul3A_19] : memref<32768xf32, #tpu.memory_space<hbm>> -> memref<1024xf32, #tpu.memory_space<hbm>>
      %dma_start3A_20 = tpu.memref_slice %arg9[%mul3A_19] : memref<32768xf32, #tpu.memory_space<hbm>> -> memref<1024xf32, #tpu.memory_space<hbm>>
      tpu.enqueue_dma source(%arg26 : memref<1024xf32, #tpu.memory_space<vmem>>) target(%dma_start3A_20 : memref<1024xf32, #tpu.memory_space<hbm>>) target_semaphore(%run_scoped3A : memref<!tpu.dma_semaphore, #tpu.memory_space<semaphore_mem>>)
      %dma_wait3A = tpu.memref_slice %arg9[%mul3A_19] : memref<32768xf32, #tpu.memory_space<hbm>> -> memref<1024xf32, #tpu.memory_space<hbm>>
      %dma_wait3A_21 = tpu.memref_slice %arg9[%mul3A_19] : memref<32768xf32, #tpu.memory_space<hbm>> -> memref<1024xf32, #tpu.memory_space<hbm>>
      tpu.wait_dma2 semaphore(%run_scoped3A : memref<!tpu.dma_semaphore, #tpu.memory_space<semaphore_mem>>) src(%arg26 : memref<1024xf32, #tpu.memory_space<vmem>>) dst(%dma_wait3A_21 : memref<1024xf32, #tpu.memory_space<hbm>>)
      tpu.yield
    }) : () -> ()
    return
  }
}

#map = affine_map<(d0, d1) -> (0)>
#map1 = affine_map<(d0, d1) -> (0, 0)>
module attributes {stable_mosaic.version = 14 : i64} {
  func.func @select(%arg0: i32, %arg1: i32, %arg2: memref<30720xf32, #tpu.memory_space<hbm>>, %arg3: memref<12288xf32, #tpu.memory_space<hbm>>, %arg4: memref<2048x16xf32, #tpu.memory_space<hbm>>, %arg5: memref<2048x640xf32, #tpu.memory_space<hbm>>, %arg6: memref<32768xi32, #tpu.memory_space<hbm>>, %arg7: memref<32768xf32, #tpu.memory_space<hbm>>, %arg8: memref<32768xf32, #tpu.memory_space<hbm>>, %arg9: memref<32768xf32, #tpu.memory_space<hbm>>, %arg10: memref<10240xf32, #tpu.memory_space<vmem>>, %arg11: memref<10240xf32, #tpu.memory_space<vmem>>, %arg12: memref<10240xf32, #tpu.memory_space<vmem>>, %arg13: memref<80xf32, #tpu.memory_space<vmem>>, %arg14: memref<80xf32, #tpu.memory_space<vmem>>, %arg15: memref<80xf32, #tpu.memory_space<vmem>>, %arg16: memref<64x16xf32, #tpu.memory_space<vmem>>, %arg17: memref<16x640xf32, #tpu.memory_space<vmem>>, %arg18: memref<656xi32, #tpu.memory_space<vmem>>, %arg19: memref<10256xf32, #tpu.memory_space<vmem>>, %arg20: memref<10256xi32, #tpu.memory_space<vmem>>, %arg21: memref<16xf32, #tpu.memory_space<vmem>>, %arg22: memref<16xi32, #tpu.memory_space<vmem>>, %arg23: memref<1024xi32, #tpu.memory_space<vmem>>, %arg24: memref<1024xf32, #tpu.memory_space<vmem>>, %arg25: memref<1024xf32, #tpu.memory_space<vmem>>, %arg26: memref<1024xf32, #tpu.memory_space<vmem>>) attributes {dimension_semantics = [#tpu.dimension_semantics<core_parallel>, #tpu.dimension_semantics<subcore_parallel>], iteration_bounds = array<i64: 2, 16>, scalar_prefetch = 0 : i64, scratch_operands = 17 : i64, tpu.core_type = #tpu.core_type<sc_vector_subcore>, window_params = [{transform_indices = #map}, {transform_indices = #map}, {transform_indices = #map1}, {transform_indices = #map1}, {transform_indices = #map}, {transform_indices = #map}, {transform_indices = #map}, {transform_indices = #map}]} {
    %mul3A = arith.constant 2 : i32
    %mul3A_0 = arith.muli %arg1, %mul3A : i32
    %add3A = arith.addi %mul3A_0, %arg0 : i32
    %mul3A_1 = arith.constant 64 : i32
    %mul3A_2 = arith.muli %add3A, %mul3A_1 : i32
    %add3A_3 = arith.constant 2048 : i32
    %add3A_4 = arith.addi %add3A_3, %mul3A_2 : i32
    %iota3A = tpu.iota {dimensions = array<i32: 0>} : vector<16xi32>
    %mul3A_5 = arith.constant 640 : i32
    %mul3A_6 = vector.broadcast %mul3A_5 : i32 to vector<16xi32>
    %mul3A_7 = arith.muli %iota3A, %mul3A_6 : vector<16xi32>
    "tpu.region"() ({
      %run_scoped3A = tpu.sem_alloc : memref<!tpu.dma_semaphore, #tpu.memory_space<semaphore_mem>>
      %dma_start3A = arith.constant 0 : i32
      %dma_start3A_20 = tpu.memref_slice %arg2[%dma_start3A] : memref<30720xf32, #tpu.memory_space<hbm>> -> memref<10240xf32, #tpu.memory_space<hbm>>
      %dma_start3A_21 = arith.constant 0 : i32
      %dma_start3A_22 = tpu.memref_slice %arg2[%dma_start3A_21] : memref<30720xf32, #tpu.memory_space<hbm>> -> memref<10240xf32, #tpu.memory_space<hbm>>
      tpu.enqueue_dma source(%dma_start3A_22 : memref<10240xf32, #tpu.memory_space<hbm>>) target(%arg10 : memref<10240xf32, #tpu.memory_space<vmem>>) target_semaphore(%run_scoped3A : memref<!tpu.dma_semaphore, #tpu.memory_space<semaphore_mem>>)
      %dma_wait3A = arith.constant 0 : i32
      %dma_wait3A_23 = tpu.memref_slice %arg2[%dma_wait3A] : memref<30720xf32, #tpu.memory_space<hbm>> -> memref<10240xf32, #tpu.memory_space<hbm>>
      %dma_wait3A_24 = arith.constant 0 : i32
      %dma_wait3A_25 = tpu.memref_slice %arg2[%dma_wait3A_24] : memref<30720xf32, #tpu.memory_space<hbm>> -> memref<10240xf32, #tpu.memory_space<hbm>>
      tpu.wait_dma2 semaphore(%run_scoped3A : memref<!tpu.dma_semaphore, #tpu.memory_space<semaphore_mem>>) src(%dma_wait3A_25 : memref<10240xf32, #tpu.memory_space<hbm>>) dst(%arg10 : memref<10240xf32, #tpu.memory_space<vmem>>)
      tpu.yield
    }) : () -> ()
    "tpu.region"() ({
      %run_scoped3A = tpu.sem_alloc : memref<!tpu.dma_semaphore, #tpu.memory_space<semaphore_mem>>
      %dma_start3A = arith.constant 10240 : i32
      %dma_start3A_20 = tpu.memref_slice %arg2[%dma_start3A] : memref<30720xf32, #tpu.memory_space<hbm>> -> memref<10240xf32, #tpu.memory_space<hbm>>
      %dma_start3A_21 = arith.constant 10240 : i32
      %dma_start3A_22 = tpu.memref_slice %arg2[%dma_start3A_21] : memref<30720xf32, #tpu.memory_space<hbm>> -> memref<10240xf32, #tpu.memory_space<hbm>>
      tpu.enqueue_dma source(%dma_start3A_22 : memref<10240xf32, #tpu.memory_space<hbm>>) target(%arg11 : memref<10240xf32, #tpu.memory_space<vmem>>) target_semaphore(%run_scoped3A : memref<!tpu.dma_semaphore, #tpu.memory_space<semaphore_mem>>)
      %dma_wait3A = arith.constant 10240 : i32
      %dma_wait3A_23 = tpu.memref_slice %arg2[%dma_wait3A] : memref<30720xf32, #tpu.memory_space<hbm>> -> memref<10240xf32, #tpu.memory_space<hbm>>
      %dma_wait3A_24 = arith.constant 10240 : i32
      %dma_wait3A_25 = tpu.memref_slice %arg2[%dma_wait3A_24] : memref<30720xf32, #tpu.memory_space<hbm>> -> memref<10240xf32, #tpu.memory_space<hbm>>
      tpu.wait_dma2 semaphore(%run_scoped3A : memref<!tpu.dma_semaphore, #tpu.memory_space<semaphore_mem>>) src(%dma_wait3A_25 : memref<10240xf32, #tpu.memory_space<hbm>>) dst(%arg11 : memref<10240xf32, #tpu.memory_space<vmem>>)
      tpu.yield
    }) : () -> ()
    "tpu.region"() ({
      %run_scoped3A = tpu.sem_alloc : memref<!tpu.dma_semaphore, #tpu.memory_space<semaphore_mem>>
      %dma_start3A = arith.constant 20480 : i32
      %dma_start3A_20 = tpu.memref_slice %arg2[%dma_start3A] : memref<30720xf32, #tpu.memory_space<hbm>> -> memref<10240xf32, #tpu.memory_space<hbm>>
      %dma_start3A_21 = arith.constant 20480 : i32
      %dma_start3A_22 = tpu.memref_slice %arg2[%dma_start3A_21] : memref<30720xf32, #tpu.memory_space<hbm>> -> memref<10240xf32, #tpu.memory_space<hbm>>
      tpu.enqueue_dma source(%dma_start3A_22 : memref<10240xf32, #tpu.memory_space<hbm>>) target(%arg12 : memref<10240xf32, #tpu.memory_space<vmem>>) target_semaphore(%run_scoped3A : memref<!tpu.dma_semaphore, #tpu.memory_space<semaphore_mem>>)
      %dma_wait3A = arith.constant 20480 : i32
      %dma_wait3A_23 = tpu.memref_slice %arg2[%dma_wait3A] : memref<30720xf32, #tpu.memory_space<hbm>> -> memref<10240xf32, #tpu.memory_space<hbm>>
      %dma_wait3A_24 = arith.constant 20480 : i32
      %dma_wait3A_25 = tpu.memref_slice %arg2[%dma_wait3A_24] : memref<30720xf32, #tpu.memory_space<hbm>> -> memref<10240xf32, #tpu.memory_space<hbm>>
      tpu.wait_dma2 semaphore(%run_scoped3A : memref<!tpu.dma_semaphore, #tpu.memory_space<semaphore_mem>>) src(%dma_wait3A_25 : memref<10240xf32, #tpu.memory_space<hbm>>) dst(%arg12 : memref<10240xf32, #tpu.memory_space<vmem>>)
      tpu.yield
    }) : () -> ()
    "tpu.region"() ({
      %run_scoped3A = tpu.sem_alloc : memref<!tpu.dma_semaphore, #tpu.memory_space<semaphore_mem>>
      %dma_start3A = arith.constant 0 : i32
      %dma_start3A_20 = tpu.memref_slice %arg13[%dma_start3A] : memref<80xf32, #tpu.memory_space<vmem>> -> memref<64xf32, #tpu.memory_space<vmem>>
      %dma_start3A_21 = tpu.memref_slice %arg3[%add3A_4] : memref<12288xf32, #tpu.memory_space<hbm>> -> memref<64xf32, #tpu.memory_space<hbm>>
      %dma_start3A_22 = arith.constant 0 : i32
      %dma_start3A_23 = tpu.memref_slice %arg13[%dma_start3A_22] : memref<80xf32, #tpu.memory_space<vmem>> -> memref<64xf32, #tpu.memory_space<vmem>>
      %dma_start3A_24 = tpu.memref_slice %arg3[%add3A_4] : memref<12288xf32, #tpu.memory_space<hbm>> -> memref<64xf32, #tpu.memory_space<hbm>>
      tpu.enqueue_dma source(%dma_start3A_24 : memref<64xf32, #tpu.memory_space<hbm>>) target(%dma_start3A_23 : memref<64xf32, #tpu.memory_space<vmem>>) target_semaphore(%run_scoped3A : memref<!tpu.dma_semaphore, #tpu.memory_space<semaphore_mem>>)
      %dma_wait3A = arith.constant 0 : i32
      %dma_wait3A_25 = tpu.memref_slice %arg13[%dma_wait3A] : memref<80xf32, #tpu.memory_space<vmem>> -> memref<64xf32, #tpu.memory_space<vmem>>
      %dma_wait3A_26 = tpu.memref_slice %arg3[%add3A_4] : memref<12288xf32, #tpu.memory_space<hbm>> -> memref<64xf32, #tpu.memory_space<hbm>>
      %dma_wait3A_27 = arith.constant 0 : i32
      %dma_wait3A_28 = tpu.memref_slice %arg13[%dma_wait3A_27] : memref<80xf32, #tpu.memory_space<vmem>> -> memref<64xf32, #tpu.memory_space<vmem>>
      %dma_wait3A_29 = tpu.memref_slice %arg3[%add3A_4] : memref<12288xf32, #tpu.memory_space<hbm>> -> memref<64xf32, #tpu.memory_space<hbm>>
      tpu.wait_dma2 semaphore(%run_scoped3A : memref<!tpu.dma_semaphore, #tpu.memory_space<semaphore_mem>>) src(%dma_wait3A_29 : memref<64xf32, #tpu.memory_space<hbm>>) dst(%dma_wait3A_28 : memref<64xf32, #tpu.memory_space<vmem>>)
      tpu.yield
    }) : () -> ()
    %add3A_8 = arith.constant 4096 : i32
    %add3A_9 = arith.addi %add3A_8, %add3A_4 : i32
    "tpu.region"() ({
      %run_scoped3A = tpu.sem_alloc : memref<!tpu.dma_semaphore, #tpu.memory_space<semaphore_mem>>
      %dma_start3A = arith.constant 0 : i32
      %dma_start3A_20 = tpu.memref_slice %arg14[%dma_start3A] : memref<80xf32, #tpu.memory_space<vmem>> -> memref<64xf32, #tpu.memory_space<vmem>>
      %dma_start3A_21 = tpu.memref_slice %arg3[%add3A_9] : memref<12288xf32, #tpu.memory_space<hbm>> -> memref<64xf32, #tpu.memory_space<hbm>>
      %dma_start3A_22 = arith.constant 0 : i32
      %dma_start3A_23 = tpu.memref_slice %arg14[%dma_start3A_22] : memref<80xf32, #tpu.memory_space<vmem>> -> memref<64xf32, #tpu.memory_space<vmem>>
      %dma_start3A_24 = tpu.memref_slice %arg3[%add3A_9] : memref<12288xf32, #tpu.memory_space<hbm>> -> memref<64xf32, #tpu.memory_space<hbm>>
      tpu.enqueue_dma source(%dma_start3A_24 : memref<64xf32, #tpu.memory_space<hbm>>) target(%dma_start3A_23 : memref<64xf32, #tpu.memory_space<vmem>>) target_semaphore(%run_scoped3A : memref<!tpu.dma_semaphore, #tpu.memory_space<semaphore_mem>>)
      %dma_wait3A = arith.constant 0 : i32
      %dma_wait3A_25 = tpu.memref_slice %arg14[%dma_wait3A] : memref<80xf32, #tpu.memory_space<vmem>> -> memref<64xf32, #tpu.memory_space<vmem>>
      %dma_wait3A_26 = tpu.memref_slice %arg3[%add3A_9] : memref<12288xf32, #tpu.memory_space<hbm>> -> memref<64xf32, #tpu.memory_space<hbm>>
      %dma_wait3A_27 = arith.constant 0 : i32
      %dma_wait3A_28 = tpu.memref_slice %arg14[%dma_wait3A_27] : memref<80xf32, #tpu.memory_space<vmem>> -> memref<64xf32, #tpu.memory_space<vmem>>
      %dma_wait3A_29 = tpu.memref_slice %arg3[%add3A_9] : memref<12288xf32, #tpu.memory_space<hbm>> -> memref<64xf32, #tpu.memory_space<hbm>>
      tpu.wait_dma2 semaphore(%run_scoped3A : memref<!tpu.dma_semaphore, #tpu.memory_space<semaphore_mem>>) src(%dma_wait3A_29 : memref<64xf32, #tpu.memory_space<hbm>>) dst(%dma_wait3A_28 : memref<64xf32, #tpu.memory_space<vmem>>)
      tpu.yield
    }) : () -> ()
    %add3A_10 = arith.constant 8192 : i32
    %add3A_11 = arith.addi %add3A_10, %add3A_4 : i32
    "tpu.region"() ({
      %run_scoped3A = tpu.sem_alloc : memref<!tpu.dma_semaphore, #tpu.memory_space<semaphore_mem>>
      %dma_start3A = arith.constant 0 : i32
      %dma_start3A_20 = tpu.memref_slice %arg15[%dma_start3A] : memref<80xf32, #tpu.memory_space<vmem>> -> memref<64xf32, #tpu.memory_space<vmem>>
      %dma_start3A_21 = tpu.memref_slice %arg3[%add3A_11] : memref<12288xf32, #tpu.memory_space<hbm>> -> memref<64xf32, #tpu.memory_space<hbm>>
      %dma_start3A_22 = arith.constant 0 : i32
      %dma_start3A_23 = tpu.memref_slice %arg15[%dma_start3A_22] : memref<80xf32, #tpu.memory_space<vmem>> -> memref<64xf32, #tpu.memory_space<vmem>>
      %dma_start3A_24 = tpu.memref_slice %arg3[%add3A_11] : memref<12288xf32, #tpu.memory_space<hbm>> -> memref<64xf32, #tpu.memory_space<hbm>>
      tpu.enqueue_dma source(%dma_start3A_24 : memref<64xf32, #tpu.memory_space<hbm>>) target(%dma_start3A_23 : memref<64xf32, #tpu.memory_space<vmem>>) target_semaphore(%run_scoped3A : memref<!tpu.dma_semaphore, #tpu.memory_space<semaphore_mem>>)
      %dma_wait3A = arith.constant 0 : i32
      %dma_wait3A_25 = tpu.memref_slice %arg15[%dma_wait3A] : memref<80xf32, #tpu.memory_space<vmem>> -> memref<64xf32, #tpu.memory_space<vmem>>
      %dma_wait3A_26 = tpu.memref_slice %arg3[%add3A_11] : memref<12288xf32, #tpu.memory_space<hbm>> -> memref<64xf32, #tpu.memory_space<hbm>>
      %dma_wait3A_27 = arith.constant 0 : i32
      %dma_wait3A_28 = tpu.memref_slice %arg15[%dma_wait3A_27] : memref<80xf32, #tpu.memory_space<vmem>> -> memref<64xf32, #tpu.memory_space<vmem>>
      %dma_wait3A_29 = tpu.memref_slice %arg3[%add3A_11] : memref<12288xf32, #tpu.memory_space<hbm>> -> memref<64xf32, #tpu.memory_space<hbm>>
      tpu.wait_dma2 semaphore(%run_scoped3A : memref<!tpu.dma_semaphore, #tpu.memory_space<semaphore_mem>>) src(%dma_wait3A_29 : memref<64xf32, #tpu.memory_space<hbm>>) dst(%dma_wait3A_28 : memref<64xf32, #tpu.memory_space<vmem>>)
      tpu.yield
    }) : () -> ()
    "tpu.region"() ({
      %run_scoped3A = tpu.sem_alloc : memref<!tpu.dma_semaphore, #tpu.memory_space<semaphore_mem>>
      %dma_start3A = arith.constant 0 : i32
      %dma_start3A_20 = tpu.memref_slice %arg4[%mul3A_2, %dma_start3A] : memref<2048x16xf32, #tpu.memory_space<hbm>> -> memref<64x16xf32, #tpu.memory_space<hbm>>
      %dma_start3A_21 = arith.constant 0 : i32
      %dma_start3A_22 = tpu.memref_slice %arg4[%mul3A_2, %dma_start3A_21] : memref<2048x16xf32, #tpu.memory_space<hbm>> -> memref<64x16xf32, #tpu.memory_space<hbm>>
      tpu.enqueue_dma source(%dma_start3A_22 : memref<64x16xf32, #tpu.memory_space<hbm>>) target(%arg16 : memref<64x16xf32, #tpu.memory_space<vmem>>) target_semaphore(%run_scoped3A : memref<!tpu.dma_semaphore, #tpu.memory_space<semaphore_mem>>)
      %dma_wait3A = arith.constant 0 : i32
      %dma_wait3A_23 = tpu.memref_slice %arg4[%mul3A_2, %dma_wait3A] : memref<2048x16xf32, #tpu.memory_space<hbm>> -> memref<64x16xf32, #tpu.memory_space<hbm>>
      %dma_wait3A_24 = arith.constant 0 : i32
      %dma_wait3A_25 = tpu.memref_slice %arg4[%mul3A_2, %dma_wait3A_24] : memref<2048x16xf32, #tpu.memory_space<hbm>> -> memref<64x16xf32, #tpu.memory_space<hbm>>
      tpu.wait_dma2 semaphore(%run_scoped3A : memref<!tpu.dma_semaphore, #tpu.memory_space<semaphore_mem>>) src(%dma_wait3A_25 : memref<64x16xf32, #tpu.memory_space<hbm>>) dst(%arg16 : memref<64x16xf32, #tpu.memory_space<vmem>>)
      tpu.yield
    }) : () -> ()
    %scan3A = arith.constant 0 : i32
    %scan3A_12 = arith.constant 0 : i32
    %scan3A_13 = arith.constant 4 : i32
    %scan3A_14 = arith.addi %scan3A_12, %scan3A_13 : i32
    %scan3A_15 = arith.constant 1 : i32
    %scan3A_16 = scf.for %scan3A_20 = %scan3A_12 to %scan3A_14 step %scan3A_15 iter_args(%scan3A_21 = %scan3A) -> (i32)  : i32 {
      %mul3A_22 = arith.constant 16 : i32
      %mul3A_23 = arith.muli %scan3A_20, %mul3A_22 : i32
      %add3A_24 = arith.addi %mul3A_2, %mul3A_23 : i32
      "tpu.region"() ({
        %run_scoped3A = tpu.sem_alloc : memref<!tpu.dma_semaphore, #tpu.memory_space<semaphore_mem>>
        %dma_start3A = arith.constant 0 : i32
        %dma_start3A_32 = tpu.memref_slice %arg5[%add3A_24, %dma_start3A] : memref<2048x640xf32, #tpu.memory_space<hbm>> -> memref<16x640xf32, #tpu.memory_space<hbm>>
        %dma_start3A_33 = arith.constant 0 : i32
        %dma_start3A_34 = tpu.memref_slice %arg5[%add3A_24, %dma_start3A_33] : memref<2048x640xf32, #tpu.memory_space<hbm>> -> memref<16x640xf32, #tpu.memory_space<hbm>>
        tpu.enqueue_dma source(%dma_start3A_34 : memref<16x640xf32, #tpu.memory_space<hbm>>) target(%arg17 : memref<16x640xf32, #tpu.memory_space<vmem>>) target_semaphore(%run_scoped3A : memref<!tpu.dma_semaphore, #tpu.memory_space<semaphore_mem>>)
        %dma_wait3A = arith.constant 0 : i32
        %dma_wait3A_35 = tpu.memref_slice %arg5[%add3A_24, %dma_wait3A] : memref<2048x640xf32, #tpu.memory_space<hbm>> -> memref<16x640xf32, #tpu.memory_space<hbm>>
        %dma_wait3A_36 = arith.constant 0 : i32
        %dma_wait3A_37 = tpu.memref_slice %arg5[%add3A_24, %dma_wait3A_36] : memref<2048x640xf32, #tpu.memory_space<hbm>> -> memref<16x640xf32, #tpu.memory_space<hbm>>
        tpu.wait_dma2 semaphore(%run_scoped3A : memref<!tpu.dma_semaphore, #tpu.memory_space<semaphore_mem>>) src(%dma_wait3A_37 : memref<16x640xf32, #tpu.memory_space<hbm>>) dst(%arg17 : memref<16x640xf32, #tpu.memory_space<vmem>>)
        tpu.yield
      }) : () -> ()
      %scan3A_25 = arith.constant 0 : i32
      %scan3A_26 = arith.constant 0 : i32
      %scan3A_27 = arith.constant 16 : i32
      %scan3A_28 = arith.addi %scan3A_26, %scan3A_27 : i32
      %scan3A_29 = arith.constant 1 : i32
      %scan3A_30 = scf.for %scan3A_32 = %scan3A_26 to %scan3A_28 step %scan3A_29 iter_args(%scan3A_33 = %scan3A_25) -> (i32)  : i32 {
        %mul3A_34 = arith.constant 16 : i32
        %mul3A_35 = arith.muli %scan3A_20, %mul3A_34 : i32
        %add3A_36 = arith.addi %mul3A_35, %scan3A_32 : i32
        %get3A = arith.index_cast %add3A_36 : i32 to index
        %get3A_37 = arith.constant 0 : index
        %get3A_38 = tpu.vector_load %arg16[%get3A, %get3A_37] {strides = array<i32>} : memref<64x16xf32, #tpu.memory_space<vmem>>, vector<16xf32>,
        %slice3A = vector.extract_strided_slice %get3A_38 {offsets = [0], sizes = [1], strides = [1]} : vector<16xf32> to vector<1xf32>
        %squeeze3A = vector.extract %slice3A[0] : f32 from vector<1xf32>
        %broadcast_in_dim3A = vector.broadcast %squeeze3A : f32 to vector<16xf32>
        %slice3A_39 = vector.extract_strided_slice %get3A_38 {offsets = [1], sizes = [1], strides = [1]} : vector<16xf32> to vector<1xf32>
        %squeeze3A_40 = vector.extract %slice3A_39[0] : f32 from vector<1xf32>
        %broadcast_in_dim3A_41 = vector.broadcast %squeeze3A_40 : f32 to vector<16xf32>
        %get3A_42 = arith.index_cast %scan3A_32 : i32 to index
        %get3A_43 = arith.constant 0 : index
        %get3A_44 = tpu.vector_load %arg17[%get3A_42, %get3A_43] {strides = array<i32>} : memref<16x640xf32, #tpu.memory_space<vmem>>, vector<16xf32>,
        %le3A = arith.cmpf ole, %get3A_44, %broadcast_in_dim3A : vector<16xf32>
        %get3A_45 = arith.index_cast %scan3A_32 : i32 to index
        %get3A_46 = arith.constant 16 : index
        %get3A_47 = tpu.vector_load %arg17[%get3A_45, %get3A_46] {strides = array<i32>} : memref<16x640xf32, #tpu.memory_space<vmem>>, vector<16xf32>,
        %le3A_48 = arith.cmpf ole, %get3A_47, %broadcast_in_dim3A : vector<16xf32>
        %get3A_49 = arith.index_cast %scan3A_32 : i32 to index
        %get3A_50 = arith.constant 32 : index
        %get3A_51 = tpu.vector_load %arg17[%get3A_49, %get3A_50] {strides = array<i32>} : memref<16x640xf32, #tpu.memory_space<vmem>>, vector<16xf32>,
        %le3A_52 = arith.cmpf ole, %get3A_51, %broadcast_in_dim3A : vector<16xf32>
        %get3A_53 = arith.index_cast %scan3A_32 : i32 to index
        %get3A_54 = arith.constant 48 : index
        %get3A_55 = tpu.vector_load %arg17[%get3A_53, %get3A_54] {strides = array<i32>} : memref<16x640xf32, #tpu.memory_space<vmem>>, vector<16xf32>,
        %le3A_56 = arith.cmpf ole, %get3A_55, %broadcast_in_dim3A : vector<16xf32>
        %get3A_57 = arith.index_cast %scan3A_32 : i32 to index
        %get3A_58 = arith.constant 64 : index
        %get3A_59 = tpu.vector_load %arg17[%get3A_57, %get3A_58] {strides = array<i32>} : memref<16x640xf32, #tpu.memory_space<vmem>>, vector<16xf32>,
        %le3A_60 = arith.cmpf ole, %get3A_59, %broadcast_in_dim3A : vector<16xf32>
        %get3A_61 = arith.index_cast %scan3A_32 : i32 to index
        %get3A_62 = arith.constant 80 : index
        %get3A_63 = tpu.vector_load %arg17[%get3A_61, %get3A_62] {strides = array<i32>} : memref<16x640xf32, #tpu.memory_space<vmem>>, vector<16xf32>,
        %le3A_64 = arith.cmpf ole, %get3A_63, %broadcast_in_dim3A : vector<16xf32>
        %get3A_65 = arith.index_cast %scan3A_32 : i32 to index
        %get3A_66 = arith.constant 96 : index
        %get3A_67 = tpu.vector_load %arg17[%get3A_65, %get3A_66] {strides = array<i32>} : memref<16x640xf32, #tpu.memory_space<vmem>>, vector<16xf32>,
        %le3A_68 = arith.cmpf ole, %get3A_67, %broadcast_in_dim3A : vector<16xf32>
        %get3A_69 = arith.index_cast %scan3A_32 : i32 to index
        %get3A_70 = arith.constant 112 : index
        %get3A_71 = tpu.vector_load %arg17[%get3A_69, %get3A_70] {strides = array<i32>} : memref<16x640xf32, #tpu.memory_space<vmem>>, vector<16xf32>,
        %le3A_72 = arith.cmpf ole, %get3A_71, %broadcast_in_dim3A : vector<16xf32>
        %get3A_73 = arith.index_cast %scan3A_32 : i32 to index
        %get3A_74 = arith.constant 128 : index
        %get3A_75 = tpu.vector_load %arg17[%get3A_73, %get3A_74] {strides = array<i32>} : memref<16x640xf32, #tpu.memory_space<vmem>>, vector<16xf32>,
        %le3A_76 = arith.cmpf ole, %get3A_75, %broadcast_in_dim3A : vector<16xf32>
        %get3A_77 = arith.index_cast %scan3A_32 : i32 to index
        %get3A_78 = arith.constant 144 : index
        %get3A_79 = tpu.vector_load %arg17[%get3A_77, %get3A_78] {strides = array<i32>} : memref<16x640xf32, #tpu.memory_space<vmem>>, vector<16xf32>,
        %le3A_80 = arith.cmpf ole, %get3A_79, %broadcast_in_dim3A : vector<16xf32>
        %get3A_81 = arith.index_cast %scan3A_32 : i32 to index
        %get3A_82 = arith.constant 160 : index
        %get3A_83 = tpu.vector_load %arg17[%get3A_81, %get3A_82] {strides = array<i32>} : memref<16x640xf32, #tpu.memory_space<vmem>>, vector<16xf32>,
        %le3A_84 = arith.cmpf ole, %get3A_83, %broadcast_in_dim3A : vector<16xf32>
        %get3A_85 = arith.index_cast %scan3A_32 : i32 to index
        %get3A_86 = arith.constant 176 : index
        %get3A_87 = tpu.vector_load %arg17[%get3A_85, %get3A_86] {strides = array<i32>} : memref<16x640xf32, #tpu.memory_space<vmem>>, vector<16xf32>,
        %le3A_88 = arith.cmpf ole, %get3A_87, %broadcast_in_dim3A : vector<16xf32>
        %get3A_89 = arith.index_cast %scan3A_32 : i32 to index
        %get3A_90 = arith.constant 192 : index
        %get3A_91 = tpu.vector_load %arg17[%get3A_89, %get3A_90] {strides = array<i32>} : memref<16x640xf32, #tpu.memory_space<vmem>>, vector<16xf32>,
        %le3A_92 = arith.cmpf ole, %get3A_91, %broadcast_in_dim3A : vector<16xf32>
        %get3A_93 = arith.index_cast %scan3A_32 : i32 to index
        %get3A_94 = arith.constant 208 : index
        %get3A_95 = tpu.vector_load %arg17[%get3A_93, %get3A_94] {strides = array<i32>} : memref<16x640xf32, #tpu.memory_space<vmem>>, vector<16xf32>,
        %le3A_96 = arith.cmpf ole, %get3A_95, %broadcast_in_dim3A : vector<16xf32>
        %get3A_97 = arith.index_cast %scan3A_32 : i32 to index
        %get3A_98 = arith.constant 224 : index
        %get3A_99 = tpu.vector_load %arg17[%get3A_97, %get3A_98] {strides = array<i32>} : memref<16x640xf32, #tpu.memory_space<vmem>>, vector<16xf32>,
        %le3A_100 = arith.cmpf ole, %get3A_99, %broadcast_in_dim3A : vector<16xf32>
        %get3A_101 = arith.index_cast %scan3A_32 : i32 to index
        %get3A_102 = arith.constant 240 : index
        %get3A_103 = tpu.vector_load %arg17[%get3A_101, %get3A_102] {strides = array<i32>} : memref<16x640xf32, #tpu.memory_space<vmem>>, vector<16xf32>,
        %le3A_104 = arith.cmpf ole, %get3A_103, %broadcast_in_dim3A : vector<16xf32>
        %get3A_105 = arith.index_cast %scan3A_32 : i32 to index
        %get3A_106 = arith.constant 256 : index
        %get3A_107 = tpu.vector_load %arg17[%get3A_105, %get3A_106] {strides = array<i32>} : memref<16x640xf32, #tpu.memory_space<vmem>>, vector<16xf32>,
        %le3A_108 = arith.cmpf ole, %get3A_107, %broadcast_in_dim3A : vector<16xf32>
        %get3A_109 = arith.index_cast %scan3A_32 : i32 to index
        %get3A_110 = arith.constant 272 : index
        %get3A_111 = tpu.vector_load %arg17[%get3A_109, %get3A_110] {strides = array<i32>} : memref<16x640xf32, #tpu.memory_space<vmem>>, vector<16xf32>,
        %le3A_112 = arith.cmpf ole, %get3A_111, %broadcast_in_dim3A : vector<16xf32>
        %get3A_113 = arith.index_cast %scan3A_32 : i32 to index
        %get3A_114 = arith.constant 288 : index
        %get3A_115 = tpu.vector_load %arg17[%get3A_113, %get3A_114] {strides = array<i32>} : memref<16x640xf32, #tpu.memory_space<vmem>>, vector<16xf32>,
        %le3A_116 = arith.cmpf ole, %get3A_115, %broadcast_in_dim3A : vector<16xf32>
        %get3A_117 = arith.index_cast %scan3A_32 : i32 to index
        %get3A_118 = arith.constant 304 : index
        %get3A_119 = tpu.vector_load %arg17[%get3A_117, %get3A_118] {strides = array<i32>} : memref<16x640xf32, #tpu.memory_space<vmem>>, vector<16xf32>,
        %le3A_120 = arith.cmpf ole, %get3A_119, %broadcast_in_dim3A : vector<16xf32>
        %get3A_121 = arith.index_cast %scan3A_32 : i32 to index
        %get3A_122 = arith.constant 320 : index
        %get3A_123 = tpu.vector_load %arg17[%get3A_121, %get3A_122] {strides = array<i32>} : memref<16x640xf32, #tpu.memory_space<vmem>>, vector<16xf32>,
        %le3A_124 = arith.cmpf ole, %get3A_123, %broadcast_in_dim3A : vector<16xf32>
        %get3A_125 = arith.index_cast %scan3A_32 : i32 to index
        %get3A_126 = arith.constant 336 : index
        %get3A_127 = tpu.vector_load %arg17[%get3A_125, %get3A_126] {strides = array<i32>} : memref<16x640xf32, #tpu.memory_space<vmem>>, vector<16xf32>,
        %le3A_128 = arith.cmpf ole, %get3A_127, %broadcast_in_dim3A : vector<16xf32>
        %get3A_129 = arith.index_cast %scan3A_32 : i32 to index
        %get3A_130 = arith.constant 352 : index
        %get3A_131 = tpu.vector_load %arg17[%get3A_129, %get3A_130] {strides = array<i32>} : memref<16x640xf32, #tpu.memory_space<vmem>>, vector<16xf32>,
        %le3A_132 = arith.cmpf ole, %get3A_131, %broadcast_in_dim3A : vector<16xf32>
        %get3A_133 = arith.index_cast %scan3A_32 : i32 to index
        %get3A_134 = arith.constant 368 : index
        %get3A_135 = tpu.vector_load %arg17[%get3A_133, %get3A_134] {strides = array<i32>} : memref<16x640xf32, #tpu.memory_space<vmem>>, vector<16xf32>,
        %le3A_136 = arith.cmpf ole, %get3A_135, %broadcast_in_dim3A : vector<16xf32>
        %get3A_137 = arith.index_cast %scan3A_32 : i32 to index
        %get3A_138 = arith.constant 384 : index
        %get3A_139 = tpu.vector_load %arg17[%get3A_137, %get3A_138] {strides = array<i32>} : memref<16x640xf32, #tpu.memory_space<vmem>>, vector<16xf32>,
        %le3A_140 = arith.cmpf ole, %get3A_139, %broadcast_in_dim3A : vector<16xf32>
        %get3A_141 = arith.index_cast %scan3A_32 : i32 to index
        %get3A_142 = arith.constant 400 : index
        %get3A_143 = tpu.vector_load %arg17[%get3A_141, %get3A_142] {strides = array<i32>} : memref<16x640xf32, #tpu.memory_space<vmem>>, vector<16xf32>,
        %le3A_144 = arith.cmpf ole, %get3A_143, %broadcast_in_dim3A : vector<16xf32>
        %get3A_145 = arith.index_cast %scan3A_32 : i32 to index
        %get3A_146 = arith.constant 416 : index
        %get3A_147 = tpu.vector_load %arg17[%get3A_145, %get3A_146] {strides = array<i32>} : memref<16x640xf32, #tpu.memory_space<vmem>>, vector<16xf32>,
        %le3A_148 = arith.cmpf ole, %get3A_147, %broadcast_in_dim3A : vector<16xf32>
        %get3A_149 = arith.index_cast %scan3A_32 : i32 to index
        %get3A_150 = arith.constant 432 : index
        %get3A_151 = tpu.vector_load %arg17[%get3A_149, %get3A_150] {strides = array<i32>} : memref<16x640xf32, #tpu.memory_space<vmem>>, vector<16xf32>,
        %le3A_152 = arith.cmpf ole, %get3A_151, %broadcast_in_dim3A : vector<16xf32>
        %get3A_153 = arith.index_cast %scan3A_32 : i32 to index
        %get3A_154 = arith.constant 448 : index
        %get3A_155 = tpu.vector_load %arg17[%get3A_153, %get3A_154] {strides = array<i32>} : memref<16x640xf32, #tpu.memory_space<vmem>>, vector<16xf32>,
        %le3A_156 = arith.cmpf ole, %get3A_155, %broadcast_in_dim3A : vector<16xf32>
        %get3A_157 = arith.index_cast %scan3A_32 : i32 to index
        %get3A_158 = arith.constant 464 : index
        %get3A_159 = tpu.vector_load %arg17[%get3A_157, %get3A_158] {strides = array<i32>} : memref<16x640xf32, #tpu.memory_space<vmem>>, vector<16xf32>,
        %le3A_160 = arith.cmpf ole, %get3A_159, %broadcast_in_dim3A : vector<16xf32>
        %get3A_161 = arith.index_cast %scan3A_32 : i32 to index
        %get3A_162 = arith.constant 480 : index
        %get3A_163 = tpu.vector_load %arg17[%get3A_161, %get3A_162] {strides = array<i32>} : memref<16x640xf32, #tpu.memory_space<vmem>>, vector<16xf32>,
        %le3A_164 = arith.cmpf ole, %get3A_163, %broadcast_in_dim3A : vector<16xf32>
        %get3A_165 = arith.index_cast %scan3A_32 : i32 to index
        %get3A_166 = arith.constant 496 : index
        %get3A_167 = tpu.vector_load %arg17[%get3A_165, %get3A_166] {strides = array<i32>} : memref<16x640xf32, #tpu.memory_space<vmem>>, vector<16xf32>,
        %le3A_168 = arith.cmpf ole, %get3A_167, %broadcast_in_dim3A : vector<16xf32>
        %get3A_169 = arith.index_cast %scan3A_32 : i32 to index
        %get3A_170 = arith.constant 512 : index
        %get3A_171 = tpu.vector_load %arg17[%get3A_169, %get3A_170] {strides = array<i32>} : memref<16x640xf32, #tpu.memory_space<vmem>>, vector<16xf32>,
        %le3A_172 = arith.cmpf ole, %get3A_171, %broadcast_in_dim3A : vector<16xf32>
        %get3A_173 = arith.index_cast %scan3A_32 : i32 to index
        %get3A_174 = arith.constant 528 : index
        %get3A_175 = tpu.vector_load %arg17[%get3A_173, %get3A_174] {strides = array<i32>} : memref<16x640xf32, #tpu.memory_space<vmem>>, vector<16xf32>,
        %le3A_176 = arith.cmpf ole, %get3A_175, %broadcast_in_dim3A : vector<16xf32>
        %get3A_177 = arith.index_cast %scan3A_32 : i32 to index
        %get3A_178 = arith.constant 544 : index
        %get3A_179 = tpu.vector_load %arg17[%get3A_177, %get3A_178] {strides = array<i32>} : memref<16x640xf32, #tpu.memory_space<vmem>>, vector<16xf32>,
        %le3A_180 = arith.cmpf ole, %get3A_179, %broadcast_in_dim3A : vector<16xf32>
        %get3A_181 = arith.index_cast %scan3A_32 : i32 to index
        %get3A_182 = arith.constant 560 : index
        %get3A_183 = tpu.vector_load %arg17[%get3A_181, %get3A_182] {strides = array<i32>} : memref<16x640xf32, #tpu.memory_space<vmem>>, vector<16xf32>,
        %le3A_184 = arith.cmpf ole, %get3A_183, %broadcast_in_dim3A : vector<16xf32>
        %get3A_185 = arith.index_cast %scan3A_32 : i32 to index
        %get3A_186 = arith.constant 576 : index
        %get3A_187 = tpu.vector_load %arg17[%get3A_185, %get3A_186] {strides = array<i32>} : memref<16x640xf32, #tpu.memory_space<vmem>>, vector<16xf32>,
        %le3A_188 = arith.cmpf ole, %get3A_187, %broadcast_in_dim3A : vector<16xf32>
        %get3A_189 = arith.index_cast %scan3A_32 : i32 to index
        %get3A_190 = arith.constant 592 : index
        %get3A_191 = tpu.vector_load %arg17[%get3A_189, %get3A_190] {strides = array<i32>} : memref<16x640xf32, #tpu.memory_space<vmem>>, vector<16xf32>,
        %le3A_192 = arith.cmpf ole, %get3A_191, %broadcast_in_dim3A : vector<16xf32>
        %get3A_193 = arith.index_cast %scan3A_32 : i32 to index
        %get3A_194 = arith.constant 608 : index
        %get3A_195 = tpu.vector_load %arg17[%get3A_193, %get3A_194] {strides = array<i32>} : memref<16x640xf32, #tpu.memory_space<vmem>>, vector<16xf32>,
        %le3A_196 = arith.cmpf ole, %get3A_195, %broadcast_in_dim3A : vector<16xf32>
        %get3A_197 = arith.index_cast %scan3A_32 : i32 to index
        %get3A_198 = arith.constant 624 : index
        %get3A_199 = tpu.vector_load %arg17[%get3A_197, %get3A_198] {strides = array<i32>} : memref<16x640xf32, #tpu.memory_space<vmem>>, vector<16xf32>,
        %le3A_200 = arith.cmpf ole, %get3A_199, %broadcast_in_dim3A : vector<16xf32>
        %all_reduce_population_count3A = tpu.all_reduce %le3A {dim = 0 : i64, kind = #tpu.reduction_kind<sum>} : vector<16xi1> -> vector<16xi32>
        %all_reduce_population_count3A_201 = tpu.all_reduce %le3A_48 {dim = 0 : i64, kind = #tpu.reduction_kind<sum>} : vector<16xi1> -> vector<16xi32>
        %all_reduce_population_count3A_202 = tpu.all_reduce %le3A_52 {dim = 0 : i64, kind = #tpu.reduction_kind<sum>} : vector<16xi1> -> vector<16xi32>
        %all_reduce_population_count3A_203 = tpu.all_reduce %le3A_56 {dim = 0 : i64, kind = #tpu.reduction_kind<sum>} : vector<16xi1> -> vector<16xi32>
        %all_reduce_population_count3A_204 = tpu.all_reduce %le3A_60 {dim = 0 : i64, kind = #tpu.reduction_kind<sum>} : vector<16xi1> -> vector<16xi32>
        %all_reduce_population_count3A_205 = tpu.all_reduce %le3A_64 {dim = 0 : i64, kind = #tpu.reduction_kind<sum>} : vector<16xi1> -> vector<16xi32>
        %all_reduce_population_count3A_206 = tpu.all_reduce %le3A_68 {dim = 0 : i64, kind = #tpu.reduction_kind<sum>} : vector<16xi1> -> vector<16xi32>
        %all_reduce_population_count3A_207 = tpu.all_reduce %le3A_72 {dim = 0 : i64, kind = #tpu.reduction_kind<sum>} : vector<16xi1> -> vector<16xi32>
        %all_reduce_population_count3A_208 = tpu.all_reduce %le3A_76 {dim = 0 : i64, kind = #tpu.reduction_kind<sum>} : vector<16xi1> -> vector<16xi32>
        %all_reduce_population_count3A_209 = tpu.all_reduce %le3A_80 {dim = 0 : i64, kind = #tpu.reduction_kind<sum>} : vector<16xi1> -> vector<16xi32>
        %all_reduce_population_count3A_210 = tpu.all_reduce %le3A_84 {dim = 0 : i64, kind = #tpu.reduction_kind<sum>} : vector<16xi1> -> vector<16xi32>
        %all_reduce_population_count3A_211 = tpu.all_reduce %le3A_88 {dim = 0 : i64, kind = #tpu.reduction_kind<sum>} : vector<16xi1> -> vector<16xi32>
        %all_reduce_population_count3A_212 = tpu.all_reduce %le3A_92 {dim = 0 : i64, kind = #tpu.reduction_kind<sum>} : vector<16xi1> -> vector<16xi32>
        %all_reduce_population_count3A_213 = tpu.all_reduce %le3A_96 {dim = 0 : i64, kind = #tpu.reduction_kind<sum>} : vector<16xi1> -> vector<16xi32>
        %all_reduce_population_count3A_214 = tpu.all_reduce %le3A_100 {dim = 0 : i64, kind = #tpu.reduction_kind<sum>} : vector<16xi1> -> vector<16xi32>
        %all_reduce_population_count3A_215 = tpu.all_reduce %le3A_104 {dim = 0 : i64, kind = #tpu.reduction_kind<sum>} : vector<16xi1> -> vector<16xi32>
        %all_reduce_population_count3A_216 = tpu.all_reduce %le3A_108 {dim = 0 : i64, kind = #tpu.reduction_kind<sum>} : vector<16xi1> -> vector<16xi32>
        %all_reduce_population_count3A_217 = tpu.all_reduce %le3A_112 {dim = 0 : i64, kind = #tpu.reduction_kind<sum>} : vector<16xi1> -> vector<16xi32>
        %all_reduce_population_count3A_218 = tpu.all_reduce %le3A_116 {dim = 0 : i64, kind = #tpu.reduction_kind<sum>} : vector<16xi1> -> vector<16xi32>
        %all_reduce_population_count3A_219 = tpu.all_reduce %le3A_120 {dim = 0 : i64, kind = #tpu.reduction_kind<sum>} : vector<16xi1> -> vector<16xi32>
        %all_reduce_population_count3A_220 = tpu.all_reduce %le3A_124 {dim = 0 : i64, kind = #tpu.reduction_kind<sum>} : vector<16xi1> -> vector<16xi32>
        %all_reduce_population_count3A_221 = tpu.all_reduce %le3A_128 {dim = 0 : i64, kind = #tpu.reduction_kind<sum>} : vector<16xi1> -> vector<16xi32>
        %all_reduce_population_count3A_222 = tpu.all_reduce %le3A_132 {dim = 0 : i64, kind = #tpu.reduction_kind<sum>} : vector<16xi1> -> vector<16xi32>
        %all_reduce_population_count3A_223 = tpu.all_reduce %le3A_136 {dim = 0 : i64, kind = #tpu.reduction_kind<sum>} : vector<16xi1> -> vector<16xi32>
        %all_reduce_population_count3A_224 = tpu.all_reduce %le3A_140 {dim = 0 : i64, kind = #tpu.reduction_kind<sum>} : vector<16xi1> -> vector<16xi32>
        %all_reduce_population_count3A_225 = tpu.all_reduce %le3A_144 {dim = 0 : i64, kind = #tpu.reduction_kind<sum>} : vector<16xi1> -> vector<16xi32>
        %all_reduce_population_count3A_226 = tpu.all_reduce %le3A_148 {dim = 0 : i64, kind = #tpu.reduction_kind<sum>} : vector<16xi1> -> vector<16xi32>
        %all_reduce_population_count3A_227 = tpu.all_reduce %le3A_152 {dim = 0 : i64, kind = #tpu.reduction_kind<sum>} : vector<16xi1> -> vector<16xi32>
        %all_reduce_population_count3A_228 = tpu.all_reduce %le3A_156 {dim = 0 : i64, kind = #tpu.reduction_kind<sum>} : vector<16xi1> -> vector<16xi32>
        %all_reduce_population_count3A_229 = tpu.all_reduce %le3A_160 {dim = 0 : i64, kind = #tpu.reduction_kind<sum>} : vector<16xi1> -> vector<16xi32>
        %all_reduce_population_count3A_230 = tpu.all_reduce %le3A_164 {dim = 0 : i64, kind = #tpu.reduction_kind<sum>} : vector<16xi1> -> vector<16xi32>
        %all_reduce_population_count3A_231 = tpu.all_reduce %le3A_168 {dim = 0 : i64, kind = #tpu.reduction_kind<sum>} : vector<16xi1> -> vector<16xi32>
        %all_reduce_population_count3A_232 = tpu.all_reduce %le3A_172 {dim = 0 : i64, kind = #tpu.reduction_kind<sum>} : vector<16xi1> -> vector<16xi32>
        %all_reduce_population_count3A_233 = tpu.all_reduce %le3A_176 {dim = 0 : i64, kind = #tpu.reduction_kind<sum>} : vector<16xi1> -> vector<16xi32>
        %all_reduce_population_count3A_234 = tpu.all_reduce %le3A_180 {dim = 0 : i64, kind = #tpu.reduction_kind<sum>} : vector<16xi1> -> vector<16xi32>
        %all_reduce_population_count3A_235 = tpu.all_reduce %le3A_184 {dim = 0 : i64, kind = #tpu.reduction_kind<sum>} : vector<16xi1> -> vector<16xi32>
        %all_reduce_population_count3A_236 = tpu.all_reduce %le3A_188 {dim = 0 : i64, kind = #tpu.reduction_kind<sum>} : vector<16xi1> -> vector<16xi32>
        %all_reduce_population_count3A_237 = tpu.all_reduce %le3A_192 {dim = 0 : i64, kind = #tpu.reduction_kind<sum>} : vector<16xi1> -> vector<16xi32>
        %all_reduce_population_count3A_238 = tpu.all_reduce %le3A_196 {dim = 0 : i64, kind = #tpu.reduction_kind<sum>} : vector<16xi1> -> vector<16xi32>
        %all_reduce_population_count3A_239 = tpu.all_reduce %le3A_200 {dim = 0 : i64, kind = #tpu.reduction_kind<sum>} : vector<16xi1> -> vector<16xi32>
        %broadcast_in_dim3A_240 = arith.constant 0 : i32
        %broadcast_in_dim3A_241 = vector.broadcast %broadcast_in_dim3A_240 : i32 to vector<16xi32>
        %slice3A_242 = vector.extract_strided_slice %broadcast_in_dim3A_241 {offsets = [0], sizes = [1], strides = [1]} : vector<16xi32> to vector<1xi32>
        %squeeze3A_243 = vector.extract %slice3A_242[0] : i32 from vector<1xi32>
        %add3A_244 = arith.constant 0 : i32
        %add3A_245 = vector.broadcast %add3A_244 : i32 to vector<16xi32>
        %add3A_246 = arith.addi %iota3A, %add3A_245 : vector<16xi32>
        %swap3A = arith.index_cast %squeeze3A_243 : i32 to index
        %swap3A_247 = tpu.vector_load %arg18[%swap3A] masked %le3A {strides = array<i32>} : memref<656xi32, #tpu.memory_space<vmem>>, vector<16xi32>, vector<16xi1>
        tpu.vector_store %arg18[%swap3A], %add3A_246 masked %le3A {strides = array<i32>} : memref<656xi32, #tpu.memory_space<vmem>>, vector<16xi32>, vector<16xi1>
        %add3A_248 = arith.addi %broadcast_in_dim3A_241, %all_reduce_population_count3A : vector<16xi32>
        %slice3A_249 = vector.extract_strided_slice %add3A_248 {offsets = [0], sizes = [1], strides = [1]} : vector<16xi32> to vector<1xi32>
        %squeeze3A_250 = vector.extract %slice3A_249[0] : i32 from vector<1xi32>
        %add3A_251 = arith.constant 16 : i32
        %add3A_252 = vector.broadcast %add3A_251 : i32 to vector<16xi32>
        %add3A_253 = arith.addi %iota3A, %add3A_252 : vector<16xi32>
        %swap3A_254 = arith.index_cast %squeeze3A_250 : i32 to index
        %swap3A_255 = tpu.vector_load %arg18[%swap3A_254] masked %le3A_48 {strides = array<i32>} : memref<656xi32, #tpu.memory_space<vmem>>, vector<16xi32>, vector<16xi1>
        tpu.vector_store %arg18[%swap3A_254], %add3A_253 masked %le3A_48 {strides = array<i32>} : memref<656xi32, #tpu.memory_space<vmem>>, vector<16xi32>, vector<16xi1>
        %add3A_256 = arith.addi %add3A_248, %all_reduce_population_count3A_201 : vector<16xi32>
        %slice3A_257 = vector.extract_strided_slice %add3A_256 {offsets = [0], sizes = [1], strides = [1]} : vector<16xi32> to vector<1xi32>
        %squeeze3A_258 = vector.extract %slice3A_257[0] : i32 from vector<1xi32>
        %add3A_259 = arith.constant 32 : i32
        %add3A_260 = vector.broadcast %add3A_259 : i32 to vector<16xi32>
        %add3A_261 = arith.addi %iota3A, %add3A_260 : vector<16xi32>
        %swap3A_262 = arith.index_cast %squeeze3A_258 : i32 to index
        %swap3A_263 = tpu.vector_load %arg18[%swap3A_262] masked %le3A_52 {strides = array<i32>} : memref<656xi32, #tpu.memory_space<vmem>>, vector<16xi32>, vector<16xi1>
        tpu.vector_store %arg18[%swap3A_262], %add3A_261 masked %le3A_52 {strides = array<i32>} : memref<656xi32, #tpu.memory_space<vmem>>, vector<16xi32>, vector<16xi1>
        %add3A_264 = arith.addi %add3A_256, %all_reduce_population_count3A_202 : vector<16xi32>
        %slice3A_265 = vector.extract_strided_slice %add3A_264 {offsets = [0], sizes = [1], strides = [1]} : vector<16xi32> to vector<1xi32>
        %squeeze3A_266 = vector.extract %slice3A_265[0] : i32 from vector<1xi32>
        %add3A_267 = arith.constant 48 : i32
        %add3A_268 = vector.broadcast %add3A_267 : i32 to vector<16xi32>
        %add3A_269 = arith.addi %iota3A, %add3A_268 : vector<16xi32>
        %swap3A_270 = arith.index_cast %squeeze3A_266 : i32 to index
        %swap3A_271 = tpu.vector_load %arg18[%swap3A_270] masked %le3A_56 {strides = array<i32>} : memref<656xi32, #tpu.memory_space<vmem>>, vector<16xi32>, vector<16xi1>
        tpu.vector_store %arg18[%swap3A_270], %add3A_269 masked %le3A_56 {strides = array<i32>} : memref<656xi32, #tpu.memory_space<vmem>>, vector<16xi32>, vector<16xi1>
        %add3A_272 = arith.addi %add3A_264, %all_reduce_population_count3A_203 : vector<16xi32>
        %slice3A_273 = vector.extract_strided_slice %add3A_272 {offsets = [0], sizes = [1], strides = [1]} : vector<16xi32> to vector<1xi32>
        %squeeze3A_274 = vector.extract %slice3A_273[0] : i32 from vector<1xi32>
        %add3A_275 = arith.constant 64 : i32
        %add3A_276 = vector.broadcast %add3A_275 : i32 to vector<16xi32>
        %add3A_277 = arith.addi %iota3A, %add3A_276 : vector<16xi32>
        %swap3A_278 = arith.index_cast %squeeze3A_274 : i32 to index
        %swap3A_279 = tpu.vector_load %arg18[%swap3A_278] masked %le3A_60 {strides = array<i32>} : memref<656xi32, #tpu.memory_space<vmem>>, vector<16xi32>, vector<16xi1>
        tpu.vector_store %arg18[%swap3A_278], %add3A_277 masked %le3A_60 {strides = array<i32>} : memref<656xi32, #tpu.memory_space<vmem>>, vector<16xi32>, vector<16xi1>
        %add3A_280 = arith.addi %add3A_272, %all_reduce_population_count3A_204 : vector<16xi32>
        %slice3A_281 = vector.extract_strided_slice %add3A_280 {offsets = [0], sizes = [1], strides = [1]} : vector<16xi32> to vector<1xi32>
        %squeeze3A_282 = vector.extract %slice3A_281[0] : i32 from vector<1xi32>
        %add3A_283 = arith.constant 80 : i32
        %add3A_284 = vector.broadcast %add3A_283 : i32 to vector<16xi32>
        %add3A_285 = arith.addi %iota3A, %add3A_284 : vector<16xi32>
        %swap3A_286 = arith.index_cast %squeeze3A_282 : i32 to index
        %swap3A_287 = tpu.vector_load %arg18[%swap3A_286] masked %le3A_64 {strides = array<i32>} : memref<656xi32, #tpu.memory_space<vmem>>, vector<16xi32>, vector<16xi1>
        tpu.vector_store %arg18[%swap3A_286], %add3A_285 masked %le3A_64 {strides = array<i32>} : memref<656xi32, #tpu.memory_space<vmem>>, vector<16xi32>, vector<16xi1>
        %add3A_288 = arith.addi %add3A_280, %all_reduce_population_count3A_205 : vector<16xi32>
        %slice3A_289 = vector.extract_strided_slice %add3A_288 {offsets = [0], sizes = [1], strides = [1]} : vector<16xi32> to vector<1xi32>
        %squeeze3A_290 = vector.extract %slice3A_289[0] : i32 from vector<1xi32>
        %add3A_291 = arith.constant 96 : i32
        %add3A_292 = vector.broadcast %add3A_291 : i32 to vector<16xi32>
        %add3A_293 = arith.addi %iota3A, %add3A_292 : vector<16xi32>
        %swap3A_294 = arith.index_cast %squeeze3A_290 : i32 to index
        %swap3A_295 = tpu.vector_load %arg18[%swap3A_294] masked %le3A_68 {strides = array<i32>} : memref<656xi32, #tpu.memory_space<vmem>>, vector<16xi32>, vector<16xi1>
        tpu.vector_store %arg18[%swap3A_294], %add3A_293 masked %le3A_68 {strides = array<i32>} : memref<656xi32, #tpu.memory_space<vmem>>, vector<16xi32>, vector<16xi1>
        %add3A_296 = arith.addi %add3A_288, %all_reduce_population_count3A_206 : vector<16xi32>
        %slice3A_297 = vector.extract_strided_slice %add3A_296 {offsets = [0], sizes = [1], strides = [1]} : vector<16xi32> to vector<1xi32>
        %squeeze3A_298 = vector.extract %slice3A_297[0] : i32 from vector<1xi32>
        %add3A_299 = arith.constant 112 : i32
        %add3A_300 = vector.broadcast %add3A_299 : i32 to vector<16xi32>
        %add3A_301 = arith.addi %iota3A, %add3A_300 : vector<16xi32>
        %swap3A_302 = arith.index_cast %squeeze3A_298 : i32 to index
        %swap3A_303 = tpu.vector_load %arg18[%swap3A_302] masked %le3A_72 {strides = array<i32>} : memref<656xi32, #tpu.memory_space<vmem>>, vector<16xi32>, vector<16xi1>
        tpu.vector_store %arg18[%swap3A_302], %add3A_301 masked %le3A_72 {strides = array<i32>} : memref<656xi32, #tpu.memory_space<vmem>>, vector<16xi32>, vector<16xi1>
        %add3A_304 = arith.addi %add3A_296, %all_reduce_population_count3A_207 : vector<16xi32>
        %slice3A_305 = vector.extract_strided_slice %add3A_304 {offsets = [0], sizes = [1], strides = [1]} : vector<16xi32> to vector<1xi32>
        %squeeze3A_306 = vector.extract %slice3A_305[0] : i32 from vector<1xi32>
        %add3A_307 = arith.constant 128 : i32
        %add3A_308 = vector.broadcast %add3A_307 : i32 to vector<16xi32>
        %add3A_309 = arith.addi %iota3A, %add3A_308 : vector<16xi32>
        %swap3A_310 = arith.index_cast %squeeze3A_306 : i32 to index
        %swap3A_311 = tpu.vector_load %arg18[%swap3A_310] masked %le3A_76 {strides = array<i32>} : memref<656xi32, #tpu.memory_space<vmem>>, vector<16xi32>, vector<16xi1>
        tpu.vector_store %arg18[%swap3A_310], %add3A_309 masked %le3A_76 {strides = array<i32>} : memref<656xi32, #tpu.memory_space<vmem>>, vector<16xi32>, vector<16xi1>
        %add3A_312 = arith.addi %add3A_304, %all_reduce_population_count3A_208 : vector<16xi32>
        %slice3A_313 = vector.extract_strided_slice %add3A_312 {offsets = [0], sizes = [1], strides = [1]} : vector<16xi32> to vector<1xi32>
        %squeeze3A_314 = vector.extract %slice3A_313[0] : i32 from vector<1xi32>
        %add3A_315 = arith.constant 144 : i32
        %add3A_316 = vector.broadcast %add3A_315 : i32 to vector<16xi32>
        %add3A_317 = arith.addi %iota3A, %add3A_316 : vector<16xi32>
        %swap3A_318 = arith.index_cast %squeeze3A_314 : i32 to index
        %swap3A_319 = tpu.vector_load %arg18[%swap3A_318] masked %le3A_80 {strides = array<i32>} : memref<656xi32, #tpu.memory_space<vmem>>, vector<16xi32>, vector<16xi1>
        tpu.vector_store %arg18[%swap3A_318], %add3A_317 masked %le3A_80 {strides = array<i32>} : memref<656xi32, #tpu.memory_space<vmem>>, vector<16xi32>, vector<16xi1>
        %add3A_320 = arith.addi %add3A_312, %all_reduce_population_count3A_209 : vector<16xi32>
        %slice3A_321 = vector.extract_strided_slice %add3A_320 {offsets = [0], sizes = [1], strides = [1]} : vector<16xi32> to vector<1xi32>
        %squeeze3A_322 = vector.extract %slice3A_321[0] : i32 from vector<1xi32>
        %add3A_323 = arith.constant 160 : i32
        %add3A_324 = vector.broadcast %add3A_323 : i32 to vector<16xi32>
        %add3A_325 = arith.addi %iota3A, %add3A_324 : vector<16xi32>
        %swap3A_326 = arith.index_cast %squeeze3A_322 : i32 to index
        %swap3A_327 = tpu.vector_load %arg18[%swap3A_326] masked %le3A_84 {strides = array<i32>} : memref<656xi32, #tpu.memory_space<vmem>>, vector<16xi32>, vector<16xi1>
        tpu.vector_store %arg18[%swap3A_326], %add3A_325 masked %le3A_84 {strides = array<i32>} : memref<656xi32, #tpu.memory_space<vmem>>, vector<16xi32>, vector<16xi1>
        %add3A_328 = arith.addi %add3A_320, %all_reduce_population_count3A_210 : vector<16xi32>
        %slice3A_329 = vector.extract_strided_slice %add3A_328 {offsets = [0], sizes = [1], strides = [1]} : vector<16xi32> to vector<1xi32>
        %squeeze3A_330 = vector.extract %slice3A_329[0] : i32 from vector<1xi32>
        %add3A_331 = arith.constant 176 : i32
        %add3A_332 = vector.broadcast %add3A_331 : i32 to vector<16xi32>
        %add3A_333 = arith.addi %iota3A, %add3A_332 : vector<16xi32>
        %swap3A_334 = arith.index_cast %squeeze3A_330 : i32 to index
        %swap3A_335 = tpu.vector_load %arg18[%swap3A_334] masked %le3A_88 {strides = array<i32>} : memref<656xi32, #tpu.memory_space<vmem>>, vector<16xi32>, vector<16xi1>
        tpu.vector_store %arg18[%swap3A_334], %add3A_333 masked %le3A_88 {strides = array<i32>} : memref<656xi32, #tpu.memory_space<vmem>>, vector<16xi32>, vector<16xi1>
        %add3A_336 = arith.addi %add3A_328, %all_reduce_population_count3A_211 : vector<16xi32>
        %slice3A_337 = vector.extract_strided_slice %add3A_336 {offsets = [0], sizes = [1], strides = [1]} : vector<16xi32> to vector<1xi32>
        %squeeze3A_338 = vector.extract %slice3A_337[0] : i32 from vector<1xi32>
        %add3A_339 = arith.constant 192 : i32
        %add3A_340 = vector.broadcast %add3A_339 : i32 to vector<16xi32>
        %add3A_341 = arith.addi %iota3A, %add3A_340 : vector<16xi32>
        %swap3A_342 = arith.index_cast %squeeze3A_338 : i32 to index
        %swap3A_343 = tpu.vector_load %arg18[%swap3A_342] masked %le3A_92 {strides = array<i32>} : memref<656xi32, #tpu.memory_space<vmem>>, vector<16xi32>, vector<16xi1>
        tpu.vector_store %arg18[%swap3A_342], %add3A_341 masked %le3A_92 {strides = array<i32>} : memref<656xi32, #tpu.memory_space<vmem>>, vector<16xi32>, vector<16xi1>
        %add3A_344 = arith.addi %add3A_336, %all_reduce_population_count3A_212 : vector<16xi32>
        %slice3A_345 = vector.extract_strided_slice %add3A_344 {offsets = [0], sizes = [1], strides = [1]} : vector<16xi32> to vector<1xi32>
        %squeeze3A_346 = vector.extract %slice3A_345[0] : i32 from vector<1xi32>
        %add3A_347 = arith.constant 208 : i32
        %add3A_348 = vector.broadcast %add3A_347 : i32 to vector<16xi32>
        %add3A_349 = arith.addi %iota3A, %add3A_348 : vector<16xi32>
        %swap3A_350 = arith.index_cast %squeeze3A_346 : i32 to index
        %swap3A_351 = tpu.vector_load %arg18[%swap3A_350] masked %le3A_96 {strides = array<i32>} : memref<656xi32, #tpu.memory_space<vmem>>, vector<16xi32>, vector<16xi1>
        tpu.vector_store %arg18[%swap3A_350], %add3A_349 masked %le3A_96 {strides = array<i32>} : memref<656xi32, #tpu.memory_space<vmem>>, vector<16xi32>, vector<16xi1>
        %add3A_352 = arith.addi %add3A_344, %all_reduce_population_count3A_213 : vector<16xi32>
        %slice3A_353 = vector.extract_strided_slice %add3A_352 {offsets = [0], sizes = [1], strides = [1]} : vector<16xi32> to vector<1xi32>
        %squeeze3A_354 = vector.extract %slice3A_353[0] : i32 from vector<1xi32>
        %add3A_355 = arith.constant 224 : i32
        %add3A_356 = vector.broadcast %add3A_355 : i32 to vector<16xi32>
        %add3A_357 = arith.addi %iota3A, %add3A_356 : vector<16xi32>
        %swap3A_358 = arith.index_cast %squeeze3A_354 : i32 to index
        %swap3A_359 = tpu.vector_load %arg18[%swap3A_358] masked %le3A_100 {strides = array<i32>} : memref<656xi32, #tpu.memory_space<vmem>>, vector<16xi32>, vector<16xi1>
        tpu.vector_store %arg18[%swap3A_358], %add3A_357 masked %le3A_100 {strides = array<i32>} : memref<656xi32, #tpu.memory_space<vmem>>, vector<16xi32>, vector<16xi1>
        %add3A_360 = arith.addi %add3A_352, %all_reduce_population_count3A_214 : vector<16xi32>
        %slice3A_361 = vector.extract_strided_slice %add3A_360 {offsets = [0], sizes = [1], strides = [1]} : vector<16xi32> to vector<1xi32>
        %squeeze3A_362 = vector.extract %slice3A_361[0] : i32 from vector<1xi32>
        %add3A_363 = arith.constant 240 : i32
        %add3A_364 = vector.broadcast %add3A_363 : i32 to vector<16xi32>
        %add3A_365 = arith.addi %iota3A, %add3A_364 : vector<16xi32>
        %swap3A_366 = arith.index_cast %squeeze3A_362 : i32 to index
        %swap3A_367 = tpu.vector_load %arg18[%swap3A_366] masked %le3A_104 {strides = array<i32>} : memref<656xi32, #tpu.memory_space<vmem>>, vector<16xi32>, vector<16xi1>
        tpu.vector_store %arg18[%swap3A_366], %add3A_365 masked %le3A_104 {strides = array<i32>} : memref<656xi32, #tpu.memory_space<vmem>>, vector<16xi32>, vector<16xi1>
        %add3A_368 = arith.addi %add3A_360, %all_reduce_population_count3A_215 : vector<16xi32>
        %slice3A_369 = vector.extract_strided_slice %add3A_368 {offsets = [0], sizes = [1], strides = [1]} : vector<16xi32> to vector<1xi32>
        %squeeze3A_370 = vector.extract %slice3A_369[0] : i32 from vector<1xi32>
        %add3A_371 = arith.constant 256 : i32
        %add3A_372 = vector.broadcast %add3A_371 : i32 to vector<16xi32>
        %add3A_373 = arith.addi %iota3A, %add3A_372 : vector<16xi32>
        %swap3A_374 = arith.index_cast %squeeze3A_370 : i32 to index
        %swap3A_375 = tpu.vector_load %arg18[%swap3A_374] masked %le3A_108 {strides = array<i32>} : memref<656xi32, #tpu.memory_space<vmem>>, vector<16xi32>, vector<16xi1>
        tpu.vector_store %arg18[%swap3A_374], %add3A_373 masked %le3A_108 {strides = array<i32>} : memref<656xi32, #tpu.memory_space<vmem>>, vector<16xi32>, vector<16xi1>
        %add3A_376 = arith.addi %add3A_368, %all_reduce_population_count3A_216 : vector<16xi32>
        %slice3A_377 = vector.extract_strided_slice %add3A_376 {offsets = [0], sizes = [1], strides = [1]} : vector<16xi32> to vector<1xi32>
        %squeeze3A_378 = vector.extract %slice3A_377[0] : i32 from vector<1xi32>
        %add3A_379 = arith.constant 272 : i32
        %add3A_380 = vector.broadcast %add3A_379 : i32 to vector<16xi32>
        %add3A_381 = arith.addi %iota3A, %add3A_380 : vector<16xi32>
        %swap3A_382 = arith.index_cast %squeeze3A_378 : i32 to index
        %swap3A_383 = tpu.vector_load %arg18[%swap3A_382] masked %le3A_112 {strides = array<i32>} : memref<656xi32, #tpu.memory_space<vmem>>, vector<16xi32>, vector<16xi1>
        tpu.vector_store %arg18[%swap3A_382], %add3A_381 masked %le3A_112 {strides = array<i32>} : memref<656xi32, #tpu.memory_space<vmem>>, vector<16xi32>, vector<16xi1>
        %add3A_384 = arith.addi %add3A_376, %all_reduce_population_count3A_217 : vector<16xi32>
        %slice3A_385 = vector.extract_strided_slice %add3A_384 {offsets = [0], sizes = [1], strides = [1]} : vector<16xi32> to vector<1xi32>
        %squeeze3A_386 = vector.extract %slice3A_385[0] : i32 from vector<1xi32>
        %add3A_387 = arith.constant 288 : i32
        %add3A_388 = vector.broadcast %add3A_387 : i32 to vector<16xi32>
        %add3A_389 = arith.addi %iota3A, %add3A_388 : vector<16xi32>
        %swap3A_390 = arith.index_cast %squeeze3A_386 : i32 to index
        %swap3A_391 = tpu.vector_load %arg18[%swap3A_390] masked %le3A_116 {strides = array<i32>} : memref<656xi32, #tpu.memory_space<vmem>>, vector<16xi32>, vector<16xi1>
        tpu.vector_store %arg18[%swap3A_390], %add3A_389 masked %le3A_116 {strides = array<i32>} : memref<656xi32, #tpu.memory_space<vmem>>, vector<16xi32>, vector<16xi1>
        %add3A_392 = arith.addi %add3A_384, %all_reduce_population_count3A_218 : vector<16xi32>
        %slice3A_393 = vector.extract_strided_slice %add3A_392 {offsets = [0], sizes = [1], strides = [1]} : vector<16xi32> to vector<1xi32>
        %squeeze3A_394 = vector.extract %slice3A_393[0] : i32 from vector<1xi32>
        %add3A_395 = arith.constant 304 : i32
        %add3A_396 = vector.broadcast %add3A_395 : i32 to vector<16xi32>
        %add3A_397 = arith.addi %iota3A, %add3A_396 : vector<16xi32>
        %swap3A_398 = arith.index_cast %squeeze3A_394 : i32 to index
        %swap3A_399 = tpu.vector_load %arg18[%swap3A_398] masked %le3A_120 {strides = array<i32>} : memref<656xi32, #tpu.memory_space<vmem>>, vector<16xi32>, vector<16xi1>
        tpu.vector_store %arg18[%swap3A_398], %add3A_397 masked %le3A_120 {strides = array<i32>} : memref<656xi32, #tpu.memory_space<vmem>>, vector<16xi32>, vector<16xi1>
        %add3A_400 = arith.addi %add3A_392, %all_reduce_population_count3A_219 : vector<16xi32>
        %slice3A_401 = vector.extract_strided_slice %add3A_400 {offsets = [0], sizes = [1], strides = [1]} : vector<16xi32> to vector<1xi32>
        %squeeze3A_402 = vector.extract %slice3A_401[0] : i32 from vector<1xi32>
        %add3A_403 = arith.constant 320 : i32
        %add3A_404 = vector.broadcast %add3A_403 : i32 to vector<16xi32>
        %add3A_405 = arith.addi %iota3A, %add3A_404 : vector<16xi32>
        %swap3A_406 = arith.index_cast %squeeze3A_402 : i32 to index
        %swap3A_407 = tpu.vector_load %arg18[%swap3A_406] masked %le3A_124 {strides = array<i32>} : memref<656xi32, #tpu.memory_space<vmem>>, vector<16xi32>, vector<16xi1>
        tpu.vector_store %arg18[%swap3A_406], %add3A_405 masked %le3A_124 {strides = array<i32>} : memref<656xi32, #tpu.memory_space<vmem>>, vector<16xi32>, vector<16xi1>
        %add3A_408 = arith.addi %add3A_400, %all_reduce_population_count3A_220 : vector<16xi32>
        %slice3A_409 = vector.extract_strided_slice %add3A_408 {offsets = [0], sizes = [1], strides = [1]} : vector<16xi32> to vector<1xi32>
        %squeeze3A_410 = vector.extract %slice3A_409[0] : i32 from vector<1xi32>
        %add3A_411 = arith.constant 336 : i32
        %add3A_412 = vector.broadcast %add3A_411 : i32 to vector<16xi32>
        %add3A_413 = arith.addi %iota3A, %add3A_412 : vector<16xi32>
        %swap3A_414 = arith.index_cast %squeeze3A_410 : i32 to index
        %swap3A_415 = tpu.vector_load %arg18[%swap3A_414] masked %le3A_128 {strides = array<i32>} : memref<656xi32, #tpu.memory_space<vmem>>, vector<16xi32>, vector<16xi1>
        tpu.vector_store %arg18[%swap3A_414], %add3A_413 masked %le3A_128 {strides = array<i32>} : memref<656xi32, #tpu.memory_space<vmem>>, vector<16xi32>, vector<16xi1>
        %add3A_416 = arith.addi %add3A_408, %all_reduce_population_count3A_221 : vector<16xi32>
        %slice3A_417 = vector.extract_strided_slice %add3A_416 {offsets = [0], sizes = [1], strides = [1]} : vector<16xi32> to vector<1xi32>
        %squeeze3A_418 = vector.extract %slice3A_417[0] : i32 from vector<1xi32>
        %add3A_419 = arith.constant 352 : i32
        %add3A_420 = vector.broadcast %add3A_419 : i32 to vector<16xi32>
        %add3A_421 = arith.addi %iota3A, %add3A_420 : vector<16xi32>
        %swap3A_422 = arith.index_cast %squeeze3A_418 : i32 to index
        %swap3A_423 = tpu.vector_load %arg18[%swap3A_422] masked %le3A_132 {strides = array<i32>} : memref<656xi32, #tpu.memory_space<vmem>>, vector<16xi32>, vector<16xi1>
        tpu.vector_store %arg18[%swap3A_422], %add3A_421 masked %le3A_132 {strides = array<i32>} : memref<656xi32, #tpu.memory_space<vmem>>, vector<16xi32>, vector<16xi1>
        %add3A_424 = arith.addi %add3A_416, %all_reduce_population_count3A_222 : vector<16xi32>
        %slice3A_425 = vector.extract_strided_slice %add3A_424 {offsets = [0], sizes = [1], strides = [1]} : vector<16xi32> to vector<1xi32>
        %squeeze3A_426 = vector.extract %slice3A_425[0] : i32 from vector<1xi32>
        %add3A_427 = arith.constant 368 : i32
        %add3A_428 = vector.broadcast %add3A_427 : i32 to vector<16xi32>
        %add3A_429 = arith.addi %iota3A, %add3A_428 : vector<16xi32>
        %swap3A_430 = arith.index_cast %squeeze3A_426 : i32 to index
        %swap3A_431 = tpu.vector_load %arg18[%swap3A_430] masked %le3A_136 {strides = array<i32>} : memref<656xi32, #tpu.memory_space<vmem>>, vector<16xi32>, vector<16xi1>
        tpu.vector_store %arg18[%swap3A_430], %add3A_429 masked %le3A_136 {strides = array<i32>} : memref<656xi32, #tpu.memory_space<vmem>>, vector<16xi32>, vector<16xi1>
        %add3A_432 = arith.addi %add3A_424, %all_reduce_population_count3A_223 : vector<16xi32>
        %slice3A_433 = vector.extract_strided_slice %add3A_432 {offsets = [0], sizes = [1], strides = [1]} : vector<16xi32> to vector<1xi32>
        %squeeze3A_434 = vector.extract %slice3A_433[0] : i32 from vector<1xi32>
        %add3A_435 = arith.constant 384 : i32
        %add3A_436 = vector.broadcast %add3A_435 : i32 to vector<16xi32>
        %add3A_437 = arith.addi %iota3A, %add3A_436 : vector<16xi32>
        %swap3A_438 = arith.index_cast %squeeze3A_434 : i32 to index
        %swap3A_439 = tpu.vector_load %arg18[%swap3A_438] masked %le3A_140 {strides = array<i32>} : memref<656xi32, #tpu.memory_space<vmem>>, vector<16xi32>, vector<16xi1>
        tpu.vector_store %arg18[%swap3A_438], %add3A_437 masked %le3A_140 {strides = array<i32>} : memref<656xi32, #tpu.memory_space<vmem>>, vector<16xi32>, vector<16xi1>
        %add3A_440 = arith.addi %add3A_432, %all_reduce_population_count3A_224 : vector<16xi32>
        %slice3A_441 = vector.extract_strided_slice %add3A_440 {offsets = [0], sizes = [1], strides = [1]} : vector<16xi32> to vector<1xi32>
        %squeeze3A_442 = vector.extract %slice3A_441[0] : i32 from vector<1xi32>
        %add3A_443 = arith.constant 400 : i32
        %add3A_444 = vector.broadcast %add3A_443 : i32 to vector<16xi32>
        %add3A_445 = arith.addi %iota3A, %add3A_444 : vector<16xi32>
        %swap3A_446 = arith.index_cast %squeeze3A_442 : i32 to index
        %swap3A_447 = tpu.vector_load %arg18[%swap3A_446] masked %le3A_144 {strides = array<i32>} : memref<656xi32, #tpu.memory_space<vmem>>, vector<16xi32>, vector<16xi1>
        tpu.vector_store %arg18[%swap3A_446], %add3A_445 masked %le3A_144 {strides = array<i32>} : memref<656xi32, #tpu.memory_space<vmem>>, vector<16xi32>, vector<16xi1>
        %add3A_448 = arith.addi %add3A_440, %all_reduce_population_count3A_225 : vector<16xi32>
        %slice3A_449 = vector.extract_strided_slice %add3A_448 {offsets = [0], sizes = [1], strides = [1]} : vector<16xi32> to vector<1xi32>
        %squeeze3A_450 = vector.extract %slice3A_449[0] : i32 from vector<1xi32>
        %add3A_451 = arith.constant 416 : i32
        %add3A_452 = vector.broadcast %add3A_451 : i32 to vector<16xi32>
        %add3A_453 = arith.addi %iota3A, %add3A_452 : vector<16xi32>
        %swap3A_454 = arith.index_cast %squeeze3A_450 : i32 to index
        %swap3A_455 = tpu.vector_load %arg18[%swap3A_454] masked %le3A_148 {strides = array<i32>} : memref<656xi32, #tpu.memory_space<vmem>>, vector<16xi32>, vector<16xi1>
        tpu.vector_store %arg18[%swap3A_454], %add3A_453 masked %le3A_148 {strides = array<i32>} : memref<656xi32, #tpu.memory_space<vmem>>, vector<16xi32>, vector<16xi1>
        %add3A_456 = arith.addi %add3A_448, %all_reduce_population_count3A_226 : vector<16xi32>
        %slice3A_457 = vector.extract_strided_slice %add3A_456 {offsets = [0], sizes = [1], strides = [1]} : vector<16xi32> to vector<1xi32>
        %squeeze3A_458 = vector.extract %slice3A_457[0] : i32 from vector<1xi32>
        %add3A_459 = arith.constant 432 : i32
        %add3A_460 = vector.broadcast %add3A_459 : i32 to vector<16xi32>
        %add3A_461 = arith.addi %iota3A, %add3A_460 : vector<16xi32>
        %swap3A_462 = arith.index_cast %squeeze3A_458 : i32 to index
        %swap3A_463 = tpu.vector_load %arg18[%swap3A_462] masked %le3A_152 {strides = array<i32>} : memref<656xi32, #tpu.memory_space<vmem>>, vector<16xi32>, vector<16xi1>
        tpu.vector_store %arg18[%swap3A_462], %add3A_461 masked %le3A_152 {strides = array<i32>} : memref<656xi32, #tpu.memory_space<vmem>>, vector<16xi32>, vector<16xi1>
        %add3A_464 = arith.addi %add3A_456, %all_reduce_population_count3A_227 : vector<16xi32>
        %slice3A_465 = vector.extract_strided_slice %add3A_464 {offsets = [0], sizes = [1], strides = [1]} : vector<16xi32> to vector<1xi32>
        %squeeze3A_466 = vector.extract %slice3A_465[0] : i32 from vector<1xi32>
        %add3A_467 = arith.constant 448 : i32
        %add3A_468 = vector.broadcast %add3A_467 : i32 to vector<16xi32>
        %add3A_469 = arith.addi %iota3A, %add3A_468 : vector<16xi32>
        %swap3A_470 = arith.index_cast %squeeze3A_466 : i32 to index
        %swap3A_471 = tpu.vector_load %arg18[%swap3A_470] masked %le3A_156 {strides = array<i32>} : memref<656xi32, #tpu.memory_space<vmem>>, vector<16xi32>, vector<16xi1>
        tpu.vector_store %arg18[%swap3A_470], %add3A_469 masked %le3A_156 {strides = array<i32>} : memref<656xi32, #tpu.memory_space<vmem>>, vector<16xi32>, vector<16xi1>
        %add3A_472 = arith.addi %add3A_464, %all_reduce_population_count3A_228 : vector<16xi32>
        %slice3A_473 = vector.extract_strided_slice %add3A_472 {offsets = [0], sizes = [1], strides = [1]} : vector<16xi32> to vector<1xi32>
        %squeeze3A_474 = vector.extract %slice3A_473[0] : i32 from vector<1xi32>
        %add3A_475 = arith.constant 464 : i32
        %add3A_476 = vector.broadcast %add3A_475 : i32 to vector<16xi32>
        %add3A_477 = arith.addi %iota3A, %add3A_476 : vector<16xi32>
        %swap3A_478 = arith.index_cast %squeeze3A_474 : i32 to index
        %swap3A_479 = tpu.vector_load %arg18[%swap3A_478] masked %le3A_160 {strides = array<i32>} : memref<656xi32, #tpu.memory_space<vmem>>, vector<16xi32>, vector<16xi1>
        tpu.vector_store %arg18[%swap3A_478], %add3A_477 masked %le3A_160 {strides = array<i32>} : memref<656xi32, #tpu.memory_space<vmem>>, vector<16xi32>, vector<16xi1>
        %add3A_480 = arith.addi %add3A_472, %all_reduce_population_count3A_229 : vector<16xi32>
        %slice3A_481 = vector.extract_strided_slice %add3A_480 {offsets = [0], sizes = [1], strides = [1]} : vector<16xi32> to vector<1xi32>
        %squeeze3A_482 = vector.extract %slice3A_481[0] : i32 from vector<1xi32>
        %add3A_483 = arith.constant 480 : i32
        %add3A_484 = vector.broadcast %add3A_483 : i32 to vector<16xi32>
        %add3A_485 = arith.addi %iota3A, %add3A_484 : vector<16xi32>
        %swap3A_486 = arith.index_cast %squeeze3A_482 : i32 to index
        %swap3A_487 = tpu.vector_load %arg18[%swap3A_486] masked %le3A_164 {strides = array<i32>} : memref<656xi32, #tpu.memory_space<vmem>>, vector<16xi32>, vector<16xi1>
        tpu.vector_store %arg18[%swap3A_486], %add3A_485 masked %le3A_164 {strides = array<i32>} : memref<656xi32, #tpu.memory_space<vmem>>, vector<16xi32>, vector<16xi1>
        %add3A_488 = arith.addi %add3A_480, %all_reduce_population_count3A_230 : vector<16xi32>
        %slice3A_489 = vector.extract_strided_slice %add3A_488 {offsets = [0], sizes = [1], strides = [1]} : vector<16xi32> to vector<1xi32>
        %squeeze3A_490 = vector.extract %slice3A_489[0] : i32 from vector<1xi32>
        %add3A_491 = arith.constant 496 : i32
        %add3A_492 = vector.broadcast %add3A_491 : i32 to vector<16xi32>
        %add3A_493 = arith.addi %iota3A, %add3A_492 : vector<16xi32>
        %swap3A_494 = arith.index_cast %squeeze3A_490 : i32 to index
        %swap3A_495 = tpu.vector_load %arg18[%swap3A_494] masked %le3A_168 {strides = array<i32>} : memref<656xi32, #tpu.memory_space<vmem>>, vector<16xi32>, vector<16xi1>
        tpu.vector_store %arg18[%swap3A_494], %add3A_493 masked %le3A_168 {strides = array<i32>} : memref<656xi32, #tpu.memory_space<vmem>>, vector<16xi32>, vector<16xi1>
        %add3A_496 = arith.addi %add3A_488, %all_reduce_population_count3A_231 : vector<16xi32>
        %slice3A_497 = vector.extract_strided_slice %add3A_496 {offsets = [0], sizes = [1], strides = [1]} : vector<16xi32> to vector<1xi32>
        %squeeze3A_498 = vector.extract %slice3A_497[0] : i32 from vector<1xi32>
        %add3A_499 = arith.constant 512 : i32
        %add3A_500 = vector.broadcast %add3A_499 : i32 to vector<16xi32>
        %add3A_501 = arith.addi %iota3A, %add3A_500 : vector<16xi32>
        %swap3A_502 = arith.index_cast %squeeze3A_498 : i32 to index
        %swap3A_503 = tpu.vector_load %arg18[%swap3A_502] masked %le3A_172 {strides = array<i32>} : memref<656xi32, #tpu.memory_space<vmem>>, vector<16xi32>, vector<16xi1>
        tpu.vector_store %arg18[%swap3A_502], %add3A_501 masked %le3A_172 {strides = array<i32>} : memref<656xi32, #tpu.memory_space<vmem>>, vector<16xi32>, vector<16xi1>
        %add3A_504 = arith.addi %add3A_496, %all_reduce_population_count3A_232 : vector<16xi32>
        %slice3A_505 = vector.extract_strided_slice %add3A_504 {offsets = [0], sizes = [1], strides = [1]} : vector<16xi32> to vector<1xi32>
        %squeeze3A_506 = vector.extract %slice3A_505[0] : i32 from vector<1xi32>
        %add3A_507 = arith.constant 528 : i32
        %add3A_508 = vector.broadcast %add3A_507 : i32 to vector<16xi32>
        %add3A_509 = arith.addi %iota3A, %add3A_508 : vector<16xi32>
        %swap3A_510 = arith.index_cast %squeeze3A_506 : i32 to index
        %swap3A_511 = tpu.vector_load %arg18[%swap3A_510] masked %le3A_176 {strides = array<i32>} : memref<656xi32, #tpu.memory_space<vmem>>, vector<16xi32>, vector<16xi1>
        tpu.vector_store %arg18[%swap3A_510], %add3A_509 masked %le3A_176 {strides = array<i32>} : memref<656xi32, #tpu.memory_space<vmem>>, vector<16xi32>, vector<16xi1>
        %add3A_512 = arith.addi %add3A_504, %all_reduce_population_count3A_233 : vector<16xi32>
        %slice3A_513 = vector.extract_strided_slice %add3A_512 {offsets = [0], sizes = [1], strides = [1]} : vector<16xi32> to vector<1xi32>
        %squeeze3A_514 = vector.extract %slice3A_513[0] : i32 from vector<1xi32>
        %add3A_515 = arith.constant 544 : i32
        %add3A_516 = vector.broadcast %add3A_515 : i32 to vector<16xi32>
        %add3A_517 = arith.addi %iota3A, %add3A_516 : vector<16xi32>
        %swap3A_518 = arith.index_cast %squeeze3A_514 : i32 to index
        %swap3A_519 = tpu.vector_load %arg18[%swap3A_518] masked %le3A_180 {strides = array<i32>} : memref<656xi32, #tpu.memory_space<vmem>>, vector<16xi32>, vector<16xi1>
        tpu.vector_store %arg18[%swap3A_518], %add3A_517 masked %le3A_180 {strides = array<i32>} : memref<656xi32, #tpu.memory_space<vmem>>, vector<16xi32>, vector<16xi1>
        %add3A_520 = arith.addi %add3A_512, %all_reduce_population_count3A_234 : vector<16xi32>
        %slice3A_521 = vector.extract_strided_slice %add3A_520 {offsets = [0], sizes = [1], strides = [1]} : vector<16xi32> to vector<1xi32>
        %squeeze3A_522 = vector.extract %slice3A_521[0] : i32 from vector<1xi32>
        %add3A_523 = arith.constant 560 : i32
        %add3A_524 = vector.broadcast %add3A_523 : i32 to vector<16xi32>
        %add3A_525 = arith.addi %iota3A, %add3A_524 : vector<16xi32>
        %swap3A_526 = arith.index_cast %squeeze3A_522 : i32 to index
        %swap3A_527 = tpu.vector_load %arg18[%swap3A_526] masked %le3A_184 {strides = array<i32>} : memref<656xi32, #tpu.memory_space<vmem>>, vector<16xi32>, vector<16xi1>
        tpu.vector_store %arg18[%swap3A_526], %add3A_525 masked %le3A_184 {strides = array<i32>} : memref<656xi32, #tpu.memory_space<vmem>>, vector<16xi32>, vector<16xi1>
        %add3A_528 = arith.addi %add3A_520, %all_reduce_population_count3A_235 : vector<16xi32>
        %slice3A_529 = vector.extract_strided_slice %add3A_528 {offsets = [0], sizes = [1], strides = [1]} : vector<16xi32> to vector<1xi32>
        %squeeze3A_530 = vector.extract %slice3A_529[0] : i32 from vector<1xi32>
        %add3A_531 = arith.constant 576 : i32
        %add3A_532 = vector.broadcast %add3A_531 : i32 to vector<16xi32>
        %add3A_533 = arith.addi %iota3A, %add3A_532 : vector<16xi32>
        %swap3A_534 = arith.index_cast %squeeze3A_530 : i32 to index
        %swap3A_535 = tpu.vector_load %arg18[%swap3A_534] masked %le3A_188 {strides = array<i32>} : memref<656xi32, #tpu.memory_space<vmem>>, vector<16xi32>, vector<16xi1>
        tpu.vector_store %arg18[%swap3A_534], %add3A_533 masked %le3A_188 {strides = array<i32>} : memref<656xi32, #tpu.memory_space<vmem>>, vector<16xi32>, vector<16xi1>
        %add3A_536 = arith.addi %add3A_528, %all_reduce_population_count3A_236 : vector<16xi32>
        %slice3A_537 = vector.extract_strided_slice %add3A_536 {offsets = [0], sizes = [1], strides = [1]} : vector<16xi32> to vector<1xi32>
        %squeeze3A_538 = vector.extract %slice3A_537[0] : i32 from vector<1xi32>
        %add3A_539 = arith.constant 592 : i32
        %add3A_540 = vector.broadcast %add3A_539 : i32 to vector<16xi32>
        %add3A_541 = arith.addi %iota3A, %add3A_540 : vector<16xi32>
        %swap3A_542 = arith.index_cast %squeeze3A_538 : i32 to index
        %swap3A_543 = tpu.vector_load %arg18[%swap3A_542] masked %le3A_192 {strides = array<i32>} : memref<656xi32, #tpu.memory_space<vmem>>, vector<16xi32>, vector<16xi1>
        tpu.vector_store %arg18[%swap3A_542], %add3A_541 masked %le3A_192 {strides = array<i32>} : memref<656xi32, #tpu.memory_space<vmem>>, vector<16xi32>, vector<16xi1>
        %add3A_544 = arith.addi %add3A_536, %all_reduce_population_count3A_237 : vector<16xi32>
        %slice3A_545 = vector.extract_strided_slice %add3A_544 {offsets = [0], sizes = [1], strides = [1]} : vector<16xi32> to vector<1xi32>
        %squeeze3A_546 = vector.extract %slice3A_545[0] : i32 from vector<1xi32>
        %add3A_547 = arith.constant 608 : i32
        %add3A_548 = vector.broadcast %add3A_547 : i32 to vector<16xi32>
        %add3A_549 = arith.addi %iota3A, %add3A_548 : vector<16xi32>
        %swap3A_550 = arith.index_cast %squeeze3A_546 : i32 to index
        %swap3A_551 = tpu.vector_load %arg18[%swap3A_550] masked %le3A_196 {strides = array<i32>} : memref<656xi32, #tpu.memory_space<vmem>>, vector<16xi32>, vector<16xi1>
        tpu.vector_store %arg18[%swap3A_550], %add3A_549 masked %le3A_196 {strides = array<i32>} : memref<656xi32, #tpu.memory_space<vmem>>, vector<16xi32>, vector<16xi1>
        %add3A_552 = arith.addi %add3A_544, %all_reduce_population_count3A_238 : vector<16xi32>
        %slice3A_553 = vector.extract_strided_slice %add3A_552 {offsets = [0], sizes = [1], strides = [1]} : vector<16xi32> to vector<1xi32>
        %squeeze3A_554 = vector.extract %slice3A_553[0] : i32 from vector<1xi32>
        %add3A_555 = arith.constant 624 : i32
        %add3A_556 = vector.broadcast %add3A_555 : i32 to vector<16xi32>
        %add3A_557 = arith.addi %iota3A, %add3A_556 : vector<16xi32>
        %swap3A_558 = arith.index_cast %squeeze3A_554 : i32 to index
        %swap3A_559 = tpu.vector_load %arg18[%swap3A_558] masked %le3A_200 {strides = array<i32>} : memref<656xi32, #tpu.memory_space<vmem>>, vector<16xi32>, vector<16xi1>
        tpu.vector_store %arg18[%swap3A_558], %add3A_557 masked %le3A_200 {strides = array<i32>} : memref<656xi32, #tpu.memory_space<vmem>>, vector<16xi32>, vector<16xi1>
        %add3A_560 = arith.addi %add3A_552, %all_reduce_population_count3A_239 : vector<16xi32>
        %slice3A_561 = vector.extract_strided_slice %add3A_560 {offsets = [0], sizes = [1], strides = [1]} : vector<16xi32> to vector<1xi32>
        %squeeze3A_562 = vector.extract %slice3A_561[0] : i32 from vector<1xi32>
        %get3A_563 = arith.index_cast %add3A_36 : i32 to index
        %get3A_564 = tpu.vector_load %arg13[%get3A_563] {strides = array<i32>} : memref<80xf32, #tpu.memory_space<vmem>>, vector<16xf32>,
        %slice3A_565 = vector.extract_strided_slice %get3A_564 {offsets = [0], sizes = [1], strides = [1]} : vector<16xf32> to vector<1xf32>
        %squeeze3A_566 = vector.extract %slice3A_565[0] : f32 from vector<1xf32>
        %broadcast_in_dim3A_567 = vector.broadcast %squeeze3A_566 : f32 to vector<16xf32>
        %get3A_568 = arith.index_cast %add3A_36 : i32 to index
        %get3A_569 = tpu.vector_load %arg14[%get3A_568] {strides = array<i32>} : memref<80xf32, #tpu.memory_space<vmem>>, vector<16xf32>,
        %slice3A_570 = vector.extract_strided_slice %get3A_569 {offsets = [0], sizes = [1], strides = [1]} : vector<16xf32> to vector<1xf32>
        %squeeze3A_571 = vector.extract %slice3A_570[0] : f32 from vector<1xf32>
        %broadcast_in_dim3A_572 = vector.broadcast %squeeze3A_571 : f32 to vector<16xf32>
        %get3A_573 = arith.index_cast %add3A_36 : i32 to index
        %get3A_574 = tpu.vector_load %arg15[%get3A_573] {strides = array<i32>} : memref<80xf32, #tpu.memory_space<vmem>>, vector<16xf32>,
        %slice3A_575 = vector.extract_strided_slice %get3A_574 {offsets = [0], sizes = [1], strides = [1]} : vector<16xf32> to vector<1xf32>
        %squeeze3A_576 = vector.extract %slice3A_575[0] : f32 from vector<1xf32>
        %broadcast_in_dim3A_577 = vector.broadcast %squeeze3A_576 : f32 to vector<16xf32>
        %add3A_578 = arith.constant 1 : i32
        %add3A_579 = arith.addi %squeeze3A_562, %add3A_578 : i32
        %jit3A = arith.constant 2 : i32
        %div3A = arith.divsi %add3A_579, %jit3A : i32
        %sign3A = arith.constant 0 : i32
        %sign3A_580 = arith.cmpi sgt, %add3A_579, %sign3A : i32
        %sign3A_581 = arith.extui %sign3A_580 : i1 to i32
        %sign3A_582 = arith.constant 0 : i32
        %sign3A_583 = arith.cmpi slt, %add3A_579, %sign3A_582 : i32
        %sign3A_584 = arith.extui %sign3A_583 : i1 to i32
        %sign3A_585 = arith.subi %sign3A_581, %sign3A_584 : i32
        %sign3A_586 = arith.constant 0 : i32
        %sign3A_587 = arith.cmpi sgt, %jit3A, %sign3A_586 : i32
        %sign3A_588 = arith.extui %sign3A_587 : i1 to i32
        %sign3A_589 = arith.constant 0 : i32
        %sign3A_590 = arith.cmpi slt, %jit3A, %sign3A_589 : i32
        %sign3A_591 = arith.extui %sign3A_590 : i1 to i32
        %sign3A_592 = arith.subi %sign3A_588, %sign3A_591 : i32
        %ne3A = arith.cmpi ne, %sign3A_585, %sign3A_592 : i32
        %rem3A = arith.remsi %add3A_579, %jit3A : i32
        %ne3A_593 = arith.constant 0 : i32
        %ne3A_594 = arith.cmpi ne, %rem3A, %ne3A_593 : i32
        %and3A = arith.andi %ne3A, %ne3A_594 : i1
        %sub3A = arith.constant 1 : i32
        %sub3A_595 = arith.subi %div3A, %sub3A : i32
        %select_n3A = arith.select %and3A, %sub3A_595, %div3A : i32
        %broadcast_in_dim3A_596 = arith.constant 0 : i32
        %broadcast_in_dim3A_597 = vector.broadcast %broadcast_in_dim3A_596 : i32 to vector<16xi32>
        %while3A = arith.constant 0 : i32
        %while3A_598 = arith.subi %select_n3A, %while3A : i32
        %while3A_599 = arith.addi %while3A, %while3A_598 : i32
        %while3A_600 = arith.constant 1 : i32
        %while3A_601 = arith.divsi %while3A_598, %while3A_600 : i32
        %while3A_602 = arith.muli %while3A_601, %while3A_600 : i32
        %while3A_603 = arith.addi %while3A, %while3A_602 : i32
        %while3A_604 = arith.constant 1 : i32
        %while3A_605 = scf.for %while3A_678 = %while3A to %while3A_603 step %while3A_604 iter_args(%while3A_679 = %broadcast_in_dim3A_597) -> (vector<16xi32>)  : i32 {
          %mul3A_680 = arith.constant 2 : i32
          %mul3A_681 = arith.muli %mul3A_680, %while3A_678 : i32
          %get3A_682 = arith.index_cast %mul3A_681 : i32 to index
          %get3A_683 = tpu.vector_load %arg18[%get3A_682] {strides = array<i32>} : memref<656xi32, #tpu.memory_space<vmem>>, vector<16xi32>,
          %slice3A_684 = vector.extract_strided_slice %get3A_683 {offsets = [0], sizes = [1], strides = [1]} : vector<16xi32> to vector<1xi32>
          %squeeze3A_685 = vector.extract %slice3A_684[0] : i32 from vector<1xi32>
          %jit3A_686 = arith.constant 0 : i32
          %jit3A_687 = arith.constant 639 : i32
          %max3A = arith.maxsi %jit3A_686, %squeeze3A_685 : i32
          %min3A = arith.minsi %jit3A_687, %max3A : i32
          %slice3A_688 = vector.extract_strided_slice %get3A_683 {offsets = [1], sizes = [1], strides = [1]} : vector<16xi32> to vector<1xi32>
          %squeeze3A_689 = vector.extract %slice3A_688[0] : i32 from vector<1xi32>
          %jit3A_690 = arith.constant 0 : i32
          %jit3A_691 = arith.constant 639 : i32
          %max3A_692 = arith.maxsi %jit3A_690, %squeeze3A_689 : i32
          %min3A_693 = arith.minsi %jit3A_691, %max3A_692 : i32
          %add3A_694 = vector.broadcast %min3A : i32 to vector<16xi32>
          %add3A_695 = arith.addi %mul3A_7, %add3A_694 : vector<16xi32>
          %add3A_696 = vector.broadcast %min3A_693 : i32 to vector<16xi32>
          %add3A_697 = arith.addi %mul3A_7, %add3A_696 : vector<16xi32>
          %gather3A_698 = tpu.vector_load_idx %arg10[%add3A_695] : memref<10240xf32, #tpu.memory_space<vmem>>[vector<16xi32>], vector<16xf32>,
          %gather3A_699 = tpu.vector_load_idx %arg10[%add3A_697] : memref<10240xf32, #tpu.memory_space<vmem>>[vector<16xi32>], vector<16xf32>,
          %gather3A_700 = tpu.vector_load_idx %arg11[%add3A_695] : memref<10240xf32, #tpu.memory_space<vmem>>[vector<16xi32>], vector<16xf32>,
          %gather3A_701 = tpu.vector_load_idx %arg11[%add3A_697] : memref<10240xf32, #tpu.memory_space<vmem>>[vector<16xi32>], vector<16xf32>,
          %gather3A_702 = tpu.vector_load_idx %arg12[%add3A_695] : memref<10240xf32, #tpu.memory_space<vmem>>[vector<16xi32>], vector<16xf32>,
          %gather3A_703 = tpu.vector_load_idx %arg12[%add3A_697] : memref<10240xf32, #tpu.memory_space<vmem>>[vector<16xi32>], vector<16xf32>,
          %sub3A_704 = arith.subf %broadcast_in_dim3A_567, %gather3A_698 : vector<16xf32>
          %sub3A_705 = arith.subf %broadcast_in_dim3A_572, %gather3A_700 : vector<16xf32>
          %sub3A_706 = arith.subf %broadcast_in_dim3A_577, %gather3A_702 : vector<16xf32>
          %sub3A_707 = arith.subf %broadcast_in_dim3A_567, %gather3A_699 : vector<16xf32>
          %sub3A_708 = arith.subf %broadcast_in_dim3A_572, %gather3A_701 : vector<16xf32>
          %sub3A_709 = arith.subf %broadcast_in_dim3A_577, %gather3A_703 : vector<16xf32>
          %mul3A_710 = arith.mulf %sub3A_704, %sub3A_704 : vector<16xf32>
          %mul3A_711 = arith.mulf %sub3A_705, %sub3A_705 : vector<16xf32>
          %add3A_712 = arith.addf %mul3A_710, %mul3A_711 : vector<16xf32>
          %mul3A_713 = arith.mulf %sub3A_706, %sub3A_706 : vector<16xf32>
          %add3A_714 = arith.addf %add3A_712, %mul3A_713 : vector<16xf32>
          %mul3A_715 = arith.mulf %sub3A_707, %sub3A_707 : vector<16xf32>
          %mul3A_716 = arith.mulf %sub3A_708, %sub3A_708 : vector<16xf32>
          %add3A_717 = arith.addf %mul3A_715, %mul3A_716 : vector<16xf32>
          %mul3A_718 = arith.mulf %sub3A_709, %sub3A_709 : vector<16xf32>
          %add3A_719 = arith.addf %add3A_717, %mul3A_718 : vector<16xf32>
          %le3A_720 = arith.cmpf ole, %add3A_714, %broadcast_in_dim3A_41 : vector<16xf32>
          %le3A_721 = arith.cmpf ole, %add3A_719, %broadcast_in_dim3A_41 : vector<16xf32>
          %mul3A_722 = arith.constant 2 : i32
          %mul3A_723 = arith.muli %mul3A_722, %while3A_678 : i32
          %add3A_724 = arith.constant 1 : i32
          %add3A_725 = arith.addi %mul3A_723, %add3A_724 : i32
          %broadcast_in_dim3A_726 = vector.broadcast %squeeze3A_562 : i32 to vector<16xi32>
          %lt3A_727 = vector.broadcast %add3A_725 : i32 to vector<16xi32>
          %lt3A_728 = arith.cmpi slt, %lt3A_727, %broadcast_in_dim3A_726 : vector<16xi32>
          %and3A_729 = arith.andi %le3A_721, %lt3A_728 : vector<16xi1>
          %all_reduce_population_count3A_730 = tpu.all_reduce %le3A_720 {dim = 0 : i64, kind = #tpu.reduction_kind<sum>} : vector<16xi1> -> vector<16xi32>
          %all_reduce_population_count3A_731 = tpu.all_reduce %and3A_729 {dim = 0 : i64, kind = #tpu.reduction_kind<sum>} : vector<16xi1> -> vector<16xi32>
          %slice3A_732 = vector.extract_strided_slice %while3A_679 {offsets = [0], sizes = [1], strides = [1]} : vector<16xi32> to vector<1xi32>
          %squeeze3A_733 = vector.extract %slice3A_732[0] : i32 from vector<1xi32>
          %swap3A_734 = arith.index_cast %squeeze3A_733 : i32 to index
          %swap3A_735 = tpu.vector_load %arg19[%swap3A_734] masked %le3A_720 {strides = array<i32>} : memref<10256xf32, #tpu.memory_space<vmem>>, vector<16xf32>, vector<16xi1>
          tpu.vector_store %arg19[%swap3A_734], %add3A_714 masked %le3A_720 {strides = array<i32>} : memref<10256xf32, #tpu.memory_space<vmem>>, vector<16xf32>, vector<16xi1>
          %swap3A_736 = arith.index_cast %squeeze3A_733 : i32 to index
          %swap3A_737 = tpu.vector_load %arg20[%swap3A_736] masked %le3A_720 {strides = array<i32>} : memref<10256xi32, #tpu.memory_space<vmem>>, vector<16xi32>, vector<16xi1>
          tpu.vector_store %arg20[%swap3A_736], %add3A_695 masked %le3A_720 {strides = array<i32>} : memref<10256xi32, #tpu.memory_space<vmem>>, vector<16xi32>, vector<16xi1>
          %add3A_738 = arith.addi %while3A_679, %all_reduce_population_count3A_730 : vector<16xi32>
          %slice3A_739 = vector.extract_strided_slice %add3A_738 {offsets = [0], sizes = [1], strides = [1]} : vector<16xi32> to vector<1xi32>
          %squeeze3A_740 = vector.extract %slice3A_739[0] : i32 from vector<1xi32>
          %swap3A_741 = arith.index_cast %squeeze3A_740 : i32 to index
          %swap3A_742 = tpu.vector_load %arg19[%swap3A_741] masked %and3A_729 {strides = array<i32>} : memref<10256xf32, #tpu.memory_space<vmem>>, vector<16xf32>, vector<16xi1>
          tpu.vector_store %arg19[%swap3A_741], %add3A_719 masked %and3A_729 {strides = array<i32>} : memref<10256xf32, #tpu.memory_space<vmem>>, vector<16xf32>, vector<16xi1>
          %swap3A_743 = arith.index_cast %squeeze3A_740 : i32 to index
          %swap3A_744 = tpu.vector_load %arg20[%swap3A_743] masked %and3A_729 {strides = array<i32>} : memref<10256xi32, #tpu.memory_space<vmem>>, vector<16xi32>, vector<16xi1>
          tpu.vector_store %arg20[%swap3A_743], %add3A_697 masked %and3A_729 {strides = array<i32>} : memref<10256xi32, #tpu.memory_space<vmem>>, vector<16xi32>, vector<16xi1>
          %add3A_745 = arith.addi %add3A_738, %all_reduce_population_count3A_731 : vector<16xi32>
          scf.yield %add3A_745 : vector<16xi32>
        }
        %while3A_606 = arith.constant 1 : i32
        %while3A_607 = scf.for %while3A_678 = %while3A_603 to %while3A_599 step %while3A_606 iter_args(%while3A_679 = %while3A_605) -> (vector<16xi32>)  : i32 {
          %mul3A_680 = arith.constant 2 : i32
          %mul3A_681 = arith.muli %mul3A_680, %while3A_678 : i32
          %get3A_682 = arith.index_cast %mul3A_681 : i32 to index
          %get3A_683 = tpu.vector_load %arg18[%get3A_682] {strides = array<i32>} : memref<656xi32, #tpu.memory_space<vmem>>, vector<16xi32>,
          %slice3A_684 = vector.extract_strided_slice %get3A_683 {offsets = [0], sizes = [1], strides = [1]} : vector<16xi32> to vector<1xi32>
          %squeeze3A_685 = vector.extract %slice3A_684[0] : i32 from vector<1xi32>
          %jit3A_686 = arith.constant 0 : i32
          %jit3A_687 = arith.constant 639 : i32
          %max3A = arith.maxsi %jit3A_686, %squeeze3A_685 : i32
          %min3A = arith.minsi %jit3A_687, %max3A : i32
          %slice3A_688 = vector.extract_strided_slice %get3A_683 {offsets = [1], sizes = [1], strides = [1]} : vector<16xi32> to vector<1xi32>
          %squeeze3A_689 = vector.extract %slice3A_688[0] : i32 from vector<1xi32>
          %jit3A_690 = arith.constant 0 : i32
          %jit3A_691 = arith.constant 639 : i32
          %max3A_692 = arith.maxsi %jit3A_690, %squeeze3A_689 : i32
          %min3A_693 = arith.minsi %jit3A_691, %max3A_692 : i32
          %add3A_694 = vector.broadcast %min3A : i32 to vector<16xi32>
          %add3A_695 = arith.addi %mul3A_7, %add3A_694 : vector<16xi32>
          %add3A_696 = vector.broadcast %min3A_693 : i32 to vector<16xi32>
          %add3A_697 = arith.addi %mul3A_7, %add3A_696 : vector<16xi32>
          %gather3A_698 = tpu.vector_load_idx %arg10[%add3A_695] : memref<10240xf32, #tpu.memory_space<vmem>>[vector<16xi32>], vector<16xf32>,
          %gather3A_699 = tpu.vector_load_idx %arg10[%add3A_697] : memref<10240xf32, #tpu.memory_space<vmem>>[vector<16xi32>], vector<16xf32>,
          %gather3A_700 = tpu.vector_load_idx %arg11[%add3A_695] : memref<10240xf32, #tpu.memory_space<vmem>>[vector<16xi32>], vector<16xf32>,
          %gather3A_701 = tpu.vector_load_idx %arg11[%add3A_697] : memref<10240xf32, #tpu.memory_space<vmem>>[vector<16xi32>], vector<16xf32>,
          %gather3A_702 = tpu.vector_load_idx %arg12[%add3A_695] : memref<10240xf32, #tpu.memory_space<vmem>>[vector<16xi32>], vector<16xf32>,
          %gather3A_703 = tpu.vector_load_idx %arg12[%add3A_697] : memref<10240xf32, #tpu.memory_space<vmem>>[vector<16xi32>], vector<16xf32>,
          %sub3A_704 = arith.subf %broadcast_in_dim3A_567, %gather3A_698 : vector<16xf32>
          %sub3A_705 = arith.subf %broadcast_in_dim3A_572, %gather3A_700 : vector<16xf32>
          %sub3A_706 = arith.subf %broadcast_in_dim3A_577, %gather3A_702 : vector<16xf32>
          %sub3A_707 = arith.subf %broadcast_in_dim3A_567, %gather3A_699 : vector<16xf32>
          %sub3A_708 = arith.subf %broadcast_in_dim3A_572, %gather3A_701 : vector<16xf32>
          %sub3A_709 = arith.subf %broadcast_in_dim3A_577, %gather3A_703 : vector<16xf32>
          %mul3A_710 = arith.mulf %sub3A_704, %sub3A_704 : vector<16xf32>
          %mul3A_711 = arith.mulf %sub3A_705, %sub3A_705 : vector<16xf32>
          %add3A_712 = arith.addf %mul3A_710, %mul3A_711 : vector<16xf32>
          %mul3A_713 = arith.mulf %sub3A_706, %sub3A_706 : vector<16xf32>
          %add3A_714 = arith.addf %add3A_712, %mul3A_713 : vector<16xf32>
          %mul3A_715 = arith.mulf %sub3A_707, %sub3A_707 : vector<16xf32>
          %mul3A_716 = arith.mulf %sub3A_708, %sub3A_708 : vector<16xf32>
          %add3A_717 = arith.addf %mul3A_715, %mul3A_716 : vector<16xf32>
          %mul3A_718 = arith.mulf %sub3A_709, %sub3A_709 : vector<16xf32>
          %add3A_719 = arith.addf %add3A_717, %mul3A_718 : vector<16xf32>
          %le3A_720 = arith.cmpf ole, %add3A_714, %broadcast_in_dim3A_41 : vector<16xf32>
          %le3A_721 = arith.cmpf ole, %add3A_719, %broadcast_in_dim3A_41 : vector<16xf32>
          %mul3A_722 = arith.constant 2 : i32
          %mul3A_723 = arith.muli %mul3A_722, %while3A_678 : i32
          %add3A_724 = arith.constant 1 : i32
          %add3A_725 = arith.addi %mul3A_723, %add3A_724 : i32
          %broadcast_in_dim3A_726 = vector.broadcast %squeeze3A_562 : i32 to vector<16xi32>
          %lt3A_727 = vector.broadcast %add3A_725 : i32 to vector<16xi32>
          %lt3A_728 = arith.cmpi slt, %lt3A_727, %broadcast_in_dim3A_726 : vector<16xi32>
          %and3A_729 = arith.andi %le3A_721, %lt3A_728 : vector<16xi1>
          %all_reduce_population_count3A_730 = tpu.all_reduce %le3A_720 {dim = 0 : i64, kind = #tpu.reduction_kind<sum>} : vector<16xi1> -> vector<16xi32>
          %all_reduce_population_count3A_731 = tpu.all_reduce %and3A_729 {dim = 0 : i64, kind = #tpu.reduction_kind<sum>} : vector<16xi1> -> vector<16xi32>
          %slice3A_732 = vector.extract_strided_slice %while3A_679 {offsets = [0], sizes = [1], strides = [1]} : vector<16xi32> to vector<1xi32>
          %squeeze3A_733 = vector.extract %slice3A_732[0] : i32 from vector<1xi32>
          %swap3A_734 = arith.index_cast %squeeze3A_733 : i32 to index
          %swap3A_735 = tpu.vector_load %arg19[%swap3A_734] masked %le3A_720 {strides = array<i32>} : memref<10256xf32, #tpu.memory_space<vmem>>, vector<16xf32>, vector<16xi1>
          tpu.vector_store %arg19[%swap3A_734], %add3A_714 masked %le3A_720 {strides = array<i32>} : memref<10256xf32, #tpu.memory_space<vmem>>, vector<16xf32>, vector<16xi1>
          %swap3A_736 = arith.index_cast %squeeze3A_733 : i32 to index
          %swap3A_737 = tpu.vector_load %arg20[%swap3A_736] masked %le3A_720 {strides = array<i32>} : memref<10256xi32, #tpu.memory_space<vmem>>, vector<16xi32>, vector<16xi1>
          tpu.vector_store %arg20[%swap3A_736], %add3A_695 masked %le3A_720 {strides = array<i32>} : memref<10256xi32, #tpu.memory_space<vmem>>, vector<16xi32>, vector<16xi1>
          %add3A_738 = arith.addi %while3A_679, %all_reduce_population_count3A_730 : vector<16xi32>
          %slice3A_739 = vector.extract_strided_slice %add3A_738 {offsets = [0], sizes = [1], strides = [1]} : vector<16xi32> to vector<1xi32>
          %squeeze3A_740 = vector.extract %slice3A_739[0] : i32 from vector<1xi32>
          %swap3A_741 = arith.index_cast %squeeze3A_740 : i32 to index
          %swap3A_742 = tpu.vector_load %arg19[%swap3A_741] masked %and3A_729 {strides = array<i32>} : memref<10256xf32, #tpu.memory_space<vmem>>, vector<16xf32>, vector<16xi1>
          tpu.vector_store %arg19[%swap3A_741], %add3A_719 masked %and3A_729 {strides = array<i32>} : memref<10256xf32, #tpu.memory_space<vmem>>, vector<16xf32>, vector<16xi1>
          %swap3A_743 = arith.index_cast %squeeze3A_740 : i32 to index
          %swap3A_744 = tpu.vector_load %arg20[%swap3A_743] masked %and3A_729 {strides = array<i32>} : memref<10256xi32, #tpu.memory_space<vmem>>, vector<16xi32>, vector<16xi1>
          tpu.vector_store %arg20[%swap3A_743], %add3A_697 masked %and3A_729 {strides = array<i32>} : memref<10256xi32, #tpu.memory_space<vmem>>, vector<16xi32>, vector<16xi1>
          %add3A_745 = arith.addi %add3A_738, %all_reduce_population_count3A_731 : vector<16xi32>
          scf.yield %add3A_745 : vector<16xi32>
        }
        %slice3A_608 = vector.extract_strided_slice %while3A_607 {offsets = [0], sizes = [1], strides = [1]} : vector<16xi32> to vector<1xi32>
        %squeeze3A_609 = vector.extract %slice3A_608[0] : i32 from vector<1xi32>
        %add3A_610 = arith.constant 16 : i32
        %add3A_611 = arith.addi %squeeze3A_609, %add3A_610 : i32
        %sub3A_612 = arith.constant 1 : i32
        %sub3A_613 = arith.subi %add3A_611, %sub3A_612 : i32
        %jit3A_614 = arith.constant 16 : i32
        %div3A_615 = arith.divsi %sub3A_613, %jit3A_614 : i32
        %sign3A_616 = arith.constant 0 : i32
        %sign3A_617 = arith.cmpi sgt, %sub3A_613, %sign3A_616 : i32
        %sign3A_618 = arith.extui %sign3A_617 : i1 to i32
        %sign3A_619 = arith.constant 0 : i32
        %sign3A_620 = arith.cmpi slt, %sub3A_613, %sign3A_619 : i32
        %sign3A_621 = arith.extui %sign3A_620 : i1 to i32
        %sign3A_622 = arith.subi %sign3A_618, %sign3A_621 : i32
        %sign3A_623 = arith.constant 0 : i32
        %sign3A_624 = arith.cmpi sgt, %jit3A_614, %sign3A_623 : i32
        %sign3A_625 = arith.extui %sign3A_624 : i1 to i32
        %sign3A_626 = arith.constant 0 : i32
        %sign3A_627 = arith.cmpi slt, %jit3A_614, %sign3A_626 : i32
        %sign3A_628 = arith.extui %sign3A_627 : i1 to i32
        %sign3A_629 = arith.subi %sign3A_625, %sign3A_628 : i32
        %ne3A_630 = arith.cmpi ne, %sign3A_622, %sign3A_629 : i32
        %rem3A_631 = arith.remsi %sub3A_613, %jit3A_614 : i32
        %ne3A_632 = arith.constant 0 : i32
        %ne3A_633 = arith.cmpi ne, %rem3A_631, %ne3A_632 : i32
        %and3A_634 = arith.andi %ne3A_630, %ne3A_633 : i1
        %sub3A_635 = arith.constant 1 : i32
        %sub3A_636 = arith.subi %div3A_615, %sub3A_635 : i32
        %select_n3A_637 = arith.select %and3A_634, %sub3A_636, %div3A_615 : i32
        %broadcast_in_dim3A_638 = arith.constant 1.000000e+30 : f32
        %broadcast_in_dim3A_639 = vector.broadcast %broadcast_in_dim3A_638 : f32 to vector<16xf32>
        %broadcast_in_dim3A_640 = arith.constant 0 : i32
        %broadcast_in_dim3A_641 = vector.broadcast %broadcast_in_dim3A_640 : i32 to vector<16xi32>
        %while3A_642 = arith.constant 0 : i32
        %while3A_643 = arith.subi %select_n3A_637, %while3A_642 : i32
        %while3A_644 = arith.addi %while3A_642, %while3A_643 : i32
        %while3A_645 = arith.constant 1 : i32
        %while3A_646 = arith.divsi %while3A_643, %while3A_645 : i32
        %while3A_647 = arith.muli %while3A_646, %while3A_645 : i32
        %while3A_648 = arith.addi %while3A_642, %while3A_647 : i32
        %while3A_649 = arith.constant 1 : i32
        %while3A_650:2 = scf.for %while3A_678 = %while3A_642 to %while3A_648 step %while3A_649 iter_args(%while3A_679 = %broadcast_in_dim3A_639, %while3A_680 = %broadcast_in_dim3A_641) -> (vector<16xf32>, vector<16xi32>)  : i32 {
          %mul3A_681 = arith.constant 16 : i32
          %mul3A_682 = arith.muli %while3A_678, %mul3A_681 : i32
          %get3A_683 = arith.index_cast %mul3A_682 : i32 to index
          %get3A_684 = tpu.vector_load %arg19[%get3A_683] {strides = array<i32>} : memref<10256xf32, #tpu.memory_space<vmem>>, vector<16xf32>,
          %get3A_685 = arith.index_cast %mul3A_682 : i32 to index
          %get3A_686 = tpu.vector_load %arg20[%get3A_685] {strides = array<i32>} : memref<10256xi32, #tpu.memory_space<vmem>>, vector<16xi32>,
          %add3A_687 = vector.broadcast %mul3A_682 : i32 to vector<16xi32>
          %add3A_688 = arith.addi %iota3A, %add3A_687 : vector<16xi32>
          %broadcast_in_dim3A_689 = vector.broadcast %squeeze3A_609 : i32 to vector<16xi32>
          %lt3A_690 = arith.cmpi slt, %add3A_688, %broadcast_in_dim3A_689 : vector<16xi32>
          %jit3A_691 = arith.constant 1.000000e+30 : f32
          %broadcast_in_dim3A_692 = vector.broadcast %jit3A_691 : f32 to vector<16xf32>
          %select_n3A_693 = arith.select %lt3A_690, %get3A_684, %broadcast_in_dim3A_692 : vector<16xi1>, vector<16xf32>
          %iota3A_694 = tpu.iota {dimensions = array<i32: 0>} : vector<16xi32>
          %xor3A = arith.constant 1 : i32
          %xor3A_695 = vector.broadcast %xor3A : i32 to vector<16xi32>
          %xor3A_696 = arith.xori %iota3A_694, %xor3A_695 : vector<16xi32>
          %sub3A_697 = arith.constant 1 : i32
          %sub3A_698 = vector.broadcast %sub3A_697 : i32 to vector<16xi32>
          %sub3A_699 = arith.subi %iota3A_694, %sub3A_698 : vector<16xi32>
          %xor3A_700 = arith.constant 1 : i32
          %xor3A_701 = vector.broadcast %xor3A_700 : i32 to vector<16xi32>
          %xor3A_702 = arith.xori %sub3A_699, %xor3A_701 : vector<16xi32>
          %add3A_703 = arith.constant 1 : i32
          %add3A_704 = vector.broadcast %add3A_703 : i32 to vector<16xi32>
          %add3A_705 = arith.addi %xor3A_702, %add3A_704 : vector<16xi32>
          %jit3A_706 = arith.constant 0 : i32
          %jit3A_707 = arith.constant 15 : i32
          %max3A = vector.broadcast %jit3A_706 : i32 to vector<16xi32>
          %max3A_708 = arith.maxsi %max3A, %add3A_705 : vector<16xi32>
          %min3A = vector.broadcast %jit3A_707 : i32 to vector<16xi32>
          %min3A_709 = arith.minsi %min3A, %max3A_708 : vector<16xi32>
          %and3A_710 = arith.constant 1 : i32
          %and3A_711 = vector.broadcast %and3A_710 : i32 to vector<16xi32>
          %and3A_712 = arith.andi %iota3A_694, %and3A_711 : vector<16xi32>
          %eq3A = arith.constant 0 : i32
          %eq3A_713 = vector.broadcast %eq3A : i32 to vector<16xi32>
          %eq3A_714 = arith.cmpi eq, %and3A_712, %eq3A_713 : vector<16xi32>
          %and3A_715 = arith.constant 1 : i32
          %and3A_716 = vector.broadcast %and3A_715 : i32 to vector<16xi32>
          %and3A_717 = arith.andi %iota3A_694, %and3A_716 : vector<16xi32>
          %eq3A_718 = arith.constant 1 : i32
          %eq3A_719 = vector.broadcast %eq3A_718 : i32 to vector<16xi32>
          %eq3A_720 = arith.cmpi eq, %and3A_717, %eq3A_719 : vector<16xi32>
          %masked_sort3A = arith.constant dense<true> : vector<16xi1>
          %masked_sort3A_721, %masked_sort3A_722, %masked_sort3A_723 = tpu.sort %select_n3A_693, %get3A_686 masked %masked_sort3A : (vector<16xf32>, vector<16xi32>, vector<16xi1>) -> (vector<16xi1>, vector<16xf32>, vector<16xi32>)
          %swap3A_724 = arith.constant 0 : index
          %swap3A_725 = tpu.vector_load %arg21[%swap3A_724] {strides = array<i32>} : memref<16xf32, #tpu.memory_space<vmem>>, vector<16xf32>,
          tpu.vector_store %arg21[%swap3A_724], %masked_sort3A_722 {strides = array<i32>} : memref<16xf32, #tpu.memory_space<vmem>>, vector<16xf32>,
          %swap3A_726 = arith.constant 0 : index
          %swap3A_727 = tpu.vector_load %arg22[%swap3A_726] {strides = array<i32>} : memref<16xi32, #tpu.memory_space<vmem>>, vector<16xi32>,
          tpu.vector_store %arg22[%swap3A_726], %masked_sort3A_723 {strides = array<i32>} : memref<16xi32, #tpu.memory_space<vmem>>, vector<16xi32>,
          %gather3A_728 = tpu.vector_load_idx %arg21[%xor3A_696] : memref<16xf32, #tpu.memory_space<vmem>>[vector<16xi32>], vector<16xf32>,
          %gather3A_729 = tpu.vector_load_idx %arg22[%xor3A_696] : memref<16xi32, #tpu.memory_space<vmem>>[vector<16xi32>], vector<16xi32>,
          %lt3A_730 = arith.cmpf olt, %masked_sort3A_722, %gather3A_728 : vector<16xf32>
          %eq3A_731 = arith.cmpf oeq, %masked_sort3A_722, %gather3A_728 : vector<16xf32>
          %lt3A_732 = arith.cmpi slt, %masked_sort3A_723, %gather3A_729 : vector<16xi32>
          %and3A_733 = arith.andi %eq3A_731, %lt3A_732 : vector<16xi1>
          %or3A = arith.ori %lt3A_730, %and3A_733 : vector<16xi1>
          %eq3A_734 = arith.xori %or3A, %eq3A_714 : vector<16xi1>
          %eq3A_735 = arith.constant dense<true> : vector<16xi1>
          %eq3A_736 = arith.xori %eq3A_734, %eq3A_735 : vector<16xi1>
          %select_n3A_737 = arith.select %eq3A_736, %masked_sort3A_722, %gather3A_728 : vector<16xi1>, vector<16xf32>
          %select_n3A_738 = arith.select %eq3A_736, %masked_sort3A_723, %gather3A_729 : vector<16xi1>, vector<16xi32>
          %swap3A_739 = arith.constant 0 : index
          %swap3A_740 = tpu.vector_load %arg21[%swap3A_739] {strides = array<i32>} : memref<16xf32, #tpu.memory_space<vmem>>, vector<16xf32>,
          tpu.vector_store %arg21[%swap3A_739], %select_n3A_737 {strides = array<i32>} : memref<16xf32, #tpu.memory_space<vmem>>, vector<16xf32>,
          %swap3A_741 = arith.constant 0 : index
          %swap3A_742 = tpu.vector_load %arg22[%swap3A_741] {strides = array<i32>} : memref<16xi32, #tpu.memory_space<vmem>>, vector<16xi32>,
          tpu.vector_store %arg22[%swap3A_741], %select_n3A_738 {strides = array<i32>} : memref<16xi32, #tpu.memory_space<vmem>>, vector<16xi32>,
          %gather3A_743 = tpu.vector_load_idx %arg21[%min3A_709] : memref<16xf32, #tpu.memory_space<vmem>>[vector<16xi32>], vector<16xf32>,
          %gather3A_744 = tpu.vector_load_idx %arg22[%min3A_709] : memref<16xi32, #tpu.memory_space<vmem>>[vector<16xi32>], vector<16xi32>,
          %lt3A_745 = arith.cmpf olt, %select_n3A_737, %gather3A_743 : vector<16xf32>
          %eq3A_746 = arith.cmpf oeq, %select_n3A_737, %gather3A_743 : vector<16xf32>
          %lt3A_747 = arith.cmpi slt, %select_n3A_738, %gather3A_744 : vector<16xi32>
          %and3A_748 = arith.andi %eq3A_746, %lt3A_747 : vector<16xi1>
          %or3A_749 = arith.ori %lt3A_745, %and3A_748 : vector<16xi1>
          %eq3A_750 = arith.xori %or3A_749, %eq3A_720 : vector<16xi1>
          %eq3A_751 = arith.constant dense<true> : vector<16xi1>
          %eq3A_752 = arith.xori %eq3A_750, %eq3A_751 : vector<16xi1>
          %select_n3A_753 = arith.select %eq3A_752, %select_n3A_737, %gather3A_743 : vector<16xi1>, vector<16xf32>
          %select_n3A_754 = arith.select %eq3A_752, %select_n3A_738, %gather3A_744 : vector<16xi1>, vector<16xi32>
          %eq3A_755 = arith.constant 0 : i32
          %eq3A_756 = arith.cmpi eq, %while3A_678, %eq3A_755 : i32
          %convert_element_type3A = arith.extui %eq3A_756 : i1 to i32
          %cond3A = arith.constant 0 : i32
          %cond3A_757 = arith.constant 0 : i32
          %cond3A_758 = arith.cmpi ne, %convert_element_type3A, %cond3A_757 : i32
          %cond3A_759:2 = scf.if %cond3A_758 -> (vector<16xf32>, vector<16xi32>) {
            scf.yield %select_n3A_753, %select_n3A_754 : vector<16xf32>, vector<16xi32>
          } else {
            %rev3A = arith.constant 15 : i32
            %rev3A_760 = vector.broadcast %rev3A : i32 to vector<16xi32>
            %rev3A_761 = tpu.iota {dimensions = array<i32: 0>} : vector<16xi32>
            %rev3A_762 = arith.subi %rev3A_760, %rev3A_761 : vector<16xi32>
            %rev3A_763 = tpu.dynamic_gather %select_n3A_753[%rev3A_762] in [0] : vector<16xf32>, vector<16xi32> -> vector<16xf32>
            %rev3A_764 = arith.constant 15 : i32
            %rev3A_765 = vector.broadcast %rev3A_764 : i32 to vector<16xi32>
            %rev3A_766 = tpu.iota {dimensions = array<i32: 0>} : vector<16xi32>
            %rev3A_767 = arith.subi %rev3A_765, %rev3A_766 : vector<16xi32>
            %rev3A_768 = tpu.dynamic_gather %select_n3A_754[%rev3A_767] in [0] : vector<16xi32>, vector<16xi32> -> vector<16xi32>
            %lt3A_769 = arith.cmpf olt, %rev3A_763, %while3A_679 : vector<16xf32>
            %eq3A_770 = arith.cmpf oeq, %rev3A_763, %while3A_679 : vector<16xf32>
            %lt3A_771 = arith.cmpi slt, %rev3A_768, %while3A_680 : vector<16xi32>
            %and3A_772 = arith.andi %eq3A_770, %lt3A_771 : vector<16xi1>
            %or3A_773 = arith.ori %lt3A_769, %and3A_772 : vector<16xi1>
            %select_n3A_774 = arith.select %or3A_773, %rev3A_763, %while3A_679 : vector<16xi1>, vector<16xf32>
            %select_n3A_775 = arith.select %or3A_773, %rev3A_768, %while3A_680 : vector<16xi1>, vector<16xi32>
            %iota3A_776 = tpu.iota {dimensions = array<i32: 0>} : vector<16xi32>
            %xor3A_777 = arith.constant 1 : i32
            %xor3A_778 = vector.broadcast %xor3A_777 : i32 to vector<16xi32>
            %xor3A_779 = arith.xori %iota3A_776, %xor3A_778 : vector<16xi32>
            %sub3A_780 = arith.constant 1 : i32
            %sub3A_781 = vector.broadcast %sub3A_780 : i32 to vector<16xi32>
            %sub3A_782 = arith.subi %iota3A_776, %sub3A_781 : vector<16xi32>
            %xor3A_783 = arith.constant 1 : i32
            %xor3A_784 = vector.broadcast %xor3A_783 : i32 to vector<16xi32>
            %xor3A_785 = arith.xori %sub3A_782, %xor3A_784 : vector<16xi32>
            %add3A_786 = arith.constant 1 : i32
            %add3A_787 = vector.broadcast %add3A_786 : i32 to vector<16xi32>
            %add3A_788 = arith.addi %xor3A_785, %add3A_787 : vector<16xi32>
            %jit3A_789 = arith.constant 0 : i32
            %jit3A_790 = arith.constant 15 : i32
            %max3A_791 = vector.broadcast %jit3A_789 : i32 to vector<16xi32>
            %max3A_792 = arith.maxsi %max3A_791, %add3A_788 : vector<16xi32>
            %min3A_793 = vector.broadcast %jit3A_790 : i32 to vector<16xi32>
            %min3A_794 = arith.minsi %min3A_793, %max3A_792 : vector<16xi32>
            %and3A_795 = arith.constant 1 : i32
            %and3A_796 = vector.broadcast %and3A_795 : i32 to vector<16xi32>
            %and3A_797 = arith.andi %iota3A_776, %and3A_796 : vector<16xi32>
            %eq3A_798 = arith.constant 0 : i32
            %eq3A_799 = vector.broadcast %eq3A_798 : i32 to vector<16xi32>
            %eq3A_800 = arith.cmpi eq, %and3A_797, %eq3A_799 : vector<16xi32>
            %and3A_801 = arith.constant 1 : i32
            %and3A_802 = vector.broadcast %and3A_801 : i32 to vector<16xi32>
            %and3A_803 = arith.andi %iota3A_776, %and3A_802 : vector<16xi32>
            %eq3A_804 = arith.constant 1 : i32
            %eq3A_805 = vector.broadcast %eq3A_804 : i32 to vector<16xi32>
            %eq3A_806 = arith.cmpi eq, %and3A_803, %eq3A_805 : vector<16xi32>
            %masked_sort3A_807 = arith.constant dense<true> : vector<16xi1>
            %masked_sort3A_808, %masked_sort3A_809, %masked_sort3A_810 = tpu.sort %select_n3A_774, %select_n3A_775 masked %masked_sort3A_807 : (vector<16xf32>, vector<16xi32>, vector<16xi1>) -> (vector<16xi1>, vector<16xf32>, vector<16xi32>)
            %swap3A_811 = arith.constant 0 : index
            %swap3A_812 = tpu.vector_load %arg21[%swap3A_811] {strides = array<i32>} : memref<16xf32, #tpu.memory_space<vmem>>, vector<16xf32>,
            tpu.vector_store %arg21[%swap3A_811], %masked_sort3A_809 {strides = array<i32>} : memref<16xf32, #tpu.memory_space<vmem>>, vector<16xf32>,
            %swap3A_813 = arith.constant 0 : index
            %swap3A_814 = tpu.vector_load %arg22[%swap3A_813] {strides = array<i32>} : memref<16xi32, #tpu.memory_space<vmem>>, vector<16xi32>,
            tpu.vector_store %arg22[%swap3A_813], %masked_sort3A_810 {strides = array<i32>} : memref<16xi32, #tpu.memory_space<vmem>>, vector<16xi32>,
            %gather3A_815 = tpu.vector_load_idx %arg21[%xor3A_779] : memref<16xf32, #tpu.memory_space<vmem>>[vector<16xi32>], vector<16xf32>,
            %gather3A_816 = tpu.vector_load_idx %arg22[%xor3A_779] : memref<16xi32, #tpu.memory_space<vmem>>[vector<16xi32>], vector<16xi32>,
            %lt3A_817 = arith.cmpf olt, %masked_sort3A_809, %gather3A_815 : vector<16xf32>
            %eq3A_818 = arith.cmpf oeq, %masked_sort3A_809, %gather3A_815 : vector<16xf32>
            %lt3A_819 = arith.cmpi slt, %masked_sort3A_810, %gather3A_816 : vector<16xi32>
            %and3A_820 = arith.andi %eq3A_818, %lt3A_819 : vector<16xi1>
            %or3A_821 = arith.ori %lt3A_817, %and3A_820 : vector<16xi1>
            %eq3A_822 = arith.xori %or3A_821, %eq3A_800 : vector<16xi1>
            %eq3A_823 = arith.constant dense<true> : vector<16xi1>
            %eq3A_824 = arith.xori %eq3A_822, %eq3A_823 : vector<16xi1>
            %select_n3A_825 = arith.select %eq3A_824, %masked_sort3A_809, %gather3A_815 : vector<16xi1>, vector<16xf32>
            %select_n3A_826 = arith.select %eq3A_824, %masked_sort3A_810, %gather3A_816 : vector<16xi1>, vector<16xi32>
            %swap3A_827 = arith.constant 0 : index
            %swap3A_828 = tpu.vector_load %arg21[%swap3A_827] {strides = array<i32>} : memref<16xf32, #tpu.memory_space<vmem>>, vector<16xf32>,
            tpu.vector_store %arg21[%swap3A_827], %select_n3A_825 {strides = array<i32>} : memref<16xf32, #tpu.memory_space<vmem>>, vector<16xf32>,
            %swap3A_829 = arith.constant 0 : index
            %swap3A_830 = tpu.vector_load %arg22[%swap3A_829] {strides = array<i32>} : memref<16xi32, #tpu.memory_space<vmem>>, vector<16xi32>,
            tpu.vector_store %arg22[%swap3A_829], %select_n3A_826 {strides = array<i32>} : memref<16xi32, #tpu.memory_space<vmem>>, vector<16xi32>,
            %gather3A_831 = tpu.vector_load_idx %arg21[%min3A_794] : memref<16xf32, #tpu.memory_space<vmem>>[vector<16xi32>], vector<16xf32>,
            %gather3A_832 = tpu.vector_load_idx %arg22[%min3A_794] : memref<16xi32, #tpu.memory_space<vmem>>[vector<16xi32>], vector<16xi32>,
            %lt3A_833 = arith.cmpf olt, %select_n3A_825, %gather3A_831 : vector<16xf32>
            %eq3A_834 = arith.cmpf oeq, %select_n3A_825, %gather3A_831 : vector<16xf32>
            %lt3A_835 = arith.cmpi slt, %select_n3A_826, %gather3A_832 : vector<16xi32>
            %and3A_836 = arith.andi %eq3A_834, %lt3A_835 : vector<16xi1>
            %or3A_837 = arith.ori %lt3A_833, %and3A_836 : vector<16xi1>
            %eq3A_838 = arith.xori %or3A_837, %eq3A_806 : vector<16xi1>
            %eq3A_839 = arith.constant dense<true> : vector<16xi1>
            %eq3A_840 = arith.xori %eq3A_838, %eq3A_839 : vector<16xi1>
            %select_n3A_841 = arith.select %eq3A_840, %select_n3A_825, %gather3A_831 : vector<16xi1>, vector<16xf32>
            %select_n3A_842 = arith.select %eq3A_840, %select_n3A_826, %gather3A_832 : vector<16xi1>, vector<16xi32>
            scf.yield %select_n3A_841, %select_n3A_842 : vector<16xf32>, vector<16xi32>
          }
          scf.yield %cond3A_759#0, %cond3A_759#1 : vector<16xf32>, vector<16xi32>
        }
        %while3A_651 = arith.constant 1 : i32
        %while3A_652:2 = scf.for %while3A_678 = %while3A_648 to %while3A_644 step %while3A_651 iter_args(%while3A_679 = %while3A_650#0, %while3A_680 = %while3A_650#1) -> (vector<16xf32>, vector<16xi32>)  : i32 {
          %mul3A_681 = arith.constant 16 : i32
          %mul3A_682 = arith.muli %while3A_678, %mul3A_681 : i32
          %get3A_683 = arith.index_cast %mul3A_682 : i32 to index
          %get3A_684 = tpu.vector_load %arg19[%get3A_683] {strides = array<i32>} : memref<10256xf32, #tpu.memory_space<vmem>>, vector<16xf32>,
          %get3A_685 = arith.index_cast %mul3A_682 : i32 to index
          %get3A_686 = tpu.vector_load %arg20[%get3A_685] {strides = array<i32>} : memref<10256xi32, #tpu.memory_space<vmem>>, vector<16xi32>,
          %add3A_687 = vector.broadcast %mul3A_682 : i32 to vector<16xi32>
          %add3A_688 = arith.addi %iota3A, %add3A_687 : vector<16xi32>
          %broadcast_in_dim3A_689 = vector.broadcast %squeeze3A_609 : i32 to vector<16xi32>
          %lt3A_690 = arith.cmpi slt, %add3A_688, %broadcast_in_dim3A_689 : vector<16xi32>
          %jit3A_691 = arith.constant 1.000000e+30 : f32
          %broadcast_in_dim3A_692 = vector.broadcast %jit3A_691 : f32 to vector<16xf32>
          %select_n3A_693 = arith.select %lt3A_690, %get3A_684, %broadcast_in_dim3A_692 : vector<16xi1>, vector<16xf32>
          %iota3A_694 = tpu.iota {dimensions = array<i32: 0>} : vector<16xi32>
          %xor3A = arith.constant 1 : i32
          %xor3A_695 = vector.broadcast %xor3A : i32 to vector<16xi32>
          %xor3A_696 = arith.xori %iota3A_694, %xor3A_695 : vector<16xi32>
          %sub3A_697 = arith.constant 1 : i32
          %sub3A_698 = vector.broadcast %sub3A_697 : i32 to vector<16xi32>
          %sub3A_699 = arith.subi %iota3A_694, %sub3A_698 : vector<16xi32>
          %xor3A_700 = arith.constant 1 : i32
          %xor3A_701 = vector.broadcast %xor3A_700 : i32 to vector<16xi32>
          %xor3A_702 = arith.xori %sub3A_699, %xor3A_701 : vector<16xi32>
          %add3A_703 = arith.constant 1 : i32
          %add3A_704 = vector.broadcast %add3A_703 : i32 to vector<16xi32>
          %add3A_705 = arith.addi %xor3A_702, %add3A_704 : vector<16xi32>
          %jit3A_706 = arith.constant 0 : i32
          %jit3A_707 = arith.constant 15 : i32
          %max3A = vector.broadcast %jit3A_706 : i32 to vector<16xi32>
          %max3A_708 = arith.maxsi %max3A, %add3A_705 : vector<16xi32>
          %min3A = vector.broadcast %jit3A_707 : i32 to vector<16xi32>
          %min3A_709 = arith.minsi %min3A, %max3A_708 : vector<16xi32>
          %and3A_710 = arith.constant 1 : i32
          %and3A_711 = vector.broadcast %and3A_710 : i32 to vector<16xi32>
          %and3A_712 = arith.andi %iota3A_694, %and3A_711 : vector<16xi32>
          %eq3A = arith.constant 0 : i32
          %eq3A_713 = vector.broadcast %eq3A : i32 to vector<16xi32>
          %eq3A_714 = arith.cmpi eq, %and3A_712, %eq3A_713 : vector<16xi32>
          %and3A_715 = arith.constant 1 : i32
          %and3A_716 = vector.broadcast %and3A_715 : i32 to vector<16xi32>
          %and3A_717 = arith.andi %iota3A_694, %and3A_716 : vector<16xi32>
          %eq3A_718 = arith.constant 1 : i32
          %eq3A_719 = vector.broadcast %eq3A_718 : i32 to vector<16xi32>
          %eq3A_720 = arith.cmpi eq, %and3A_717, %eq3A_719 : vector<16xi32>
          %masked_sort3A = arith.constant dense<true> : vector<16xi1>
          %masked_sort3A_721, %masked_sort3A_722, %masked_sort3A_723 = tpu.sort %select_n3A_693, %get3A_686 masked %masked_sort3A : (vector<16xf32>, vector<16xi32>, vector<16xi1>) -> (vector<16xi1>, vector<16xf32>, vector<16xi32>)
          %swap3A_724 = arith.constant 0 : index
          %swap3A_725 = tpu.vector_load %arg21[%swap3A_724] {strides = array<i32>} : memref<16xf32, #tpu.memory_space<vmem>>, vector<16xf32>,
          tpu.vector_store %arg21[%swap3A_724], %masked_sort3A_722 {strides = array<i32>} : memref<16xf32, #tpu.memory_space<vmem>>, vector<16xf32>,
          %swap3A_726 = arith.constant 0 : index
          %swap3A_727 = tpu.vector_load %arg22[%swap3A_726] {strides = array<i32>} : memref<16xi32, #tpu.memory_space<vmem>>, vector<16xi32>,
          tpu.vector_store %arg22[%swap3A_726], %masked_sort3A_723 {strides = array<i32>} : memref<16xi32, #tpu.memory_space<vmem>>, vector<16xi32>,
          %gather3A_728 = tpu.vector_load_idx %arg21[%xor3A_696] : memref<16xf32, #tpu.memory_space<vmem>>[vector<16xi32>], vector<16xf32>,
          %gather3A_729 = tpu.vector_load_idx %arg22[%xor3A_696] : memref<16xi32, #tpu.memory_space<vmem>>[vector<16xi32>], vector<16xi32>,
          %lt3A_730 = arith.cmpf olt, %masked_sort3A_722, %gather3A_728 : vector<16xf32>
          %eq3A_731 = arith.cmpf oeq, %masked_sort3A_722, %gather3A_728 : vector<16xf32>
          %lt3A_732 = arith.cmpi slt, %masked_sort3A_723, %gather3A_729 : vector<16xi32>
          %and3A_733 = arith.andi %eq3A_731, %lt3A_732 : vector<16xi1>
          %or3A = arith.ori %lt3A_730, %and3A_733 : vector<16xi1>
          %eq3A_734 = arith.xori %or3A, %eq3A_714 : vector<16xi1>
          %eq3A_735 = arith.constant dense<true> : vector<16xi1>
          %eq3A_736 = arith.xori %eq3A_734, %eq3A_735 : vector<16xi1>
          %select_n3A_737 = arith.select %eq3A_736, %masked_sort3A_722, %gather3A_728 : vector<16xi1>, vector<16xf32>
          %select_n3A_738 = arith.select %eq3A_736, %masked_sort3A_723, %gather3A_729 : vector<16xi1>, vector<16xi32>
          %swap3A_739 = arith.constant 0 : index
          %swap3A_740 = tpu.vector_load %arg21[%swap3A_739] {strides = array<i32>} : memref<16xf32, #tpu.memory_space<vmem>>, vector<16xf32>,
          tpu.vector_store %arg21[%swap3A_739], %select_n3A_737 {strides = array<i32>} : memref<16xf32, #tpu.memory_space<vmem>>, vector<16xf32>,
          %swap3A_741 = arith.constant 0 : index
          %swap3A_742 = tpu.vector_load %arg22[%swap3A_741] {strides = array<i32>} : memref<16xi32, #tpu.memory_space<vmem>>, vector<16xi32>,
          tpu.vector_store %arg22[%swap3A_741], %select_n3A_738 {strides = array<i32>} : memref<16xi32, #tpu.memory_space<vmem>>, vector<16xi32>,
          %gather3A_743 = tpu.vector_load_idx %arg21[%min3A_709] : memref<16xf32, #tpu.memory_space<vmem>>[vector<16xi32>], vector<16xf32>,
          %gather3A_744 = tpu.vector_load_idx %arg22[%min3A_709] : memref<16xi32, #tpu.memory_space<vmem>>[vector<16xi32>], vector<16xi32>,
          %lt3A_745 = arith.cmpf olt, %select_n3A_737, %gather3A_743 : vector<16xf32>
          %eq3A_746 = arith.cmpf oeq, %select_n3A_737, %gather3A_743 : vector<16xf32>
          %lt3A_747 = arith.cmpi slt, %select_n3A_738, %gather3A_744 : vector<16xi32>
          %and3A_748 = arith.andi %eq3A_746, %lt3A_747 : vector<16xi1>
          %or3A_749 = arith.ori %lt3A_745, %and3A_748 : vector<16xi1>
          %eq3A_750 = arith.xori %or3A_749, %eq3A_720 : vector<16xi1>
          %eq3A_751 = arith.constant dense<true> : vector<16xi1>
          %eq3A_752 = arith.xori %eq3A_750, %eq3A_751 : vector<16xi1>
          %select_n3A_753 = arith.select %eq3A_752, %select_n3A_737, %gather3A_743 : vector<16xi1>, vector<16xf32>
          %select_n3A_754 = arith.select %eq3A_752, %select_n3A_738, %gather3A_744 : vector<16xi1>, vector<16xi32>
          %eq3A_755 = arith.constant 0 : i32
          %eq3A_756 = arith.cmpi eq, %while3A_678, %eq3A_755 : i32
          %convert_element_type3A = arith.extui %eq3A_756 : i1 to i32
          %cond3A = arith.constant 0 : i32
          %cond3A_757 = arith.constant 0 : i32
          %cond3A_758 = arith.cmpi ne, %convert_element_type3A, %cond3A_757 : i32
          %cond3A_759:2 = scf.if %cond3A_758 -> (vector<16xf32>, vector<16xi32>) {
            scf.yield %select_n3A_753, %select_n3A_754 : vector<16xf32>, vector<16xi32>
          } else {
            %rev3A = arith.constant 15 : i32
            %rev3A_760 = vector.broadcast %rev3A : i32 to vector<16xi32>
            %rev3A_761 = tpu.iota {dimensions = array<i32: 0>} : vector<16xi32>
            %rev3A_762 = arith.subi %rev3A_760, %rev3A_761 : vector<16xi32>
            %rev3A_763 = tpu.dynamic_gather %select_n3A_753[%rev3A_762] in [0] : vector<16xf32>, vector<16xi32> -> vector<16xf32>
            %rev3A_764 = arith.constant 15 : i32
            %rev3A_765 = vector.broadcast %rev3A_764 : i32 to vector<16xi32>
            %rev3A_766 = tpu.iota {dimensions = array<i32: 0>} : vector<16xi32>
            %rev3A_767 = arith.subi %rev3A_765, %rev3A_766 : vector<16xi32>
            %rev3A_768 = tpu.dynamic_gather %select_n3A_754[%rev3A_767] in [0] : vector<16xi32>, vector<16xi32> -> vector<16xi32>
            %lt3A_769 = arith.cmpf olt, %rev3A_763, %while3A_679 : vector<16xf32>
            %eq3A_770 = arith.cmpf oeq, %rev3A_763, %while3A_679 : vector<16xf32>
            %lt3A_771 = arith.cmpi slt, %rev3A_768, %while3A_680 : vector<16xi32>
            %and3A_772 = arith.andi %eq3A_770, %lt3A_771 : vector<16xi1>
            %or3A_773 = arith.ori %lt3A_769, %and3A_772 : vector<16xi1>
            %select_n3A_774 = arith.select %or3A_773, %rev3A_763, %while3A_679 : vector<16xi1>, vector<16xf32>
            %select_n3A_775 = arith.select %or3A_773, %rev3A_768, %while3A_680 : vector<16xi1>, vector<16xi32>
            %iota3A_776 = tpu.iota {dimensions = array<i32: 0>} : vector<16xi32>
            %xor3A_777 = arith.constant 1 : i32
            %xor3A_778 = vector.broadcast %xor3A_777 : i32 to vector<16xi32>
            %xor3A_779 = arith.xori %iota3A_776, %xor3A_778 : vector<16xi32>
            %sub3A_780 = arith.constant 1 : i32
            %sub3A_781 = vector.broadcast %sub3A_780 : i32 to vector<16xi32>
            %sub3A_782 = arith.subi %iota3A_776, %sub3A_781 : vector<16xi32>
            %xor3A_783 = arith.constant 1 : i32
            %xor3A_784 = vector.broadcast %xor3A_783 : i32 to vector<16xi32>
            %xor3A_785 = arith.xori %sub3A_782, %xor3A_784 : vector<16xi32>
            %add3A_786 = arith.constant 1 : i32
            %add3A_787 = vector.broadcast %add3A_786 : i32 to vector<16xi32>
            %add3A_788 = arith.addi %xor3A_785, %add3A_787 : vector<16xi32>
            %jit3A_789 = arith.constant 0 : i32
            %jit3A_790 = arith.constant 15 : i32
            %max3A_791 = vector.broadcast %jit3A_789 : i32 to vector<16xi32>
            %max3A_792 = arith.maxsi %max3A_791, %add3A_788 : vector<16xi32>
            %min3A_793 = vector.broadcast %jit3A_790 : i32 to vector<16xi32>
            %min3A_794 = arith.minsi %min3A_793, %max3A_792 : vector<16xi32>
            %and3A_795 = arith.constant 1 : i32
            %and3A_796 = vector.broadcast %and3A_795 : i32 to vector<16xi32>
            %and3A_797 = arith.andi %iota3A_776, %and3A_796 : vector<16xi32>
            %eq3A_798 = arith.constant 0 : i32
            %eq3A_799 = vector.broadcast %eq3A_798 : i32 to vector<16xi32>
            %eq3A_800 = arith.cmpi eq, %and3A_797, %eq3A_799 : vector<16xi32>
            %and3A_801 = arith.constant 1 : i32
            %and3A_802 = vector.broadcast %and3A_801 : i32 to vector<16xi32>
            %and3A_803 = arith.andi %iota3A_776, %and3A_802 : vector<16xi32>
            %eq3A_804 = arith.constant 1 : i32
            %eq3A_805 = vector.broadcast %eq3A_804 : i32 to vector<16xi32>
            %eq3A_806 = arith.cmpi eq, %and3A_803, %eq3A_805 : vector<16xi32>
            %masked_sort3A_807 = arith.constant dense<true> : vector<16xi1>
            %masked_sort3A_808, %masked_sort3A_809, %masked_sort3A_810 = tpu.sort %select_n3A_774, %select_n3A_775 masked %masked_sort3A_807 : (vector<16xf32>, vector<16xi32>, vector<16xi1>) -> (vector<16xi1>, vector<16xf32>, vector<16xi32>)
            %swap3A_811 = arith.constant 0 : index
            %swap3A_812 = tpu.vector_load %arg21[%swap3A_811] {strides = array<i32>} : memref<16xf32, #tpu.memory_space<vmem>>, vector<16xf32>,
            tpu.vector_store %arg21[%swap3A_811], %masked_sort3A_809 {strides = array<i32>} : memref<16xf32, #tpu.memory_space<vmem>>, vector<16xf32>,
            %swap3A_813 = arith.constant 0 : index
            %swap3A_814 = tpu.vector_load %arg22[%swap3A_813] {strides = array<i32>} : memref<16xi32, #tpu.memory_space<vmem>>, vector<16xi32>,
            tpu.vector_store %arg22[%swap3A_813], %masked_sort3A_810 {strides = array<i32>} : memref<16xi32, #tpu.memory_space<vmem>>, vector<16xi32>,
            %gather3A_815 = tpu.vector_load_idx %arg21[%xor3A_779] : memref<16xf32, #tpu.memory_space<vmem>>[vector<16xi32>], vector<16xf32>,
            %gather3A_816 = tpu.vector_load_idx %arg22[%xor3A_779] : memref<16xi32, #tpu.memory_space<vmem>>[vector<16xi32>], vector<16xi32>,
            %lt3A_817 = arith.cmpf olt, %masked_sort3A_809, %gather3A_815 : vector<16xf32>
            %eq3A_818 = arith.cmpf oeq, %masked_sort3A_809, %gather3A_815 : vector<16xf32>
            %lt3A_819 = arith.cmpi slt, %masked_sort3A_810, %gather3A_816 : vector<16xi32>
            %and3A_820 = arith.andi %eq3A_818, %lt3A_819 : vector<16xi1>
            %or3A_821 = arith.ori %lt3A_817, %and3A_820 : vector<16xi1>
            %eq3A_822 = arith.xori %or3A_821, %eq3A_800 : vector<16xi1>
            %eq3A_823 = arith.constant dense<true> : vector<16xi1>
            %eq3A_824 = arith.xori %eq3A_822, %eq3A_823 : vector<16xi1>
            %select_n3A_825 = arith.select %eq3A_824, %masked_sort3A_809, %gather3A_815 : vector<16xi1>, vector<16xf32>
            %select_n3A_826 = arith.select %eq3A_824, %masked_sort3A_810, %gather3A_816 : vector<16xi1>, vector<16xi32>
            %swap3A_827 = arith.constant 0 : index
            %swap3A_828 = tpu.vector_load %arg21[%swap3A_827] {strides = array<i32>} : memref<16xf32, #tpu.memory_space<vmem>>, vector<16xf32>,
            tpu.vector_store %arg21[%swap3A_827], %select_n3A_825 {strides = array<i32>} : memref<16xf32, #tpu.memory_space<vmem>>, vector<16xf32>,
            %swap3A_829 = arith.constant 0 : index
            %swap3A_830 = tpu.vector_load %arg22[%swap3A_829] {strides = array<i32>} : memref<16xi32, #tpu.memory_space<vmem>>, vector<16xi32>,
            tpu.vector_store %arg22[%swap3A_829], %select_n3A_826 {strides = array<i32>} : memref<16xi32, #tpu.memory_space<vmem>>, vector<16xi32>,
            %gather3A_831 = tpu.vector_load_idx %arg21[%min3A_794] : memref<16xf32, #tpu.memory_space<vmem>>[vector<16xi32>], vector<16xf32>,
            %gather3A_832 = tpu.vector_load_idx %arg22[%min3A_794] : memref<16xi32, #tpu.memory_space<vmem>>[vector<16xi32>], vector<16xi32>,
            %lt3A_833 = arith.cmpf olt, %select_n3A_825, %gather3A_831 : vector<16xf32>
            %eq3A_834 = arith.cmpf oeq, %select_n3A_825, %gather3A_831 : vector<16xf32>
            %lt3A_835 = arith.cmpi slt, %select_n3A_826, %gather3A_832 : vector<16xi32>
            %and3A_836 = arith.andi %eq3A_834, %lt3A_835 : vector<16xi1>
            %or3A_837 = arith.ori %lt3A_833, %and3A_836 : vector<16xi1>
            %eq3A_838 = arith.xori %or3A_837, %eq3A_806 : vector<16xi1>
            %eq3A_839 = arith.constant dense<true> : vector<16xi1>
            %eq3A_840 = arith.xori %eq3A_838, %eq3A_839 : vector<16xi1>
            %select_n3A_841 = arith.select %eq3A_840, %select_n3A_825, %gather3A_831 : vector<16xi1>, vector<16xf32>
            %select_n3A_842 = arith.select %eq3A_840, %select_n3A_826, %gather3A_832 : vector<16xi1>, vector<16xi32>
            scf.yield %select_n3A_841, %select_n3A_842 : vector<16xf32>, vector<16xi32>
          }
          scf.yield %cond3A_759#0, %cond3A_759#1 : vector<16xf32>, vector<16xi32>
        }
        %le3A_653 = arith.cmpf ole, %while3A_652#0, %broadcast_in_dim3A_41 : vector<16xf32>
        %lt3A = arith.constant 10 : i32
        %lt3A_654 = vector.broadcast %lt3A : i32 to vector<16xi32>
        %lt3A_655 = arith.cmpi slt, %iota3A, %lt3A_654 : vector<16xi32>
        %and3A_656 = arith.andi %le3A_653, %lt3A_655 : vector<16xi1>
        %jit3A_657 = arith.constant 0 : i32
        %broadcast_in_dim3A_658 = vector.broadcast %jit3A_657 : i32 to vector<16xi32>
        %select_n3A_659 = arith.select %and3A_656, %while3A_652#1, %broadcast_in_dim3A_658 : vector<16xi1>, vector<16xi32>
        %gather3A = tpu.vector_load_idx %arg10[%select_n3A_659] : memref<10240xf32, #tpu.memory_space<vmem>>[vector<16xi32>], vector<16xf32>,
        %gather3A_660 = tpu.vector_load_idx %arg11[%select_n3A_659] : memref<10240xf32, #tpu.memory_space<vmem>>[vector<16xi32>], vector<16xf32>,
        %gather3A_661 = tpu.vector_load_idx %arg12[%select_n3A_659] : memref<10240xf32, #tpu.memory_space<vmem>>[vector<16xi32>], vector<16xf32>,
        %broadcast_in_dim3A_662 = arith.constant 0.000000e+00 : f32
        %broadcast_in_dim3A_663 = vector.broadcast %broadcast_in_dim3A_662 : f32 to vector<16xf32>
        %mul3A_664 = arith.constant 16 : i32
        %mul3A_665 = arith.muli %add3A_36, %mul3A_664 : i32
        %swap3A_666 = arith.index_cast %mul3A_665 : i32 to index
        %swap3A_667 = tpu.vector_load %arg23[%swap3A_666] {strides = array<i32>} : memref<1024xi32, #tpu.memory_space<vmem>>, vector<16xi32>,
        tpu.vector_store %arg23[%swap3A_666], %select_n3A_659 {strides = array<i32>} : memref<1024xi32, #tpu.memory_space<vmem>>, vector<16xi32>,
        %select_n3A_668 = arith.select %and3A_656, %gather3A, %broadcast_in_dim3A_663 : vector<16xi1>, vector<16xf32>
        %swap3A_669 = arith.index_cast %mul3A_665 : i32 to index
        %swap3A_670 = tpu.vector_load %arg24[%swap3A_669] {strides = array<i32>} : memref<1024xf32, #tpu.memory_space<vmem>>, vector<16xf32>,
        tpu.vector_store %arg24[%swap3A_669], %select_n3A_668 {strides = array<i32>} : memref<1024xf32, #tpu.memory_space<vmem>>, vector<16xf32>,
        %select_n3A_671 = arith.select %and3A_656, %gather3A_660, %broadcast_in_dim3A_663 : vector<16xi1>, vector<16xf32>
        %swap3A_672 = arith.index_cast %mul3A_665 : i32 to index
        %swap3A_673 = tpu.vector_load %arg25[%swap3A_672] {strides = array<i32>} : memref<1024xf32, #tpu.memory_space<vmem>>, vector<16xf32>,
        tpu.vector_store %arg25[%swap3A_672], %select_n3A_671 {strides = array<i32>} : memref<1024xf32, #tpu.memory_space<vmem>>, vector<16xf32>,
        %select_n3A_674 = arith.select %and3A_656, %gather3A_661, %broadcast_in_dim3A_663 : vector<16xi1>, vector<16xf32>
        %swap3A_675 = arith.index_cast %mul3A_665 : i32 to index
        %swap3A_676 = tpu.vector_load %arg26[%swap3A_675] {strides = array<i32>} : memref<1024xf32, #tpu.memory_space<vmem>>, vector<16xf32>,
        tpu.vector_store %arg26[%swap3A_675], %select_n3A_674 {strides = array<i32>} : memref<1024xf32, #tpu.memory_space<vmem>>, vector<16xf32>,
        %scan3A_677 = arith.constant 0 : i32
        scf.yield %scan3A_677 : i32
      }
      %scan3A_31 = arith.constant 16 : i32
      scf.yield %scan3A_30 : i32
    }
    %scan3A_17 = arith.constant 4 : i32
    %mul3A_18 = arith.constant 16 : i32
    %mul3A_19 = arith.muli %mul3A_2, %mul3A_18 : i32
    "tpu.region"() ({
      %run_scoped3A = tpu.sem_alloc : memref<!tpu.dma_semaphore, #tpu.memory_space<semaphore_mem>>
      %dma_start3A = tpu.memref_slice %arg6[%mul3A_19] : memref<32768xi32, #tpu.memory_space<hbm>> -> memref<1024xi32, #tpu.memory_space<hbm>>
      %dma_start3A_20 = tpu.memref_slice %arg6[%mul3A_19] : memref<32768xi32, #tpu.memory_space<hbm>> -> memref<1024xi32, #tpu.memory_space<hbm>>
      tpu.enqueue_dma source(%arg23 : memref<1024xi32, #tpu.memory_space<vmem>>) target(%dma_start3A_20 : memref<1024xi32, #tpu.memory_space<hbm>>) target_semaphore(%run_scoped3A : memref<!tpu.dma_semaphore, #tpu.memory_space<semaphore_mem>>)
      %dma_wait3A = tpu.memref_slice %arg6[%mul3A_19] : memref<32768xi32, #tpu.memory_space<hbm>> -> memref<1024xi32, #tpu.memory_space<hbm>>
      %dma_wait3A_21 = tpu.memref_slice %arg6[%mul3A_19] : memref<32768xi32, #tpu.memory_space<hbm>> -> memref<1024xi32, #tpu.memory_space<hbm>>
      tpu.wait_dma2 semaphore(%run_scoped3A : memref<!tpu.dma_semaphore, #tpu.memory_space<semaphore_mem>>) src(%arg23 : memref<1024xi32, #tpu.memory_space<vmem>>) dst(%dma_wait3A_21 : memref<1024xi32, #tpu.memory_space<hbm>>)
      tpu.yield
    }) : () -> ()
    "tpu.region"() ({
      %run_scoped3A = tpu.sem_alloc : memref<!tpu.dma_semaphore, #tpu.memory_space<semaphore_mem>>
      %dma_start3A = tpu.memref_slice %arg7[%mul3A_19] : memref<32768xf32, #tpu.memory_space<hbm>> -> memref<1024xf32, #tpu.memory_space<hbm>>
      %dma_start3A_20 = tpu.memref_slice %arg7[%mul3A_19] : memref<32768xf32, #tpu.memory_space<hbm>> -> memref<1024xf32, #tpu.memory_space<hbm>>
      tpu.enqueue_dma source(%arg24 : memref<1024xf32, #tpu.memory_space<vmem>>) target(%dma_start3A_20 : memref<1024xf32, #tpu.memory_space<hbm>>) target_semaphore(%run_scoped3A : memref<!tpu.dma_semaphore, #tpu.memory_space<semaphore_mem>>)
      %dma_wait3A = tpu.memref_slice %arg7[%mul3A_19] : memref<32768xf32, #tpu.memory_space<hbm>> -> memref<1024xf32, #tpu.memory_space<hbm>>
      %dma_wait3A_21 = tpu.memref_slice %arg7[%mul3A_19] : memref<32768xf32, #tpu.memory_space<hbm>> -> memref<1024xf32, #tpu.memory_space<hbm>>
      tpu.wait_dma2 semaphore(%run_scoped3A : memref<!tpu.dma_semaphore, #tpu.memory_space<semaphore_mem>>) src(%arg24 : memref<1024xf32, #tpu.memory_space<vmem>>) dst(%dma_wait3A_21 : memref<1024xf32, #tpu.memory_space<hbm>>)
      tpu.yield
    }) : () -> ()
    "tpu.region"() ({
      %run_scoped3A = tpu.sem_alloc : memref<!tpu.dma_semaphore, #tpu.memory_space<semaphore_mem>>
      %dma_start3A = tpu.memref_slice %arg8[%mul3A_19] : memref<32768xf32, #tpu.memory_space<hbm>> -> memref<1024xf32, #tpu.memory_space<hbm>>
      %dma_start3A_20 = tpu.memref_slice %arg8[%mul3A_19] : memref<32768xf32, #tpu.memory_space<hbm>> -> memref<1024xf32, #tpu.memory_space<hbm>>
      tpu.enqueue_dma source(%arg25 : memref<1024xf32, #tpu.memory_space<vmem>>) target(%dma_start3A_20 : memref<1024xf32, #tpu.memory_space<hbm>>) target_semaphore(%run_scoped3A : memref<!tpu.dma_semaphore, #tpu.memory_space<semaphore_mem>>)
      %dma_wait3A = tpu.memref_slice %arg8[%mul3A_19] : memref<32768xf32, #tpu.memory_space<hbm>> -> memref<1024xf32, #tpu.memory_space<hbm>>
      %dma_wait3A_21 = tpu.memref_slice %arg8[%mul3A_19] : memref<32768xf32, #tpu.memory_space<hbm>> -> memref<1024xf32, #tpu.memory_space<hbm>>
      tpu.wait_dma2 semaphore(%run_scoped3A : memref<!tpu.dma_semaphore, #tpu.memory_space<semaphore_mem>>) src(%arg25 : memref<1024xf32, #tpu.memory_space<vmem>>) dst(%dma_wait3A_21 : memref<1024xf32, #tpu.memory_space<hbm>>)
      tpu.yield
    }) : () -> ()
    "tpu.region"() ({
      %run_scoped3A = tpu.sem_alloc : memref<!tpu.dma_semaphore, #tpu.memory_space<semaphore_mem>>
      %dma_start3A = tpu.memref_slice %arg9[%mul3A_19] : memref<32768xf32, #tpu.memory_space<hbm>> -> memref<1024xf32, #tpu.memory_space<hbm>>
      %dma_start3A_20 = tpu.memref_slice %arg9[%mul3A_19] : memref<32768xf32, #tpu.memory_space<hbm>> -> memref<1024xf32, #tpu.memory_space<hbm>>
      tpu.enqueue_dma source(%arg26 : memref<1024xf32, #tpu.memory_space<vmem>>) target(%dma_start3A_20 : memref<1024xf32, #tpu.memory_space<hbm>>) target_semaphore(%run_scoped3A : memref<!tpu.dma_semaphore, #tpu.memory_space<semaphore_mem>>)
      %dma_wait3A = tpu.memref_slice %arg9[%mul3A_19] : memref<32768xf32, #tpu.memory_space<hbm>> -> memref<1024xf32, #tpu.memory_space<hbm>>
      %dma_wait3A_21 = tpu.memref_slice %arg9[%mul3A_19] : memref<32768xf32, #tpu.memory_space<hbm>> -> memref<1024xf32, #tpu.memory_space<hbm>>
      tpu.wait_dma2 semaphore(%run_scoped3A : memref<!tpu.dma_semaphore, #tpu.memory_space<semaphore_mem>>) src(%arg26 : memref<1024xf32, #tpu.memory_space<vmem>>) dst(%dma_wait3A_21 : memref<1024xf32, #tpu.memory_space<hbm>>)
      tpu.yield
    }) : () -> ()
    return
  }
}

module attributes {stable_mosaic.version = 14 : i64} {
  func.func @_tc_stage_body(%arg0: i32, %arg1: memref<256x8xf32, #tpu.memory_space<vmem>>, %arg2: memref<8x10240xf32, #tpu.memory_space<vmem>>, %arg3: memref<32x10240xbf16, #tpu.memory_space<vmem>>, %arg4: memref<256x640xf32, #tpu.memory_space<vmem>>, %arg5: memref<256x16xf32, #tpu.memory_space<vmem>>) attributes {dimension_semantics = [#tpu.dimension_semantics<arbitrary>], iteration_bounds = array<i64: 8>, scalar_prefetch = 0 : i64, scratch_operands = 0 : i64, tpu.core_type = #tpu.core_type<tc>, window_params = [{transform_indices = @transform_0, window_bounds = array<i64: 256, 8>}, {pipeline_mode = #tpu.pipeline_mode<synchronous>, transform_indices = @transform_1, window_bounds = array<i64: 8, 10240>}, {pipeline_mode = #tpu.pipeline_mode<synchronous>, transform_indices = @transform_2, window_bounds = array<i64: 32, 10240>}, {transform_indices = @transform_3, window_bounds = array<i64: 256, 640>}, {transform_indices = @transform_4, window_bounds = array<i64: 256, 16>}]} {
    %get3A = arith.constant 0 : index
    %get3A_0 = arith.constant 0 : index
    %get3A_1 = vector.load %arg1[%get3A, %get3A_0] : memref<256x8xf32, #tpu.memory_space<vmem>>, vector<256x8xf32>
    %get3A_2 = arith.constant 0 : index
    %get3A_3 = arith.constant 0 : index
    %get3A_4 = vector.load %arg2[%get3A_2, %get3A_3] : memref<8x10240xf32, #tpu.memory_space<vmem>>, vector<8x10240xf32>
    %get3A_5 = arith.constant 0 : index
    %get3A_6 = arith.constant 0 : index
    %get3A_7 = vector.load %arg3[%get3A_5, %get3A_6] : memref<32x10240xbf16, #tpu.memory_space<vmem>>, vector<32x10240xbf16>
    %bitcast_convert_type3A = tpu.bitcast %get3A_1 : vector<256x8xf32> -> vector<256x8xi32>
    %and3A = arith.constant -65536 : i32
    %and3A_8 = vector.broadcast %and3A : i32 to vector<256x8xi32>
    %and3A_9 = arith.andi %bitcast_convert_type3A, %and3A_8 : vector<256x8xi32>
    %bitcast_convert_type3A_10 = tpu.bitcast %and3A_9 : vector<256x8xi32> -> vector<256x8xf32>
    %convert_element_type3A = arith.truncf %bitcast_convert_type3A_10 : vector<256x8xf32> to vector<256x8xbf16>
    %sub3A = arith.subf %get3A_1, %bitcast_convert_type3A_10 : vector<256x8xf32>
    %convert_element_type3A_11 = arith.truncf %sub3A : vector<256x8xf32> to vector<256x8xbf16>
    %broadcast_in_dim3A = arith.constant 0.000000e+00 : bf16
    %broadcast_in_dim3A_12 = vector.broadcast %broadcast_in_dim3A : bf16 to vector<256x8xbf16>
    %concatenate3A = tpu.concatenate %convert_element_type3A, %convert_element_type3A, %convert_element_type3A_11, %broadcast_in_dim3A_12 in 1 : vector<256x8xbf16>, vector<256x8xbf16>, vector<256x8xbf16>, vector<256x8xbf16> -> vector<256x32xbf16>
    %dot_general3A = arith.constant dense<0.000000e+00> : vector<256x10240xf32>
    %dot_general3A_13 = tpu.matmul %concatenate3A, %get3A_7, %dot_general3A {dimension_numbers = #tpu.dot_dimension_numbers<[1], [0], [0], [1], [0, 0, 1, 1], [], []>, transpose_lhs_hint = false} : vector<256x32xbf16>, vector<32x10240xbf16>, vector<256x10240xf32> -> vector<256x10240xf32>
    %mul3A = arith.mulf %get3A_1, %get3A_1 : vector<256x8xf32>
    %reduce_sum3A = arith.constant dense<0.000000e+00> : vector<256xf32>
    %reduce_sum3A_14 = vector.multi_reduction <add>, %mul3A, %reduce_sum3A [1] : vector<256x8xf32> to vector<256xf32>
    %broadcast_in_dim3A_15 = vector.shape_cast %reduce_sum3A_14 : vector<256xf32> to vector<256x1xf32>
    %mul3A_16 = arith.mulf %get3A_4, %get3A_4 : vector<8x10240xf32>
    %reduce_sum3A_17 = arith.constant dense<0.000000e+00> : vector<10240xf32>
    %reduce_sum3A_18 = vector.multi_reduction <add>, %mul3A_16, %reduce_sum3A_17 [0] : vector<8x10240xf32> to vector<10240xf32>
    %broadcast_in_dim3A_19 = vector.shape_cast %reduce_sum3A_18 : vector<10240xf32> to vector<1x10240xf32>
    %mul3A_20 = arith.constant 5.000000e-01 : f32
    %mul3A_21 = vector.broadcast %mul3A_20 : f32 to vector<1x10240xf32>
    %mul3A_22 = arith.mulf %mul3A_21, %broadcast_in_dim3A_19 : vector<1x10240xf32>
    %sub3A_23 = vector.broadcast %mul3A_22 : vector<1x10240xf32> to vector<256x10240xf32>
    %sub3A_24 = arith.subf %sub3A_23, %dot_general3A_13 : vector<256x10240xf32>
    %slice3A = vector.extract_strided_slice %sub3A_24 {offsets = [0, 0], sizes = [256, 640], strides = [1, 1]} : vector<256x10240xf32> to vector<256x640xf32>
    %slice3A_25 = vector.extract_strided_slice %sub3A_24 {offsets = [0, 640], sizes = [256, 640], strides = [1, 1]} : vector<256x10240xf32> to vector<256x640xf32>
    %min3A = arith.minimumf %slice3A, %slice3A_25 : vector<256x640xf32>
    %slice3A_26 = vector.extract_strided_slice %sub3A_24 {offsets = [0, 1280], sizes = [256, 640], strides = [1, 1]} : vector<256x10240xf32> to vector<256x640xf32>
    %min3A_27 = arith.minimumf %min3A, %slice3A_26 : vector<256x640xf32>
    %slice3A_28 = vector.extract_strided_slice %sub3A_24 {offsets = [0, 1920], sizes = [256, 640], strides = [1, 1]} : vector<256x10240xf32> to vector<256x640xf32>
    %min3A_29 = arith.minimumf %min3A_27, %slice3A_28 : vector<256x640xf32>
    %slice3A_30 = vector.extract_strided_slice %sub3A_24 {offsets = [0, 2560], sizes = [256, 640], strides = [1, 1]} : vector<256x10240xf32> to vector<256x640xf32>
    %min3A_31 = arith.minimumf %min3A_29, %slice3A_30 : vector<256x640xf32>
    %slice3A_32 = vector.extract_strided_slice %sub3A_24 {offsets = [0, 3200], sizes = [256, 640], strides = [1, 1]} : vector<256x10240xf32> to vector<256x640xf32>
    %min3A_33 = arith.minimumf %min3A_31, %slice3A_32 : vector<256x640xf32>
    %slice3A_34 = vector.extract_strided_slice %sub3A_24 {offsets = [0, 3840], sizes = [256, 640], strides = [1, 1]} : vector<256x10240xf32> to vector<256x640xf32>
    %min3A_35 = arith.minimumf %min3A_33, %slice3A_34 : vector<256x640xf32>
    %slice3A_36 = vector.extract_strided_slice %sub3A_24 {offsets = [0, 4480], sizes = [256, 640], strides = [1, 1]} : vector<256x10240xf32> to vector<256x640xf32>
    %min3A_37 = arith.minimumf %min3A_35, %slice3A_36 : vector<256x640xf32>
    %slice3A_38 = vector.extract_strided_slice %sub3A_24 {offsets = [0, 5120], sizes = [256, 640], strides = [1, 1]} : vector<256x10240xf32> to vector<256x640xf32>
    %min3A_39 = arith.minimumf %min3A_37, %slice3A_38 : vector<256x640xf32>
    %slice3A_40 = vector.extract_strided_slice %sub3A_24 {offsets = [0, 5760], sizes = [256, 640], strides = [1, 1]} : vector<256x10240xf32> to vector<256x640xf32>
    %min3A_41 = arith.minimumf %min3A_39, %slice3A_40 : vector<256x640xf32>
    %slice3A_42 = vector.extract_strided_slice %sub3A_24 {offsets = [0, 6400], sizes = [256, 640], strides = [1, 1]} : vector<256x10240xf32> to vector<256x640xf32>
    %min3A_43 = arith.minimumf %min3A_41, %slice3A_42 : vector<256x640xf32>
    %slice3A_44 = vector.extract_strided_slice %sub3A_24 {offsets = [0, 7040], sizes = [256, 640], strides = [1, 1]} : vector<256x10240xf32> to vector<256x640xf32>
    %min3A_45 = arith.minimumf %min3A_43, %slice3A_44 : vector<256x640xf32>
    %slice3A_46 = vector.extract_strided_slice %sub3A_24 {offsets = [0, 7680], sizes = [256, 640], strides = [1, 1]} : vector<256x10240xf32> to vector<256x640xf32>
    %min3A_47 = arith.minimumf %min3A_45, %slice3A_46 : vector<256x640xf32>
    %slice3A_48 = vector.extract_strided_slice %sub3A_24 {offsets = [0, 8320], sizes = [256, 640], strides = [1, 1]} : vector<256x10240xf32> to vector<256x640xf32>
    %min3A_49 = arith.minimumf %min3A_47, %slice3A_48 : vector<256x640xf32>
    %slice3A_50 = vector.extract_strided_slice %sub3A_24 {offsets = [0, 8960], sizes = [256, 640], strides = [1, 1]} : vector<256x10240xf32> to vector<256x640xf32>
    %min3A_51 = arith.minimumf %min3A_49, %slice3A_50 : vector<256x640xf32>
    %slice3A_52 = vector.extract_strided_slice %sub3A_24 {offsets = [0, 9600], sizes = [256, 640], strides = [1, 1]} : vector<256x10240xf32> to vector<256x640xf32>
    %min3A_53 = arith.minimumf %min3A_51, %slice3A_52 : vector<256x640xf32>
    %mul3A_54 = arith.constant 2.000000e+00 : f32
    %mul3A_55 = vector.broadcast %mul3A_54 : f32 to vector<256x640xf32>
    %mul3A_56 = arith.mulf %mul3A_55, %min3A_53 : vector<256x640xf32>
    %add3A = vector.broadcast %broadcast_in_dim3A_15 : vector<256x1xf32> to vector<256x640xf32>
    %add3A_57 = arith.addf %add3A, %mul3A_56 : vector<256x640xf32>
    %slice3A_58 = vector.extract_strided_slice %add3A_57 {offsets = [0, 0], sizes = [256, 320], strides = [1, 1]} : vector<256x640xf32> to vector<256x320xf32>
    %slice3A_59 = vector.extract_strided_slice %add3A_57 {offsets = [0, 320], sizes = [256, 320], strides = [1, 1]} : vector<256x640xf32> to vector<256x320xf32>
    %min3A_60 = arith.minimumf %slice3A_58, %slice3A_59 : vector<256x320xf32>
    %reduce_min3A = arith.constant dense<0x7F800000> : vector<256xf32>
    %reduce_min3A_61 = vector.multi_reduction <minimumf>, %min3A_60, %reduce_min3A [1] : vector<256x320xf32> to vector<256xf32>
    %broadcast_in_dim3A_62 = vector.shape_cast %reduce_min3A_61 : vector<256xf32> to vector<256x1xf32>
    %eq3A = vector.broadcast %broadcast_in_dim3A_62 : vector<256x1xf32> to vector<256x320xf32>
    %eq3A_63 = arith.cmpf oeq, %min3A_60, %eq3A : vector<256x320xf32>
    %jit3A = arith.constant 1.000000e+30 : f32
    %broadcast_in_dim3A_64 = vector.broadcast %jit3A : f32 to vector<256x320xf32>
    %select_n3A = arith.select %eq3A_63, %broadcast_in_dim3A_64, %min3A_60 : vector<256x320xi1>, vector<256x320xf32>
    %reduce_min3A_65 = arith.constant dense<0x7F800000> : vector<256xf32>
    %reduce_min3A_66 = vector.multi_reduction <minimumf>, %select_n3A, %reduce_min3A_65 [1] : vector<256x320xf32> to vector<256xf32>
    %broadcast_in_dim3A_67 = vector.shape_cast %reduce_min3A_66 : vector<256xf32> to vector<256x1xf32>
    %eq3A_68 = vector.broadcast %broadcast_in_dim3A_67 : vector<256x1xf32> to vector<256x320xf32>
    %eq3A_69 = arith.cmpf oeq, %select_n3A, %eq3A_68 : vector<256x320xf32>
    %jit3A_70 = arith.constant 1.000000e+30 : f32
    %broadcast_in_dim3A_71 = vector.broadcast %jit3A_70 : f32 to vector<256x320xf32>
    %select_n3A_72 = arith.select %eq3A_69, %broadcast_in_dim3A_71, %select_n3A : vector<256x320xi1>, vector<256x320xf32>
    %reduce_min3A_73 = arith.constant dense<0x7F800000> : vector<256xf32>
    %reduce_min3A_74 = vector.multi_reduction <minimumf>, %select_n3A_72, %reduce_min3A_73 [1] : vector<256x320xf32> to vector<256xf32>
    %broadcast_in_dim3A_75 = vector.shape_cast %reduce_min3A_74 : vector<256xf32> to vector<256x1xf32>
    %eq3A_76 = vector.broadcast %broadcast_in_dim3A_75 : vector<256x1xf32> to vector<256x320xf32>
    %eq3A_77 = arith.cmpf oeq, %select_n3A_72, %eq3A_76 : vector<256x320xf32>
    %jit3A_78 = arith.constant 1.000000e+30 : f32
    %broadcast_in_dim3A_79 = vector.broadcast %jit3A_78 : f32 to vector<256x320xf32>
    %select_n3A_80 = arith.select %eq3A_77, %broadcast_in_dim3A_79, %select_n3A_72 : vector<256x320xi1>, vector<256x320xf32>
    %reduce_min3A_81 = arith.constant dense<0x7F800000> : vector<256xf32>
    %reduce_min3A_82 = vector.multi_reduction <minimumf>, %select_n3A_80, %reduce_min3A_81 [1] : vector<256x320xf32> to vector<256xf32>
    %broadcast_in_dim3A_83 = vector.shape_cast %reduce_min3A_82 : vector<256xf32> to vector<256x1xf32>
    %eq3A_84 = vector.broadcast %broadcast_in_dim3A_83 : vector<256x1xf32> to vector<256x320xf32>
    %eq3A_85 = arith.cmpf oeq, %select_n3A_80, %eq3A_84 : vector<256x320xf32>
    %jit3A_86 = arith.constant 1.000000e+30 : f32
    %broadcast_in_dim3A_87 = vector.broadcast %jit3A_86 : f32 to vector<256x320xf32>
    %select_n3A_88 = arith.select %eq3A_85, %broadcast_in_dim3A_87, %select_n3A_80 : vector<256x320xi1>, vector<256x320xf32>
    %reduce_min3A_89 = arith.constant dense<0x7F800000> : vector<256xf32>
    %reduce_min3A_90 = vector.multi_reduction <minimumf>, %select_n3A_88, %reduce_min3A_89 [1] : vector<256x320xf32> to vector<256xf32>
    %broadcast_in_dim3A_91 = vector.shape_cast %reduce_min3A_90 : vector<256xf32> to vector<256x1xf32>
    %eq3A_92 = vector.broadcast %broadcast_in_dim3A_91 : vector<256x1xf32> to vector<256x320xf32>
    %eq3A_93 = arith.cmpf oeq, %select_n3A_88, %eq3A_92 : vector<256x320xf32>
    %jit3A_94 = arith.constant 1.000000e+30 : f32
    %broadcast_in_dim3A_95 = vector.broadcast %jit3A_94 : f32 to vector<256x320xf32>
    %select_n3A_96 = arith.select %eq3A_93, %broadcast_in_dim3A_95, %select_n3A_88 : vector<256x320xi1>, vector<256x320xf32>
    %reduce_min3A_97 = arith.constant dense<0x7F800000> : vector<256xf32>
    %reduce_min3A_98 = vector.multi_reduction <minimumf>, %select_n3A_96, %reduce_min3A_97 [1] : vector<256x320xf32> to vector<256xf32>
    %broadcast_in_dim3A_99 = vector.shape_cast %reduce_min3A_98 : vector<256xf32> to vector<256x1xf32>
    %eq3A_100 = vector.broadcast %broadcast_in_dim3A_99 : vector<256x1xf32> to vector<256x320xf32>
    %eq3A_101 = arith.cmpf oeq, %select_n3A_96, %eq3A_100 : vector<256x320xf32>
    %jit3A_102 = arith.constant 1.000000e+30 : f32
    %broadcast_in_dim3A_103 = vector.broadcast %jit3A_102 : f32 to vector<256x320xf32>
    %select_n3A_104 = arith.select %eq3A_101, %broadcast_in_dim3A_103, %select_n3A_96 : vector<256x320xi1>, vector<256x320xf32>
    %reduce_min3A_105 = arith.constant dense<0x7F800000> : vector<256xf32>
    %reduce_min3A_106 = vector.multi_reduction <minimumf>, %select_n3A_104, %reduce_min3A_105 [1] : vector<256x320xf32> to vector<256xf32>
    %broadcast_in_dim3A_107 = vector.shape_cast %reduce_min3A_106 : vector<256xf32> to vector<256x1xf32>
    %eq3A_108 = vector.broadcast %broadcast_in_dim3A_107 : vector<256x1xf32> to vector<256x320xf32>
    %eq3A_109 = arith.cmpf oeq, %select_n3A_104, %eq3A_108 : vector<256x320xf32>
    %jit3A_110 = arith.constant 1.000000e+30 : f32
    %broadcast_in_dim3A_111 = vector.broadcast %jit3A_110 : f32 to vector<256x320xf32>
    %select_n3A_112 = arith.select %eq3A_109, %broadcast_in_dim3A_111, %select_n3A_104 : vector<256x320xi1>, vector<256x320xf32>
    %reduce_min3A_113 = arith.constant dense<0x7F800000> : vector<256xf32>
    %reduce_min3A_114 = vector.multi_reduction <minimumf>, %select_n3A_112, %reduce_min3A_113 [1] : vector<256x320xf32> to vector<256xf32>
    %broadcast_in_dim3A_115 = vector.shape_cast %reduce_min3A_114 : vector<256xf32> to vector<256x1xf32>
    %eq3A_116 = vector.broadcast %broadcast_in_dim3A_115 : vector<256x1xf32> to vector<256x320xf32>
    %eq3A_117 = arith.cmpf oeq, %select_n3A_112, %eq3A_116 : vector<256x320xf32>
    %jit3A_118 = arith.constant 1.000000e+30 : f32
    %broadcast_in_dim3A_119 = vector.broadcast %jit3A_118 : f32 to vector<256x320xf32>
    %select_n3A_120 = arith.select %eq3A_117, %broadcast_in_dim3A_119, %select_n3A_112 : vector<256x320xi1>, vector<256x320xf32>
    %reduce_min3A_121 = arith.constant dense<0x7F800000> : vector<256xf32>
    %reduce_min3A_122 = vector.multi_reduction <minimumf>, %select_n3A_120, %reduce_min3A_121 [1] : vector<256x320xf32> to vector<256xf32>
    %broadcast_in_dim3A_123 = vector.shape_cast %reduce_min3A_122 : vector<256xf32> to vector<256x1xf32>
    %eq3A_124 = vector.broadcast %broadcast_in_dim3A_123 : vector<256x1xf32> to vector<256x320xf32>
    %eq3A_125 = arith.cmpf oeq, %select_n3A_120, %eq3A_124 : vector<256x320xf32>
    %jit3A_126 = arith.constant 1.000000e+30 : f32
    %broadcast_in_dim3A_127 = vector.broadcast %jit3A_126 : f32 to vector<256x320xf32>
    %select_n3A_128 = arith.select %eq3A_125, %broadcast_in_dim3A_127, %select_n3A_120 : vector<256x320xi1>, vector<256x320xf32>
    %reduce_min3A_129 = arith.constant dense<0x7F800000> : vector<256xf32>
    %reduce_min3A_130 = vector.multi_reduction <minimumf>, %select_n3A_128, %reduce_min3A_129 [1] : vector<256x320xf32> to vector<256xf32>
    %broadcast_in_dim3A_131 = vector.shape_cast %reduce_min3A_130 : vector<256xf32> to vector<256x1xf32>
    %add3A_132 = arith.constant 3.000000e-04 : f32
    %add3A_133 = vector.broadcast %add3A_132 : f32 to vector<256x1xf32>
    %add3A_134 = arith.addf %broadcast_in_dim3A_131, %add3A_133 : vector<256x1xf32>
    %min3A_135 = arith.constant 6.250000e-02 : f32
    %min3A_136 = vector.broadcast %min3A_135 : f32 to vector<256x1xf32>
    %min3A_137 = arith.minimumf %add3A_134, %min3A_136 : vector<256x1xf32>
    %add3A_138 = arith.constant 3.000000e-04 : f32
    %add3A_139 = vector.broadcast %add3A_138 : f32 to vector<256x1xf32>
    %add3A_140 = arith.addf %min3A_137, %add3A_139 : vector<256x1xf32>
    %broadcast_in_dim3A_141 = arith.constant 0.000000e+00 : f32
    %broadcast_in_dim3A_142 = vector.broadcast %broadcast_in_dim3A_141 : f32 to vector<256x1xf32>
    %concatenate3A_143 = tpu.concatenate %add3A_140, %min3A_137, %broadcast_in_dim3A_142, %broadcast_in_dim3A_142, %broadcast_in_dim3A_142, %broadcast_in_dim3A_142, %broadcast_in_dim3A_142, %broadcast_in_dim3A_142, %broadcast_in_dim3A_142, %broadcast_in_dim3A_142, %broadcast_in_dim3A_142, %broadcast_in_dim3A_142, %broadcast_in_dim3A_142, %broadcast_in_dim3A_142, %broadcast_in_dim3A_142, %broadcast_in_dim3A_142 in 1 : vector<256x1xf32>, vector<256x1xf32>, vector<256x1xf32>, vector<256x1xf32>, vector<256x1xf32>, vector<256x1xf32>, vector<256x1xf32>, vector<256x1xf32>, vector<256x1xf32>, vector<256x1xf32>, vector<256x1xf32>, vector<256x1xf32>, vector<256x1xf32>, vector<256x1xf32>, vector<256x1xf32>, vector<256x1xf32> -> vector<256x16xf32>
    %swap3A = arith.constant 0 : index
    %swap3A_144 = arith.constant 0 : index
    %swap3A_145 = vector.load %arg5[%swap3A, %swap3A_144] : memref<256x16xf32, #tpu.memory_space<vmem>>, vector<256x16xf32>
    tpu.vector_store %arg5[%swap3A, %swap3A_144], %concatenate3A_143 {strides = array<i32>} : memref<256x16xf32, #tpu.memory_space<vmem>>, vector<256x16xf32>,
    %swap3A_146 = arith.constant 0 : index
    %swap3A_147 = arith.constant 0 : index
    %swap3A_148 = vector.load %arg4[%swap3A_146, %swap3A_147] : memref<256x640xf32, #tpu.memory_space<vmem>>, vector<256x640xf32>
    tpu.vector_store %arg4[%swap3A_146, %swap3A_147], %add3A_57 {strides = array<i32>} : memref<256x640xf32, #tpu.memory_space<vmem>>, vector<256x640xf32>,
    return
  }
  func.func @transform_0(%arg0: i32) -> (i32, i32) {
    %c0_i32 = arith.constant 0 : i32
    %c0_i32_0 = arith.constant 0 : i32
    return %arg0, %c0_i32 : i32, i32
  }
  func.func @transform_1(%arg0: i32) -> (i32, i32) {
    %c0_i32 = arith.constant 0 : i32
    %c0_i32_0 = arith.constant 0 : i32
    %c0_i32_1 = arith.constant 0 : i32
    return %c0_i32, %c0_i32_0 : i32, i32
  }
  func.func @transform_2(%arg0: i32) -> (i32, i32) {
    %c0_i32 = arith.constant 0 : i32
    %c0_i32_0 = arith.constant 0 : i32
    %c0_i32_1 = arith.constant 0 : i32
    return %c0_i32, %c0_i32_0 : i32, i32
  }
  func.func @transform_3(%arg0: i32) -> (i32, i32) {
    %c0_i32 = arith.constant 0 : i32
    %c0_i32_0 = arith.constant 0 : i32
    return %arg0, %c0_i32 : i32, i32
  }
  func.func @transform_4(%arg0: i32) -> (i32, i32) {
    %c0_i32 = arith.constant 0 : i32
    %c0_i32_0 = arith.constant 0 : i32
    return %arg0, %c0_i32 : i32, i32
  }
}

</mosaic_0001>

<sc_bundles>
// kernel: kernel.6.cloned.1.call-start
scs
__scs_entry_jumppad:
0x0: {  	(pc) =	sbr.rel $0x88, $3  }
0x1: {  	(tag) =	ssettag $0x0;
	lr =	simm.s32 $0x1  }
0x2: {  	[smem:$0x3F9F] =	sst lr;
	_ =	strace $0xD0000000  }
0x3: {  	_ = 	snop  }
0x4: {  	_ = 	snop  }
0x5: {  	_ = 	snop  }
0x6: {  	_ = 	snop  }
0x7: {  	_ = 	snop  }
__scs_overlays_trampoline_lowered:
0x8: {  	[smem:$0x3FAE] =	sst s0  }
0x9: {  	[smem:$0x3FAF] =	sst s1  }
0xa: {  	[smem:$0x3FB0] =	sst s2  }
0xb: {  	[smem:$0x3FB1] =	sst s3  }
0xc: {  	[smem:$0x3FB2] =	sst s4  }
0xd: {  	[smem:$0x3FB3] =	sst s5  }
0xe: {  	[smem:$0x3FB4] =	sst s6  }
0xf: {  	[smem:$0x3FB5] =	sst s7  }
0x10: {  	[smem:$0x3FB6] =	sst s8  }
0x11: {  	[smem:$0x3FB7] =	sst s9;
	s0 =	simm.s32 @!p0 $0x0  }
0x12: {  	s1 =	sld [smem:$0x3F9D];
	s0 =	simm.s32 @p0 $0x1  }
0x13: {  	[smem:$0x3FB8] =	sst s0;
	s0 =	simm.s32 @!p1 $0x0  }
0x14: {  	s2 =	sld [smem:$0x3F9C];
	s0 =	simm.s32 @p1 $0x1  }
0x15: {  	[smem:$0x3FB9] =	sst s0;
	s0 =	simm.s32 @!p2 $0x0  }
0x16: {  	s3 =	sld [smem:$0x3FDB];
	s0 =	simm.s32 @p2 $0x1  }
0x17: {  	s4 =	simm.s32 $0x1BF5;
	[smem:$0x3FBB] =	sst s0  }
0x18: {  	s0 =	sld [smem:$0x3F9E];
	_ =	swait.ge [sflag:s4], $0x0  }
0x19: {  	s7 =	sld [smem:$0x3F9F]  }
0x1a: {  	s8 =	sadd.s32 $0xFFFFE003, lr  }
0x1b: {  	s9 =	sadd.s32 $0xFFFFFEF7, lr;
	s5 =	simm.s32 $0xFFFFFFFF;
	p2 =	slt.u32 s8, $0xFFFFF086  }
0x1c: {  	p1 =	slt.u32 s9, $0xF7A;
	s5 =	simm.s32 @!p2 $0x0  }
0x1d: {  	s5 =	simm.s32 @p1 $0x1;
	p0 =	seq.s32 s7, s2  }
0x1e: {  	s7 =	smul.u32 @!p0 $0xF7A, s2;
	p2 =	seq.s32 @!p0 s5, $0x0  }
0x1f: {  	s9 =	smul.u32 $0xF7A, s1;
	s8 =	simm.s32 @!p0 $0x1BF5;
	p2 =	por !p2, p0  }
0x20: {  	[sflag:s8] =	ssyncset.s32 @!p0 $0xFFFFF086;
	s6 =	sadd.s32 @!p0 s3, s7;
	s7 =	simm.s32 @!p0 $0x108  }
0x21: {  	s3 =	sadd.s32 s3, s9;
	s6 =	sadd.s32 @!p0 $0x88, s6;
	s7 =	simm.s32 @p2 $0x1082  }
0x22: {  	[simem:s7], [sflag:s8] =	dma.local @!p0 [hbm:s6], $0xF7A  }
0x23: {  	s9 =	sor.u32 $0xD0000000, s2;
	s6 =	simm.s32 $0x108;
	_ =	swait.ge @!p0 [sflag:s8], $0x0  }
0x24: {  	s3 =	sadd.s32 $0x88, s3;
	s6 =	simm.s32 @!p1 $0x1082;
	[sflag:s4] =	ssyncset.s32 $0xFFFFF086  }
0x25: {  	[simem:s6], [sflag:s4] =	dma.local [hbm:s3], $0xF7A  }
0x26: {  	[smem:$0x3F9F] =	sst s1;
	(tag) =	ssettag s2;
	_ =	strace s9  }
0x27: {  	s1 =	sld [smem:$0x3FAF]  }
0x28: {  	s2 =	sld [smem:$0x3FB0]  }
0x29: {  	s4 =	sld [smem:$0x3FB2]  }
0x2a: {  	p0 =	seq.s32 s5, $0x0;
	s5 =	sld [smem:$0x3FB3]  }
0x2b: {  	s6 =	sld [smem:$0x3FB4]  }
0x2c: {  	s7 =	sld [smem:$0x3FB5]  }
0x2d: {  	s3 =	simm.s32 $0x108;
	s8 =	sld [smem:$0x3FB6]  }
0x2e: {  	s3 =	simm.s32 @!p0 $0x1082;
	s9 =	sld [smem:$0x3FB7]  }
0x2f: {  	lr =	sadd.s32 s0, s3;
	s0 =	sld [smem:$0x3FAE]  }
0x30: {  	s3 =	sld [smem:$0x3FB1]  }
0x31: {  	[smem:$0x3FBA] =	sst s10  }
0x32: {  	s10 =	sld [smem:$0x3FB8];
	_ =	sdelay $0x3  }
0x33: {  	p0 =	seq.s32 s10, $0x1;
	s10 =	sld [smem:$0x3FBA];
	_ =	sdelay $0x3  }
0x34: {  	[smem:$0x3FBA] =	sst s10  }
0x35: {  	s10 =	sld [smem:$0x3FB9];
	_ =	sdelay $0x3  }
0x36: {  	p1 =	seq.s32 s10, $0x1;
	s10 =	sld [smem:$0x3FBA];
	_ =	sdelay $0x3  }
0x37: {  	[smem:$0x3FBA] =	sst s10  }
0x38: {  	s10 =	sld [smem:$0x3FBB]  }
0x39: {  	_ = 	snop;
	(pc) =	sbr.ind lr, $3  }
0x3a: {  	_ = 	snop  }
0x3b: {  	_ = 	snop  }
0x3c: {  	p2 =	seq.s32 s10, $0x1;
	s10 =	sld [smem:$0x3FBA]  }
0x3d: {  	_ =	shalt  }
0x3e: {  	_ =	shalt  }
0x3f: {  	_ =	shalt  }
0x40: {  	_ =	shalt  }
0x41: {  	_ =	shalt  }
0x42: {  	_ =	shalt  }
0x43: {  	_ =	shalt  }
0x44: {  	_ =	shalt  }
0x45: {  	_ =	shalt  }
0x46: {  	_ =	shalt  }
0x47: {  	_ =	shalt  }
0x48: {  	_ =	shalt  }
0x49: {  	_ =	shalt  }
0x4a: {  	_ =	shalt  }
0x4b: {  	_ =	shalt  }
0x4c: {  	_ =	shalt  }
0x4d: {  	_ =	shalt  }
0x4e: {  	_ =	shalt  }
0x4f: {  	_ =	shalt  }
0x50: {  	_ =	shalt  }
0x51: {  	_ =	shalt  }
0x52: {  	_ =	shalt  }
0x53: {  	_ =	shalt  }
0x54: {  	_ =	shalt  }
0x55: {  	_ =	shalt  }
0x56: {  	_ =	shalt  }
0x57: {  	_ =	shalt  }
0x58: {  	_ =	shalt  }
0x59: {  	_ =	shalt  }
0x5a: {  	_ =	shalt  }
0x5b: {  	_ =	shalt  }
0x5c: {  	_ =	shalt  }
0x5d: {  	_ =	shalt  }
0x5e: {  	_ =	shalt  }
0x5f: {  	_ =	shalt  }
0x60: {  	_ =	shalt  }
0x61: {  	_ =	shalt  }
0x62: {  	_ =	shalt  }
0x63: {  	_ =	shalt  }
0x64: {  	_ =	shalt  }
0x65: {  	_ =	shalt  }
0x66: {  	_ =	shalt  }
0x67: {  	_ =	shalt  }
0x68: {  	_ =	shalt  }
0x69: {  	_ =	shalt  }
0x6a: {  	_ =	shalt  }
0x6b: {  	_ =	shalt  }
0x6c: {  	_ =	shalt  }
0x6d: {  	_ =	shalt  }
0x6e: {  	_ =	shalt  }
0x6f: {  	_ =	shalt  }
0x70: {  	_ =	shalt  }
0x71: {  	_ =	shalt  }
0x72: {  	_ =	shalt  }
0x73: {  	_ =	shalt  }
0x74: {  	_ =	shalt  }
0x75: {  	_ =	shalt  }
0x76: {  	_ =	shalt  }
0x77: {  	_ =	shalt  }
0x78: {  	_ =	shalt  }
0x79: {  	_ =	shalt  }
0x7a: {  	_ =	shalt  }
0x7b: {  	_ =	shalt  }
0x7c: {  	_ =	shalt  }
0x7d: {  	_ =	shalt  }
0x7e: {  	_ =	shalt  }
0x7f: {  	_ =	shalt  }
0x80: {  	_ =	shalt  }
0x81: {  	_ =	shalt  }
0x82: {  	_ =	shalt  }
0x83: {  	_ =	shalt  }
0x84: {  	_ =	shalt  }
0x85: {  	_ =	shalt  }
0x86: {  	_ =	shalt  }
0x87: {  	_ =	shalt  }
.Lfunc_end0:
.L_simem_size_0:
called_computation_lowered:
.L_overlay_start_0:
0x88: {  	s2 =	sld [smem:$0x3FD9]  }
0x89: {  	s3 =	sld [smem:$0x3FFE];
	_ =	sdelay $0x1  }
0x8a: {  	s1 =	srdreg.scid  }
0x8b: {  	s0 =	sand.u32 $0x1, s1  }
0x8c: {  	s15 =	sshll.u32 s0, $0xA;
	s2 =	sadd.s32 s3, s2  }
0x8d: {  	s2 =	sadd.s32 s2, s15  }
0x8e: {  	[smem:$0x3FC6] =	sst s2  }
0x8f: {  	_ = 	snop  }
0x90: {  	s2 =	sld [smem:$0x3FD0];
	_ =	sdelay $0x2  }
0x91: {  	s16 =	simm.s32 $0xB;
	s4 =	simm.s32 $0x10  }
0x92: {  	[smem:s4], [sflag:s16] =	dma.local [hbm:s2], $0x1  }
0x93: {  	_ =	swait.eq [sflag:s16], $0x1  }
0x94: {  	[sflag:s16] =	ssyncset.done $0x0  }
0x95: {  	[sflag:s16] =	ssyncadd.s32 $0xFFFFFFFF  }
0x96: {  	s17 =	sld [smem:$0x11];
	(tm) =	ssettm $0x1  }
0x97: {  	s18 =	sld [smem:$0x3FFB];
	_ =	sdelay $0x3  }
0x98: {  	_ =	strace s18  }
0x99: {  	s2 =	sld [smem:$0x3FFC];
	_ =	sdelay $0x3  }
0x9a: {  	_ =	strace s2  }
0x9b: {  	s2 =	sld [smem:$0x3FFD];
	_ =	sdelay $0x3  }
0x9c: {  	_ =	strace s2  }
0x9d: {  	_ =	strace $0x8FFFFFFF  }
0x9e: {  	s19 =	sld [smem:$0x3FDB];
	_ =	sdelay $0x1  }
0x9f: {  	s20 =	simm.s32 $_scs_section_size  }
0xa0: {  	s5 =	simm.s32 $_size__tile_overlayer_lowered;
	s6 =	simm.s32 $_tile_overlayer_lowered  }
0xa1: {  	s7 =	simm.s32 $0x1BFF;
	s21 =	sshll.u32 s6, $0x1;
	s4 =	sadd.s32 s20, s19  }
0xa2: {  	s22 =	simm.s32 $0x0;
	s5 =	sshll.u32 s5, $0x1;
	s6 =	sadd.s32 s21, s4  }
0xa3: {  	[timem:s22], [sflag:s7] =	dma.local [hbm:s6], s5  }
0xa4: {  	_ =	swait.ge [sflag:s7], s5  }
0xa5: {  	s5 =	ssub.s32 $0x0, s5;
	[sflag:s7] =	ssyncset.done $0x0  }
0xa6: {  	[sflag:s7] =	ssyncadd.s32 s5;
	_ =	sdelay $0x1  }
0xa7: {  	s23 =	simm.s32 $0x1B8B  }
0xa8: {  	_ =	swait.ge [sflag:s23], $0x1  }
0xa9: {  	[sflag:s23] =	ssyncset.done $0x0  }
0xaa: {  	[sflag:s23] =	ssyncadd.s32 $0xFFFFFFFF  }
0xab: {  	s5 =	sld [smem:$0x0]  }
0xac: {  	s6 =	sand.u32 $0xFFFFFFFE, s1  }
0xad: {  	p0 =	sne.s32 s1, s6  }
0xae: {  	s6 =	sshll.u32 @p0 s6, $0xE  }
0xaf: {  	s6 =	sadd.s32 @p0 $0x11B8D, s6;
	s7 =	sshll.u32 @p0 s5, $0x11  }
0xb0: {  	s6 =	sor.u32 @p0 s7, s6  }
0xb1: {  	[sflag:s6] =	ssyncadd.remote.s32 @p0 $0x1;
	_ =	sdelay $0x1  }
0xb2: {  	s6 =	simm.s32 @p0 $0x1B8D  }
0xb3: {  	_ =	swait.eq @p0 [sflag:s6], $0x1  }
0xb4: {  	[sflag:s6] =	ssyncadd.s32 @p0 $0xFFFFFFFF  }
0xb5: {  	s7 =	sshll.u32 @!p0 s1, $0xE  }
0xb6: {  	s7 =	sor.u32 @!p0 $0x4000, s7;
	s6 =	simm.s32 @!p0 $0x1B8D  }
0xb7: {  	s5 =	sshll.u32 @!p0 s5, $0x11;
	s7 =	sadd.s32 @!p0 $0x11B8D, s7;
	_ =	swait.eq @!p0 [sflag:s6], $0x1  }
0xb8: {  	s5 =	sor.u32 @!p0 s5, s7;
	[sflag:s6] =	ssyncadd.s32 @!p0 $0xFFFFFFFF  }
0xb9: {  	s25 =	simm.s32 $0x1B8E;
	s24 =	sld [smem:$0x3FFE];
	[sflag:s5] =	ssyncadd.remote.s32 @!p0 $0x1  }
0xba: {  	s26 =	simm.s32 $execute0_lowered;
	[smem:$0x3FD2] =	sst s25  }
0xbb: {  	s6 =	sshll.u32 s26, $0x1;
	_ =	strace $0x80000049;
	[dreg:$0x1] =	wrdreg $0xFFFFFFFF  }
0xbc: {  	s28 =	simm.s32 $_size_execute0_lowered;
	s4 =	sadd.s32 s4, s6;
	[dreg:$0x0] =	wrdreg $0x0  }
0xbd: {  	s6 =	sshll.u32 s28, $0x1;
	[dreg:$0x2] =	wrdreg s4  }
0xbe: {  	[dreg:$0x3] =	wrdreg s6  }
0xbf: {  	[dreg:$0x4] =	wrdreg $0xC0  }
0xc0: {  	_ =	task [dreg:s22], $0x5FFFF  }
0xc1: {  	[dreg:$0x1] =	wrdreg $0xFFFFFFFF  }
0xc2: {  	[dreg:$0x0] =	wrdreg $0x60  }
0xc3: {  	[dreg:$0x2] =	wrdreg s24  }
0xc4: {  	[dreg:$0x3] =	wrdreg s17  }
0xc5: {  	[dreg:$0x4] =	wrdreg $0x9  }
0xc6: {  	_ =	task.clear_ibuf [dreg:s22], $0x5FFFF;
	_ =	strace $0x90000049  }
0xc7: {  	s29 =	simm.s32 $0x9;
	_ =	strace $0x8000004B  }
0xc8: {  	_ =	swait.ge [sflag:s29], $0x1  }
0xc9: {  	[sflag:s29] =	ssyncadd.s32 $0xFFFFFFFF  }
0xca: {  	_ =	strace $0x9000004B  }
0xcb: {  	_ =	sfence  }
0xcc: {  	s30 =	sld [smem:$0x0];
	_ =	sdelay $0x2  }
0xcd: {  	s31 =	sshll.u32 s1, $0xD;
	s1 =	sshrl.u32 s1, $0x2  }
0xce: {  	s4 =	sand.u32 $0x4000, s31;
	s1 =	sadd.s32 s1, s30  }
0xcf: {  	s0 =	sor.u32 s4, s0;
	s1 =	sshll.u32 s1, $0x11  }
0xd0: {  	s0 =	sor.u32 s1, s0  }
0xd1: {  	s0 =	sadd.s32 $0x8F2B, s0  }
0xd2: {  	[sflag:s0] =	ssyncadd.remote.s32 $0x1  }
0xd3: {  	_ =	sfence.sel $0xFFFF  }
0xd4: {  	[dreg:$0x0] =	wrdreg $0xFFFFFFFF;
	(pc) =	sbr.abs _section_cstart, $3  }
0xd5: {  	[dreg:$0x1] =	wrdreg $0xFFFFFFFF  }
0xd6: {  	_ =	task.clear_ibuf [dreg:s22], $0x2FFFF;
	_ =	strace $0x9FFFFFFF  }
0xd7: {  	(tm) =	ssettm $0x7FFFFFFF  }
tec
execute0_lowered:
.L_overlay_start_1:
0x0: {  	(tag) =	ssettag $0x1  }
0x1: {  	v0 =	vlaneseq.u32  }
0x2: {  	v40 =	vimm.s32 $0xEFCDAB89;
	vm0 =	vcmask $0xF0C;
	vm1 =	vcmask $0x704  }
0x3: {  	v41 =	vimm.s32 $0x67452301;
	v42 =	vimm.s32 $0xFDEBC9A7;
	v63 =	vimm.s32 $0x85634120  }
0x4: {  	vm2 =	vcmask $0x300;
	v1 =	vor.u32 $0x10, v0;
	v2 =	vor.u32 $0x20, v0  }
0x5: {  	v3 =	vor.u32 $0x30, v0;
	v4 =	vor.u32 $0x40, v0;
	v5 =	vor.u32 $0x50, v0  }
0x6: {  	v6 =	vor.u32 $0x60, v0;
	v7 =	vor.u32 $0x70, v0;
	v8 =	vor.u32 $0x80, v0  }
0x7: {  	v9 =	vor.u32 $0x90, v0;
	v10 =	vor.u32 $0xA0, v0;
	v11 =	vor.u32 $0xB0, v0  }
0x8: {  	v12 =	vor.u32 $0xC0, v0;
	v13 =	vor.u32 $0xD0, v0;
	v14 =	vor.u32 $0xE0, v0  }
0x9: {  	v15 =	vor.u32 $0xF0, v0;
	v16 =	vor.u32 $0x100, v0;
	v17 =	vor.u32 $0x110, v0  }
0xa: {  	v18 =	vor.u32 $0x120, v0;
	v19 =	vor.u32 $0x130, v0;
	v20 =	vor.u32 $0x140, v0  }
0xb: {  	v21 =	vor.u32 $0x150, v0;
	v22 =	vor.u32 $0x160, v0;
	v23 =	vor.u32 $0x170, v0  }
0xc: {  	v24 =	vor.u32 $0x180, v0;
	v25 =	vor.u32 $0x190, v0;
	v26 =	vor.u32 $0x1A0, v0  }
0xd: {  	v27 =	vor.u32 $0x1B0, v0;
	v28 =	vor.u32 $0x1C0, v0;
	v29 =	vor.u32 $0x1D0, v0  }
0xe: {  	s0 =	rddreg [dreg:$0x0];
	v30 =	vor.u32 $0x1E0, v0;
	v31 =	vor.u32 $0x1F0, v0;
	v32 =	vor.u32 $0x200, v0  }
0xf: {  	s1 =	rddreg [dreg:$0x1];
	v33 =	vor.u32 $0x210, v0;
	v34 =	vor.u32 $0x220, v0;
	v35 =	vor.u32 $0x230, v0  }
0x10: {  	s2 =	simm.s32 $0x0;
	s3 =	srdreg.scid;
	s5 =	stileid.u32;
	v36 =	vor.u32 $0x240, v0;
	v37 =	vor.u32 $0x250, v0;
	v38 =	vor.u32 $0x260, v0  }
0x11: {  	s17 =	simm.s32 $0x1;
	s18 =	simm.s32 $0x2800;
	s19 =	simm.s32 $0x5000;
	v39 =	vor.u32 $0x270, v0;
	vm0 =	vmor vm1, vm0;
	vm1 =	vcmask $0x1714  }
0x12: {  	v40 =	vunpack.c.l.s4.s8 v40;
	[smem:$0x7FF] =	sst s2;
	s4 =	sand.u32 $0x1, s3;
	s21 =	sshll.u32 s5, $0x1;
	vm0 =	vmor vm0, vm1;
	vm1 =	vcmask $0x1F1C  }
0x13: {  	v41 =	vunpack.c.l.s4.s8 v41;
	s22 =	sadd.s32 $0x2400, s0;
	s25 =	sadd.s32 $0x2900, s0;
	_ =	strace $0x8000004A;
	vm0 =	vmor vm0, vm1;
	vm1 =	vcmask $0x2724  }
0x14: {  	s8 =	sor.u32 s4, s21;
	[dreg:$0x3] =	wrdreg s22;
	s6 =	ssub.s32 $0x2, s4;
	v40 =	vunpack.c.0.s8.s32 v40;
	vm0 =	vmor vm0, vm1;
	vm1 =	vcmask $0x2F2C  }
0x15: {  	s4 =	sadd.s32 $0x2FA00, s0;
	[dreg:$0x4] =	wrdreg s25;
	s25 =	simm.s32 $0xF7A0;
	v41 =	vunpack.c.0.s8.s32 v41;
	vm0 =	vmor vm0, vm1;
	vm1 =	vcmask $0x3734  }
0x16: {  	v62 =	vunpack.c.l.s4.s8 v42;
	s23 =	sshll.u32 s8, $0x3;
	s11 =	sshll.u32 s8, $0x7;
	s24 =	sshrl.u32 s6, $0x1;
	vm0 =	vmor vm0, vm1;
	vm1 =	vcmask $0x3F3C  }
0x17: {  	s8 =	sshll.u32 s8, $0x6;
	s10 =	sadd.s32 s23, s0;
	s15 =	sadd.s32 s11, s0;
	v43 =	vcombine.low v41, v40;
	vm0 =	vmor vm0, vm1;
	vm1 =	vcmask $0xB08  }
0x18: {  	s16 =	ssub.s32 s6, s24;
	s0 =	sadd.s32 $0x2E00, s0;
	s30 =	sadd.s32 s1, s11;
	v41 =	vunpack.c.l.s4.s8 v63;
	vm1 =	vmor vm2, vm1;
	vm2 =	vcmask $0x1310  }
0x19: {  	v42 =	vunpack.c.0.s8.s32 v62;
	s24 =	simm.s32 $0x7CF0;
	[dreg:$0x5] =	wrdreg s0;
	s26 =	sadd.s32 $0x3400, s10;
	vm1 =	vmor vm1, vm2;
	vm2 =	vcmask $0x1B18  }
.Ltmp0:
0x1a: {  	s28 =	sadd.s32 $0x3600, s10;
	[dreg:$0x9] =	wrdreg s30;
	v41 =	vunpack.c.0.s8.s32 v41;
	vm1 =	vmor vm1, vm2;
	vm2 =	vcmask $0x2320;
	(pc) =	sbr.rel .LBB2_1-.Ltmp0, $4  }
0x1b: {  	s29 =	sadd.s32 $0x3800, s10;
	s31 =	sadd.s32 $0x57A00, s15;
	v40 =	vmul.u32 $0x280, v0;
	[dreg:$0x6] =	wrdreg s26;
	vm1 =	vmor vm1, vm2;
	vm2 =	vcmask $0x2B28  }
0x1c: {  	s13 =	sadd.s32 $0x5AA00, s15;
	s14 =	sadd.s32 $0x59A00, s15;
	[dreg:$0x7] =	wrdreg s28;
	v44 =	vcombine.low v41, v42;
	vm1 =	vmor vm1, vm2;
	vm2 =	vcmask $0x3330  }
0x1d: {  	s15 =	sadd.s32 $0x58A00, s15;
	s16 =	smax.u32 s16, $0x1;
	[dreg:$0x8] =	wrdreg s29;
	v41 =	vimm.s32 $0x0;
	vm1 =	vmor vm1, vm2;
	vm2 =	vcmask $0x3B38  }
0x1e: {  	s0 =	simm.s32 $0x0;
	[dreg:$0xa] =	wrdreg s31;
	s26 =	simm.s32 $0xF7B0;
	v42 =	vand.u32 $0xF, v43;
	v43 =	vand.u32 $0xF, v44;
	vm1 =	vmor vm1, vm2  }
.LBB2_13:
0x1f: {  	s1 =	rddreg [dreg:$0xa];
	s3 =	simm.s32 $0xF7C0  }
0x20: {  	[hbm4b:s1+s2] =	stream.linear.scatter [tilespmem:s3], [sflag:$0x1], $0x400, $0x38;
	[tilespmem:$0x107C0] =	vst v63  }
0x21: {  	_ =	swait.ge [sflag:s17], $0x400  }
0x22: {  	[sflag:s17] =	ssyncset.done $0x0  }
0x23: {  	s29 =	simm.s32 $0xFBC0;
	[sflag:s17] =	ssyncadd.s32 $0xFFFFFC00  }
0x24: {  	[hbm4b:s13+s2] =	stream.linear.scatter [tilespmem:s29], [sflag:$0x1], $0x400, $0x38;
	[tilespmem:$0x107C0] =	vst v63  }
0x25: {  	_ =	swait.ge [sflag:s17], $0x400  }
0x26: {  	[sflag:s17] =	ssyncset.done $0x0  }
0x27: {  	s30 =	simm.s32 $0xFFC0;
	[sflag:s17] =	ssyncadd.s32 $0xFFFFFC00  }
0x28: {  	[hbm4b:s14+s2] =	stream.linear.scatter [tilespmem:s30], [sflag:$0x1], $0x400, $0x38;
	[tilespmem:$0x107C0] =	vst v63  }
0x29: {  	s0 =	sadd.s32 $0x1, s0;
	_ =	swait.ge [sflag:s17], $0x400  }
0x2a: {  	p0 =	sne.s32 s0, s16;
	[sflag:s17] =	ssyncset.done $0x0  }
.Ltmp1:
0x2b: {  	s31 =	simm.s32 $0x103C0;
	[sflag:s17] =	ssyncadd.s32 $0xFFFFFC00;
	(pc) =	sbr.rel @!p0 .LBB2_14-.Ltmp1, $4  }
0x2c: {  	[hbm4b:s15+s2] =	stream.linear.scatter [tilespmem:s31], [sflag:$0x1], $0x400, $0x38;
	[tilespmem:$0x107C0] =	vst v63  }
0x2d: {  	_ =	swait.ge [sflag:s17], $0x400  }
0x2e: {  	[sflag:s17] =	ssyncset.done $0x0  }
0x2f: {  	[sflag:s17] =	ssyncadd.s32 $0xFFFFFC00  }
.LBB2_1:
0x30: {  	s1 =	rddreg [dreg:$0x3]  }
0x31: {  	[tilespmem:s2], [sflag:$0x1] =	stream.linear.gather [hbm4b:s1+s2], $0x2800, $0x38;
	[tilespmem:$0x107C0] =	vst v63  }
0x32: {  	_ =	swait.ge [sflag:s17], $0x2800  }
0x33: {  	[sflag:s17] =	ssyncset.done $0x0  }
0x34: {  	s12 =	rddreg [dreg:$0x4];
	[sflag:s17] =	ssyncadd.s32 $0xFFFFD800  }
0x35: {  	[tilespmem:s18], [sflag:$0x1] =	stream.linear.gather [hbm4b:s12+s2], $0x2800, $0x38;
	[tilespmem:$0x107C0] =	vst v63  }
0x36: {  	_ =	swait.ge [sflag:s17], $0x2800  }
0x37: {  	[sflag:s17] =	ssyncset.done $0x0  }
0x38: {  	s20 =	rddreg [dreg:$0x5];
	[sflag:s17] =	ssyncadd.s32 $0xFFFFD800  }
0x39: {  	[tilespmem:s19], [sflag:$0x1] =	stream.linear.gather [hbm4b:s20+s2], $0x2800, $0x38;
	[tilespmem:$0x107C0] =	vst v63  }
0x3a: {  	_ =	swait.ge [sflag:s17], $0x2800  }
0x3b: {  	[sflag:s17] =	ssyncset.done $0x0  }
0x3c: {  	s3 =	simm.s32 $0x7800;
	s21 =	rddreg [dreg:$0x6];
	[sflag:s17] =	ssyncadd.s32 $0xFFFFD800  }
0x3d: {  	[tilespmem:s3], [sflag:$0x1] =	stream.linear.gather [hbm4b:s21+s2], $0x40, $0x38;
	[tilespmem:$0x107C0] =	vst v63  }
0x3e: {  	_ =	swait.ge [sflag:s17], $0x40  }
0x3f: {  	[sflag:s17] =	ssyncset.done $0x0  }
0x40: {  	s23 =	simm.s32 $0x7850;
	s22 =	rddreg [dreg:$0x7];
	[sflag:s17] =	ssyncadd.s32 $0xFFFFFFC0  }
0x41: {  	[tilespmem:s23], [sflag:$0x1] =	stream.linear.gather [hbm4b:s22+s2], $0x40, $0x38;
	[tilespmem:$0x107C0] =	vst v63  }
0x42: {  	_ =	swait.ge [sflag:s17], $0x40  }
0x43: {  	[sflag:s17] =	ssyncset.done $0x0  }
0x44: {  	s29 =	simm.s32 $0x78A0;
	s28 =	rddreg [dreg:$0x8];
	[sflag:s17] =	ssyncadd.s32 $0xFFFFFFC0  }
0x45: {  	[tilespmem:s29], [sflag:$0x1] =	stream.linear.gather [hbm4b:s28+s2], $0x40, $0x38;
	[tilespmem:$0x107C0] =	vst v63  }
0x46: {  	_ =	swait.ge [sflag:s17], $0x40  }
0x47: {  	s31 =	simm.s32 $0x78F0;
	[sflag:s17] =	ssyncset.done $0x0  }
.Ltmp2:
0x48: {  	s30 =	rddreg [dreg:$0x9];
	[sflag:s17] =	ssyncadd.s32 $0xFFFFFFC0;
	(pc) =	sbr.rel .LBB2_2-.Ltmp2, $4  }
0x49: {  	[tilespmem:s31], [sflag:$0x1] =	stream.linear.gather [hbm4b:s30+s2], $0x400, $0x38;
	[tilespmem:$0x107C0] =	vst v63  }
0x4a: {  	_ =	swait.ge [sflag:s17], $0x400  }
0x4b: {  	[sflag:s17] =	ssyncset.done $0x0  }
0x4c: {  	s1 =	simm.s32 $0x0;
	[sflag:s17] =	ssyncadd.s32 $0xFFFFFC00  }
.LBB2_12:
0x4d: {  	s1 =	sadd.s32 $0x1, s1  }
0x4e: {  	p0 =	sne.s32 s1, $0x4  }
.Ltmp3:
0x4f: {  	_ = 	snop;
	(pc) =	sbr.rel @!p0 .LBB2_13-.Ltmp3, $1  }
0x50: {  	_ =	sdelay $0x3  }
.LBB2_2:
0x51: {  	s20 =	sshll.u32 s1, $0x4  }
0x52: {  	s21 =	sadd.s32 s8, s20  }
0x53: {  	s21 =	smul.u32 $0x50, s21;
	_ =	sdelay $0x1  }
.Ltmp4:
0x54: {  	s22 =	sadd.s32 s4, s21;
	s21 =	simm.s32 $0x0;
	(pc) =	sbr.rel .LBB2_3-.Ltmp4, $4  }
0x55: {  	[tilespmem:s24], [sflag:$0x1] =	stream.linear.gather [hbm4b:s22+s21], $0x2800, $0x38;
	[tilespmem:$0x107C0] =	vst v63  }
0x56: {  	_ =	swait.ge [sflag:s17], $0x2800  }
0x57: {  	[sflag:s17] =	ssyncset.done $0x0  }
0x58: {  	[sflag:s17] =	ssyncadd.s32 $0xFFFFD800  }
.LBB2_8:
0x59: {  	v49 =	vimm.f32 $1.000000020e+30  }
.LBB2_11:
0x5a: {  	vm2 =	vle.f32 v49, v44;
	vm3 =	vmmov $0x3ff  }
0x5b: {  	vm2 =	vmand vm2, vm3  }
0x5c: {  	v60 =	vnsel vm2, $0x0, v46;
	_ =	sdelay $0x4  }
0x5d: {  	v45 =	vld.idx.msk [tilespmem:v60+s2+$0x0], $0xffff  }
0x5e: {  	v46 =	vld.idx.msk [tilespmem:v60+s18+$0x0], $0xffff  }
0x5f: {  	s21 =	sadd.s32 $0x1, s21;
	v47 =	vld.idx.msk [tilespmem:v60+s19+$0x0], $0xffff  }
0x60: {  	p0 =	sne.s32 s21, $0x10  }
.Ltmp5:
0x61: {  	_ = 	snop;
	(pc) =	sbr.rel @!p0 .LBB2_12-.Ltmp5, $4  }
0x62: {  	[tilespmem:s22+$0xF7C0] =	vst v60;
	v61 =	vnsel vm2, $0x0, v45  }
0x63: {  	v62 =	vnsel vm2, $0x0, v46;
	[tilespmem:s22+$0xFBC0] =	vst v61  }
0x64: {  	v63 =	vnsel vm2, $0x0, v47;
	[tilespmem:s22+$0xFFC0] =	vst v62  }
0x65: {  	[tilespmem:s22+$0x103C0] =	vst v63  }
.LBB2_3:
0x66: {  	s28 =	sor.u32 s20, s21;
	s23 =	smul.u32 $0xA00, s21  }
0x67: {  	s22 =	sshll.u32 s28, $0x4  }
0x68: {  	v44 =	vld [tilespmem:s22+$0x78F0];
	s23 =	sshra.s32 s23, $0x2  }
0x69: {  	v46 =	vld [tilespmem:s23+$0x7CF0]  }
0x6a: {  	v47 =	vld [tilespmem:s23+$0x7D00]  }
0x6b: {  	v48 =	vld [tilespmem:s23+$0x7D10]  }
0x6c: {  	v49 =	vld [tilespmem:s23+$0x7D20]  }
0x6d: {  	v50 =	vld [tilespmem:s23+$0x7D30]  }
0x6e: {  	v51 =	vld [tilespmem:s23+$0x7D40]  }
0x6f: {  	v52 =	vld [tilespmem:s23+$0x7D50]  }
0x70: {  	v53 =	vld [tilespmem:s23+$0x7D60];
	v45 =	vbroadcast v44, $0x0  }
0x71: {  	v59 =	vimm.s32 $0x0;
	v60 =	vimm.s32 $0x0;
	v54 =	vld [tilespmem:s23+$0x7D70]  }
0x72: {  	v61 =	vimm.s32 $0x0;
	v62 =	vimm.s32 $0x0;
	v55 =	vld [tilespmem:s23+$0x7D80];
	vm11 =	vle.f32 v46, v45  }
0x73: {  	v56 =	vld [tilespmem:s23+$0x7D90];
	vm14 =	vle.f32 v47, v45;
	vm13 =	vle.f32 v48, v45;
	v48 =	vimm.s32 $0x0  }
0x74: {  	v57 =	vld [tilespmem:s23+$0x7DA0];
	vm2 =	vle.f32 v49, v45;
	v49 =	vimm.s32 $0x0;
	vm15 =	vle.f32 v50, v45  }
0x75: {  	v58 =	vld [tilespmem:s23+$0x7DB0];
	vm3 =	vle.f32 v51, v45;
	v51 =	vimm.s32 $0x0;
	v46 =	vsel vm13, $0xFFFFFFFF, v48  }
0x76: {  	vm12 =	vle.f32 v52, v45;
	v52 =	vimm.s32 $0x0;
	v47 =	vsel vm2, $0xFFFFFFFF, v49;
	[tilespmem:$0x1FE80] =	vst v46  }
0x77: {  	vm10 =	vle.f32 v53, v45;
	vm8 =	vle.f32 v55, v45;
	v48 =	vsel vm12, $0xFFFFFFFF, v52;
	[tilespmem:$0x1FE90] =	vst v47  }
0x78: {  	v53 =	vimm.s32 $0x0;
	vm9 =	vle.f32 v54, v45;
	v49 =	vsel vm8, $0xFFFFFFFF, v59;
	[tilespmem:$0x1FEB0] =	vst v48  }
0x79: {  	v54 =	vimm.s32 $0x0;
	vm7 =	vle.f32 v56, v45;
	v47 =	vsel vm3, $0xFFFFFFFF, v51;
	[tilespmem:$0x1FEE0] =	vst v49  }
0x7a: {  	vm6 =	vle.f32 v57, v45;
	vm5 =	vle.f32 v58, v45;
	v48 =	vsel vm10, $0xFFFFFFFF, v53;
	[tilespmem:$0x1FEA0] =	vst v47  }
0x7b: {  	v56 =	vimm.s32 $0x0;
	v63 =	vmpcnt.ones.xlane vm14;
	v49 =	vsel vm7, $0xFFFFFFFF, v60;
	[tilespmem:$0x1FEC0] =	vst v48  }
0x7c: {  	v57 =	vmpcnt.ones.xlane vm13;
	v58 =	vmpcnt.ones.xlane vm2;
	v46 =	vld [tilespmem:s23+$0x7DC0];
	v48 =	vsel vm9, $0xFFFFFFFF, v54;
	[tilespmem:$0x1FEF0] =	vst v49  }
0x7d: {  	v52 =	vmpcnt.ones.xlane vm3;
	v50 =	vmpcnt.ones.xlane vm8;
	v47 =	vld [tilespmem:s23+$0x7DD0];
	v49 =	vsel vm6, $0xFFFFFFFF, v61;
	[tilespmem:$0x1FED0] =	vst v48  }
0x7e: {  	v55 =	vmpcnt.ones.xlane vm6;
	v60 =	vmpcnt.ones.xlane vm15;
	v48 =	vld [tilespmem:s23+$0x7DE0];
	[tilespmem:$0x1FF00] =	vst v49;
	v49 =	vsel vm5, $0xFFFFFFFF, v62  }
0x7f: {  	v59 =	vimm.s32 $0x0;
	v53 =	vmpcnt.ones.xlane vm10;
	[tilespmem:$0x1FF10] =	vst v49;
	v49 =	vmpcnt.ones.xlane vm11  }
0x80: {  	v61 =	vimm.s32 $0x0;
	v54 =	vmpcnt.ones.xlane vm9;
	v62 =	vmpcnt.ones.xlane vm12  }
0x81: {  	vm4 =	vle.f32 v46, v45;
	(v2sf) =	vpush v49, $0x0;
	v49 =	vadd.s32 v49, v63  }
0x82: {  	v46 =	vsel vm4, $0xFFFFFFFF, v56;
	vm2 =	vle.f32 v47, v45;
	(v2sf) =	vpush v49, $0x0  }
0x83: {  	v56 =	vmpcnt.ones.xlane vm5;
	v47 =	vsel vm2, $0xFFFFFFFF, v59;
	vm3 =	vle.f32 v48, v45  }
0x84: {  	v63 =	vld [tilespmem:s23+$0x7DF0];
	[tilespmem:$0x1FF20] =	vst v46;
	v46 =	vadd.s32 v57, v49;
	v49 =	vmpcnt.ones.xlane vm7;
	v57 =	vmpcnt.ones.xlane vm4  }
0x85: {  	v59 =	vimm.s32 $0x0;
	(v2sf) =	vpush v46, $0x0;
	v46 =	vadd.s32 v58, v46  }
0x86: {  	v48 =	vsel vm3, $0xFFFFFFFF, v61;
	(v2sf) =	vpush v46, $0x0;
	v46 =	vadd.s32 v60, v46  }
0x87: {  	v58 =	vmpcnt.ones.xlane vm3;
	v60 =	vld [tilespmem:s23+$0x7E00];
	(v2sf) =	vpush v46, $0x0;
	v46 =	vadd.s32 v52, v46  }
0x88: {  	[tilespmem:$0x1FF40] =	vst v48;
	v48 =	vmpcnt.ones.xlane vm2;
	(v2sf) =	vpush v46, $0x0;
	v46 =	vadd.s32 v62, v46  }
0x89: {  	vm2 =	vle.f32 v63, v45;
	(v2sf) =	vpush v46, $0x0;
	v46 =	vadd.s32 v53, v46  }
0x8a: {  	v61 =	vld [tilespmem:s23+$0x7E10];
	v63 =	vimm.s32 $0x0;
	(v2sf) =	vpush v46, $0x0;
	v46 =	vadd.s32 v54, v46  }
0x8b: {  	v51 =	vmpcnt.ones.xlane vm2;
	(v2sf) =	vpush v46, $0x0;
	v46 =	vadd.s32 v50, v46  }
0x8c: {  	v62 =	vld [tilespmem:s23+$0x7E20];
	v50 =	vsel vm2, $0xFFFFFFFF, v63;
	vm2 =	vle.f32 v60, v45;
	v60 =	vimm.s32 $0x0  }
0x8d: {  	[tilespmem:$0x1FF30] =	vst v47;
	v54 =	vld [tilespmem:s23+$0x7E30];
	v63 =	vimm.s32 $0x0;
	(v2sf) =	vpush v46, $0x0;
	v47 =	vsel vm2, $0xFFFFFFFF, v59  }
0x8e: {  	v46 =	vadd.s32 v49, v46;
	v59 =	vimm.s32 $0x0;
	[tilespmem:$0x1FF60] =	vst v47;
	v47 =	vmpcnt.ones.xlane vm2  }
0x8f: {  	vm2 =	vle.f32 v61, v45;
	(v2sf) =	vpush v46, $0x0;
	v46 =	vadd.s32 v55, v46  }
0x90: {  	[tilespmem:$0x1FF50] =	vst v50;
	v50 =	vld [tilespmem:s23+$0x7E40];
	v49 =	vsel vm2, $0xFFFFFFFF, v60;
	v52 =	vmpcnt.ones.xlane vm2;
	(v2sf) =	vpush v46, $0x0  }
0x91: {  	v61 =	vld [tilespmem:s23+$0x7E50];
	v46 =	vadd.s32 v56, v46;
	vm2 =	vle.f32 v62, v45;
	v62 =	vimm.s32 $0x0  }
0x92: {  	v53 =	vsel vm2, $0xFFFFFFFF, v62;
	v55 =	vmpcnt.ones.xlane vm2;
	vm2 =	vle.f32 v54, v45  }
0x93: {  	(v2sf) =	vpush v46, $0x0;
	v46 =	vadd.s32 v57, v46;
	v54 =	vsel vm2, $0xFFFFFFFF, v63  }
0x94: {  	v57 =	vld [tilespmem:s23+$0x7F00];
	(v2sf) =	vpush v46, $0x0;
	v46 =	vadd.s32 v48, v46;
	[tilespmem:$0x1FF90] =	vst v54;
	v54 =	vmpcnt.ones.xlane vm2  }
0x95: {  	[tilespmem:$0x1FF80] =	vst v53;
	v53 =	vld [tilespmem:s23+$0x7E60];
	vm2 =	vle.f32 v50, v45;
	(v2sf) =	vpush v46, $0x0;
	v46 =	vadd.s32 v58, v46  }
0x96: {  	v50 =	vsel vm2, $0xFFFFFFFF, v59;
	v48 =	vmpcnt.ones.xlane vm2;
	vm2 =	vle.f32 v61, v45  }
0x97: {  	v60 =	vld [tilespmem:s23+$0x7E70];
	v61 =	vimm.s32 $0x0;
	(v2sf) =	vpush v46, $0x0;
	v46 =	vadd.s32 v51, v46  }
0x98: {  	v59 =	vimm.s32 $0x0;
	(v2sf) =	vpush v46, $0x0;
	v46 =	vadd.s32 v47, v46  }
0x99: {  	[tilespmem:$0x1FF70] =	vst v49;
	v62 =	vld [tilespmem:s23+$0x7E80];
	v49 =	vsel vm2, $0xFFFFFFFF, v61;
	v56 =	vmpcnt.ones.xlane vm2;
	(v2sf) =	vpush v46, $0x0  }
0x9a: {  	v63 =	vld [tilespmem:s23+$0x7E90];
	v46 =	vadd.s32 v52, v46;
	vm8 =	vle.f32 v57, v45;
	vm2 =	vle.f32 v53, v45  }
0x9b: {  	v52 =	vld [tilespmem:s23+$0x7EB0];
	(v2sf) =	vpush v46, $0x0;
	v46 =	vadd.s32 v55, v46;
	v47 =	vsel vm2, $0xFFFFFFFF, v59  }
0x9c: {  	v55 =	vld [tilespmem:s23+$0x7F10];
	v53 =	vmpcnt.ones.xlane vm2;
	vm2 =	vle.f32 v60, v45;
	v60 =	vimm.s32 $0x0  }
0x9d: {  	[tilespmem:$0x1FFA0] =	vst v50;
	(v2sf) =	vpush v46, $0x0;
	v46 =	vadd.s32 v54, v46;
	v54 =	vld [tilespmem:s23+$0x7ED0];
	v50 =	vsel vm2, $0xFFFFFFFF, v60  }
0x9e: {  	[tilespmem:$0x1FFC0] =	vst v47;
	v47 =	vld [tilespmem:s23+$0x7EA0];
	v61 =	vmpcnt.ones.xlane vm2;
	vm2 =	vle.f32 v62, v45;
	v62 =	vimm.s32 $0x0  }
0x9f: {  	s29 =	spop (v2sf);
	(v2sf) =	vpush v46, $0x0;
	v46 =	vadd.s32 v48, v46;
	[tilespmem:$0x1FFD0] =	vst v50;
	v50 =	vld [tilespmem:s23+$0x7EC0];
	v48 =	vsel vm2, $0xFFFFFFFF, v62  }
0xa0: {  	s30 =	spop (v2sf);
	[tilespmem:$0x1FFB0] =	vst v49;
	v49 =	vmpcnt.ones.xlane vm2;
	(v2sf) =	vpush v46, $0x0;
	v46 =	vadd.s32 v56, v46;
	v56 =	vld [tilespmem:s23+$0x7EF0]  }
0xa1: {  	s31 =	spop (v2sf);
	vm2 =	vle.f32 v63, v45;
	v63 =	vimm.s32 $0x0;
	[tilespmem:$0x1FFE0] =	vst v48;
	v48 =	vld [tilespmem:s23+$0x7EE0];
	(v2sf) =	vpush v46, $0x0  }
0xa2: {  	s3 =	spop (v2sf);
	v46 =	vadd.s32 v53, v46;
	v51 =	vsel vm2, $0xFFFFFFFF, v63;
	vm12 =	vle.f32 v52, v45;
	v52 =	vld [tilespmem:s23+$0x7F30]  }
0xa3: {  	s5 =	spop (v2sf);
	v58 =	vmpcnt.ones.xlane vm2;
	v53 =	vld [tilespmem:s23+$0x7F50];
	(v2sf) =	vpush v46, $0x0;
	v46 =	vadd.s32 v61, v46  }
0xa4: {  	s6 =	spop (v2sf);
	v63 =	vld [tilespmem:$0x1FE80];
	v60 =	vmpcnt.ones.xlane vm12;
	vm7 =	vle.f32 v55, v45;
	(v2sf) =	vpush v46, $0x0  }
0xa5: {  	v46 =	vadd.s32 v49, v46;
	vm9 =	vle.f32 v54, v45;
	v54 =	vld [tilespmem:s23+$0x7F60];
	vm13 =	vle.f32 v47, v45  }
0xa6: {  	v47 =	vld [tilespmem:s23+$0x7F20];
	(v2sf) =	vpush v46, $0x0;
	v46 =	vadd.s32 v58, v46;
	v62 =	vmpcnt.ones.xlane vm9  }
0xa7: {  	s7 =	spop (v2sf);
	v58 =	vmpcnt.ones.xlane vm8;
	v59 =	vmpcnt.ones.xlane vm13;
	vm10 =	vle.f32 v50, v45;
	v50 =	vld [tilespmem:s23+$0x7F40];
	s23 =	simm.s32 $0xA4F0  }
0xa8: {  	s9 =	spop (v2sf);
	(v2sf) =	vpush v46, $0x0;
	v61 =	vmpcnt.ones.xlane vm10;
	[tilespmem:s23+$0x0] =	vst.msk vm11, v0;
	vm11 =	vle.f32 v48, v45  }
0xa9: {  	v57 =	vld [tilespmem:$0x1FE90];
	vm2 =	vnez.u8 v63;
	vm5 =	vle.f32 v52, v45;
	vm3 =	vle.f32 v53, v45  }
0xaa: {  	s10 =	spop (v2sf);
	v46 =	vadd.s32 v59, v46;
	[tilespmem:s29+$0xA4F0] =	vst.msk vm14, v1;
	v48 =	vmpcnt.ones.xlane vm11;
	vm14 =	vle.f32 v56, v45  }
0xab: {  	s11 =	spop (v2sf);
	v59 =	vmpcnt.ones.xlane vm7;
	(v2sf) =	vpush v46, $0x0;
	v46 =	vadd.s32 v60, v46;
	v60 =	vld [tilespmem:$0x1FEA0]  }
0xac: {  	s12 =	spop (v2sf);
	v55 =	vmpcnt.ones.xlane vm5;
	(v2sf) =	vpush v46, $0x0;
	v46 =	vadd.s32 v61, v46;
	v61 =	vld [tilespmem:$0x1FEB0]  }
0xad: {  	[tilespmem:$0x1FFF0] =	vst v51;
	v63 =	vld [tilespmem:$0x1FEC0];
	s29 =	spop (v2sf);
	v56 =	vmpcnt.ones.xlane vm14;
	(v2sf) =	vpush v46, $0x0;
	v46 =	vadd.s32 v62, v46  }
0xae: {  	v52 =	vld [tilespmem:$0x1FED0];
	[tilespmem:s30+$0xA4F0] =	vst.msk vm2, v2;
	s30 =	spop (v2sf);
	vm2 =	vnez.u8 v57;
	(v2sf) =	vpush v46, $0x0;
	v46 =	vadd.s32 v48, v46  }
0xaf: {  	[tilespmem:s31+$0xA4F0] =	vst.msk vm2, v3;
	s31 =	spop (v2sf);
	vm6 =	vle.f32 v47, v45;
	(v2sf) =	vpush v46, $0x0;
	v46 =	vadd.s32 v56, v46;
	v56 =	vld [tilespmem:$0x1FEE0]  }
0xb0: {  	[tilespmem:s3+$0xA4F0] =	vst.msk vm15, v4;
	s3 =	spop (v2sf);
	vm2 =	vnez.u8 v60;
	(v2sf) =	vpush v46, $0x0;
	v46 =	vadd.s32 v58, v46;
	v58 =	vld [tilespmem:$0x1FEF0]  }
0xb1: {  	v62 =	vmpcnt.ones.xlane vm6;
	vm4 =	vle.f32 v50, v45;
	v60 =	vld [tilespmem:$0x1FF00];
	[tilespmem:s5+$0xA4F0] =	vst.msk vm2, v5;
	s5 =	spop (v2sf);
	vm2 =	vnez.u8 v61  }
0xb2: {  	v57 =	vmpcnt.ones.xlane vm4;
	(v2sf) =	vpush v46, $0x0;
	[tilespmem:s6+$0xA4F0] =	vst.msk vm2, v6;
	s6 =	spop (v2sf);
	vm2 =	vnez.u8 v63;
	v63 =	vld [tilespmem:$0x1FF10]  }
0xb3: {  	v50 =	vld [tilespmem:$0x1FF20];
	v46 =	vadd.s32 v59, v46;
	v59 =	vmpcnt.ones.xlane vm3;
	[tilespmem:s7+$0xA4F0] =	vst.msk vm2, v7;
	s7 =	spop (v2sf);
	vm2 =	vnez.u8 v52  }
0xb4: {  	v51 =	vld [tilespmem:$0x1FF30];
	(v2sf) =	vpush v46, $0x0;
	v46 =	vadd.s32 v62, v46;
	[tilespmem:s9+$0xA4F0] =	vst.msk vm2, v8;
	s9 =	spop (v2sf);
	vm2 =	vnez.u8 v56  }
0xb5: {  	v52 =	vld [tilespmem:$0x1FF40];
	(v2sf) =	vpush v46, $0x0;
	v46 =	vadd.s32 v55, v46;
	[tilespmem:s10+$0xA4F0] =	vst.msk vm2, v9;
	s10 =	spop (v2sf);
	vm2 =	vnez.u8 v58  }
0xb6: {  	v53 =	vld [tilespmem:$0x1FF50];
	vm15 =	vnez.u8 v60;
	v61 =	vadd.s32 v57, v46;
	[tilespmem:s11+$0xA4F0] =	vst.msk vm2, v10;
	s11 =	spop (v2sf);
	vm2 =	vle.f32 v54, v45  }
0xb7: {  	(v2sf) =	vpush v46, $0x0;
	v54 =	vld [tilespmem:$0x1FF60];
	[tilespmem:s12+$0xA4F0] =	vst.msk vm15, v11;
	v62 =	vmpcnt.ones.xlane vm2;
	s12 =	spop (v2sf);
	vm15 =	vnez.u8 v63  }
0xb8: {  	v55 =	vld [tilespmem:$0x1FF70];
	v45 =	vadd.s32 v59, v61;
	(v2sf) =	vpush v61, $0x0;
	[tilespmem:s29+$0xA4F0] =	vst.msk vm15, v12;
	s29 =	spop (v2sf);
	vm15 =	vnez.u8 v50  }
0xb9: {  	v56 =	vld [tilespmem:$0x1FF80];
	(v2sf) =	vpush v45, $0x0;
	[tilespmem:s30+$0xA4F0] =	vst.msk vm15, v13;
	v45 =	vadd.s32 v62, v45;
	s30 =	spop (v2sf);
	vm15 =	vnez.u8 v51  }
0xba: {  	v57 =	vld [tilespmem:$0x1FF90];
	[tilespmem:s31+$0xA4F0] =	vst.msk vm15, v14;
	s31 =	spop (v2sf);
	(v2sf) =	vpush v45, $0x0;
	vm15 =	vnez.u8 v52  }
0xbb: {  	v58 =	vld [tilespmem:$0x1FFA0];
	[tilespmem:s3+$0xA4F0] =	vst.msk vm15, v15;
	s3 =	spop (v2sf);
	vm15 =	vnez.u8 v53  }
0xbc: {  	v59 =	vld [tilespmem:$0x1FFB0];
	[tilespmem:s5+$0xA4F0] =	vst.msk vm15, v16;
	s5 =	spop (v2sf);
	vm15 =	vnez.u8 v54  }
0xbd: {  	v60 =	vld [tilespmem:$0x1FFC0];
	[tilespmem:s6+$0xA4F0] =	vst.msk vm15, v17;
	s6 =	spop (v2sf);
	vm15 =	vnez.u8 v55  }
0xbe: {  	v61 =	vld [tilespmem:$0x1FFD0];
	[tilespmem:s7+$0xA4F0] =	vst.msk vm15, v18;
	s7 =	spop (v2sf);
	vm15 =	vnez.u8 v56  }
0xbf: {  	v62 =	vld [tilespmem:$0x1FFE0];
	[tilespmem:s9+$0xA4F0] =	vst.msk vm15, v19;
	s9 =	spop (v2sf);
	vm15 =	vnez.u8 v57  }
0xc0: {  	v63 =	vld [tilespmem:$0x1FFF0];
	[tilespmem:s10+$0xA4F0] =	vst.msk vm15, v20;
	s10 =	spop (v2sf);
	vm15 =	vnez.u8 v58  }
0xc1: {  	[tilespmem:s11+$0xA4F0] =	vst.msk vm15, v21;
	s11 =	spop (v2sf);
	vm15 =	vnez.u8 v59  }
0xc2: {  	[tilespmem:s12+$0xA4F0] =	vst.msk vm15, v22;
	s12 =	spop (v2sf);
	vm15 =	vnez.u8 v60  }
0xc3: {  	[tilespmem:s29+$0xA4F0] =	vst.msk vm15, v23;
	s29 =	spop (v2sf);
	vm15 =	vnez.u8 v61  }
0xc4: {  	[tilespmem:s30+$0xA4F0] =	vst.msk vm15, v24;
	s30 =	spop (v2sf);
	vm15 =	vnez.u8 v62  }
0xc5: {  	[tilespmem:s31+$0xA4F0] =	vst.msk vm15, v25;
	s31 =	spop (v2sf);
	vm15 =	vnez.u8 v63  }
0xc6: {  	[tilespmem:s3+$0xA4F0] =	vst.msk vm15, v26;
	s3 =	spop (v2sf)  }
0xc7: {  	[tilespmem:s5+$0xA4F0] =	vst.msk vm13, v27;
	s5 =	spop (v2sf)  }
0xc8: {  	[tilespmem:s6+$0xA4F0] =	vst.msk vm12, v28;
	s6 =	spop (v2sf)  }
0xc9: {  	[tilespmem:s7+$0xA4F0] =	vst.msk vm10, v29;
	s7 =	spop (v2sf)  }
0xca: {  	[tilespmem:s9+$0xA4F0] =	vst.msk vm9, v30;
	s9 =	sadd.s32 $0x1, s7;
	p0 =	slt.u32 s7, $0x7FFFFFFF;
	s7 =	simm.s32 $0x1  }
0xcb: {  	[tilespmem:s10+$0xA4F0] =	vst.msk vm11, v31;
	s7 =	simm.s32 @!p0 $0x0;
	s10 =	sshra.s32 s9, $0x1F  }
0xcc: {  	[tilespmem:s11+$0xA4F0] =	vst.msk vm14, v32;
	s7 =	sadd.s32 s7, s10;
	s11 =	sand.u32 $0x1, s9  }
0xcd: {  	p6 =	sne.s32 s7, $0x1;
	p1 =	seq.s32 s11, $0x1  }
0xce: {  	[tilespmem:s12+$0xA4F0] =	vst.msk vm8, v33;
	s12 =	sshrl.u32 s9, $0x1F;
	p0 =	por !p6, !p1  }
0xcf: {  	s7 =	sadd.s32 s12, s9;
	s9 =	simm.s32 $0x1;
	p0 =	por !p0, !p0  }
0xd0: {  	s7 =	sshra.s32 s7, $0x1;
	s9 =	simm.s32 @!p0 $0x0  }
0xd1: {  	[tilespmem:s29+$0xA4F0] =	vst.msk vm7, v34;
	s29 =	ssub.s32 s7, s9  }
0xd2: {  	p0 =	slt.s32 s29, $0x1  }
.Ltmp6:
0xd3: {  	[tilespmem:s30+$0xA4F0] =	vst.msk vm6, v35;
	(pc) =	sbr.rel @p0 .LBB2_7-.Ltmp6, $4  }
0xd4: {  	[tilespmem:s31+$0xA4F0] =	vst.msk vm5, v36  }
0xd5: {  	[tilespmem:s3+$0xA4F0] =	vst.msk vm4, v37  }
0xd6: {  	v44 =	vbroadcast v44, $0x1;
	[tilespmem:s5+$0xA4F0] =	vst.msk vm3, v38  }
0xd7: {  	v47 =	vimm.s32 $0x0;
	v46 =	vimm.s32 $0x0;
	[tilespmem:s6+$0xA4F0] =	vst.msk vm2, v39  }
0xd8: {  	v47 =	vld [tilespmem:s23+$0x0];
	_ =	sdelay $0x4  }
0xd9: {  	(v2sf) =	vpush v47, $0x0;
	_ =	sdelay $0xe  }
0xda: {  	s3 =	spop (v2sf)  }
0xdb: {  	p0 =	sgt.s32 s3, $0x0  }
0xdc: {  	s3 =	simm.s32 @!p0 $0x0  }
0xdd: {  	(v2sf) =	vpush v47, $0x1;
	s3 =	smin.u32 s3, $0x27F  }
0xde: {  	v58 =	vmov s3;
	v53 =	vadd.s32 s3, v40  }
0xdf: {  	v48 =	vand.u32 $0x7FF8, v53;
	v47 =	vand.u32 $0x7, v58  }
0xe0: {  	v50 =	vor.u32 v47, v48;
	_ =	sdelay $0x2  }
0xe1: {  	v47 =	vld.msk [tilespmem:s28+$0x7800 ss:$0x0], $0xffff  }
0xe2: {  	v48 =	vld.msk [tilespmem:s28+$0x7850 ss:$0x0], $0xffff  }
0xe3: {  	v51 =	vld.idx.msk [tilespmem:v50+s2+$0x0], $0xffff  }
0xe4: {  	v52 =	vld.idx.msk [tilespmem:v50+s18+$0x0], $0xffff  }
0xe5: {  	v49 =	vld.msk [tilespmem:s28+$0x78A0 ss:$0x0], $0xffff  }
0xe6: {  	v50 =	vld.idx.msk [tilespmem:v50+s19+$0x0], $0xffff;
	_ =	sdelay $0x2  }
0xe7: {  	v51 =	vsub.f32 v47, v51;
	v52 =	vsub.f32 v48, v52  }
0xe8: {  	s3 =	spop (v2sf)  }
0xe9: {  	p0 =	sgt.s32 s3, $0x0;
	v50 =	vsub.f32 v49, v50;
	v51 =	vmul.f32 v51, v51;
	v52 =	vmul.f32 v52, v52  }
0xea: {  	s3 =	simm.s32 @!p0 $0x0  }
0xeb: {  	s3 =	smin.u32 s3, $0x27F;
	v59 =	vmul.f32 v50, v50;
	v51 =	vadd.f32 v52, v51  }
0xec: {  	v54 =	vmov s3;
	v50 =	vadd.s32 s3, v40  }
0xed: {  	v54 =	vand.u32 $0x7, v54;
	v55 =	vand.u32 $0x7FF8, v50;
	v56 =	vadd.f32 v59, v51  }
0xee: {  	v60 =	vor.u32 v54, v55  }
0xef: {  	vm2 =	vle.f32 v56, v44  }
0xf0: {  	v61 =	vmpcnt.ones.xlane vm2  }
0xf1: {  	(v2sf) =	vpush v46, $0x0  }
0xf2: {  	v51 =	vadd.s32 v46, v61  }
0xf3: {  	v54 =	vld.idx.msk [tilespmem:v60+s2+$0x0], $0xffff;
	(v2sf) =	vpush v51, $0x0  }
0xf4: {  	v55 =	vld.idx.msk [tilespmem:v60+s18+$0x0], $0xffff;
	_ =	sdelay $0x1  }
0xf5: {  	v52 =	vld.idx.msk [tilespmem:v60+s19+$0x0], $0xffff;
	_ =	sdelay $0x2  }
0xf6: {  	s28 =	simm.s32 $0x1;
	v54 =	vsub.f32 v47, v54;
	v55 =	vsub.f32 v48, v55  }
0xf7: {  	v57 =	vmov s28  }
0xf8: {  	v52 =	vsub.f32 v49, v52;
	v54 =	vmul.f32 v54, v54;
	v55 =	vmul.f32 v55, v55  }
0xf9: {  	vm3 =	vlt.s32 v57, v45  }
0xfa: {  	p0 =	sne.s32 s29, $0x1;
	v62 =	vsel vm3, $0x1, v41;
	v52 =	vmul.f32 v52, v52;
	v54 =	vadd.f32 v55, v54  }
.Ltmp7:
0xfb: {  	v55 =	vbroadcast v62, $0x0;
	(pc) =	sbr.rel @!p0 .LBB2_6-.Ltmp7, $4  }
0xfc: {  	v52 =	vadd.f32 v52, v54  }
0xfd: {  	s31 =	spop (v2sf);
	v63 =	vand.u32 $0x1, v55  }
0xfe: {  	[tilespmem:s31+$0xA780] =	vst.msk vm2, v56;
	vm3 =	veq.s32 v63, $0x1;
	vm4 =	vle.f32 v52, v44  }
0xff: {  	s29 =	sadd.s32 $0xFFFFFFFF, s29;
	[tilespmem:s31+$0xCF90] =	vst.msk vm2, v53;
	vm2 =	vmand vm3, vm4;
	s30 =	spop (v2sf)  }
.LBB2_5:
0x100: {  	p0 =	sne.s32 s29, $0x1;
	v53 =	vmpcnt.ones.xlane vm2;
	[tilespmem:s30+$0xA780] =	vst.msk vm2, v52;
	s28 =	sadd.s32 $0x2, s28;
	s23 =	sadd.s32 $0x2, s23  }
0x101: {  	s29 =	sadd.s32 $0xFFFFFFFF, s29;
	[tilespmem:s30+$0xCF90] =	vst.msk vm2, v50  }
0x102: {  	v50 =	vld [tilespmem:s23+$0x0];
	v51 =	vadd.s32 v53, v51;
	_ =	sdelay $0x4  }
0x103: {  	(v2sf) =	vpush v50, $0x0  }
0x104: {  	(v2sf) =	vpush v50, $0x1;
	_ =	sdelay $0xd  }
0x105: {  	s3 =	spop (v2sf)  }
0x106: {  	p1 =	sgt.s32 s3, $0x0;
	s5 =	spop (v2sf)  }
0x107: {  	s3 =	simm.s32 @!p1 $0x0;
	p1 =	sgt.s32 s5, $0x0  }
0x108: {  	s3 =	smin.u32 s3, $0x27F;
	s5 =	simm.s32 @!p1 $0x0  }
0x109: {  	s5 =	smin.u32 s5, $0x27F;
	v50 =	vmov s3;
	v52 =	vadd.s32 s3, v40  }
0x10a: {  	v53 =	vmov s5;
	v54 =	vand.u32 $0x7FF8, v52;
	v50 =	vand.u32 $0x7, v50  }
0x10b: {  	v50 =	vor.u32 v50, v54;
	_ =	sdelay $0x4  }
0x10c: {  	v54 =	vld.idx.msk [tilespmem:v50+s2+$0x0], $0xffff  }
0x10d: {  	v55 =	vld.idx.msk [tilespmem:v50+s18+$0x0], $0xffff;
	_ =	sdelay $0x1  }
0x10e: {  	v50 =	vld.idx.msk [tilespmem:v50+s19+$0x0], $0xffff;
	_ =	sdelay $0x1  }
0x10f: {  	(v2sf) =	vpush v51, $0x0  }
0x110: {  	v54 =	vsub.f32 v47, v54  }
0x111: {  	v55 =	vsub.f32 v48, v55  }
0x112: {  	v54 =	vmul.f32 v54, v54  }
0x113: {  	v56 =	vsub.f32 v49, v50;
	v55 =	vmul.f32 v55, v55;
	_ =	sdelay $0x1  }
0x114: {  	v50 =	vadd.s32 s5, v40;
	v54 =	vadd.f32 v55, v54;
	v55 =	vmul.f32 v56, v56  }
0x115: {  	v53 =	vand.u32 $0x7, v53;
	v56 =	vand.u32 $0x7FF8, v50  }
0x116: {  	v53 =	vor.u32 v53, v56;
	v54 =	vadd.f32 v55, v54;
	_ =	sdelay $0x1  }
0x117: {  	vm2 =	vle.f32 v54, v44  }
0x118: {  	v55 =	vmpcnt.ones.xlane vm2;
	_ =	sdelay $0x1  }
0x119: {  	v51 =	vadd.s32 v51, v55;
	v56 =	vld.idx.msk [tilespmem:v53+s2+$0x0], $0xffff  }
0x11a: {  	v55 =	vld.idx.msk [tilespmem:v53+s18+$0x0], $0xffff;
	(v2sf) =	vpush v51, $0x0  }
0x11b: {  	v53 =	vld.idx.msk [tilespmem:v53+s19+$0x0], $0xffff;
	s3 =	spop (v2sf)  }
0x11c: {  	[tilespmem:s3+$0xA780] =	vst.msk vm2, v54  }
0x11d: {  	[tilespmem:s3+$0xCF90] =	vst.msk vm2, v52;
	_ =	sdelay $0x1  }
0x11e: {  	v52 =	vsub.f32 v47, v56  }
0x11f: {  	v54 =	vsub.f32 v48, v55  }
0x120: {  	v55 =	vmov s28;
	v53 =	vsub.f32 v49, v53;
	v52 =	vmul.f32 v52, v52  }
0x121: {  	vm2 =	vlt.s32 v55, v45;
	v54 =	vmul.f32 v54, v54  }
0x122: {  	v55 =	vsel vm2, $0x1, v41;
	v53 =	vmul.f32 v53, v53  }
0x123: {  	v52 =	vadd.f32 v54, v52;
	v54 =	vbroadcast v55, $0x0  }
.Ltmp8:
0x124: {  	(pc) =	sbr.rel @p0 .LBB2_5-.Ltmp8, $4  }
0x125: {  	v52 =	vadd.f32 v53, v52;
	v53 =	vand.u32 $0x1, v54  }
0x126: {  	vm2 =	veq.s32 v53, $0x1  }
0x127: {  	vm3 =	vle.f32 v52, v44  }
0x128: {  	vm2 =	vmand vm2, vm3;
	s30 =	spop (v2sf)  }
.LBB2_6:
0x129: {  	v45 =	vmpcnt.ones.xlane vm2  }
0x12a: {  	[tilespmem:s30+$0xA780] =	vst.msk vm2, v52  }
0x12b: {  	[tilespmem:s30+$0xCF90] =	vst.msk vm2, v50;
	v47 =	vadd.s32 v45, v51  }
.LBB2_7:
0x12c: {  	(v2sf) =	vpush v47, $0x0;
	_ =	sdelay $0xe  }
0x12d: {  	s3 =	spop (v2sf)  }
0x12e: {  	s3 =	sadd.s32 $0xF, s3  }
0x12f: {  	s5 =	sand.u32 $0xF, s3  }
0x130: {  	s31 =	sshra.s32 s3, $0x1F;
	p1 =	slt.s32 s3, $0x1;
	p0 =	sne.s32 s5, $0x0  }
0x131: {  	s5 =	sshrl.u32 s31, $0x1C;
	p0 =	por !p1, !p0  }
0x132: {  	s3 =	sadd.s32 s5, s3;
	s5 =	simm.s32 $0x1;
	p0 =	por !p0, !p0  }
0x133: {  	s3 =	sshra.s32 s3, $0x4;
	s5 =	simm.s32 @!p0 $0x0  }
0x134: {  	s23 =	ssub.s32 s3, s5  }
0x135: {  	p0 =	slt.s32 s23, $0x1  }
.Ltmp9:
0x136: {  	_ = 	snop;
	(pc) =	sbr.rel @p0 .LBB2_8-.Ltmp9, $1  }
0x137: {  	_ =	sdelay $0x3  }
0x138: {  	v45 =	vbroadcast v47, $0x0;
	v48 =	vimm.f32 $1.000000020e+30;
	v47 =	vimm.s32 $0x0;
	s28 =	simm.s32 $0x0;
	s29 =	simm.s32 $0xA780;
	s30 =	simm.s32 $0xCF90  }
.LBB2_10:
0x139: {  	v46 =	vld [tilespmem:s29+$0x0]  }
0x13a: {  	v49 =	vld [tilespmem:s30+$0x0];
	_ =	sdelay $0x1  }
0x13b: {  	v50 =	vor.u32 s28, v0  }
0x13c: {  	vm2 =	vlt.s32 v50, v45  }
0x13d: {  	v46 =	vnsel vm2, $0x7149F2CA, v46  }
0x13e: {  	(xrf1) =	vsort.ascd.msk.f32 $0xffff, v46, v49;
	_ =	sdelay $0xd  }
0x13f: {  	v46, v49, _ =	vpop (xrf1)  }
0x140: {  	[tilespmem:$0xF7A0] =	vst v46  }
0x141: {  	[tilespmem:$0xF7B0] =	vst v49  }
0x142: {  	v60 =	vld.idx.msk [tilespmem:v42+s25+$0x0], $0xffff  }
0x143: {  	v51 =	vld.idx.msk [tilespmem:v42+s26+$0x0], $0xffff;
	_ =	sdelay $0x4  }
0x144: {  	vm2 =	veq.f32 v46, v60;
	vm3 =	vlt.s32 v49, v51  }
0x145: {  	vm4 =	vlt.f32 v46, v60;
	vm2 =	vmand vm2, vm3  }
0x146: {  	vm2 =	vmor vm4, vm2  }
0x147: {  	vm2 =	vmxor vm2, vm0  }
0x148: {  	v46 =	vsel vm2, v46, v60  }
0x149: {  	v61 =	vsel vm2, v49, v51;
	[tilespmem:$0xF7A0] =	vst v46  }
0x14a: {  	[tilespmem:$0xF7B0] =	vst v61  }
0x14b: {  	v62 =	vld.idx.msk [tilespmem:v43+s25+$0x0], $0xffff  }
0x14c: {  	v63 =	vld.idx.msk [tilespmem:v43+s26+$0x0], $0xffff;
	_ =	sdelay $0x4  }
0x14d: {  	vm2 =	veq.f32 v46, v62;
	vm3 =	vlt.s32 v61, v63  }
0x14e: {  	p0 =	seq.s32 s28, $0x0;
	vm15 =	vlt.f32 v46, v62;
	vm2 =	vmand vm2, vm3  }
0x14f: {  	v50 =	vmul.u32 @!p0 $0xFFFFFFFF, v0;
	vm2 =	vmor vm15, vm2  }
0x150: {  	vm2 =	vmxor vm2, vm1  }
0x151: {  	v50 =	vadd.s32 @!p0 $0xF, v50;
	v49 =	vsel vm2, v46, v62;
	v46 =	vsel vm2, v61, v63  }
0x152: {  	v49 =	vperm.xlane @!p0 v49, v50;
	v46 =	vperm.xlane @!p0 v46, v50;
	_ =	sdelay $0x1  }
0x153: {  	vm2 =	veq.f32 @!p0 v49, v48;
	vm3 =	vlt.s32 @!p0 v46, v47  }
0x154: {  	vm4 =	vlt.f32 @!p0 v49, v48;
	vm2 =	vmand @!p0 vm2, vm3  }
0x155: {  	vm2 =	vmor @!p0 vm4, vm2  }
0x156: {  	v48 =	vsel @!p0 vm2, v49, v48;
	v46 =	vsel @!p0 vm2, v46, v47  }
0x157: {  	(xrf1) =	vsort.ascd.msk.f32 @!p0 $0xffff, v48, v46;
	_ =	sdelay $0xd  }
0x158: {  	v46, v47, _ =	vpop @!p0 (xrf1)  }
0x159: {  	[tilespmem:$0xF7A0] =	vst @!p0 v46  }
0x15a: {  	[tilespmem:$0xF7B0] =	vst @!p0 v47  }
0x15b: {  	v48 =	vld.idx.msk @!p0 [tilespmem:v42+s25+$0x0], $0xffff  }
0x15c: {  	v49 =	vld.idx.msk @!p0 [tilespmem:v42+s26+$0x0], $0xffff;
	_ =	sdelay $0x4  }
0x15d: {  	vm2 =	veq.f32 @!p0 v46, v48;
	vm3 =	vlt.s32 @!p0 v47, v49  }
0x15e: {  	vm4 =	vlt.f32 @!p0 v46, v48;
	vm2 =	vmand @!p0 vm2, vm3  }
0x15f: {  	vm2 =	vmor @!p0 vm4, vm2  }
0x160: {  	vm2 =	vmxor @!p0 vm2, vm0  }
0x161: {  	v46 =	vsel @!p0 vm2, v46, v48  }
0x162: {  	v47 =	vsel @!p0 vm2, v47, v49;
	[tilespmem:$0xF7A0] =	vst @!p0 v46  }
0x163: {  	[tilespmem:$0xF7B0] =	vst @!p0 v47  }
0x164: {  	v48 =	vld.idx.msk @!p0 [tilespmem:v43+s25+$0x0], $0xffff  }
0x165: {  	v50 =	vld.idx.msk @!p0 [tilespmem:v43+s26+$0x0], $0xffff;
	_ =	sdelay $0x4  }
0x166: {  	vm2 =	veq.f32 @!p0 v46, v48;
	vm3 =	vlt.s32 @!p0 v47, v50  }
0x167: {  	vm4 =	vlt.f32 @!p0 v46, v48;
	vm2 =	vmand @!p0 vm2, vm3  }
0x168: {  	vm2 =	vmor @!p0 vm4, vm2  }
0x169: {  	s23 =	sadd.s32 $0xFFFFFFFF, s23;
	vm2 =	vmxor @!p0 vm2, vm1  }
0x16a: {  	v49 =	vsel @!p0 vm2, v46, v48;
	v46 =	vsel @!p0 vm2, v47, v50;
	p0 =	sne.s32 s23, $0x0  }
.Ltmp10:
0x16b: {  	_ = 	snop;
	(pc) =	sbr.rel @p0 .LBB2_10-.Ltmp10, $2  }
0x16c: {  	_ =	sdelay $0x2  }
0x16d: {  	s28 =	sadd.s32 $0x10, s28;
	s29 =	sadd.s32 $0x10, s29;
	s30 =	sadd.s32 $0x10, s30;
	v47 =	vmov v46;
	v48 =	vmov v49  }
.Ltmp11:
0x16e: {  	_ = 	snop;
	(pc) =	sbr.rel .LBB2_11-.Ltmp11, $1  }
0x16f: {  	_ =	sdelay $0x3  }
.LBB2_14:
0x170: {  	_ =	sfence.sel $0x180000  }
0x171: {  	[bflag:$0x0] =	sbarrier.arrive $0xFFFF  }
0x172: {  	_ =	strace $0x9000004A  }
0x173: {  	s0 =	stileid.u32;
	[bflag:$0x2] =	sbarrier.arrive $0xFFFF  }
0x174: {  	p0 =	sne.s32 s0, $0x0;
	s0 =	rddreg [dreg:$0x2]  }
0x175: {  	s0 =	sadd.s32 @!p0 $0x100000, s0  }
0x176: {  	[sflag:s0] =	ssyncadd.tile.s32 @!p0 $0x1;
	_ =	shalt  }
.Lfunc_end2:
_tile_overlayer_lowered:
.L_overlay_start_2:
0x177: {  	(tag) =	ssettag $0x2  }
0x178: {  	s0 =	rddreg [dreg:$0x0];
	s2 =	stileid.u32  }
0x179: {  	s1 =	rddreg [dreg:$0x1];
	p0 =	sne.s32 s2, $0x0  }
0x17a: {  	s3 =	rddreg [dreg:$0x2];
	[bflag:$0x3] =	sbarrier.arrive $0xFFFF;
	s2 =	simm.s32 @!p0 $0x1C01  }
0x17b: {  	[timem:s3], [sflag:s2] =	dma.local @!p0 [hbm:s0], s1  }
0x17c: {  	s0 =	simm.s32 @!p0 $0x1  }
0x17d: {  	_ =	swait.ge @!p0 [sflag:s0], s1  }
0x17e: {  	s1 =	ssub.s32 @!p0 $0x0, s1;
	[sflag:s0] =	ssyncset.done @!p0 $0x0  }
0x17f: {  	[sflag:s0] =	ssyncadd.s32 @!p0 s1  }
0x180: {  	[bflag:$0x3] =	sbarrier.arrive $0xFFFF  }
0x181: {  	_ =	shalt  }

// kernel: kernel.9.cloned.1.call-start
scs
__scs_entry_jumppad:
0x0: {  	(pc) =	sbr.rel $0x88, $3  }
0x1: {  	(tag) =	ssettag $0x0;
	lr =	simm.s32 $0x1  }
0x2: {  	[smem:$0x3F9F] =	sst lr;
	_ =	strace $0xD0000000  }
0x3: {  	_ = 	snop  }
0x4: {  	_ = 	snop  }
0x5: {  	_ = 	snop  }
0x6: {  	_ = 	snop  }
0x7: {  	_ = 	snop  }
__scs_overlays_trampoline_lowered:
0x8: {  	[smem:$0x3FAE] =	sst s0  }
0x9: {  	[smem:$0x3FAF] =	sst s1  }
0xa: {  	[smem:$0x3FB0] =	sst s2  }
0xb: {  	[smem:$0x3FB1] =	sst s3  }
0xc: {  	[smem:$0x3FB2] =	sst s4  }
0xd: {  	[smem:$0x3FB3] =	sst s5  }
0xe: {  	[smem:$0x3FB4] =	sst s6  }
0xf: {  	[smem:$0x3FB5] =	sst s7  }
0x10: {  	[smem:$0x3FB6] =	sst s8  }
0x11: {  	[smem:$0x3FB7] =	sst s9;
	s0 =	simm.s32 @!p0 $0x0  }
0x12: {  	s1 =	sld [smem:$0x3F9D];
	s0 =	simm.s32 @p0 $0x1  }
0x13: {  	[smem:$0x3FB8] =	sst s0;
	s0 =	simm.s32 @!p1 $0x0  }
0x14: {  	s2 =	sld [smem:$0x3F9C];
	s0 =	simm.s32 @p1 $0x1  }
0x15: {  	[smem:$0x3FB9] =	sst s0;
	s0 =	simm.s32 @!p2 $0x0  }
0x16: {  	s3 =	sld [smem:$0x3FDB];
	s0 =	simm.s32 @p2 $0x1  }
0x17: {  	s4 =	simm.s32 $0x1BF5;
	[smem:$0x3FBB] =	sst s0  }
0x18: {  	s0 =	sld [smem:$0x3F9E];
	_ =	swait.ge [sflag:s4], $0x0  }
0x19: {  	s7 =	sld [smem:$0x3F9F]  }
0x1a: {  	s8 =	sadd.s32 $0xFFFFE003, lr  }
0x1b: {  	s9 =	sadd.s32 $0xFFFFFEF7, lr;
	s5 =	simm.s32 $0xFFFFFFFF;
	p2 =	slt.u32 s8, $0xFFFFF086  }
0x1c: {  	p1 =	slt.u32 s9, $0xF7A;
	s5 =	simm.s32 @!p2 $0x0  }
0x1d: {  	s5 =	simm.s32 @p1 $0x1;
	p0 =	seq.s32 s7, s2  }
0x1e: {  	s7 =	smul.u32 @!p0 $0xF7A, s2;
	p2 =	seq.s32 @!p0 s5, $0x0  }
0x1f: {  	s9 =	smul.u32 $0xF7A, s1;
	s8 =	simm.s32 @!p0 $0x1BF5;
	p2 =	por !p2, p0  }
0x20: {  	[sflag:s8] =	ssyncset.s32 @!p0 $0xFFFFF086;
	s6 =	sadd.s32 @!p0 s3, s7;
	s7 =	simm.s32 @!p0 $0x108  }
0x21: {  	s3 =	sadd.s32 s3, s9;
	s6 =	sadd.s32 @!p0 $0x88, s6;
	s7 =	simm.s32 @p2 $0x1082  }
0x22: {  	[simem:s7], [sflag:s8] =	dma.local @!p0 [hbm:s6], $0xF7A  }
0x23: {  	s9 =	sor.u32 $0xD0000000, s2;
	s6 =	simm.s32 $0x108;
	_ =	swait.ge @!p0 [sflag:s8], $0x0  }
0x24: {  	s3 =	sadd.s32 $0x88, s3;
	s6 =	simm.s32 @!p1 $0x1082;
	[sflag:s4] =	ssyncset.s32 $0xFFFFF086  }
0x25: {  	[simem:s6], [sflag:s4] =	dma.local [hbm:s3], $0xF7A  }
0x26: {  	[smem:$0x3F9F] =	sst s1;
	(tag) =	ssettag s2;
	_ =	strace s9  }
0x27: {  	s1 =	sld [smem:$0x3FAF]  }
0x28: {  	s2 =	sld [smem:$0x3FB0]  }
0x29: {  	s4 =	sld [smem:$0x3FB2]  }
0x2a: {  	p0 =	seq.s32 s5, $0x0;
	s5 =	sld [smem:$0x3FB3]  }
0x2b: {  	s6 =	sld [smem:$0x3FB4]  }
0x2c: {  	s7 =	sld [smem:$0x3FB5]  }
0x2d: {  	s3 =	simm.s32 $0x108;
	s8 =	sld [smem:$0x3FB6]  }
0x2e: {  	s3 =	simm.s32 @!p0 $0x1082;
	s9 =	sld [smem:$0x3FB7]  }
0x2f: {  	lr =	sadd.s32 s0, s3;
	s0 =	sld [smem:$0x3FAE]  }
0x30: {  	s3 =	sld [smem:$0x3FB1]  }
0x31: {  	[smem:$0x3FBA] =	sst s10  }
0x32: {  	s10 =	sld [smem:$0x3FB8];
	_ =	sdelay $0x3  }
0x33: {  	p0 =	seq.s32 s10, $0x1;
	s10 =	sld [smem:$0x3FBA];
	_ =	sdelay $0x3  }
0x34: {  	[smem:$0x3FBA] =	sst s10  }
0x35: {  	s10 =	sld [smem:$0x3FB9];
	_ =	sdelay $0x3  }
0x36: {  	p1 =	seq.s32 s10, $0x1;
	s10 =	sld [smem:$0x3FBA];
	_ =	sdelay $0x3  }
0x37: {  	[smem:$0x3FBA] =	sst s10  }
0x38: {  	s10 =	sld [smem:$0x3FBB]  }
0x39: {  	_ = 	snop;
	(pc) =	sbr.ind lr, $3  }
0x3a: {  	_ = 	snop  }
0x3b: {  	_ = 	snop  }
0x3c: {  	p2 =	seq.s32 s10, $0x1;
	s10 =	sld [smem:$0x3FBA]  }
0x3d: {  	_ =	shalt  }
0x3e: {  	_ =	shalt  }
0x3f: {  	_ =	shalt  }
0x40: {  	_ =	shalt  }
0x41: {  	_ =	shalt  }
0x42: {  	_ =	shalt  }
0x43: {  	_ =	shalt  }
0x44: {  	_ =	shalt  }
0x45: {  	_ =	shalt  }
0x46: {  	_ =	shalt  }
0x47: {  	_ =	shalt  }
0x48: {  	_ =	shalt  }
0x49: {  	_ =	shalt  }
0x4a: {  	_ =	shalt  }
0x4b: {  	_ =	shalt  }
0x4c: {  	_ =	shalt  }
0x4d: {  	_ =	shalt  }
0x4e: {  	_ =	shalt  }
0x4f: {  	_ =	shalt  }
0x50: {  	_ =	shalt  }
0x51: {  	_ =	shalt  }
0x52: {  	_ =	shalt  }
0x53: {  	_ =	shalt  }
0x54: {  	_ =	shalt  }
0x55: {  	_ =	shalt  }
0x56: {  	_ =	shalt  }
0x57: {  	_ =	shalt  }
0x58: {  	_ =	shalt  }
0x59: {  	_ =	shalt  }
0x5a: {  	_ =	shalt  }
0x5b: {  	_ =	shalt  }
0x5c: {  	_ =	shalt  }
0x5d: {  	_ =	shalt  }
0x5e: {  	_ =	shalt  }
0x5f: {  	_ =	shalt  }
0x60: {  	_ =	shalt  }
0x61: {  	_ =	shalt  }
0x62: {  	_ =	shalt  }
0x63: {  	_ =	shalt  }
0x64: {  	_ =	shalt  }
0x65: {  	_ =	shalt  }
0x66: {  	_ =	shalt  }
0x67: {  	_ =	shalt  }
0x68: {  	_ =	shalt  }
0x69: {  	_ =	shalt  }
0x6a: {  	_ =	shalt  }
0x6b: {  	_ =	shalt  }
0x6c: {  	_ =	shalt  }
0x6d: {  	_ =	shalt  }
0x6e: {  	_ =	shalt  }
0x6f: {  	_ =	shalt  }
0x70: {  	_ =	shalt  }
0x71: {  	_ =	shalt  }
0x72: {  	_ =	shalt  }
0x73: {  	_ =	shalt  }
0x74: {  	_ =	shalt  }
0x75: {  	_ =	shalt  }
0x76: {  	_ =	shalt  }
0x77: {  	_ =	shalt  }
0x78: {  	_ =	shalt  }
0x79: {  	_ =	shalt  }
0x7a: {  	_ =	shalt  }
0x7b: {  	_ =	shalt  }
0x7c: {  	_ =	shalt  }
0x7d: {  	_ =	shalt  }
0x7e: {  	_ =	shalt  }
0x7f: {  	_ =	shalt  }
0x80: {  	_ =	shalt  }
0x81: {  	_ =	shalt  }
0x82: {  	_ =	shalt  }
0x83: {  	_ =	shalt  }
0x84: {  	_ =	shalt  }
0x85: {  	_ =	shalt  }
0x86: {  	_ =	shalt  }
0x87: {  	_ =	shalt  }
.Lfunc_end0:
.L_simem_size_0:
called_computation.1_lowered:
.L_overlay_start_0:
0x88: {  	s2 =	sld [smem:$0x3FD9]  }
0x89: {  	s3 =	sld [smem:$0x3FFE];
	_ =	sdelay $0x1  }
0x8a: {  	s1 =	srdreg.scid  }
0x8b: {  	s0 =	sand.u32 $0x1, s1  }
0x8c: {  	s14 =	sshll.u32 s0, $0xA;
	s2 =	sadd.s32 s3, s2  }
0x8d: {  	s2 =	sadd.s32 s2, s14  }
0x8e: {  	[smem:$0x3FC6] =	sst s2  }
0x8f: {  	_ = 	snop  }
0x90: {  	s2 =	sld [smem:$0x3FD0];
	_ =	sdelay $0x2  }
0x91: {  	s15 =	simm.s32 $0xB;
	s4 =	simm.s32 $0x10  }
0x92: {  	[smem:s4], [sflag:s15] =	dma.local [hbm:s2], $0x1  }
0x93: {  	_ =	swait.eq [sflag:s15], $0x1  }
0x94: {  	[sflag:s15] =	ssyncset.done $0x0  }
0x95: {  	[sflag:s15] =	ssyncadd.s32 $0xFFFFFFFF  }
0x96: {  	s16 =	sld [smem:$0x10];
	(tm) =	ssettm $0x1  }
0x97: {  	s17 =	sld [smem:$0x3FFB];
	_ =	sdelay $0x3  }
0x98: {  	_ =	strace s17  }
0x99: {  	s3 =	sld [smem:$0x3FFC];
	_ =	sdelay $0x3  }
0x9a: {  	_ =	strace s3  }
0x9b: {  	s3 =	sld [smem:$0x3FFD];
	_ =	sdelay $0x3  }
0x9c: {  	_ =	strace s3  }
0x9d: {  	_ =	strace $0x8FFFFFFF  }
0x9e: {  	s18 =	sld [smem:$0x3FDB];
	_ =	sdelay $0x1  }
0x9f: {  	s19 =	simm.s32 $_scs_section_size  }
0xa0: {  	s5 =	simm.s32 $_size__tile_overlayer_lowered;
	s6 =	simm.s32 $_tile_overlayer_lowered  }
0xa1: {  	s22 =	simm.s32 $0x1BFF;
	s21 =	sshll.u32 s6, $0x1;
	s3 =	sadd.s32 s19, s18  }
0xa2: {  	s7 =	simm.s32 $0x0;
	s20 =	sshll.u32 s5, $0x1;
	s5 =	sadd.s32 s21, s3  }
0xa3: {  	[timem:s7], [sflag:s22] =	dma.local [hbm:s5], s20  }
0xa4: {  	_ =	swait.ge [sflag:s22], s20  }
0xa5: {  	s4 =	ssub.s32 $0x0, s20;
	[sflag:s22] =	ssyncset.done $0x0  }
0xa6: {  	[sflag:s22] =	ssyncadd.s32 s4;
	_ =	sdelay $0x1  }
0xa7: {  	s23 =	simm.s32 $0x1B8B  }
0xa8: {  	_ =	swait.ge [sflag:s23], $0x1  }
0xa9: {  	[sflag:s23] =	ssyncset.done $0x0  }
0xaa: {  	s25 =	simm.s32 $0x1B8E;
	s24 =	sld [smem:$0x3FFE];
	[sflag:s23] =	ssyncadd.s32 $0xFFFFFFFF  }
0xab: {  	s26 =	simm.s32 $execute0_lowered;
	[smem:$0x3FD2] =	sst s25  }
0xac: {  	s5 =	sshll.u32 s26, $0x1;
	_ =	strace $0x80000046;
	[dreg:$0x1] =	wrdreg $0xFFFFFFFF  }
0xad: {  	s28 =	simm.s32 $_size_execute0_lowered;
	s3 =	sadd.s32 s3, s5;
	[dreg:$0x0] =	wrdreg $0x0  }
0xae: {  	s5 =	sshll.u32 s28, $0x1;
	[dreg:$0x2] =	wrdreg s3  }
0xaf: {  	[dreg:$0x3] =	wrdreg s5  }
0xb0: {  	[dreg:$0x4] =	wrdreg $0xC0  }
0xb1: {  	_ =	task [dreg:s7], $0x5FFFF  }
0xb2: {  	[dreg:$0x1] =	wrdreg $0xFFFFFFFF  }
0xb3: {  	[dreg:$0x0] =	wrdreg $0x60  }
0xb4: {  	[dreg:$0x2] =	wrdreg s24  }
0xb5: {  	[dreg:$0x3] =	wrdreg s16  }
0xb6: {  	[dreg:$0x4] =	wrdreg $0xA  }
0xb7: {  	_ =	task.clear_ibuf [dreg:s7], $0x5FFFF;
	_ =	strace $0x90000046  }
0xb8: {  	s29 =	simm.s32 $0xA;
	_ =	strace $0x80000048  }
0xb9: {  	_ =	swait.ge [sflag:s29], $0x1  }
0xba: {  	[sflag:s29] =	ssyncadd.s32 $0xFFFFFFFF  }
0xbb: {  	_ =	strace $0x90000048  }
0xbc: {  	_ =	sfence  }
0xbd: {  	s30 =	sld [smem:$0x0];
	_ =	sdelay $0x2  }
0xbe: {  	s31 =	sshll.u32 s1, $0xD;
	s1 =	sshrl.u32 s1, $0x2  }
0xbf: {  	s3 =	sand.u32 $0x4000, s31;
	s1 =	sadd.s32 s1, s30  }
0xc0: {  	s0 =	sor.u32 s3, s0;
	s1 =	sshll.u32 s1, $0x11  }
0xc1: {  	s0 =	sor.u32 s1, s0  }
0xc2: {  	s0 =	sadd.s32 $0x8F2B, s0  }
0xc3: {  	[sflag:s0] =	ssyncadd.remote.s32 $0x1  }
0xc4: {  	_ =	sfence.sel $0xFFFF  }
0xc5: {  	[dreg:$0x0] =	wrdreg $0xFFFFFFFF;
	(pc) =	sbr.abs _section_cstart, $3  }
0xc6: {  	[dreg:$0x1] =	wrdreg $0xFFFFFFFF  }
0xc7: {  	_ =	task.clear_ibuf [dreg:s7], $0x2FFFF;
	_ =	strace $0x9FFFFFFF  }
0xc8: {  	(tm) =	ssettm $0x7FFFFFFF  }
0xc9: {  	_ =	shalt  }
tec
execute0_lowered:
.L_overlay_start_1:
0x0: {  	(tag) =	ssettag $0x1  }
0x1: {  	v0 =	vlaneseq.u32  }
0x2: {  	v40 =	vimm.s32 $0xEFCDAB89;
	vm0 =	vcmask $0xF0C;
	vm1 =	vcmask $0x704  }
0x3: {  	v41 =	vimm.s32 $0x67452301;
	v42 =	vimm.s32 $0xFDEBC9A7;
	v63 =	vimm.s32 $0x85634120  }
0x4: {  	vm2 =	vcmask $0x300;
	v1 =	vor.u32 $0x10, v0;
	v2 =	vor.u32 $0x20, v0  }
0x5: {  	v3 =	vor.u32 $0x30, v0;
	v4 =	vor.u32 $0x40, v0;
	v5 =	vor.u32 $0x50, v0  }
0x6: {  	v6 =	vor.u32 $0x60, v0;
	v7 =	vor.u32 $0x70, v0;
	v8 =	vor.u32 $0x80, v0  }
0x7: {  	v9 =	vor.u32 $0x90, v0;
	v10 =	vor.u32 $0xA0, v0;
	v11 =	vor.u32 $0xB0, v0  }
0x8: {  	v12 =	vor.u32 $0xC0, v0;
	v13 =	vor.u32 $0xD0, v0;
	v14 =	vor.u32 $0xE0, v0  }
0x9: {  	v15 =	vor.u32 $0xF0, v0;
	v16 =	vor.u32 $0x100, v0;
	v17 =	vor.u32 $0x110, v0  }
0xa: {  	v18 =	vor.u32 $0x120, v0;
	v19 =	vor.u32 $0x130, v0;
	v20 =	vor.u32 $0x140, v0  }
0xb: {  	v21 =	vor.u32 $0x150, v0;
	v22 =	vor.u32 $0x160, v0;
	v23 =	vor.u32 $0x170, v0  }
0xc: {  	v24 =	vor.u32 $0x180, v0;
	v25 =	vor.u32 $0x190, v0;
	v26 =	vor.u32 $0x1A0, v0  }
0xd: {  	v27 =	vor.u32 $0x1B0, v0;
	v28 =	vor.u32 $0x1C0, v0;
	v29 =	vor.u32 $0x1D0, v0  }
0xe: {  	s0 =	rddreg [dreg:$0x0];
	v30 =	vor.u32 $0x1E0, v0;
	v31 =	vor.u32 $0x1F0, v0;
	v32 =	vor.u32 $0x200, v0  }
0xf: {  	s1 =	rddreg [dreg:$0x1];
	v33 =	vor.u32 $0x210, v0;
	v34 =	vor.u32 $0x220, v0;
	v35 =	vor.u32 $0x230, v0  }
0x10: {  	s2 =	simm.s32 $0x0;
	s3 =	srdreg.scid;
	s5 =	stileid.u32;
	v36 =	vor.u32 $0x240, v0;
	v37 =	vor.u32 $0x250, v0;
	v38 =	vor.u32 $0x260, v0  }
0x11: {  	s17 =	simm.s32 $0x1;
	s18 =	simm.s32 $0x2800;
	s19 =	simm.s32 $0x5000;
	v39 =	vor.u32 $0x270, v0;
	vm0 =	vmor vm1, vm0;
	vm1 =	vcmask $0x1714  }
0x12: {  	v40 =	vunpack.c.l.s4.s8 v40;
	[smem:$0x7FF] =	sst s2;
	s4 =	sand.u32 $0x1, s3;
	s21 =	sshll.u32 s5, $0x1;
	vm0 =	vmor vm0, vm1;
	vm1 =	vcmask $0x1F1C  }
0x13: {  	v41 =	vunpack.c.l.s4.s8 v41;
	s22 =	sadd.s32 $0x2400, s0;
	s25 =	sadd.s32 $0x2900, s0;
	_ =	strace $0x80000047;
	vm0 =	vmor vm0, vm1;
	vm1 =	vcmask $0x2724  }
0x14: {  	s8 =	sor.u32 s4, s21;
	[dreg:$0x3] =	wrdreg s22;
	s6 =	ssub.s32 $0x2, s4;
	v40 =	vunpack.c.0.s8.s32 v40;
	vm0 =	vmor vm0, vm1;
	vm1 =	vcmask $0x2F2C  }
0x15: {  	s4 =	sadd.s32 $0x3A00, s0;
	[dreg:$0x4] =	wrdreg s25;
	s25 =	simm.s32 $0xF7A0;
	v41 =	vunpack.c.0.s8.s32 v41;
	vm0 =	vmor vm0, vm1;
	vm1 =	vcmask $0x3734  }
0x16: {  	v62 =	vunpack.c.l.s4.s8 v42;
	s23 =	sshll.u32 s8, $0x3;
	s11 =	sshll.u32 s8, $0x7;
	s24 =	sshrl.u32 s6, $0x1;
	vm0 =	vmor vm0, vm1;
	vm1 =	vcmask $0x3F3C  }
0x17: {  	s8 =	sshll.u32 s8, $0x6;
	s10 =	sadd.s32 s23, s0;
	s15 =	sadd.s32 s11, s0;
	v43 =	vcombine.low v41, v40;
	vm0 =	vmor vm0, vm1;
	vm1 =	vcmask $0xB08  }
0x18: {  	s16 =	ssub.s32 s6, s24;
	s0 =	sadd.s32 $0x2E00, s0;
	s30 =	sadd.s32 s1, s11;
	v41 =	vunpack.c.l.s4.s8 v63;
	vm1 =	vmor vm2, vm1;
	vm2 =	vcmask $0x1310  }
0x19: {  	v42 =	vunpack.c.0.s8.s32 v62;
	s24 =	simm.s32 $0x7CF0;
	[dreg:$0x5] =	wrdreg s0;
	s26 =	sadd.s32 $0x3500, s10;
	vm1 =	vmor vm1, vm2;
	vm2 =	vcmask $0x1B18  }
.Ltmp0:
0x1a: {  	s28 =	sadd.s32 $0x3700, s10;
	[dreg:$0x9] =	wrdreg s30;
	v41 =	vunpack.c.0.s8.s32 v41;
	vm1 =	vmor vm1, vm2;
	vm2 =	vcmask $0x2320;
	(pc) =	sbr.rel .LBB2_1-.Ltmp0, $4  }
0x1b: {  	s29 =	sadd.s32 $0x3900, s10;
	s31 =	sadd.s32 $0x2BA00, s15;
	v40 =	vmul.u32 $0x280, v0;
	[dreg:$0x6] =	wrdreg s26;
	vm1 =	vmor vm1, vm2;
	vm2 =	vcmask $0x2B28  }
0x1c: {  	s13 =	sadd.s32 $0x2EA00, s15;
	s14 =	sadd.s32 $0x2DA00, s15;
	[dreg:$0x7] =	wrdreg s28;
	v44 =	vcombine.low v41, v42;
	vm1 =	vmor vm1, vm2;
	vm2 =	vcmask $0x3330  }
0x1d: {  	s15 =	sadd.s32 $0x2CA00, s15;
	s16 =	smax.u32 s16, $0x1;
	[dreg:$0x8] =	wrdreg s29;
	v41 =	vimm.s32 $0x0;
	vm1 =	vmor vm1, vm2;
	vm2 =	vcmask $0x3B38  }
0x1e: {  	s0 =	simm.s32 $0x0;
	[dreg:$0xa] =	wrdreg s31;
	s26 =	simm.s32 $0xF7B0;
	v42 =	vand.u32 $0xF, v43;
	v43 =	vand.u32 $0xF, v44;
	vm1 =	vmor vm1, vm2  }
.LBB2_13:
0x1f: {  	s1 =	rddreg [dreg:$0xa];
	s3 =	simm.s32 $0xF7C0  }
0x20: {  	[hbm4b:s1+s2] =	stream.linear.scatter [tilespmem:s3], [sflag:$0x1], $0x400, $0x38;
	[tilespmem:$0x107C0] =	vst v63  }
0x21: {  	_ =	swait.ge [sflag:s17], $0x400  }
0x22: {  	[sflag:s17] =	ssyncset.done $0x0  }
0x23: {  	s29 =	simm.s32 $0xFBC0;
	[sflag:s17] =	ssyncadd.s32 $0xFFFFFC00  }
0x24: {  	[hbm4b:s13+s2] =	stream.linear.scatter [tilespmem:s29], [sflag:$0x1], $0x400, $0x38;
	[tilespmem:$0x107C0] =	vst v63  }
0x25: {  	_ =	swait.ge [sflag:s17], $0x400  }
0x26: {  	[sflag:s17] =	ssyncset.done $0x0  }
0x27: {  	s30 =	simm.s32 $0xFFC0;
	[sflag:s17] =	ssyncadd.s32 $0xFFFFFC00  }
0x28: {  	[hbm4b:s14+s2] =	stream.linear.scatter [tilespmem:s30], [sflag:$0x1], $0x400, $0x38;
	[tilespmem:$0x107C0] =	vst v63  }
0x29: {  	s0 =	sadd.s32 $0x1, s0;
	_ =	swait.ge [sflag:s17], $0x400  }
0x2a: {  	p0 =	sne.s32 s0, s16;
	[sflag:s17] =	ssyncset.done $0x0  }
.Ltmp1:
0x2b: {  	s31 =	simm.s32 $0x103C0;
	[sflag:s17] =	ssyncadd.s32 $0xFFFFFC00;
	(pc) =	sbr.rel @!p0 .LBB2_14-.Ltmp1, $4  }
0x2c: {  	[hbm4b:s15+s2] =	stream.linear.scatter [tilespmem:s31], [sflag:$0x1], $0x400, $0x38;
	[tilespmem:$0x107C0] =	vst v63  }
0x2d: {  	_ =	swait.ge [sflag:s17], $0x400  }
0x2e: {  	[sflag:s17] =	ssyncset.done $0x0  }
0x2f: {  	[sflag:s17] =	ssyncadd.s32 $0xFFFFFC00  }
.LBB2_1:
0x30: {  	s1 =	rddreg [dreg:$0x3]  }
0x31: {  	[tilespmem:s2], [sflag:$0x1] =	stream.linear.gather [hbm4b:s1+s2], $0x2800, $0x38;
	[tilespmem:$0x107C0] =	vst v63  }
0x32: {  	_ =	swait.ge [sflag:s17], $0x2800  }
0x33: {  	[sflag:s17] =	ssyncset.done $0x0  }
0x34: {  	s12 =	rddreg [dreg:$0x4];
	[sflag:s17] =	ssyncadd.s32 $0xFFFFD800  }
0x35: {  	[tilespmem:s18], [sflag:$0x1] =	stream.linear.gather [hbm4b:s12+s2], $0x2800, $0x38;
	[tilespmem:$0x107C0] =	vst v63  }
0x36: {  	_ =	swait.ge [sflag:s17], $0x2800  }
0x37: {  	[sflag:s17] =	ssyncset.done $0x0  }
0x38: {  	s20 =	rddreg [dreg:$0x5];
	[sflag:s17] =	ssyncadd.s32 $0xFFFFD800  }
0x39: {  	[tilespmem:s19], [sflag:$0x1] =	stream.linear.gather [hbm4b:s20+s2], $0x2800, $0x38;
	[tilespmem:$0x107C0] =	vst v63  }
0x3a: {  	_ =	swait.ge [sflag:s17], $0x2800  }
0x3b: {  	[sflag:s17] =	ssyncset.done $0x0  }
0x3c: {  	s3 =	simm.s32 $0x7800;
	s21 =	rddreg [dreg:$0x6];
	[sflag:s17] =	ssyncadd.s32 $0xFFFFD800  }
0x3d: {  	[tilespmem:s3], [sflag:$0x1] =	stream.linear.gather [hbm4b:s21+s2], $0x40, $0x38;
	[tilespmem:$0x107C0] =	vst v63  }
0x3e: {  	_ =	swait.ge [sflag:s17], $0x40  }
0x3f: {  	[sflag:s17] =	ssyncset.done $0x0  }
0x40: {  	s23 =	simm.s32 $0x7850;
	s22 =	rddreg [dreg:$0x7];
	[sflag:s17] =	ssyncadd.s32 $0xFFFFFFC0  }
0x41: {  	[tilespmem:s23], [sflag:$0x1] =	stream.linear.gather [hbm4b:s22+s2], $0x40, $0x38;
	[tilespmem:$0x107C0] =	vst v63  }
0x42: {  	_ =	swait.ge [sflag:s17], $0x40  }
0x43: {  	[sflag:s17] =	ssyncset.done $0x0  }
0x44: {  	s29 =	simm.s32 $0x78A0;
	s28 =	rddreg [dreg:$0x8];
	[sflag:s17] =	ssyncadd.s32 $0xFFFFFFC0  }
0x45: {  	[tilespmem:s29], [sflag:$0x1] =	stream.linear.gather [hbm4b:s28+s2], $0x40, $0x38;
	[tilespmem:$0x107C0] =	vst v63  }
0x46: {  	_ =	swait.ge [sflag:s17], $0x40  }
0x47: {  	s31 =	simm.s32 $0x78F0;
	[sflag:s17] =	ssyncset.done $0x0  }
.Ltmp2:
0x48: {  	s30 =	rddreg [dreg:$0x9];
	[sflag:s17] =	ssyncadd.s32 $0xFFFFFFC0;
	(pc) =	sbr.rel .LBB2_2-.Ltmp2, $4  }
0x49: {  	[tilespmem:s31], [sflag:$0x1] =	stream.linear.gather [hbm4b:s30+s2], $0x400, $0x38;
	[tilespmem:$0x107C0] =	vst v63  }
0x4a: {  	_ =	swait.ge [sflag:s17], $0x400  }
0x4b: {  	[sflag:s17] =	ssyncset.done $0x0  }
0x4c: {  	s1 =	simm.s32 $0x0;
	[sflag:s17] =	ssyncadd.s32 $0xFFFFFC00  }
.LBB2_12:
0x4d: {  	s1 =	sadd.s32 $0x1, s1  }
0x4e: {  	p0 =	sne.s32 s1, $0x4  }
.Ltmp3:
0x4f: {  	_ = 	snop;
	(pc) =	sbr.rel @!p0 .LBB2_13-.Ltmp3, $1  }
0x50: {  	_ =	sdelay $0x3  }
.LBB2_2:
0x51: {  	s20 =	sshll.u32 s1, $0x4  }
0x52: {  	s21 =	sadd.s32 s8, s20  }
0x53: {  	s21 =	smul.u32 $0x50, s21;
	_ =	sdelay $0x1  }
.Ltmp4:
0x54: {  	s22 =	sadd.s32 s4, s21;
	s21 =	simm.s32 $0x0;
	(pc) =	sbr.rel .LBB2_3-.Ltmp4, $4  }
0x55: {  	[tilespmem:s24], [sflag:$0x1] =	stream.linear.gather [hbm4b:s22+s21], $0x2800, $0x38;
	[tilespmem:$0x107C0] =	vst v63  }
0x56: {  	_ =	swait.ge [sflag:s17], $0x2800  }
0x57: {  	[sflag:s17] =	ssyncset.done $0x0  }
0x58: {  	[sflag:s17] =	ssyncadd.s32 $0xFFFFD800  }
.LBB2_8:
0x59: {  	v49 =	vimm.f32 $1.000000020e+30  }
.LBB2_11:
0x5a: {  	vm2 =	vle.f32 v49, v44;
	vm3 =	vmmov $0x3ff  }
0x5b: {  	vm2 =	vmand vm2, vm3  }
0x5c: {  	v60 =	vnsel vm2, $0x0, v46;
	_ =	sdelay $0x4  }
0x5d: {  	v45 =	vld.idx.msk [tilespmem:v60+s2+$0x0], $0xffff  }
0x5e: {  	v46 =	vld.idx.msk [tilespmem:v60+s18+$0x0], $0xffff  }
0x5f: {  	s21 =	sadd.s32 $0x1, s21;
	v47 =	vld.idx.msk [tilespmem:v60+s19+$0x0], $0xffff  }
0x60: {  	p0 =	sne.s32 s21, $0x10  }
.Ltmp5:
0x61: {  	_ = 	snop;
	(pc) =	sbr.rel @!p0 .LBB2_12-.Ltmp5, $4  }
0x62: {  	[tilespmem:s22+$0xF7C0] =	vst v60;
	v61 =	vnsel vm2, $0x0, v45  }
0x63: {  	v62 =	vnsel vm2, $0x0, v46;
	[tilespmem:s22+$0xFBC0] =	vst v61  }
0x64: {  	v63 =	vnsel vm2, $0x0, v47;
	[tilespmem:s22+$0xFFC0] =	vst v62  }
0x65: {  	[tilespmem:s22+$0x103C0] =	vst v63  }
.LBB2_3:
0x66: {  	s28 =	sor.u32 s20, s21;
	s23 =	smul.u32 $0xA00, s21  }
0x67: {  	s22 =	sshll.u32 s28, $0x4  }
0x68: {  	v44 =	vld [tilespmem:s22+$0x78F0];
	s23 =	sshra.s32 s23, $0x2  }
0x69: {  	v46 =	vld [tilespmem:s23+$0x7CF0]  }
0x6a: {  	v47 =	vld [tilespmem:s23+$0x7D00]  }
0x6b: {  	v48 =	vld [tilespmem:s23+$0x7D10]  }
0x6c: {  	v49 =	vld [tilespmem:s23+$0x7D20]  }
0x6d: {  	v50 =	vld [tilespmem:s23+$0x7D30]  }
0x6e: {  	v51 =	vld [tilespmem:s23+$0x7D40]  }
0x6f: {  	v52 =	vld [tilespmem:s23+$0x7D50]  }
0x70: {  	v53 =	vld [tilespmem:s23+$0x7D60];
	v45 =	vbroadcast v44, $0x0  }
0x71: {  	v59 =	vimm.s32 $0x0;
	v60 =	vimm.s32 $0x0;
	v54 =	vld [tilespmem:s23+$0x7D70]  }
0x72: {  	v61 =	vimm.s32 $0x0;
	v62 =	vimm.s32 $0x0;
	v55 =	vld [tilespmem:s23+$0x7D80];
	vm11 =	vle.f32 v46, v45  }
0x73: {  	v56 =	vld [tilespmem:s23+$0x7D90];
	vm14 =	vle.f32 v47, v45;
	vm13 =	vle.f32 v48, v45;
	v48 =	vimm.s32 $0x0  }
0x74: {  	v57 =	vld [tilespmem:s23+$0x7DA0];
	vm2 =	vle.f32 v49, v45;
	v49 =	vimm.s32 $0x0;
	vm15 =	vle.f32 v50, v45  }
0x75: {  	v58 =	vld [tilespmem:s23+$0x7DB0];
	vm3 =	vle.f32 v51, v45;
	v51 =	vimm.s32 $0x0;
	v46 =	vsel vm13, $0xFFFFFFFF, v48  }
0x76: {  	vm12 =	vle.f32 v52, v45;
	v52 =	vimm.s32 $0x0;
	v47 =	vsel vm2, $0xFFFFFFFF, v49;
	[tilespmem:$0x1FE80] =	vst v46  }
0x77: {  	vm10 =	vle.f32 v53, v45;
	vm8 =	vle.f32 v55, v45;
	v48 =	vsel vm12, $0xFFFFFFFF, v52;
	[tilespmem:$0x1FE90] =	vst v47  }
0x78: {  	v53 =	vimm.s32 $0x0;
	vm9 =	vle.f32 v54, v45;
	v49 =	vsel vm8, $0xFFFFFFFF, v59;
	[tilespmem:$0x1FEB0] =	vst v48  }
0x79: {  	v54 =	vimm.s32 $0x0;
	vm7 =	vle.f32 v56, v45;
	v47 =	vsel vm3, $0xFFFFFFFF, v51;
	[tilespmem:$0x1FEE0] =	vst v49  }
0x7a: {  	vm6 =	vle.f32 v57, v45;
	vm5 =	vle.f32 v58, v45;
	v48 =	vsel vm10, $0xFFFFFFFF, v53;
	[tilespmem:$0x1FEA0] =	vst v47  }
0x7b: {  	v56 =	vimm.s32 $0x0;
	v63 =	vmpcnt.ones.xlane vm14;
	v49 =	vsel vm7, $0xFFFFFFFF, v60;
	[tilespmem:$0x1FEC0] =	vst v48  }
0x7c: {  	v57 =	vmpcnt.ones.xlane vm13;
	v58 =	vmpcnt.ones.xlane vm2;
	v46 =	vld [tilespmem:s23+$0x7DC0];
	v48 =	vsel vm9, $0xFFFFFFFF, v54;
	[tilespmem:$0x1FEF0] =	vst v49  }
0x7d: {  	v52 =	vmpcnt.ones.xlane vm3;
	v50 =	vmpcnt.ones.xlane vm8;
	v47 =	vld [tilespmem:s23+$0x7DD0];
	v49 =	vsel vm6, $0xFFFFFFFF, v61;
	[tilespmem:$0x1FED0] =	vst v48  }
0x7e: {  	v55 =	vmpcnt.ones.xlane vm6;
	v60 =	vmpcnt.ones.xlane vm15;
	v48 =	vld [tilespmem:s23+$0x7DE0];
	[tilespmem:$0x1FF00] =	vst v49;
	v49 =	vsel vm5, $0xFFFFFFFF, v62  }
0x7f: {  	v59 =	vimm.s32 $0x0;
	v53 =	vmpcnt.ones.xlane vm10;
	[tilespmem:$0x1FF10] =	vst v49;
	v49 =	vmpcnt.ones.xlane vm11  }
0x80: {  	v61 =	vimm.s32 $0x0;
	v54 =	vmpcnt.ones.xlane vm9;
	v62 =	vmpcnt.ones.xlane vm12  }
0x81: {  	vm4 =	vle.f32 v46, v45;
	(v2sf) =	vpush v49, $0x0;
	v49 =	vadd.s32 v49, v63  }
0x82: {  	v46 =	vsel vm4, $0xFFFFFFFF, v56;
	vm2 =	vle.f32 v47, v45;
	(v2sf) =	vpush v49, $0x0  }
0x83: {  	v56 =	vmpcnt.ones.xlane vm5;
	v47 =	vsel vm2, $0xFFFFFFFF, v59;
	vm3 =	vle.f32 v48, v45  }
0x84: {  	v63 =	vld [tilespmem:s23+$0x7DF0];
	[tilespmem:$0x1FF20] =	vst v46;
	v46 =	vadd.s32 v57, v49;
	v49 =	vmpcnt.ones.xlane vm7;
	v57 =	vmpcnt.ones.xlane vm4  }
0x85: {  	v59 =	vimm.s32 $0x0;
	(v2sf) =	vpush v46, $0x0;
	v46 =	vadd.s32 v58, v46  }
0x86: {  	v48 =	vsel vm3, $0xFFFFFFFF, v61;
	(v2sf) =	vpush v46, $0x0;
	v46 =	vadd.s32 v60, v46  }
0x87: {  	v58 =	vmpcnt.ones.xlane vm3;
	v60 =	vld [tilespmem:s23+$0x7E00];
	(v2sf) =	vpush v46, $0x0;
	v46 =	vadd.s32 v52, v46  }
0x88: {  	[tilespmem:$0x1FF40] =	vst v48;
	v48 =	vmpcnt.ones.xlane vm2;
	(v2sf) =	vpush v46, $0x0;
	v46 =	vadd.s32 v62, v46  }
0x89: {  	vm2 =	vle.f32 v63, v45;
	(v2sf) =	vpush v46, $0x0;
	v46 =	vadd.s32 v53, v46  }
0x8a: {  	v61 =	vld [tilespmem:s23+$0x7E10];
	v63 =	vimm.s32 $0x0;
	(v2sf) =	vpush v46, $0x0;
	v46 =	vadd.s32 v54, v46  }
0x8b: {  	v51 =	vmpcnt.ones.xlane vm2;
	(v2sf) =	vpush v46, $0x0;
	v46 =	vadd.s32 v50, v46  }
0x8c: {  	v62 =	vld [tilespmem:s23+$0x7E20];
	v50 =	vsel vm2, $0xFFFFFFFF, v63;
	vm2 =	vle.f32 v60, v45;
	v60 =	vimm.s32 $0x0  }
0x8d: {  	[tilespmem:$0x1FF30] =	vst v47;
	v54 =	vld [tilespmem:s23+$0x7E30];
	v63 =	vimm.s32 $0x0;
	(v2sf) =	vpush v46, $0x0;
	v47 =	vsel vm2, $0xFFFFFFFF, v59  }
0x8e: {  	v46 =	vadd.s32 v49, v46;
	v59 =	vimm.s32 $0x0;
	[tilespmem:$0x1FF60] =	vst v47;
	v47 =	vmpcnt.ones.xlane vm2  }
0x8f: {  	vm2 =	vle.f32 v61, v45;
	(v2sf) =	vpush v46, $0x0;
	v46 =	vadd.s32 v55, v46  }
0x90: {  	[tilespmem:$0x1FF50] =	vst v50;
	v50 =	vld [tilespmem:s23+$0x7E40];
	v49 =	vsel vm2, $0xFFFFFFFF, v60;
	v52 =	vmpcnt.ones.xlane vm2;
	(v2sf) =	vpush v46, $0x0  }
0x91: {  	v61 =	vld [tilespmem:s23+$0x7E50];
	v46 =	vadd.s32 v56, v46;
	vm2 =	vle.f32 v62, v45;
	v62 =	vimm.s32 $0x0  }
0x92: {  	v53 =	vsel vm2, $0xFFFFFFFF, v62;
	v55 =	vmpcnt.ones.xlane vm2;
	vm2 =	vle.f32 v54, v45  }
0x93: {  	(v2sf) =	vpush v46, $0x0;
	v46 =	vadd.s32 v57, v46;
	v54 =	vsel vm2, $0xFFFFFFFF, v63  }
0x94: {  	v57 =	vld [tilespmem:s23+$0x7F00];
	(v2sf) =	vpush v46, $0x0;
	v46 =	vadd.s32 v48, v46;
	[tilespmem:$0x1FF90] =	vst v54;
	v54 =	vmpcnt.ones.xlane vm2  }
0x95: {  	[tilespmem:$0x1FF80] =	vst v53;
	v53 =	vld [tilespmem:s23+$0x7E60];
	vm2 =	vle.f32 v50, v45;
	(v2sf) =	vpush v46, $0x0;
	v46 =	vadd.s32 v58, v46  }
0x96: {  	v50 =	vsel vm2, $0xFFFFFFFF, v59;
	v48 =	vmpcnt.ones.xlane vm2;
	vm2 =	vle.f32 v61, v45  }
0x97: {  	v60 =	vld [tilespmem:s23+$0x7E70];
	v61 =	vimm.s32 $0x0;
	(v2sf) =	vpush v46, $0x0;
	v46 =	vadd.s32 v51, v46  }
0x98: {  	v59 =	vimm.s32 $0x0;
	(v2sf) =	vpush v46, $0x0;
	v46 =	vadd.s32 v47, v46  }
0x99: {  	[tilespmem:$0x1FF70] =	vst v49;
	v62 =	vld [tilespmem:s23+$0x7E80];
	v49 =	vsel vm2, $0xFFFFFFFF, v61;
	v56 =	vmpcnt.ones.xlane vm2;
	(v2sf) =	vpush v46, $0x0  }
0x9a: {  	v63 =	vld [tilespmem:s23+$0x7E90];
	v46 =	vadd.s32 v52, v46;
	vm8 =	vle.f32 v57, v45;
	vm2 =	vle.f32 v53, v45  }
0x9b: {  	v52 =	vld [tilespmem:s23+$0x7EB0];
	(v2sf) =	vpush v46, $0x0;
	v46 =	vadd.s32 v55, v46;
	v47 =	vsel vm2, $0xFFFFFFFF, v59  }
0x9c: {  	v55 =	vld [tilespmem:s23+$0x7F10];
	v53 =	vmpcnt.ones.xlane vm2;
	vm2 =	vle.f32 v60, v45;
	v60 =	vimm.s32 $0x0  }
0x9d: {  	[tilespmem:$0x1FFA0] =	vst v50;
	(v2sf) =	vpush v46, $0x0;
	v46 =	vadd.s32 v54, v46;
	v54 =	vld [tilespmem:s23+$0x7ED0];
	v50 =	vsel vm2, $0xFFFFFFFF, v60  }
0x9e: {  	[tilespmem:$0x1FFC0] =	vst v47;
	v47 =	vld [tilespmem:s23+$0x7EA0];
	v61 =	vmpcnt.ones.xlane vm2;
	vm2 =	vle.f32 v62, v45;
	v62 =	vimm.s32 $0x0  }
0x9f: {  	s29 =	spop (v2sf);
	(v2sf) =	vpush v46, $0x0;
	v46 =	vadd.s32 v48, v46;
	[tilespmem:$0x1FFD0] =	vst v50;
	v50 =	vld [tilespmem:s23+$0x7EC0];
	v48 =	vsel vm2, $0xFFFFFFFF, v62  }
0xa0: {  	s30 =	spop (v2sf);
	[tilespmem:$0x1FFB0] =	vst v49;
	v49 =	vmpcnt.ones.xlane vm2;
	(v2sf) =	vpush v46, $0x0;
	v46 =	vadd.s32 v56, v46;
	v56 =	vld [tilespmem:s23+$0x7EF0]  }
0xa1: {  	s31 =	spop (v2sf);
	vm2 =	vle.f32 v63, v45;
	v63 =	vimm.s32 $0x0;
	[tilespmem:$0x1FFE0] =	vst v48;
	v48 =	vld [tilespmem:s23+$0x7EE0];
	(v2sf) =	vpush v46, $0x0  }
0xa2: {  	s3 =	spop (v2sf);
	v46 =	vadd.s32 v53, v46;
	v51 =	vsel vm2, $0xFFFFFFFF, v63;
	vm12 =	vle.f32 v52, v45;
	v52 =	vld [tilespmem:s23+$0x7F30]  }
0xa3: {  	s5 =	spop (v2sf);
	v58 =	vmpcnt.ones.xlane vm2;
	v53 =	vld [tilespmem:s23+$0x7F50];
	(v2sf) =	vpush v46, $0x0;
	v46 =	vadd.s32 v61, v46  }
0xa4: {  	s6 =	spop (v2sf);
	v63 =	vld [tilespmem:$0x1FE80];
	v60 =	vmpcnt.ones.xlane vm12;
	vm7 =	vle.f32 v55, v45;
	(v2sf) =	vpush v46, $0x0  }
0xa5: {  	v46 =	vadd.s32 v49, v46;
	vm9 =	vle.f32 v54, v45;
	v54 =	vld [tilespmem:s23+$0x7F60];
	vm13 =	vle.f32 v47, v45  }
0xa6: {  	v47 =	vld [tilespmem:s23+$0x7F20];
	(v2sf) =	vpush v46, $0x0;
	v46 =	vadd.s32 v58, v46;
	v62 =	vmpcnt.ones.xlane vm9  }
0xa7: {  	s7 =	spop (v2sf);
	v58 =	vmpcnt.ones.xlane vm8;
	v59 =	vmpcnt.ones.xlane vm13;
	vm10 =	vle.f32 v50, v45;
	v50 =	vld [tilespmem:s23+$0x7F40];
	s23 =	simm.s32 $0xA4F0  }
0xa8: {  	s9 =	spop (v2sf);
	(v2sf) =	vpush v46, $0x0;
	v61 =	vmpcnt.ones.xlane vm10;
	[tilespmem:s23+$0x0] =	vst.msk vm11, v0;
	vm11 =	vle.f32 v48, v45  }
0xa9: {  	v57 =	vld [tilespmem:$0x1FE90];
	vm2 =	vnez.u8 v63;
	vm5 =	vle.f32 v52, v45;
	vm3 =	vle.f32 v53, v45  }
0xaa: {  	s10 =	spop (v2sf);
	v46 =	vadd.s32 v59, v46;
	[tilespmem:s29+$0xA4F0] =	vst.msk vm14, v1;
	v48 =	vmpcnt.ones.xlane vm11;
	vm14 =	vle.f32 v56, v45  }
0xab: {  	s11 =	spop (v2sf);
	v59 =	vmpcnt.ones.xlane vm7;
	(v2sf) =	vpush v46, $0x0;
	v46 =	vadd.s32 v60, v46;
	v60 =	vld [tilespmem:$0x1FEA0]  }
0xac: {  	s12 =	spop (v2sf);
	v55 =	vmpcnt.ones.xlane vm5;
	(v2sf) =	vpush v46, $0x0;
	v46 =	vadd.s32 v61, v46;
	v61 =	vld [tilespmem:$0x1FEB0]  }
0xad: {  	[tilespmem:$0x1FFF0] =	vst v51;
	v63 =	vld [tilespmem:$0x1FEC0];
	s29 =	spop (v2sf);
	v56 =	vmpcnt.ones.xlane vm14;
	(v2sf) =	vpush v46, $0x0;
	v46 =	vadd.s32 v62, v46  }
0xae: {  	v52 =	vld [tilespmem:$0x1FED0];
	[tilespmem:s30+$0xA4F0] =	vst.msk vm2, v2;
	s30 =	spop (v2sf);
	vm2 =	vnez.u8 v57;
	(v2sf) =	vpush v46, $0x0;
	v46 =	vadd.s32 v48, v46  }
0xaf: {  	[tilespmem:s31+$0xA4F0] =	vst.msk vm2, v3;
	s31 =	spop (v2sf);
	vm6 =	vle.f32 v47, v45;
	(v2sf) =	vpush v46, $0x0;
	v46 =	vadd.s32 v56, v46;
	v56 =	vld [tilespmem:$0x1FEE0]  }
0xb0: {  	[tilespmem:s3+$0xA4F0] =	vst.msk vm15, v4;
	s3 =	spop (v2sf);
	vm2 =	vnez.u8 v60;
	(v2sf) =	vpush v46, $0x0;
	v46 =	vadd.s32 v58, v46;
	v58 =	vld [tilespmem:$0x1FEF0]  }
0xb1: {  	v62 =	vmpcnt.ones.xlane vm6;
	vm4 =	vle.f32 v50, v45;
	v60 =	vld [tilespmem:$0x1FF00];
	[tilespmem:s5+$0xA4F0] =	vst.msk vm2, v5;
	s5 =	spop (v2sf);
	vm2 =	vnez.u8 v61  }
0xb2: {  	v57 =	vmpcnt.ones.xlane vm4;
	(v2sf) =	vpush v46, $0x0;
	[tilespmem:s6+$0xA4F0] =	vst.msk vm2, v6;
	s6 =	spop (v2sf);
	vm2 =	vnez.u8 v63;
	v63 =	vld [tilespmem:$0x1FF10]  }
0xb3: {  	v50 =	vld [tilespmem:$0x1FF20];
	v46 =	vadd.s32 v59, v46;
	v59 =	vmpcnt.ones.xlane vm3;
	[tilespmem:s7+$0xA4F0] =	vst.msk vm2, v7;
	s7 =	spop (v2sf);
	vm2 =	vnez.u8 v52  }
0xb4: {  	v51 =	vld [tilespmem:$0x1FF30];
	(v2sf) =	vpush v46, $0x0;
	v46 =	vadd.s32 v62, v46;
	[tilespmem:s9+$0xA4F0] =	vst.msk vm2, v8;
	s9 =	spop (v2sf);
	vm2 =	vnez.u8 v56  }
0xb5: {  	v52 =	vld [tilespmem:$0x1FF40];
	(v2sf) =	vpush v46, $0x0;
	v46 =	vadd.s32 v55, v46;
	[tilespmem:s10+$0xA4F0] =	vst.msk vm2, v9;
	s10 =	spop (v2sf);
	vm2 =	vnez.u8 v58  }
0xb6: {  	v53 =	vld [tilespmem:$0x1FF50];
	vm15 =	vnez.u8 v60;
	v61 =	vadd.s32 v57, v46;
	[tilespmem:s11+$0xA4F0] =	vst.msk vm2, v10;
	s11 =	spop (v2sf);
	vm2 =	vle.f32 v54, v45  }
0xb7: {  	(v2sf) =	vpush v46, $0x0;
	v54 =	vld [tilespmem:$0x1FF60];
	[tilespmem:s12+$0xA4F0] =	vst.msk vm15, v11;
	v62 =	vmpcnt.ones.xlane vm2;
	s12 =	spop (v2sf);
	vm15 =	vnez.u8 v63  }
0xb8: {  	v55 =	vld [tilespmem:$0x1FF70];
	v45 =	vadd.s32 v59, v61;
	(v2sf) =	vpush v61, $0x0;
	[tilespmem:s29+$0xA4F0] =	vst.msk vm15, v12;
	s29 =	spop (v2sf);
	vm15 =	vnez.u8 v50  }
0xb9: {  	v56 =	vld [tilespmem:$0x1FF80];
	(v2sf) =	vpush v45, $0x0;
	[tilespmem:s30+$0xA4F0] =	vst.msk vm15, v13;
	v45 =	vadd.s32 v62, v45;
	s30 =	spop (v2sf);
	vm15 =	vnez.u8 v51  }
0xba: {  	v57 =	vld [tilespmem:$0x1FF90];
	[tilespmem:s31+$0xA4F0] =	vst.msk vm15, v14;
	s31 =	spop (v2sf);
	(v2sf) =	vpush v45, $0x0;
	vm15 =	vnez.u8 v52  }
0xbb: {  	v58 =	vld [tilespmem:$0x1FFA0];
	[tilespmem:s3+$0xA4F0] =	vst.msk vm15, v15;
	s3 =	spop (v2sf);
	vm15 =	vnez.u8 v53  }
0xbc: {  	v59 =	vld [tilespmem:$0x1FFB0];
	[tilespmem:s5+$0xA4F0] =	vst.msk vm15, v16;
	s5 =	spop (v2sf);
	vm15 =	vnez.u8 v54  }
0xbd: {  	v60 =	vld [tilespmem:$0x1FFC0];
	[tilespmem:s6+$0xA4F0] =	vst.msk vm15, v17;
	s6 =	spop (v2sf);
	vm15 =	vnez.u8 v55  }
0xbe: {  	v61 =	vld [tilespmem:$0x1FFD0];
	[tilespmem:s7+$0xA4F0] =	vst.msk vm15, v18;
	s7 =	spop (v2sf);
	vm15 =	vnez.u8 v56  }
0xbf: {  	v62 =	vld [tilespmem:$0x1FFE0];
	[tilespmem:s9+$0xA4F0] =	vst.msk vm15, v19;
	s9 =	spop (v2sf);
	vm15 =	vnez.u8 v57  }
0xc0: {  	v63 =	vld [tilespmem:$0x1FFF0];
	[tilespmem:s10+$0xA4F0] =	vst.msk vm15, v20;
	s10 =	spop (v2sf);
	vm15 =	vnez.u8 v58  }
0xc1: {  	[tilespmem:s11+$0xA4F0] =	vst.msk vm15, v21;
	s11 =	spop (v2sf);
	vm15 =	vnez.u8 v59  }
0xc2: {  	[tilespmem:s12+$0xA4F0] =	vst.msk vm15, v22;
	s12 =	spop (v2sf);
	vm15 =	vnez.u8 v60  }
0xc3: {  	[tilespmem:s29+$0xA4F0] =	vst.msk vm15, v23;
	s29 =	spop (v2sf);
	vm15 =	vnez.u8 v61  }
0xc4: {  	[tilespmem:s30+$0xA4F0] =	vst.msk vm15, v24;
	s30 =	spop (v2sf);
	vm15 =	vnez.u8 v62  }
0xc5: {  	[tilespmem:s31+$0xA4F0] =	vst.msk vm15, v25;
	s31 =	spop (v2sf);
	vm15 =	vnez.u8 v63  }
0xc6: {  	[tilespmem:s3+$0xA4F0] =	vst.msk vm15, v26;
	s3 =	spop (v2sf)  }
0xc7: {  	[tilespmem:s5+$0xA4F0] =	vst.msk vm13, v27;
	s5 =	spop (v2sf)  }
0xc8: {  	[tilespmem:s6+$0xA4F0] =	vst.msk vm12, v28;
	s6 =	spop (v2sf)  }
0xc9: {  	[tilespmem:s7+$0xA4F0] =	vst.msk vm10, v29;
	s7 =	spop (v2sf)  }
0xca: {  	[tilespmem:s9+$0xA4F0] =	vst.msk vm9, v30;
	s9 =	sadd.s32 $0x1, s7;
	p0 =	slt.u32 s7, $0x7FFFFFFF;
	s7 =	simm.s32 $0x1  }
0xcb: {  	[tilespmem:s10+$0xA4F0] =	vst.msk vm11, v31;
	s7 =	simm.s32 @!p0 $0x0;
	s10 =	sshra.s32 s9, $0x1F  }
0xcc: {  	[tilespmem:s11+$0xA4F0] =	vst.msk vm14, v32;
	s7 =	sadd.s32 s7, s10;
	s11 =	sand.u32 $0x1, s9  }
0xcd: {  	p6 =	sne.s32 s7, $0x1;
	p1 =	seq.s32 s11, $0x1  }
0xce: {  	[tilespmem:s12+$0xA4F0] =	vst.msk vm8, v33;
	s12 =	sshrl.u32 s9, $0x1F;
	p0 =	por !p6, !p1  }
0xcf: {  	s7 =	sadd.s32 s12, s9;
	s9 =	simm.s32 $0x1;
	p0 =	por !p0, !p0  }
0xd0: {  	s7 =	sshra.s32 s7, $0x1;
	s9 =	simm.s32 @!p0 $0x0  }
0xd1: {  	[tilespmem:s29+$0xA4F0] =	vst.msk vm7, v34;
	s29 =	ssub.s32 s7, s9  }
0xd2: {  	p0 =	slt.s32 s29, $0x1  }
.Ltmp6:
0xd3: {  	[tilespmem:s30+$0xA4F0] =	vst.msk vm6, v35;
	(pc) =	sbr.rel @p0 .LBB2_7-.Ltmp6, $4  }
0xd4: {  	[tilespmem:s31+$0xA4F0] =	vst.msk vm5, v36  }
0xd5: {  	[tilespmem:s3+$0xA4F0] =	vst.msk vm4, v37  }
0xd6: {  	v44 =	vbroadcast v44, $0x1;
	[tilespmem:s5+$0xA4F0] =	vst.msk vm3, v38  }
0xd7: {  	v47 =	vimm.s32 $0x0;
	v46 =	vimm.s32 $0x0;
	[tilespmem:s6+$0xA4F0] =	vst.msk vm2, v39  }
0xd8: {  	v47 =	vld [tilespmem:s23+$0x0];
	_ =	sdelay $0x4  }
0xd9: {  	(v2sf) =	vpush v47, $0x0;
	_ =	sdelay $0xe  }
0xda: {  	s3 =	spop (v2sf)  }
0xdb: {  	p0 =	sgt.s32 s3, $0x0  }
0xdc: {  	s3 =	simm.s32 @!p0 $0x0  }
0xdd: {  	(v2sf) =	vpush v47, $0x1;
	s3 =	smin.u32 s3, $0x27F  }
0xde: {  	v58 =	vmov s3;
	v53 =	vadd.s32 s3, v40  }
0xdf: {  	v48 =	vand.u32 $0x7FF8, v53;
	v47 =	vand.u32 $0x7, v58  }
0xe0: {  	v50 =	vor.u32 v47, v48;
	_ =	sdelay $0x2  }
0xe1: {  	v47 =	vld.msk [tilespmem:s28+$0x7800 ss:$0x0], $0xffff  }
0xe2: {  	v48 =	vld.msk [tilespmem:s28+$0x7850 ss:$0x0], $0xffff  }
0xe3: {  	v51 =	vld.idx.msk [tilespmem:v50+s2+$0x0], $0xffff  }
0xe4: {  	v52 =	vld.idx.msk [tilespmem:v50+s18+$0x0], $0xffff  }
0xe5: {  	v49 =	vld.msk [tilespmem:s28+$0x78A0 ss:$0x0], $0xffff  }
0xe6: {  	v50 =	vld.idx.msk [tilespmem:v50+s19+$0x0], $0xffff;
	_ =	sdelay $0x2  }
0xe7: {  	v51 =	vsub.f32 v47, v51;
	v52 =	vsub.f32 v48, v52  }
0xe8: {  	s3 =	spop (v2sf)  }
0xe9: {  	p0 =	sgt.s32 s3, $0x0;
	v50 =	vsub.f32 v49, v50;
	v51 =	vmul.f32 v51, v51;
	v52 =	vmul.f32 v52, v52  }
0xea: {  	s3 =	simm.s32 @!p0 $0x0  }
0xeb: {  	s3 =	smin.u32 s3, $0x27F;
	v59 =	vmul.f32 v50, v50;
	v51 =	vadd.f32 v52, v51  }
0xec: {  	v54 =	vmov s3;
	v50 =	vadd.s32 s3, v40  }
0xed: {  	v54 =	vand.u32 $0x7, v54;
	v55 =	vand.u32 $0x7FF8, v50;
	v56 =	vadd.f32 v59, v51  }
0xee: {  	v60 =	vor.u32 v54, v55  }
0xef: {  	vm2 =	vle.f32 v56, v44  }
0xf0: {  	v61 =	vmpcnt.ones.xlane vm2  }
0xf1: {  	(v2sf) =	vpush v46, $0x0  }
0xf2: {  	v51 =	vadd.s32 v46, v61  }
0xf3: {  	v54 =	vld.idx.msk [tilespmem:v60+s2+$0x0], $0xffff;
	(v2sf) =	vpush v51, $0x0  }
0xf4: {  	v55 =	vld.idx.msk [tilespmem:v60+s18+$0x0], $0xffff;
	_ =	sdelay $0x1  }
0xf5: {  	v52 =	vld.idx.msk [tilespmem:v60+s19+$0x0], $0xffff;
	_ =	sdelay $0x2  }
0xf6: {  	s28 =	simm.s32 $0x1;
	v54 =	vsub.f32 v47, v54;
	v55 =	vsub.f32 v48, v55  }
0xf7: {  	v57 =	vmov s28  }
0xf8: {  	v52 =	vsub.f32 v49, v52;
	v54 =	vmul.f32 v54, v54;
	v55 =	vmul.f32 v55, v55  }
0xf9: {  	vm3 =	vlt.s32 v57, v45  }
0xfa: {  	p0 =	sne.s32 s29, $0x1;
	v62 =	vsel vm3, $0x1, v41;
	v52 =	vmul.f32 v52, v52;
	v54 =	vadd.f32 v55, v54  }
.Ltmp7:
0xfb: {  	v55 =	vbroadcast v62, $0x0;
	(pc) =	sbr.rel @!p0 .LBB2_6-.Ltmp7, $4  }
0xfc: {  	v52 =	vadd.f32 v52, v54  }
0xfd: {  	s31 =	spop (v2sf);
	v63 =	vand.u32 $0x1, v55  }
0xfe: {  	[tilespmem:s31+$0xA780] =	vst.msk vm2, v56;
	vm3 =	veq.s32 v63, $0x1;
	vm4 =	vle.f32 v52, v44  }
0xff: {  	s29 =	sadd.s32 $0xFFFFFFFF, s29;
	[tilespmem:s31+$0xCF90] =	vst.msk vm2, v53;
	vm2 =	vmand vm3, vm4;
	s30 =	spop (v2sf)  }
.LBB2_5:
0x100: {  	p0 =	sne.s32 s29, $0x1;
	v53 =	vmpcnt.ones.xlane vm2;
	[tilespmem:s30+$0xA780] =	vst.msk vm2, v52;
	s28 =	sadd.s32 $0x2, s28;
	s23 =	sadd.s32 $0x2, s23  }
0x101: {  	s29 =	sadd.s32 $0xFFFFFFFF, s29;
	[tilespmem:s30+$0xCF90] =	vst.msk vm2, v50  }
0x102: {  	v50 =	vld [tilespmem:s23+$0x0];
	v51 =	vadd.s32 v53, v51;
	_ =	sdelay $0x4  }
0x103: {  	(v2sf) =	vpush v50, $0x0  }
0x104: {  	(v2sf) =	vpush v50, $0x1;
	_ =	sdelay $0xd  }
0x105: {  	s3 =	spop (v2sf)  }
0x106: {  	p1 =	sgt.s32 s3, $0x0;
	s5 =	spop (v2sf)  }
0x107: {  	s3 =	simm.s32 @!p1 $0x0;
	p1 =	sgt.s32 s5, $0x0  }
0x108: {  	s3 =	smin.u32 s3, $0x27F;
	s5 =	simm.s32 @!p1 $0x0  }
0x109: {  	s5 =	smin.u32 s5, $0x27F;
	v50 =	vmov s3;
	v52 =	vadd.s32 s3, v40  }
0x10a: {  	v53 =	vmov s5;
	v54 =	vand.u32 $0x7FF8, v52;
	v50 =	vand.u32 $0x7, v50  }
0x10b: {  	v50 =	vor.u32 v50, v54;
	_ =	sdelay $0x4  }
0x10c: {  	v54 =	vld.idx.msk [tilespmem:v50+s2+$0x0], $0xffff  }
0x10d: {  	v55 =	vld.idx.msk [tilespmem:v50+s18+$0x0], $0xffff;
	_ =	sdelay $0x1  }
0x10e: {  	v50 =	vld.idx.msk [tilespmem:v50+s19+$0x0], $0xffff;
	_ =	sdelay $0x1  }
0x10f: {  	(v2sf) =	vpush v51, $0x0  }
0x110: {  	v54 =	vsub.f32 v47, v54  }
0x111: {  	v55 =	vsub.f32 v48, v55  }
0x112: {  	v54 =	vmul.f32 v54, v54  }
0x113: {  	v56 =	vsub.f32 v49, v50;
	v55 =	vmul.f32 v55, v55;
	_ =	sdelay $0x1  }
0x114: {  	v50 =	vadd.s32 s5, v40;
	v54 =	vadd.f32 v55, v54;
	v55 =	vmul.f32 v56, v56  }
0x115: {  	v53 =	vand.u32 $0x7, v53;
	v56 =	vand.u32 $0x7FF8, v50  }
0x116: {  	v53 =	vor.u32 v53, v56;
	v54 =	vadd.f32 v55, v54;
	_ =	sdelay $0x1  }
0x117: {  	vm2 =	vle.f32 v54, v44  }
0x118: {  	v55 =	vmpcnt.ones.xlane vm2;
	_ =	sdelay $0x1  }
0x119: {  	v51 =	vadd.s32 v51, v55;
	v56 =	vld.idx.msk [tilespmem:v53+s2+$0x0], $0xffff  }
0x11a: {  	v55 =	vld.idx.msk [tilespmem:v53+s18+$0x0], $0xffff;
	(v2sf) =	vpush v51, $0x0  }
0x11b: {  	v53 =	vld.idx.msk [tilespmem:v53+s19+$0x0], $0xffff;
	s3 =	spop (v2sf)  }
0x11c: {  	[tilespmem:s3+$0xA780] =	vst.msk vm2, v54  }
0x11d: {  	[tilespmem:s3+$0xCF90] =	vst.msk vm2, v52;
	_ =	sdelay $0x1  }
0x11e: {  	v52 =	vsub.f32 v47, v56  }
0x11f: {  	v54 =	vsub.f32 v48, v55  }
0x120: {  	v55 =	vmov s28;
	v53 =	vsub.f32 v49, v53;
	v52 =	vmul.f32 v52, v52  }
0x121: {  	vm2 =	vlt.s32 v55, v45;
	v54 =	vmul.f32 v54, v54  }
0x122: {  	v55 =	vsel vm2, $0x1, v41;
	v53 =	vmul.f32 v53, v53  }
0x123: {  	v52 =	vadd.f32 v54, v52;
	v54 =	vbroadcast v55, $0x0  }
.Ltmp8:
0x124: {  	(pc) =	sbr.rel @p0 .LBB2_5-.Ltmp8, $4  }
0x125: {  	v52 =	vadd.f32 v53, v52;
	v53 =	vand.u32 $0x1, v54  }
0x126: {  	vm2 =	veq.s32 v53, $0x1  }
0x127: {  	vm3 =	vle.f32 v52, v44  }
0x128: {  	vm2 =	vmand vm2, vm3;
	s30 =	spop (v2sf)  }
.LBB2_6:
0x129: {  	v45 =	vmpcnt.ones.xlane vm2  }
0x12a: {  	[tilespmem:s30+$0xA780] =	vst.msk vm2, v52  }
0x12b: {  	[tilespmem:s30+$0xCF90] =	vst.msk vm2, v50;
	v47 =	vadd.s32 v45, v51  }
.LBB2_7:
0x12c: {  	(v2sf) =	vpush v47, $0x0;
	_ =	sdelay $0xe  }
0x12d: {  	s3 =	spop (v2sf)  }
0x12e: {  	s3 =	sadd.s32 $0xF, s3  }
0x12f: {  	s5 =	sand.u32 $0xF, s3  }
0x130: {  	s31 =	sshra.s32 s3, $0x1F;
	p1 =	slt.s32 s3, $0x1;
	p0 =	sne.s32 s5, $0x0  }
0x131: {  	s5 =	sshrl.u32 s31, $0x1C;
	p0 =	por !p1, !p0  }
0x132: {  	s3 =	sadd.s32 s5, s3;
	s5 =	simm.s32 $0x1;
	p0 =	por !p0, !p0  }
0x133: {  	s3 =	sshra.s32 s3, $0x4;
	s5 =	simm.s32 @!p0 $0x0  }
0x134: {  	s23 =	ssub.s32 s3, s5  }
0x135: {  	p0 =	slt.s32 s23, $0x1  }
.Ltmp9:
0x136: {  	_ = 	snop;
	(pc) =	sbr.rel @p0 .LBB2_8-.Ltmp9, $1  }
0x137: {  	_ =	sdelay $0x3  }
0x138: {  	v45 =	vbroadcast v47, $0x0;
	v48 =	vimm.f32 $1.000000020e+30;
	v47 =	vimm.s32 $0x0;
	s28 =	simm.s32 $0x0;
	s29 =	simm.s32 $0xA780;
	s30 =	simm.s32 $0xCF90  }
.LBB2_10:
0x139: {  	v46 =	vld [tilespmem:s29+$0x0]  }
0x13a: {  	v49 =	vld [tilespmem:s30+$0x0];
	_ =	sdelay $0x1  }
0x13b: {  	v50 =	vor.u32 s28, v0  }
0x13c: {  	vm2 =	vlt.s32 v50, v45  }
0x13d: {  	v46 =	vnsel vm2, $0x7149F2CA, v46  }
0x13e: {  	(xrf1) =	vsort.ascd.msk.f32 $0xffff, v46, v49;
	_ =	sdelay $0xd  }
0x13f: {  	v46, v49, _ =	vpop (xrf1)  }
0x140: {  	[tilespmem:$0xF7A0] =	vst v46  }
0x141: {  	[tilespmem:$0xF7B0] =	vst v49  }
0x142: {  	v60 =	vld.idx.msk [tilespmem:v42+s25+$0x0], $0xffff  }
0x143: {  	v51 =	vld.idx.msk [tilespmem:v42+s26+$0x0], $0xffff;
	_ =	sdelay $0x4  }
0x144: {  	vm2 =	veq.f32 v46, v60;
	vm3 =	vlt.s32 v49, v51  }
0x145: {  	vm4 =	vlt.f32 v46, v60;
	vm2 =	vmand vm2, vm3  }
0x146: {  	vm2 =	vmor vm4, vm2  }
0x147: {  	vm2 =	vmxor vm2, vm0  }
0x148: {  	v46 =	vsel vm2, v46, v60  }
0x149: {  	v61 =	vsel vm2, v49, v51;
	[tilespmem:$0xF7A0] =	vst v46  }
0x14a: {  	[tilespmem:$0xF7B0] =	vst v61  }
0x14b: {  	v62 =	vld.idx.msk [tilespmem:v43+s25+$0x0], $0xffff  }
0x14c: {  	v63 =	vld.idx.msk [tilespmem:v43+s26+$0x0], $0xffff;
	_ =	sdelay $0x4  }
0x14d: {  	vm2 =	veq.f32 v46, v62;
	vm3 =	vlt.s32 v61, v63  }
0x14e: {  	p0 =	seq.s32 s28, $0x0;
	vm15 =	vlt.f32 v46, v62;
	vm2 =	vmand vm2, vm3  }
0x14f: {  	v50 =	vmul.u32 @!p0 $0xFFFFFFFF, v0;
	vm2 =	vmor vm15, vm2  }
0x150: {  	vm2 =	vmxor vm2, vm1  }
0x151: {  	v50 =	vadd.s32 @!p0 $0xF, v50;
	v49 =	vsel vm2, v46, v62;
	v46 =	vsel vm2, v61, v63  }
0x152: {  	v49 =	vperm.xlane @!p0 v49, v50;
	v46 =	vperm.xlane @!p0 v46, v50;
	_ =	sdelay $0x1  }
0x153: {  	vm2 =	veq.f32 @!p0 v49, v48;
	vm3 =	vlt.s32 @!p0 v46, v47  }
0x154: {  	vm4 =	vlt.f32 @!p0 v49, v48;
	vm2 =	vmand @!p0 vm2, vm3  }
0x155: {  	vm2 =	vmor @!p0 vm4, vm2  }
0x156: {  	v48 =	vsel @!p0 vm2, v49, v48;
	v46 =	vsel @!p0 vm2, v46, v47  }
0x157: {  	(xrf1) =	vsort.ascd.msk.f32 @!p0 $0xffff, v48, v46;
	_ =	sdelay $0xd  }
0x158: {  	v46, v47, _ =	vpop @!p0 (xrf1)  }
0x159: {  	[tilespmem:$0xF7A0] =	vst @!p0 v46  }
0x15a: {  	[tilespmem:$0xF7B0] =	vst @!p0 v47  }
0x15b: {  	v48 =	vld.idx.msk @!p0 [tilespmem:v42+s25+$0x0], $0xffff  }
0x15c: {  	v49 =	vld.idx.msk @!p0 [tilespmem:v42+s26+$0x0], $0xffff;
	_ =	sdelay $0x4  }
0x15d: {  	vm2 =	veq.f32 @!p0 v46, v48;
	vm3 =	vlt.s32 @!p0 v47, v49  }
0x15e: {  	vm4 =	vlt.f32 @!p0 v46, v48;
	vm2 =	vmand @!p0 vm2, vm3  }
0x15f: {  	vm2 =	vmor @!p0 vm4, vm2  }
0x160: {  	vm2 =	vmxor @!p0 vm2, vm0  }
0x161: {  	v46 =	vsel @!p0 vm2, v46, v48  }
0x162: {  	v47 =	vsel @!p0 vm2, v47, v49;
	[tilespmem:$0xF7A0] =	vst @!p0 v46  }
0x163: {  	[tilespmem:$0xF7B0] =	vst @!p0 v47  }
0x164: {  	v48 =	vld.idx.msk @!p0 [tilespmem:v43+s25+$0x0], $0xffff  }
0x165: {  	v50 =	vld.idx.msk @!p0 [tilespmem:v43+s26+$0x0], $0xffff;
	_ =	sdelay $0x4  }
0x166: {  	vm2 =	veq.f32 @!p0 v46, v48;
	vm3 =	vlt.s32 @!p0 v47, v50  }
0x167: {  	vm4 =	vlt.f32 @!p0 v46, v48;
	vm2 =	vmand @!p0 vm2, vm3  }
0x168: {  	vm2 =	vmor @!p0 vm4, vm2  }
0x169: {  	s23 =	sadd.s32 $0xFFFFFFFF, s23;
	vm2 =	vmxor @!p0 vm2, vm1  }
0x16a: {  	v49 =	vsel @!p0 vm2, v46, v48;
	v46 =	vsel @!p0 vm2, v47, v50;
	p0 =	sne.s32 s23, $0x0  }
.Ltmp10:
0x16b: {  	_ = 	snop;
	(pc) =	sbr.rel @p0 .LBB2_10-.Ltmp10, $2  }
0x16c: {  	_ =	sdelay $0x2  }
0x16d: {  	s28 =	sadd.s32 $0x10, s28;
	s29 =	sadd.s32 $0x10, s29;
	s30 =	sadd.s32 $0x10, s30;
	v47 =	vmov v46;
	v48 =	vmov v49  }
.Ltmp11:
0x16e: {  	_ = 	snop;
	(pc) =	sbr.rel .LBB2_11-.Ltmp11, $1  }
0x16f: {  	_ =	sdelay $0x3  }
.LBB2_14:
0x170: {  	_ =	sfence.sel $0x180000  }
0x171: {  	[bflag:$0x0] =	sbarrier.arrive $0xFFFF  }
0x172: {  	_ =	strace $0x90000047  }
0x173: {  	s0 =	stileid.u32;
	[bflag:$0x2] =	sbarrier.arrive $0xFFFF  }
0x174: {  	p0 =	sne.s32 s0, $0x0;
	s0 =	rddreg [dreg:$0x2]  }
0x175: {  	s0 =	sadd.s32 @!p0 $0x100000, s0  }
0x176: {  	[sflag:s0] =	ssyncadd.tile.s32 @!p0 $0x1;
	_ =	shalt  }
.Lfunc_end2:
_tile_overlayer_lowered:
.L_overlay_start_2:
0x177: {  	(tag) =	ssettag $0x2  }
0x178: {  	s0 =	rddreg [dreg:$0x0];
	s2 =	stileid.u32  }
0x179: {  	s1 =	rddreg [dreg:$0x1];
	p0 =	sne.s32 s2, $0x0  }
0x17a: {  	s3 =	rddreg [dreg:$0x2];
	[bflag:$0x3] =	sbarrier.arrive $0xFFFF;
	s2 =	simm.s32 @!p0 $0x1C01  }
0x17b: {  	[timem:s3], [sflag:s2] =	dma.local @!p0 [hbm:s0], s1  }
0x17c: {  	s0 =	simm.s32 @!p0 $0x1  }
0x17d: {  	_ =	swait.ge @!p0 [sflag:s0], s1  }
0x17e: {  	s1 =	ssub.s32 @!p0 $0x0, s1;
	[sflag:s0] =	ssyncset.done @!p0 $0x0  }
0x17f: {  	[sflag:s0] =	ssyncadd.s32 @!p0 s1  }
0x180: {  	[bflag:$0x3] =	sbarrier.arrive $0xFFFF  }
0x181: {  	_ =	shalt  }

</sc_bundles>
